<compile_context>
chip_gen: v7x
topology: tpu7x:2x2x1
jax: 0.10.2.dev20260603
libtpu: 0.0.44.dev20260713+nightly
codegen_flags: <defaults>
</compile_context>

<pallas_src>
import functools

import jax
import jax.numpy as jnp
import numpy as np
from jax import lax
from jax.experimental import pallas as pl
from jax.experimental.pallas import tpu as pltpu
from jax.experimental.pallas import tpu_sc as plsc

N = 10000
E = 320000
F_IN = 128
F_HID = 128
F_OUT = 40
F_OUT_PAD = 64

NC = 2
NS = 16
NW = NC * NS
E_T = E // NW
C = 80
NCH = E_T // C
R_T = 624
R_REM = N - NS * R_T


def _spmm_kernel_body(F, idx_hbm, w_hbm, feats_hbm, out_hbm,
                      idx_v0, idx_v1, w_v0, w_v1, rows0, rows1, msgs,
                      gsem0, gsem1, stsem0, stsem1, acc):
    nf = F // 16
    cid = lax.axis_index("c")
    sid = lax.axis_index("s")
    widg = cid * NS + sid
    bufs = ((idx_v0, w_v0, rows0, gsem0, stsem0),
            (idx_v1, w_v1, rows1, gsem1, stsem1))

    zero = jnp.zeros((16,), jnp.float32)

    def zrow(r, _):
        for f in range(nf):
            msgs[r, pl.ds(f * 16, 16)] = zero
        return _

    lax.fori_loop(0, C, zrow, 0, unroll=4)
    for k in range(R_T // C):
        pltpu.sync_copy(msgs, acc.at[pl.ds(sid * R_T + k * C, C)])
    rem = R_T - (R_T // C) * C
    pltpu.sync_copy(msgs.at[pl.ds(0, rem)],
                    acc.at[pl.ds(sid * R_T + R_T - rem, rem)])

    @pl.when(sid == NS - 1)
    def _():
        pltpu.sync_copy(msgs.at[pl.ds(0, R_REM)],
                        acc.at[pl.ds(NS * R_T, R_REM)])

    plsc.subcore_barrier()

    def stage_start(j, b):
        idx_v, w_v, _, _, stsem = bufs[b]
        pltpu.async_copy(idx_hbm.at[:, widg, j], idx_v, stsem)
        pltpu.async_copy(w_hbm.at[pl.ds(widg * E_T + j * C, C)], w_v, stsem)

    def stage_wait(b):
        idx_v, w_v, _, _, stsem = bufs[b]
        pltpu.make_async_copy(idx_hbm.at[:, widg, 0], idx_v, stsem).wait()
        pltpu.make_async_copy(w_hbm.at[pl.ds(0, C)], w_v, stsem).wait()

    def gather_start(b):
        idx_v, _, rows, gsem, _ = bufs[b]
        pltpu.async_copy(feats_hbm.at[idx_v.at[1]], rows, gsem)

    def gather_wait(b):
        idx_v, _, rows, gsem, _ = bufs[b]
        pltpu.make_async_copy(feats_hbm.at[idx_v.at[1]], rows, gsem).wait()

    himask = jnp.full((16,), -65536, jnp.int32)

    def compute_scatter(b):
        idx_v, w_v, rows, _, _ = bufs[b]

        @plsc.parallel_loop(0, C, unroll=8)
        def edge(e):
            wb = plsc.load_gather(w_v, [jnp.full((16,), e, jnp.int32)])
            for f in range(F // 32):
                v = rows[e, pl.ds(f * 16, 16)]
                lo = plsc.bitcast(v << 16, jnp.float32)
                hi = plsc.bitcast(v & himask, jnp.float32)
                msgs[e, pl.ds(f * 32, 16)] = lo * wb
                msgs[e, pl.ds(f * 32 + 16, 16)] = hi * wb

        pltpu.sync_copy(msgs, acc.at[idx_v.at[0]], add=True)

    stage_start(0, 0)
    stage_start(1, 1)
    stage_wait(0)
    gather_start(0)

    def pair(g, carry):
        j0 = 2 * g
        stage_wait(1)
        gather_start(1)
        gather_wait(0)
        compute_scatter(0)
        stage_start(j0 + 2, 0)
        stage_wait(0)
        gather_start(0)
        gather_wait(1)
        compute_scatter(1)

        @pl.when(j0 + 3 < NCH)
        def _stage_next():
            stage_start(j0 + 3, 1)

        return carry

    lax.fori_loop(0, NCH // 2, pair, 0)

    gather_wait(0)
    compute_scatter(0)

    plsc.subcore_barrier()

    pltpu.sync_copy(acc.at[pl.ds(sid * R_T, R_T)],
                    out_hbm.at[cid, pl.ds(sid * R_T, R_T)])

    @pl.when(sid == NS - 1)
    def _():
        pltpu.sync_copy(acc.at[pl.ds(NS * R_T, R_REM)],
                        out_hbm.at[cid, pl.ds(NS * R_T, R_REM)])


@functools.lru_cache(maxsize=None)
def _make_spmm(F):
    mesh = plsc.VectorSubcoreMesh(core_axis_name="c", subcore_axis_name="s",
                                  num_cores=NC, num_subcores=NS)
    return pl.kernel(
        functools.partial(_spmm_kernel_body, F),
        mesh=mesh,
        out_type=jax.ShapeDtypeStruct((NC, N, F), jnp.float32),
        scratch_types=[
            pltpu.VMEM((2, C), jnp.int32),
            pltpu.VMEM((2, C), jnp.int32),
            pltpu.VMEM((C,), jnp.float32),
            pltpu.VMEM((C,), jnp.float32),
            pltpu.VMEM((C, F // 2), jnp.int32),
            pltpu.VMEM((C, F // 2), jnp.int32),
            pltpu.VMEM((C, F), jnp.float32),
            pltpu.SemaphoreType.DMA,
            pltpu.SemaphoreType.DMA,
            pltpu.SemaphoreType.DMA,
            pltpu.SemaphoreType.DMA,
            pltpu.VMEM_SHARED((N, F), jnp.float32),
        ],
        compiler_params=pltpu.CompilerParams(use_tc_tiling_on_sc=False,
                                             needs_layout_passes=False),
    )


_RB = 1000


def _pack_perm(fb):
    half = fb // 2
    p = np.empty(fb, np.int32)
    for j in range(half):
        p[j] = (j // 16) * 32 + j % 16
        p[half + j] = (j // 16) * 32 + 16 + j % 16
    return p


_PERM_HID = _pack_perm(F_HID)
_PERM_OUT = _pack_perm(F_OUT_PAD)


def _pack_words(y):
    half = y.shape[-1] // 2
    u = lax.bitcast_convert_type(y, jnp.uint32)
    r = u + jnp.uint32(0x7FFF) + ((u >> 16) & jnp.uint32(1))
    lo = r[:, :half] >> 16
    hi = r[:, half:] & jnp.uint32(0xFFFF0000)
    return lax.bitcast_convert_type(lo | hi, jnp.int32)


def _mm_body(x_ref, w_ref, o_ref):
    o_ref[...] = _pack_words(jnp.dot(x_ref[...], w_ref[...],
                                     preferred_element_type=jnp.float32))


def _fuse_body(p_ref, b_ref, w_ref, o_ref):
    h = jnp.maximum(p_ref[0] + p_ref[1] + b_ref[...], 0.0)
    o_ref[...] = _pack_words(jnp.dot(h, w_ref[...],
                                     preferred_element_type=jnp.float32))


def _comb_body(q_ref, b_ref, o_ref):
    s = q_ref[0] + q_ref[1]
    o_ref[...] = s[:, :F_OUT] + b_ref[...]


def _mm(x, w):
    return pl.pallas_call(
        _mm_body,
        grid=(N // _RB,),
        in_specs=[pl.BlockSpec((_RB, F_IN), lambda i: (i, 0)),
                  pl.BlockSpec((F_IN, F_HID), lambda i: (0, 0))],
        out_specs=pl.BlockSpec((_RB, F_HID // 2), lambda i: (i, 0)),
        out_shape=jax.ShapeDtypeStruct((N, F_HID // 2), jnp.int32),
    )(x, w)


def _fuse(p, b1, w2p):
    return pl.pallas_call(
        _fuse_body,
        grid=(N // _RB,),
        in_specs=[pl.BlockSpec((NC, _RB, F_HID), lambda i: (0, i, 0)),
                  pl.BlockSpec((1, F_HID), lambda i: (0, 0)),
                  pl.BlockSpec((F_HID, F_OUT_PAD), lambda i: (0, 0))],
        out_specs=pl.BlockSpec((_RB, F_OUT_PAD // 2), lambda i: (i, 0)),
        out_shape=jax.ShapeDtypeStruct((N, F_OUT_PAD // 2), jnp.int32),
    )(p, b1, w2p)


def _combine(q, b2):
    return pl.pallas_call(
        _comb_body,
        grid=(N // _RB,),
        in_specs=[pl.BlockSpec((NC, _RB, F_OUT_PAD), lambda i: (0, i, 0)),
                  pl.BlockSpec((1, F_OUT), lambda i: (0, 0))],
        out_specs=pl.BlockSpec((_RB, F_OUT), lambda i: (i, 0)),
        out_shape=jax.ShapeDtypeStruct((N, F_OUT), jnp.float32),
    )(q, b2)


def kernel(x, edge_index, edge_weight, W1, b1, W2, b2):
    idx = edge_index.astype(jnp.int32).reshape(2, NW, NCH, C)
    w = edge_weight.astype(jnp.float32)
    w2p = jnp.pad(W2, ((0, 0), (0, F_OUT_PAD - F_OUT)))[:, _PERM_OUT]

    xw1 = _mm(x, W1[:, _PERM_HID])
    p = _make_spmm(F_HID)(idx, w, xw1)
    hw2 = _fuse(p, b1.reshape(1, F_HID), w2p)
    q = _make_spmm(F_OUT_PAD)(idx, w, hw2)
    return _combine(q, b2.reshape(1, F_OUT))

# --- scband reference (transcript-rebuilt; emitter-appended) ---
"""Pipeline reference for scband-gcn-38431367365260 (READ-ONLY COPY).

The authoritative reference and input builder live on the scoring server;
editing this copy changes nothing except your own understanding.
"""

import jax, jax.numpy as jnp
import numpy as np

N_NODES = 10000
N_EDGES = 320000
NFEAT = 128
NHID = 128
NCLASS = 40


def _spmm(edge_index, edge_weight, x, n_nodes):
    # adj is sparse [N, N]; edge_index[0] = dst (row), edge_index[1] = src (col)
    # (adj @ x)[dst] = sum_{edges e with row=dst} w_e * x[src_e]
    src = edge_index[1]
    dst = edge_index[0]
    msgs = jnp.take(x, src, axis=0) * edge_weight[:, None]
    return jax.ops.segment_sum(msgs, dst, num_segments=n_nodes)


def setup_inputs(seed: int = 0) -> dict:
    key = jax.random.key(seed)
    k_x, k_ei, k_ew, k_w1, k_b1, k_w2, k_b2 = jax.random.split(key, 7)
    x = jax.random.normal(k_x, (N_NODES, NFEAT), dtype=jnp.float32)
    edge_index = jax.random.randint(k_ei, (2, N_EDGES), 0, N_NODES, dtype=jnp.int64)
    edge_weight = jax.random.uniform(k_ew, (N_EDGES,), dtype=jnp.float32)
    # Learned params (nn.Linear weights stored transposed for x @ W)
    W1 = jax.random.normal(k_w1, (NFEAT, NHID), dtype=jnp.float32) / np.sqrt(NFEAT)
    b1 = jax.random.normal(k_b1, (NHID,), dtype=jnp.float32) * 0.01
    W2 = jax.random.normal(k_w2, (NHID, NCLASS), dtype=jnp.float32) / np.sqrt(NHID)
    b2 = jax.random.normal(k_b2, (NCLASS,), dtype=jnp.float32) * 0.01
    return {"x": x, "edge_index": edge_index, "edge_weight": edge_weight,
            "W1": W1, "b1": b1, "W2": W2, "b2": b2}


def reference(x, edge_index, edge_weight, W1, b1, W2, b2):
    # Layer 1: relu(gc1(spmm(adj, x)))
    h = _spmm(edge_index, edge_weight, x, N_NODES)
    h = jax.nn.relu(h @ W1 + b1)
    # dropout: inference mode (training=False) -> identity
    # Layer 2: gc2(spmm(adj, h))
    h = _spmm(edge_index, edge_weight, h, N_NODES)
    out = h @ W2 + b2
    return out

if __name__ == "__main__":
    import jax
    _d = setup_inputs()
    print(jax.jit(kernel)(*tuple(_d.values())))

</pallas_src>

<mosaic_0001>
#map = affine_map<(d0, d1) -> (0, 0, 0, 0)>
#map1 = affine_map<(d0, d1) -> (0)>
#map2 = affine_map<(d0, d1) -> (0, 0)>
#map3 = affine_map<(d0, d1) -> (0, 0, 0)>
module attributes {stable_mosaic.version = 14 : i64} {
  func.func @_spmm_kernel_body(%arg0: i32, %arg1: i32, %arg2: memref<2x32x125x80xi32, #tpu.memory_space<hbm>>, %arg3: memref<320000xf32, #tpu.memory_space<hbm>>, %arg4: memref<10000x64xi32, #tpu.memory_space<hbm>>, %arg5: memref<2x10000x128xf32, #tpu.memory_space<hbm>>, %arg6: memref<2x80xi32, #tpu.memory_space<vmem>>, %arg7: memref<2x80xi32, #tpu.memory_space<vmem>>, %arg8: memref<80xf32, #tpu.memory_space<vmem>>, %arg9: memref<80xf32, #tpu.memory_space<vmem>>, %arg10: memref<80x64xi32, #tpu.memory_space<vmem>>, %arg11: memref<80x64xi32, #tpu.memory_space<vmem>>, %arg12: memref<80x128xf32, #tpu.memory_space<vmem>>, %arg13: memref<!tpu.dma_semaphore, #tpu.memory_space<semaphore_mem>>, %arg14: memref<!tpu.dma_semaphore, #tpu.memory_space<semaphore_mem>>, %arg15: memref<!tpu.dma_semaphore, #tpu.memory_space<semaphore_mem>>, %arg16: memref<!tpu.dma_semaphore, #tpu.memory_space<semaphore_mem>>, %arg17: memref<10000x128xf32, #tpu.memory_space<vmem_shared>>) attributes {dimension_semantics = [#tpu.dimension_semantics<core_parallel>, #tpu.dimension_semantics<subcore_parallel>], iteration_bounds = array<i64: 2, 16>, scalar_prefetch = 0 : i64, scratch_operands = 12 : i64, tpu.core_type = #tpu.core_type<sc_vector_subcore>, window_params = [{transform_indices = #map}, {transform_indices = #map1}, {transform_indices = #map2}, {transform_indices = #map3}]} {
    %mul3A = arith.constant 16 : i32
    %mul3A_0 = arith.muli %arg0, %mul3A : i32
    %add3A = arith.addi %mul3A_0, %arg1 : i32
    %broadcast_in_dim3A = arith.constant 0.000000e+00 : f32
    %broadcast_in_dim3A_1 = vector.broadcast %broadcast_in_dim3A : f32 to vector<16xf32>
    %scan3A = arith.constant 0 : i32
    %scan3A_2 = arith.constant 0 : i32
    %scan3A_3 = arith.constant 80 : i32
    %scan3A_4 = arith.addi %scan3A_2, %scan3A_3 : i32
    %scan3A_5 = arith.constant 4 : i32
    scf.for %scan3A_117 = %scan3A_2 to %scan3A_4 step %scan3A_5  : i32 {
      %swap3A = arith.index_cast %scan3A_117 : i32 to index
      %swap3A_118 = arith.constant 0 : index
      %swap3A_119 = tpu.vector_load %arg12[%swap3A, %swap3A_118] {strides = array<i32>} : memref<80x128xf32, #tpu.memory_space<vmem>>, vector<16xf32>,
      tpu.vector_store %arg12[%swap3A, %swap3A_118], %broadcast_in_dim3A_1 {strides = array<i32>} : memref<80x128xf32, #tpu.memory_space<vmem>>, vector<16xf32>,
      %swap3A_120 = arith.index_cast %scan3A_117 : i32 to index
      %swap3A_121 = arith.constant 16 : index
      %swap3A_122 = tpu.vector_load %arg12[%swap3A_120, %swap3A_121] {strides = array<i32>} : memref<80x128xf32, #tpu.memory_space<vmem>>, vector<16xf32>,
      tpu.vector_store %arg12[%swap3A_120, %swap3A_121], %broadcast_in_dim3A_1 {strides = array<i32>} : memref<80x128xf32, #tpu.memory_space<vmem>>, vector<16xf32>,
      %swap3A_123 = arith.index_cast %scan3A_117 : i32 to index
      %swap3A_124 = arith.constant 32 : index
      %swap3A_125 = tpu.vector_load %arg12[%swap3A_123, %swap3A_124] {strides = array<i32>} : memref<80x128xf32, #tpu.memory_space<vmem>>, vector<16xf32>,
      tpu.vector_store %arg12[%swap3A_123, %swap3A_124], %broadcast_in_dim3A_1 {strides = array<i32>} : memref<80x128xf32, #tpu.memory_space<vmem>>, vector<16xf32>,
      %swap3A_126 = arith.index_cast %scan3A_117 : i32 to index
      %swap3A_127 = arith.constant 48 : index
      %swap3A_128 = tpu.vector_load %arg12[%swap3A_126, %swap3A_127] {strides = array<i32>} : memref<80x128xf32, #tpu.memory_space<vmem>>, vector<16xf32>,
      tpu.vector_store %arg12[%swap3A_126, %swap3A_127], %broadcast_in_dim3A_1 {strides = array<i32>} : memref<80x128xf32, #tpu.memory_space<vmem>>, vector<16xf32>,
      %swap3A_129 = arith.index_cast %scan3A_117 : i32 to index
      %swap3A_130 = arith.constant 64 : index
      %swap3A_131 = tpu.vector_load %arg12[%swap3A_129, %swap3A_130] {strides = array<i32>} : memref<80x128xf32, #tpu.memory_space<vmem>>, vector<16xf32>,
      tpu.vector_store %arg12[%swap3A_129, %swap3A_130], %broadcast_in_dim3A_1 {strides = array<i32>} : memref<80x128xf32, #tpu.memory_space<vmem>>, vector<16xf32>,
      %swap3A_132 = arith.index_cast %scan3A_117 : i32 to index
      %swap3A_133 = arith.constant 80 : index
      %swap3A_134 = tpu.vector_load %arg12[%swap3A_132, %swap3A_133] {strides = array<i32>} : memref<80x128xf32, #tpu.memory_space<vmem>>, vector<16xf32>,
      tpu.vector_store %arg12[%swap3A_132, %swap3A_133], %broadcast_in_dim3A_1 {strides = array<i32>} : memref<80x128xf32, #tpu.memory_space<vmem>>, vector<16xf32>,
      %swap3A_135 = arith.index_cast %scan3A_117 : i32 to index
      %swap3A_136 = arith.constant 96 : index
      %swap3A_137 = tpu.vector_load %arg12[%swap3A_135, %swap3A_136] {strides = array<i32>} : memref<80x128xf32, #tpu.memory_space<vmem>>, vector<16xf32>,
      tpu.vector_store %arg12[%swap3A_135, %swap3A_136], %broadcast_in_dim3A_1 {strides = array<i32>} : memref<80x128xf32, #tpu.memory_space<vmem>>, vector<16xf32>,
      %swap3A_138 = arith.index_cast %scan3A_117 : i32 to index
      %swap3A_139 = arith.constant 112 : index
      %swap3A_140 = tpu.vector_load %arg12[%swap3A_138, %swap3A_139] {strides = array<i32>} : memref<80x128xf32, #tpu.memory_space<vmem>>, vector<16xf32>,
      tpu.vector_store %arg12[%swap3A_138, %swap3A_139], %broadcast_in_dim3A_1 {strides = array<i32>} : memref<80x128xf32, #tpu.memory_space<vmem>>, vector<16xf32>,
      %scan3A_141 = arith.constant 1 : i32
      %scan3A_142 = arith.addi %scan3A_117, %scan3A_141 : i32
      %swap3A_143 = arith.index_cast %scan3A_142 : i32 to index
      %swap3A_144 = arith.constant 0 : index
      %swap3A_145 = tpu.vector_load %arg12[%swap3A_143, %swap3A_144] {strides = array<i32>} : memref<80x128xf32, #tpu.memory_space<vmem>>, vector<16xf32>,
      tpu.vector_store %arg12[%swap3A_143, %swap3A_144], %broadcast_in_dim3A_1 {strides = array<i32>} : memref<80x128xf32, #tpu.memory_space<vmem>>, vector<16xf32>,
      %swap3A_146 = arith.index_cast %scan3A_142 : i32 to index
      %swap3A_147 = arith.constant 16 : index
      %swap3A_148 = tpu.vector_load %arg12[%swap3A_146, %swap3A_147] {strides = array<i32>} : memref<80x128xf32, #tpu.memory_space<vmem>>, vector<16xf32>,
      tpu.vector_store %arg12[%swap3A_146, %swap3A_147], %broadcast_in_dim3A_1 {strides = array<i32>} : memref<80x128xf32, #tpu.memory_space<vmem>>, vector<16xf32>,
      %swap3A_149 = arith.index_cast %scan3A_142 : i32 to index
      %swap3A_150 = arith.constant 32 : index
      %swap3A_151 = tpu.vector_load %arg12[%swap3A_149, %swap3A_150] {strides = array<i32>} : memref<80x128xf32, #tpu.memory_space<vmem>>, vector<16xf32>,
      tpu.vector_store %arg12[%swap3A_149, %swap3A_150], %broadcast_in_dim3A_1 {strides = array<i32>} : memref<80x128xf32, #tpu.memory_space<vmem>>, vector<16xf32>,
      %swap3A_152 = arith.index_cast %scan3A_142 : i32 to index
      %swap3A_153 = arith.constant 48 : index
      %swap3A_154 = tpu.vector_load %arg12[%swap3A_152, %swap3A_153] {strides = array<i32>} : memref<80x128xf32, #tpu.memory_space<vmem>>, vector<16xf32>,
      tpu.vector_store %arg12[%swap3A_152, %swap3A_153], %broadcast_in_dim3A_1 {strides = array<i32>} : memref<80x128xf32, #tpu.memory_space<vmem>>, vector<16xf32>,
      %swap3A_155 = arith.index_cast %scan3A_142 : i32 to index
      %swap3A_156 = arith.constant 64 : index
      %swap3A_157 = tpu.vector_load %arg12[%swap3A_155, %swap3A_156] {strides = array<i32>} : memref<80x128xf32, #tpu.memory_space<vmem>>, vector<16xf32>,
      tpu.vector_store %arg12[%swap3A_155, %swap3A_156], %broadcast_in_dim3A_1 {strides = array<i32>} : memref<80x128xf32, #tpu.memory_space<vmem>>, vector<16xf32>,
      %swap3A_158 = arith.index_cast %scan3A_142 : i32 to index
      %swap3A_159 = arith.constant 80 : index
      %swap3A_160 = tpu.vector_load %arg12[%swap3A_158, %swap3A_159] {strides = array<i32>} : memref<80x128xf32, #tpu.memory_space<vmem>>, vector<16xf32>,
      tpu.vector_store %arg12[%swap3A_158, %swap3A_159], %broadcast_in_dim3A_1 {strides = array<i32>} : memref<80x128xf32, #tpu.memory_space<vmem>>, vector<16xf32>,
      %swap3A_161 = arith.index_cast %scan3A_142 : i32 to index
      %swap3A_162 = arith.constant 96 : index
      %swap3A_163 = tpu.vector_load %arg12[%swap3A_161, %swap3A_162] {strides = array<i32>} : memref<80x128xf32, #tpu.memory_space<vmem>>, vector<16xf32>,
      tpu.vector_store %arg12[%swap3A_161, %swap3A_162], %broadcast_in_dim3A_1 {strides = array<i32>} : memref<80x128xf32, #tpu.memory_space<vmem>>, vector<16xf32>,
      %swap3A_164 = arith.index_cast %scan3A_142 : i32 to index
      %swap3A_165 = arith.constant 112 : index
      %swap3A_166 = tpu.vector_load %arg12[%swap3A_164, %swap3A_165] {strides = array<i32>} : memref<80x128xf32, #tpu.memory_space<vmem>>, vector<16xf32>,
      tpu.vector_store %arg12[%swap3A_164, %swap3A_165], %broadcast_in_dim3A_1 {strides = array<i32>} : memref<80x128xf32, #tpu.memory_space<vmem>>, vector<16xf32>,
      %scan3A_167 = arith.constant 2 : i32
      %scan3A_168 = arith.addi %scan3A_117, %scan3A_167 : i32
      %swap3A_169 = arith.index_cast %scan3A_168 : i32 to index
      %swap3A_170 = arith.constant 0 : index
      %swap3A_171 = tpu.vector_load %arg12[%swap3A_169, %swap3A_170] {strides = array<i32>} : memref<80x128xf32, #tpu.memory_space<vmem>>, vector<16xf32>,
      tpu.vector_store %arg12[%swap3A_169, %swap3A_170], %broadcast_in_dim3A_1 {strides = array<i32>} : memref<80x128xf32, #tpu.memory_space<vmem>>, vector<16xf32>,
      %swap3A_172 = arith.index_cast %scan3A_168 : i32 to index
      %swap3A_173 = arith.constant 16 : index
      %swap3A_174 = tpu.vector_load %arg12[%swap3A_172, %swap3A_173] {strides = array<i32>} : memref<80x128xf32, #tpu.memory_space<vmem>>, vector<16xf32>,
      tpu.vector_store %arg12[%swap3A_172, %swap3A_173], %broadcast_in_dim3A_1 {strides = array<i32>} : memref<80x128xf32, #tpu.memory_space<vmem>>, vector<16xf32>,
      %swap3A_175 = arith.index_cast %scan3A_168 : i32 to index
      %swap3A_176 = arith.constant 32 : index
      %swap3A_177 = tpu.vector_load %arg12[%swap3A_175, %swap3A_176] {strides = array<i32>} : memref<80x128xf32, #tpu.memory_space<vmem>>, vector<16xf32>,
      tpu.vector_store %arg12[%swap3A_175, %swap3A_176], %broadcast_in_dim3A_1 {strides = array<i32>} : memref<80x128xf32, #tpu.memory_space<vmem>>, vector<16xf32>,
      %swap3A_178 = arith.index_cast %scan3A_168 : i32 to index
      %swap3A_179 = arith.constant 48 : index
      %swap3A_180 = tpu.vector_load %arg12[%swap3A_178, %swap3A_179] {strides = array<i32>} : memref<80x128xf32, #tpu.memory_space<vmem>>, vector<16xf32>,
      tpu.vector_store %arg12[%swap3A_178, %swap3A_179], %broadcast_in_dim3A_1 {strides = array<i32>} : memref<80x128xf32, #tpu.memory_space<vmem>>, vector<16xf32>,
      %swap3A_181 = arith.index_cast %scan3A_168 : i32 to index
      %swap3A_182 = arith.constant 64 : index
      %swap3A_183 = tpu.vector_load %arg12[%swap3A_181, %swap3A_182] {strides = array<i32>} : memref<80x128xf32, #tpu.memory_space<vmem>>, vector<16xf32>,
      tpu.vector_store %arg12[%swap3A_181, %swap3A_182], %broadcast_in_dim3A_1 {strides = array<i32>} : memref<80x128xf32, #tpu.memory_space<vmem>>, vector<16xf32>,
      %swap3A_184 = arith.index_cast %scan3A_168 : i32 to index
      %swap3A_185 = arith.constant 80 : index
      %swap3A_186 = tpu.vector_load %arg12[%swap3A_184, %swap3A_185] {strides = array<i32>} : memref<80x128xf32, #tpu.memory_space<vmem>>, vector<16xf32>,
      tpu.vector_store %arg12[%swap3A_184, %swap3A_185], %broadcast_in_dim3A_1 {strides = array<i32>} : memref<80x128xf32, #tpu.memory_space<vmem>>, vector<16xf32>,
      %swap3A_187 = arith.index_cast %scan3A_168 : i32 to index
      %swap3A_188 = arith.constant 96 : index
      %swap3A_189 = tpu.vector_load %arg12[%swap3A_187, %swap3A_188] {strides = array<i32>} : memref<80x128xf32, #tpu.memory_space<vmem>>, vector<16xf32>,
      tpu.vector_store %arg12[%swap3A_187, %swap3A_188], %broadcast_in_dim3A_1 {strides = array<i32>} : memref<80x128xf32, #tpu.memory_space<vmem>>, vector<16xf32>,
      %swap3A_190 = arith.index_cast %scan3A_168 : i32 to index
      %swap3A_191 = arith.constant 112 : index
      %swap3A_192 = tpu.vector_load %arg12[%swap3A_190, %swap3A_191] {strides = array<i32>} : memref<80x128xf32, #tpu.memory_space<vmem>>, vector<16xf32>,
      tpu.vector_store %arg12[%swap3A_190, %swap3A_191], %broadcast_in_dim3A_1 {strides = array<i32>} : memref<80x128xf32, #tpu.memory_space<vmem>>, vector<16xf32>,
      %scan3A_193 = arith.constant 3 : i32
      %scan3A_194 = arith.addi %scan3A_117, %scan3A_193 : i32
      %swap3A_195 = arith.index_cast %scan3A_194 : i32 to index
      %swap3A_196 = arith.constant 0 : index
      %swap3A_197 = tpu.vector_load %arg12[%swap3A_195, %swap3A_196] {strides = array<i32>} : memref<80x128xf32, #tpu.memory_space<vmem>>, vector<16xf32>,
      tpu.vector_store %arg12[%swap3A_195, %swap3A_196], %broadcast_in_dim3A_1 {strides = array<i32>} : memref<80x128xf32, #tpu.memory_space<vmem>>, vector<16xf32>,
      %swap3A_198 = arith.index_cast %scan3A_194 : i32 to index
      %swap3A_199 = arith.constant 16 : index
      %swap3A_200 = tpu.vector_load %arg12[%swap3A_198, %swap3A_199] {strides = array<i32>} : memref<80x128xf32, #tpu.memory_space<vmem>>, vector<16xf32>,
      tpu.vector_store %arg12[%swap3A_198, %swap3A_199], %broadcast_in_dim3A_1 {strides = array<i32>} : memref<80x128xf32, #tpu.memory_space<vmem>>, vector<16xf32>,
      %swap3A_201 = arith.index_cast %scan3A_194 : i32 to index
      %swap3A_202 = arith.constant 32 : index
      %swap3A_203 = tpu.vector_load %arg12[%swap3A_201, %swap3A_202] {strides = array<i32>} : memref<80x128xf32, #tpu.memory_space<vmem>>, vector<16xf32>,
      tpu.vector_store %arg12[%swap3A_201, %swap3A_202], %broadcast_in_dim3A_1 {strides = array<i32>} : memref<80x128xf32, #tpu.memory_space<vmem>>, vector<16xf32>,
      %swap3A_204 = arith.index_cast %scan3A_194 : i32 to index
      %swap3A_205 = arith.constant 48 : index
      %swap3A_206 = tpu.vector_load %arg12[%swap3A_204, %swap3A_205] {strides = array<i32>} : memref<80x128xf32, #tpu.memory_space<vmem>>, vector<16xf32>,
      tpu.vector_store %arg12[%swap3A_204, %swap3A_205], %broadcast_in_dim3A_1 {strides = array<i32>} : memref<80x128xf32, #tpu.memory_space<vmem>>, vector<16xf32>,
      %swap3A_207 = arith.index_cast %scan3A_194 : i32 to index
      %swap3A_208 = arith.constant 64 : index
      %swap3A_209 = tpu.vector_load %arg12[%swap3A_207, %swap3A_208] {strides = array<i32>} : memref<80x128xf32, #tpu.memory_space<vmem>>, vector<16xf32>,
      tpu.vector_store %arg12[%swap3A_207, %swap3A_208], %broadcast_in_dim3A_1 {strides = array<i32>} : memref<80x128xf32, #tpu.memory_space<vmem>>, vector<16xf32>,
      %swap3A_210 = arith.index_cast %scan3A_194 : i32 to index
      %swap3A_211 = arith.constant 80 : index
      %swap3A_212 = tpu.vector_load %arg12[%swap3A_210, %swap3A_211] {strides = array<i32>} : memref<80x128xf32, #tpu.memory_space<vmem>>, vector<16xf32>,
      tpu.vector_store %arg12[%swap3A_210, %swap3A_211], %broadcast_in_dim3A_1 {strides = array<i32>} : memref<80x128xf32, #tpu.memory_space<vmem>>, vector<16xf32>,
      %swap3A_213 = arith.index_cast %scan3A_194 : i32 to index
      %swap3A_214 = arith.constant 96 : index
      %swap3A_215 = tpu.vector_load %arg12[%swap3A_213, %swap3A_214] {strides = array<i32>} : memref<80x128xf32, #tpu.memory_space<vmem>>, vector<16xf32>,
      tpu.vector_store %arg12[%swap3A_213, %swap3A_214], %broadcast_in_dim3A_1 {strides = array<i32>} : memref<80x128xf32, #tpu.memory_space<vmem>>, vector<16xf32>,
      %swap3A_216 = arith.index_cast %scan3A_194 : i32 to index
      %swap3A_217 = arith.constant 112 : index
      %swap3A_218 = tpu.vector_load %arg12[%swap3A_216, %swap3A_217] {strides = array<i32>} : memref<80x128xf32, #tpu.memory_space<vmem>>, vector<16xf32>,
      tpu.vector_store %arg12[%swap3A_216, %swap3A_217], %broadcast_in_dim3A_1 {strides = array<i32>} : memref<80x128xf32, #tpu.memory_space<vmem>>, vector<16xf32>,
    }
    %scan3A_6 = arith.constant 80 : i32
    %mul3A_7 = arith.constant 624 : i32
    %mul3A_8 = arith.muli %arg1, %mul3A_7 : i32
    %add3A_9 = arith.constant 0 : i32
    %add3A_10 = arith.addi %mul3A_8, %add3A_9 : i32
    "tpu.region"() ({
      %run_scoped3A_117 = tpu.sem_alloc : memref<!tpu.dma_semaphore, #tpu.memory_space<semaphore_mem>>
      %dma_start3A_118 = arith.constant 0 : i32
      %dma_start3A_119 = tpu.memref_slice %arg17[%add3A_10, %dma_start3A_118] : memref<10000x128xf32, #tpu.memory_space<vmem_shared>> -> memref<80x128xf32, #tpu.memory_space<vmem_shared>>
      %dma_start3A_120 = arith.constant 0 : i32
      %dma_start3A_121 = tpu.memref_slice %arg17[%add3A_10, %dma_start3A_120] : memref<10000x128xf32, #tpu.memory_space<vmem_shared>> -> memref<80x128xf32, #tpu.memory_space<vmem_shared>>
      tpu.enqueue_dma source(%arg12 : memref<80x128xf32, #tpu.memory_space<vmem>>) target(%dma_start3A_121 : memref<80x128xf32, #tpu.memory_space<vmem_shared>>) target_semaphore(%run_scoped3A_117 : memref<!tpu.dma_semaphore, #tpu.memory_space<semaphore_mem>>)
      %dma_wait3A_122 = arith.constant 0 : i32
      %dma_wait3A_123 = tpu.memref_slice %arg17[%add3A_10, %dma_wait3A_122] : memref<10000x128xf32, #tpu.memory_space<vmem_shared>> -> memref<80x128xf32, #tpu.memory_space<vmem_shared>>
      %dma_wait3A_124 = arith.constant 0 : i32
      %dma_wait3A_125 = tpu.memref_slice %arg17[%add3A_10, %dma_wait3A_124] : memref<10000x128xf32, #tpu.memory_space<vmem_shared>> -> memref<80x128xf32, #tpu.memory_space<vmem_shared>>
      tpu.wait_dma2 semaphore(%run_scoped3A_117 : memref<!tpu.dma_semaphore, #tpu.memory_space<semaphore_mem>>) src(%arg12 : memref<80x128xf32, #tpu.memory_space<vmem>>) dst(%dma_wait3A_125 : memref<80x128xf32, #tpu.memory_space<vmem_shared>>)
      tpu.yield
    }) : () -> ()
    %mul3A_11 = arith.constant 624 : i32
    %mul3A_12 = arith.muli %arg1, %mul3A_11 : i32
    %add3A_13 = arith.constant 80 : i32
    %add3A_14 = arith.addi %mul3A_12, %add3A_13 : i32
    "tpu.region"() ({
      %run_scoped3A_117 = tpu.sem_alloc : memref<!tpu.dma_semaphore, #tpu.memory_space<semaphore_mem>>
      %dma_start3A_118 = arith.constant 0 : i32
      %dma_start3A_119 = tpu.memref_slice %arg17[%add3A_14, %dma_start3A_118] : memref<10000x128xf32, #tpu.memory_space<vmem_shared>> -> memref<80x128xf32, #tpu.memory_space<vmem_shared>>
      %dma_start3A_120 = arith.constant 0 : i32
      %dma_start3A_121 = tpu.memref_slice %arg17[%add3A_14, %dma_start3A_120] : memref<10000x128xf32, #tpu.memory_space<vmem_shared>> -> memref<80x128xf32, #tpu.memory_space<vmem_shared>>
      tpu.enqueue_dma source(%arg12 : memref<80x128xf32, #tpu.memory_space<vmem>>) target(%dma_start3A_121 : memref<80x128xf32, #tpu.memory_space<vmem_shared>>) target_semaphore(%run_scoped3A_117 : memref<!tpu.dma_semaphore, #tpu.memory_space<semaphore_mem>>)
      %dma_wait3A_122 = arith.constant 0 : i32
      %dma_wait3A_123 = tpu.memref_slice %arg17[%add3A_14, %dma_wait3A_122] : memref<10000x128xf32, #tpu.memory_space<vmem_shared>> -> memref<80x128xf32, #tpu.memory_space<vmem_shared>>
      %dma_wait3A_124 = arith.constant 0 : i32
      %dma_wait3A_125 = tpu.memref_slice %arg17[%add3A_14, %dma_wait3A_124] : memref<10000x128xf32, #tpu.memory_space<vmem_shared>> -> memref<80x128xf32, #tpu.memory_space<vmem_shared>>
      tpu.wait_dma2 semaphore(%run_scoped3A_117 : memref<!tpu.dma_semaphore, #tpu.memory_space<semaphore_mem>>) src(%arg12 : memref<80x128xf32, #tpu.memory_space<vmem>>) dst(%dma_wait3A_125 : memref<80x128xf32, #tpu.memory_space<vmem_shared>>)
      tpu.yield
    }) : () -> ()
    %mul3A_15 = arith.constant 624 : i32
    %mul3A_16 = arith.muli %arg1, %mul3A_15 : i32
    %add3A_17 = arith.constant 160 : i32
    %add3A_18 = arith.addi %mul3A_16, %add3A_17 : i32
    "tpu.region"() ({
      %run_scoped3A_117 = tpu.sem_alloc : memref<!tpu.dma_semaphore, #tpu.memory_space<semaphore_mem>>
      %dma_start3A_118 = arith.constant 0 : i32
      %dma_start3A_119 = tpu.memref_slice %arg17[%add3A_18, %dma_start3A_118] : memref<10000x128xf32, #tpu.memory_space<vmem_shared>> -> memref<80x128xf32, #tpu.memory_space<vmem_shared>>
      %dma_start3A_120 = arith.constant 0 : i32
      %dma_start3A_121 = tpu.memref_slice %arg17[%add3A_18, %dma_start3A_120] : memref<10000x128xf32, #tpu.memory_space<vmem_shared>> -> memref<80x128xf32, #tpu.memory_space<vmem_shared>>
      tpu.enqueue_dma source(%arg12 : memref<80x128xf32, #tpu.memory_space<vmem>>) target(%dma_start3A_121 : memref<80x128xf32, #tpu.memory_space<vmem_shared>>) target_semaphore(%run_scoped3A_117 : memref<!tpu.dma_semaphore, #tpu.memory_space<semaphore_mem>>)
      %dma_wait3A_122 = arith.constant 0 : i32
      %dma_wait3A_123 = tpu.memref_slice %arg17[%add3A_18, %dma_wait3A_122] : memref<10000x128xf32, #tpu.memory_space<vmem_shared>> -> memref<80x128xf32, #tpu.memory_space<vmem_shared>>
      %dma_wait3A_124 = arith.constant 0 : i32
      %dma_wait3A_125 = tpu.memref_slice %arg17[%add3A_18, %dma_wait3A_124] : memref<10000x128xf32, #tpu.memory_space<vmem_shared>> -> memref<80x128xf32, #tpu.memory_space<vmem_shared>>
      tpu.wait_dma2 semaphore(%run_scoped3A_117 : memref<!tpu.dma_semaphore, #tpu.memory_space<semaphore_mem>>) src(%arg12 : memref<80x128xf32, #tpu.memory_space<vmem>>) dst(%dma_wait3A_125 : memref<80x128xf32, #tpu.memory_space<vmem_shared>>)
      tpu.yield
    }) : () -> ()
    %mul3A_19 = arith.constant 624 : i32
    %mul3A_20 = arith.muli %arg1, %mul3A_19 : i32
    %add3A_21 = arith.constant 240 : i32
    %add3A_22 = arith.addi %mul3A_20, %add3A_21 : i32
    "tpu.region"() ({
      %run_scoped3A_117 = tpu.sem_alloc : memref<!tpu.dma_semaphore, #tpu.memory_space<semaphore_mem>>
      %dma_start3A_118 = arith.constant 0 : i32
      %dma_start3A_119 = tpu.memref_slice %arg17[%add3A_22, %dma_start3A_118] : memref<10000x128xf32, #tpu.memory_space<vmem_shared>> -> memref<80x128xf32, #tpu.memory_space<vmem_shared>>
      %dma_start3A_120 = arith.constant 0 : i32
      %dma_start3A_121 = tpu.memref_slice %arg17[%add3A_22, %dma_start3A_120] : memref<10000x128xf32, #tpu.memory_space<vmem_shared>> -> memref<80x128xf32, #tpu.memory_space<vmem_shared>>
      tpu.enqueue_dma source(%arg12 : memref<80x128xf32, #tpu.memory_space<vmem>>) target(%dma_start3A_121 : memref<80x128xf32, #tpu.memory_space<vmem_shared>>) target_semaphore(%run_scoped3A_117 : memref<!tpu.dma_semaphore, #tpu.memory_space<semaphore_mem>>)
      %dma_wait3A_122 = arith.constant 0 : i32
      %dma_wait3A_123 = tpu.memref_slice %arg17[%add3A_22, %dma_wait3A_122] : memref<10000x128xf32, #tpu.memory_space<vmem_shared>> -> memref<80x128xf32, #tpu.memory_space<vmem_shared>>
      %dma_wait3A_124 = arith.constant 0 : i32
      %dma_wait3A_125 = tpu.memref_slice %arg17[%add3A_22, %dma_wait3A_124] : memref<10000x128xf32, #tpu.memory_space<vmem_shared>> -> memref<80x128xf32, #tpu.memory_space<vmem_shared>>
      tpu.wait_dma2 semaphore(%run_scoped3A_117 : memref<!tpu.dma_semaphore, #tpu.memory_space<semaphore_mem>>) src(%arg12 : memref<80x128xf32, #tpu.memory_space<vmem>>) dst(%dma_wait3A_125 : memref<80x128xf32, #tpu.memory_space<vmem_shared>>)
      tpu.yield
    }) : () -> ()
    %mul3A_23 = arith.constant 624 : i32
    %mul3A_24 = arith.muli %arg1, %mul3A_23 : i32
    %add3A_25 = arith.constant 320 : i32
    %add3A_26 = arith.addi %mul3A_24, %add3A_25 : i32
    "tpu.region"() ({
      %run_scoped3A_117 = tpu.sem_alloc : memref<!tpu.dma_semaphore, #tpu.memory_space<semaphore_mem>>
      %dma_start3A_118 = arith.constant 0 : i32
      %dma_start3A_119 = tpu.memref_slice %arg17[%add3A_26, %dma_start3A_118] : memref<10000x128xf32, #tpu.memory_space<vmem_shared>> -> memref<80x128xf32, #tpu.memory_space<vmem_shared>>
      %dma_start3A_120 = arith.constant 0 : i32
      %dma_start3A_121 = tpu.memref_slice %arg17[%add3A_26, %dma_start3A_120] : memref<10000x128xf32, #tpu.memory_space<vmem_shared>> -> memref<80x128xf32, #tpu.memory_space<vmem_shared>>
      tpu.enqueue_dma source(%arg12 : memref<80x128xf32, #tpu.memory_space<vmem>>) target(%dma_start3A_121 : memref<80x128xf32, #tpu.memory_space<vmem_shared>>) target_semaphore(%run_scoped3A_117 : memref<!tpu.dma_semaphore, #tpu.memory_space<semaphore_mem>>)
      %dma_wait3A_122 = arith.constant 0 : i32
      %dma_wait3A_123 = tpu.memref_slice %arg17[%add3A_26, %dma_wait3A_122] : memref<10000x128xf32, #tpu.memory_space<vmem_shared>> -> memref<80x128xf32, #tpu.memory_space<vmem_shared>>
      %dma_wait3A_124 = arith.constant 0 : i32
      %dma_wait3A_125 = tpu.memref_slice %arg17[%add3A_26, %dma_wait3A_124] : memref<10000x128xf32, #tpu.memory_space<vmem_shared>> -> memref<80x128xf32, #tpu.memory_space<vmem_shared>>
      tpu.wait_dma2 semaphore(%run_scoped3A_117 : memref<!tpu.dma_semaphore, #tpu.memory_space<semaphore_mem>>) src(%arg12 : memref<80x128xf32, #tpu.memory_space<vmem>>) dst(%dma_wait3A_125 : memref<80x128xf32, #tpu.memory_space<vmem_shared>>)
      tpu.yield
    }) : () -> ()
    %mul3A_27 = arith.constant 624 : i32
    %mul3A_28 = arith.muli %arg1, %mul3A_27 : i32
    %add3A_29 = arith.constant 400 : i32
    %add3A_30 = arith.addi %mul3A_28, %add3A_29 : i32
    "tpu.region"() ({
      %run_scoped3A_117 = tpu.sem_alloc : memref<!tpu.dma_semaphore, #tpu.memory_space<semaphore_mem>>
      %dma_start3A_118 = arith.constant 0 : i32
      %dma_start3A_119 = tpu.memref_slice %arg17[%add3A_30, %dma_start3A_118] : memref<10000x128xf32, #tpu.memory_space<vmem_shared>> -> memref<80x128xf32, #tpu.memory_space<vmem_shared>>
      %dma_start3A_120 = arith.constant 0 : i32
      %dma_start3A_121 = tpu.memref_slice %arg17[%add3A_30, %dma_start3A_120] : memref<10000x128xf32, #tpu.memory_space<vmem_shared>> -> memref<80x128xf32, #tpu.memory_space<vmem_shared>>
      tpu.enqueue_dma source(%arg12 : memref<80x128xf32, #tpu.memory_space<vmem>>) target(%dma_start3A_121 : memref<80x128xf32, #tpu.memory_space<vmem_shared>>) target_semaphore(%run_scoped3A_117 : memref<!tpu.dma_semaphore, #tpu.memory_space<semaphore_mem>>)
      %dma_wait3A_122 = arith.constant 0 : i32
      %dma_wait3A_123 = tpu.memref_slice %arg17[%add3A_30, %dma_wait3A_122] : memref<10000x128xf32, #tpu.memory_space<vmem_shared>> -> memref<80x128xf32, #tpu.memory_space<vmem_shared>>
      %dma_wait3A_124 = arith.constant 0 : i32
      %dma_wait3A_125 = tpu.memref_slice %arg17[%add3A_30, %dma_wait3A_124] : memref<10000x128xf32, #tpu.memory_space<vmem_shared>> -> memref<80x128xf32, #tpu.memory_space<vmem_shared>>
      tpu.wait_dma2 semaphore(%run_scoped3A_117 : memref<!tpu.dma_semaphore, #tpu.memory_space<semaphore_mem>>) src(%arg12 : memref<80x128xf32, #tpu.memory_space<vmem>>) dst(%dma_wait3A_125 : memref<80x128xf32, #tpu.memory_space<vmem_shared>>)
      tpu.yield
    }) : () -> ()
    %mul3A_31 = arith.constant 624 : i32
    %mul3A_32 = arith.muli %arg1, %mul3A_31 : i32
    %add3A_33 = arith.constant 480 : i32
    %add3A_34 = arith.addi %mul3A_32, %add3A_33 : i32
    "tpu.region"() ({
      %run_scoped3A_117 = tpu.sem_alloc : memref<!tpu.dma_semaphore, #tpu.memory_space<semaphore_mem>>
      %dma_start3A_118 = arith.constant 0 : i32
      %dma_start3A_119 = tpu.memref_slice %arg17[%add3A_34, %dma_start3A_118] : memref<10000x128xf32, #tpu.memory_space<vmem_shared>> -> memref<80x128xf32, #tpu.memory_space<vmem_shared>>
      %dma_start3A_120 = arith.constant 0 : i32
      %dma_start3A_121 = tpu.memref_slice %arg17[%add3A_34, %dma_start3A_120] : memref<10000x128xf32, #tpu.memory_space<vmem_shared>> -> memref<80x128xf32, #tpu.memory_space<vmem_shared>>
      tpu.enqueue_dma source(%arg12 : memref<80x128xf32, #tpu.memory_space<vmem>>) target(%dma_start3A_121 : memref<80x128xf32, #tpu.memory_space<vmem_shared>>) target_semaphore(%run_scoped3A_117 : memref<!tpu.dma_semaphore, #tpu.memory_space<semaphore_mem>>)
      %dma_wait3A_122 = arith.constant 0 : i32
      %dma_wait3A_123 = tpu.memref_slice %arg17[%add3A_34, %dma_wait3A_122] : memref<10000x128xf32, #tpu.memory_space<vmem_shared>> -> memref<80x128xf32, #tpu.memory_space<vmem_shared>>
      %dma_wait3A_124 = arith.constant 0 : i32
      %dma_wait3A_125 = tpu.memref_slice %arg17[%add3A_34, %dma_wait3A_124] : memref<10000x128xf32, #tpu.memory_space<vmem_shared>> -> memref<80x128xf32, #tpu.memory_space<vmem_shared>>
      tpu.wait_dma2 semaphore(%run_scoped3A_117 : memref<!tpu.dma_semaphore, #tpu.memory_space<semaphore_mem>>) src(%arg12 : memref<80x128xf32, #tpu.memory_space<vmem>>) dst(%dma_wait3A_125 : memref<80x128xf32, #tpu.memory_space<vmem_shared>>)
      tpu.yield
    }) : () -> ()
    %mul3A_35 = arith.constant 624 : i32
    %mul3A_36 = arith.muli %arg1, %mul3A_35 : i32
    %add3A_37 = arith.constant 624 : i32
    %add3A_38 = arith.addi %mul3A_36, %add3A_37 : i32
    %sub3A = arith.constant 64 : i32
    %sub3A_39 = arith.subi %add3A_38, %sub3A : i32
    "tpu.region"() ({
      %run_scoped3A_117 = tpu.sem_alloc : memref<!tpu.dma_semaphore, #tpu.memory_space<semaphore_mem>>
      %dma_start3A_118 = arith.constant 0 : i32
      %dma_start3A_119 = arith.constant 0 : i32
      %dma_start3A_120 = tpu.memref_slice %arg12[%dma_start3A_118, %dma_start3A_119] : memref<80x128xf32, #tpu.memory_space<vmem>> -> memref<64x128xf32, #tpu.memory_space<vmem>>
      %dma_start3A_121 = arith.constant 0 : i32
      %dma_start3A_122 = tpu.memref_slice %arg17[%sub3A_39, %dma_start3A_121] : memref<10000x128xf32, #tpu.memory_space<vmem_shared>> -> memref<64x128xf32, #tpu.memory_space<vmem_shared>>
      %dma_start3A_123 = arith.constant 0 : i32
      %dma_start3A_124 = tpu.memref_slice %arg17[%sub3A_39, %dma_start3A_123] : memref<10000x128xf32, #tpu.memory_space<vmem_shared>> -> memref<64x128xf32, #tpu.memory_space<vmem_shared>>
      %dma_start3A_125 = arith.constant 0 : i32
      %dma_start3A_126 = arith.constant 0 : i32
      %dma_start3A_127 = tpu.memref_slice %arg12[%dma_start3A_125, %dma_start3A_126] : memref<80x128xf32, #tpu.memory_space<vmem>> -> memref<64x128xf32, #tpu.memory_space<vmem>>
      tpu.enqueue_dma source(%dma_start3A_127 : memref<64x128xf32, #tpu.memory_space<vmem>>) target(%dma_start3A_124 : memref<64x128xf32, #tpu.memory_space<vmem_shared>>) target_semaphore(%run_scoped3A_117 : memref<!tpu.dma_semaphore, #tpu.memory_space<semaphore_mem>>)
      %dma_wait3A_128 = arith.constant 0 : i32
      %dma_wait3A_129 = arith.constant 0 : i32
      %dma_wait3A_130 = tpu.memref_slice %arg12[%dma_wait3A_128, %dma_wait3A_129] : memref<80x128xf32, #tpu.memory_space<vmem>> -> memref<64x128xf32, #tpu.memory_space<vmem>>
      %dma_wait3A_131 = arith.constant 0 : i32
      %dma_wait3A_132 = tpu.memref_slice %arg17[%sub3A_39, %dma_wait3A_131] : memref<10000x128xf32, #tpu.memory_space<vmem_shared>> -> memref<64x128xf32, #tpu.memory_space<vmem_shared>>
      %dma_wait3A_133 = arith.constant 0 : i32
      %dma_wait3A_134 = tpu.memref_slice %arg17[%sub3A_39, %dma_wait3A_133] : memref<10000x128xf32, #tpu.memory_space<vmem_shared>> -> memref<64x128xf32, #tpu.memory_space<vmem_shared>>
      %dma_wait3A_135 = arith.constant 0 : i32
      %dma_wait3A_136 = arith.constant 0 : i32
      %dma_wait3A_137 = tpu.memref_slice %arg12[%dma_wait3A_135, %dma_wait3A_136] : memref<80x128xf32, #tpu.memory_space<vmem>> -> memref<64x128xf32, #tpu.memory_space<vmem>>
      tpu.wait_dma2 semaphore(%run_scoped3A_117 : memref<!tpu.dma_semaphore, #tpu.memory_space<semaphore_mem>>) src(%dma_wait3A_137 : memref<64x128xf32, #tpu.memory_space<vmem>>) dst(%dma_wait3A_134 : memref<64x128xf32, #tpu.memory_space<vmem_shared>>)
      tpu.yield
    }) : () -> ()
    %eq3A = arith.constant 15 : i32
    %eq3A_40 = arith.cmpi eq, %arg1, %eq3A : i32
    %convert_element_type3A = arith.extui %eq3A_40 : i1 to i32
    %cond3A = arith.constant 0 : i32
    %cond3A_41 = arith.cmpi ne, %convert_element_type3A, %cond3A : i32
    scf.if %cond3A_41 {
      "tpu.region"() ({
        %run_scoped3A_117 = tpu.sem_alloc : memref<!tpu.dma_semaphore, #tpu.memory_space<semaphore_mem>>
        %dma_start3A_118 = arith.constant 0 : i32
        %dma_start3A_119 = arith.constant 0 : i32
        %dma_start3A_120 = tpu.memref_slice %arg12[%dma_start3A_118, %dma_start3A_119] : memref<80x128xf32, #tpu.memory_space<vmem>> -> memref<16x128xf32, #tpu.memory_space<vmem>>
        %dma_start3A_121 = arith.constant 9984 : i32
        %dma_start3A_122 = arith.constant 0 : i32
        %dma_start3A_123 = tpu.memref_slice %arg17[%dma_start3A_121, %dma_start3A_122] : memref<10000x128xf32, #tpu.memory_space<vmem_shared>> -> memref<16x128xf32, #tpu.memory_space<vmem_shared>>
        %dma_start3A_124 = arith.constant 9984 : i32
        %dma_start3A_125 = arith.constant 0 : i32
        %dma_start3A_126 = tpu.memref_slice %arg17[%dma_start3A_124, %dma_start3A_125] : memref<10000x128xf32, #tpu.memory_space<vmem_shared>> -> memref<16x128xf32, #tpu.memory_space<vmem_shared>>
        %dma_start3A_127 = arith.constant 0 : i32
        %dma_start3A_128 = arith.constant 0 : i32
        %dma_start3A_129 = tpu.memref_slice %arg12[%dma_start3A_127, %dma_start3A_128] : memref<80x128xf32, #tpu.memory_space<vmem>> -> memref<16x128xf32, #tpu.memory_space<vmem>>
        tpu.enqueue_dma source(%dma_start3A_129 : memref<16x128xf32, #tpu.memory_space<vmem>>) target(%dma_start3A_126 : memref<16x128xf32, #tpu.memory_space<vmem_shared>>) target_semaphore(%run_scoped3A_117 : memref<!tpu.dma_semaphore, #tpu.memory_space<semaphore_mem>>)
        %dma_wait3A_130 = arith.constant 0 : i32
        %dma_wait3A_131 = arith.constant 0 : i32
        %dma_wait3A_132 = tpu.memref_slice %arg12[%dma_wait3A_130, %dma_wait3A_131] : memref<80x128xf32, #tpu.memory_space<vmem>> -> memref<16x128xf32, #tpu.memory_space<vmem>>
        %dma_wait3A_133 = arith.constant 9984 : i32
        %dma_wait3A_134 = arith.constant 0 : i32
        %dma_wait3A_135 = tpu.memref_slice %arg17[%dma_wait3A_133, %dma_wait3A_134] : memref<10000x128xf32, #tpu.memory_space<vmem_shared>> -> memref<16x128xf32, #tpu.memory_space<vmem_shared>>
        %dma_wait3A_136 = arith.constant 9984 : i32
        %dma_wait3A_137 = arith.constant 0 : i32
        %dma_wait3A_138 = tpu.memref_slice %arg17[%dma_wait3A_136, %dma_wait3A_137] : memref<10000x128xf32, #tpu.memory_space<vmem_shared>> -> memref<16x128xf32, #tpu.memory_space<vmem_shared>>
        %dma_wait3A_139 = arith.constant 0 : i32
        %dma_wait3A_140 = arith.constant 0 : i32
        %dma_wait3A_141 = tpu.memref_slice %arg12[%dma_wait3A_139, %dma_wait3A_140] : memref<80x128xf32, #tpu.memory_space<vmem>> -> memref<16x128xf32, #tpu.memory_space<vmem>>
        tpu.wait_dma2 semaphore(%run_scoped3A_117 : memref<!tpu.dma_semaphore, #tpu.memory_space<semaphore_mem>>) src(%dma_wait3A_141 : memref<16x128xf32, #tpu.memory_space<vmem>>) dst(%dma_wait3A_138 : memref<16x128xf32, #tpu.memory_space<vmem_shared>>)
        tpu.yield
      }) : () -> ()
    } else {
    }
    %barrier3A = arith.constant 0 : index
    tpu.barrier barrier_id(%barrier3A)
    %broadcast_in_dim3A_42 = arith.constant -65536 : i32
    %broadcast_in_dim3A_43 = vector.broadcast %broadcast_in_dim3A_42 : i32 to vector<16xi32>
    %dma_start3A = arith.constant 0 : i32
    %dma_start3A_44 = arith.constant 0 : i32
    %dma_start3A_45 = arith.constant 0 : i32
    %dma_start3A_46 = tpu.memref_slice %arg2[%dma_start3A_44, %add3A, %dma_start3A, %dma_start3A_45] : memref<2x32x125x80xi32, #tpu.memory_space<hbm>> -> memref<2x1x1x80xi32, #tpu.memory_space<hbm>>
    %dma_start3A_47 = tpu.memref_squeeze %dma_start3A_46 : memref<2x1x1x80xi32, #tpu.memory_space<hbm>> -> memref<2x80xi32, #tpu.memory_space<hbm>>
    %dma_start3A_48 = arith.constant 0 : i32
    %dma_start3A_49 = arith.constant 0 : i32
    %dma_start3A_50 = tpu.memref_slice %arg2[%dma_start3A_48, %add3A, %dma_start3A, %dma_start3A_49] : memref<2x32x125x80xi32, #tpu.memory_space<hbm>> -> memref<2x1x1x80xi32, #tpu.memory_space<hbm>>
    %dma_start3A_51 = tpu.memref_squeeze %dma_start3A_50 : memref<2x1x1x80xi32, #tpu.memory_space<hbm>> -> memref<2x80xi32, #tpu.memory_space<hbm>>
    tpu.enqueue_dma source(%dma_start3A_51 : memref<2x80xi32, #tpu.memory_space<hbm>>) target(%arg6 : memref<2x80xi32, #tpu.memory_space<vmem>>) target_semaphore(%arg15 : memref<!tpu.dma_semaphore, #tpu.memory_space<semaphore_mem>>)
    %mul3A_52 = arith.constant 10000 : i32
    %mul3A_53 = arith.muli %add3A, %mul3A_52 : i32
    %add3A_54 = arith.constant 0 : i32
    %add3A_55 = arith.addi %mul3A_53, %add3A_54 : i32
    %dma_start3A_56 = tpu.memref_slice %arg3[%add3A_55] : memref<320000xf32, #tpu.memory_space<hbm>> -> memref<80xf32, #tpu.memory_space<hbm>>
    %dma_start3A_57 = tpu.memref_slice %arg3[%add3A_55] : memref<320000xf32, #tpu.memory_space<hbm>> -> memref<80xf32, #tpu.memory_space<hbm>>
    tpu.enqueue_dma source(%dma_start3A_57 : memref<80xf32, #tpu.memory_space<hbm>>) target(%arg8 : memref<80xf32, #tpu.memory_space<vmem>>) target_semaphore(%arg15 : memref<!tpu.dma_semaphore, #tpu.memory_space<semaphore_mem>>)
    %dma_start3A_58 = arith.constant 1 : i32
    %dma_start3A_59 = arith.constant 0 : i32
    %dma_start3A_60 = arith.constant 0 : i32
    %dma_start3A_61 = tpu.memref_slice %arg2[%dma_start3A_59, %add3A, %dma_start3A_58, %dma_start3A_60] : memref<2x32x125x80xi32, #tpu.memory_space<hbm>> -> memref<2x1x1x80xi32, #tpu.memory_space<hbm>>
    %dma_start3A_62 = tpu.memref_squeeze %dma_start3A_61 : memref<2x1x1x80xi32, #tpu.memory_space<hbm>> -> memref<2x80xi32, #tpu.memory_space<hbm>>
    %dma_start3A_63 = arith.constant 0 : i32
    %dma_start3A_64 = arith.constant 0 : i32
    %dma_start3A_65 = tpu.memref_slice %arg2[%dma_start3A_63, %add3A, %dma_start3A_58, %dma_start3A_64] : memref<2x32x125x80xi32, #tpu.memory_space<hbm>> -> memref<2x1x1x80xi32, #tpu.memory_space<hbm>>
    %dma_start3A_66 = tpu.memref_squeeze %dma_start3A_65 : memref<2x1x1x80xi32, #tpu.memory_space<hbm>> -> memref<2x80xi32, #tpu.memory_space<hbm>>
    tpu.enqueue_dma source(%dma_start3A_66 : memref<2x80xi32, #tpu.memory_space<hbm>>) target(%arg7 : memref<2x80xi32, #tpu.memory_space<vmem>>) target_semaphore(%arg16 : memref<!tpu.dma_semaphore, #tpu.memory_space<semaphore_mem>>)
    %mul3A_67 = arith.constant 10000 : i32
    %mul3A_68 = arith.muli %add3A, %mul3A_67 : i32
    %add3A_69 = arith.constant 80 : i32
    %add3A_70 = arith.addi %mul3A_68, %add3A_69 : i32
    %dma_start3A_71 = tpu.memref_slice %arg3[%add3A_70] : memref<320000xf32, #tpu.memory_space<hbm>> -> memref<80xf32, #tpu.memory_space<hbm>>
    %dma_start3A_72 = tpu.memref_slice %arg3[%add3A_70] : memref<320000xf32, #tpu.memory_space<hbm>> -> memref<80xf32, #tpu.memory_space<hbm>>
    tpu.enqueue_dma source(%dma_start3A_72 : memref<80xf32, #tpu.memory_space<hbm>>) target(%arg9 : memref<80xf32, #tpu.memory_space<vmem>>) target_semaphore(%arg16 : memref<!tpu.dma_semaphore, #tpu.memory_space<semaphore_mem>>)
    %dma_wait3A = arith.constant 0 : i32
    %dma_wait3A_73 = arith.constant 0 : i32
    %dma_wait3A_74 = arith.constant 0 : i32
    %dma_wait3A_75 = tpu.memref_slice %arg2[%dma_wait3A_73, %add3A, %dma_wait3A, %dma_wait3A_74] : memref<2x32x125x80xi32, #tpu.memory_space<hbm>> -> memref<2x1x1x80xi32, #tpu.memory_space<hbm>>
    %dma_wait3A_76 = tpu.memref_squeeze %dma_wait3A_75 : memref<2x1x1x80xi32, #tpu.memory_space<hbm>> -> memref<2x80xi32, #tpu.memory_space<hbm>>
    %dma_wait3A_77 = arith.constant 0 : i32
    %dma_wait3A_78 = arith.constant 0 : i32
    %dma_wait3A_79 = tpu.memref_slice %arg2[%dma_wait3A_77, %add3A, %dma_wait3A, %dma_wait3A_78] : memref<2x32x125x80xi32, #tpu.memory_space<hbm>> -> memref<2x1x1x80xi32, #tpu.memory_space<hbm>>
    %dma_wait3A_80 = tpu.memref_squeeze %dma_wait3A_79 : memref<2x1x1x80xi32, #tpu.memory_space<hbm>> -> memref<2x80xi32, #tpu.memory_space<hbm>>
    tpu.wait_dma2 semaphore(%arg15 : memref<!tpu.dma_semaphore, #tpu.memory_space<semaphore_mem>>) src(%dma_wait3A_80 : memref<2x80xi32, #tpu.memory_space<hbm>>) dst(%arg6 : memref<2x80xi32, #tpu.memory_space<vmem>>)
    %dma_wait3A_81 = arith.constant 0 : i32
    %dma_wait3A_82 = tpu.memref_slice %arg3[%dma_wait3A_81] : memref<320000xf32, #tpu.memory_space<hbm>> -> memref<80xf32, #tpu.memory_space<hbm>>
    %dma_wait3A_83 = arith.constant 0 : i32
    %dma_wait3A_84 = tpu.memref_slice %arg3[%dma_wait3A_83] : memref<320000xf32, #tpu.memory_space<hbm>> -> memref<80xf32, #tpu.memory_space<hbm>>
    tpu.wait_dma2 semaphore(%arg15 : memref<!tpu.dma_semaphore, #tpu.memory_space<semaphore_mem>>) src(%dma_wait3A_84 : memref<80xf32, #tpu.memory_space<hbm>>) dst(%arg8 : memref<80xf32, #tpu.memory_space<vmem>>)
    %dma_start3A_85 = arith.constant 1 : i32
    %dma_start3A_86 = arith.constant 0 : i32
    %dma_start3A_87 = tpu.memref_slice %arg6[%dma_start3A_85, %dma_start3A_86] : memref<2x80xi32, #tpu.memory_space<vmem>> -> memref<1x80xi32, #tpu.memory_space<vmem>>
    %dma_start3A_88 = tpu.memref_squeeze %dma_start3A_87 : memref<1x80xi32, #tpu.memory_space<vmem>> -> memref<80xi32, #tpu.memory_space<vmem>>
    %dma_start3A_89 = arith.constant 0 : i32
    %dma_start3A_90 = arith.constant 0 : i32
    %dma_start3A_91 = tpu.memref_slice %arg4[%dma_start3A_89, %dma_start3A_90] : memref<10000x64xi32, #tpu.memory_space<hbm>> -> memref<10000x64xi32, #tpu.memory_space<hbm>>
    tpu.enqueue_indirect_dma source(%dma_start3A_91 : memref<10000x64xi32, #tpu.memory_space<hbm>>) target(%arg10 : memref<80x64xi32, #tpu.memory_space<vmem>>) offsets(%dma_start3A_88 : memref<80xi32, #tpu.memory_space<vmem>>) semaphore(%arg13 : memref<!tpu.dma_semaphore, #tpu.memory_space<semaphore_mem>>)
    %scan3A_92 = arith.constant 0 : i32
    %scan3A_93 = arith.constant 0 : i32
    %scan3A_94 = arith.constant 62 : i32
    %scan3A_95 = arith.addi %scan3A_93, %scan3A_94 : i32
    %scan3A_96 = arith.constant 1 : i32
    scf.for %scan3A_117 = %scan3A_93 to %scan3A_95 step %scan3A_96  : i32 {
      %mul3A_118 = arith.constant 2 : i32
      %mul3A_119 = arith.muli %mul3A_118, %scan3A_117 : i32
      %dma_wait3A_120 = arith.constant 0 : i32
      %dma_wait3A_121 = arith.constant 0 : i32
      %dma_wait3A_122 = arith.constant 0 : i32
      %dma_wait3A_123 = tpu.memref_slice %arg2[%dma_wait3A_121, %add3A, %dma_wait3A_120, %dma_wait3A_122] : memref<2x32x125x80xi32, #tpu.memory_space<hbm>> -> memref<2x1x1x80xi32, #tpu.memory_space<hbm>>
      %dma_wait3A_124 = tpu.memref_squeeze %dma_wait3A_123 : memref<2x1x1x80xi32, #tpu.memory_space<hbm>> -> memref<2x80xi32, #tpu.memory_space<hbm>>
      %dma_wait3A_125 = arith.constant 0 : i32
      %dma_wait3A_126 = arith.constant 0 : i32
      %dma_wait3A_127 = tpu.memref_slice %arg2[%dma_wait3A_125, %add3A, %dma_wait3A_120, %dma_wait3A_126] : memref<2x32x125x80xi32, #tpu.memory_space<hbm>> -> memref<2x1x1x80xi32, #tpu.memory_space<hbm>>
      %dma_wait3A_128 = tpu.memref_squeeze %dma_wait3A_127 : memref<2x1x1x80xi32, #tpu.memory_space<hbm>> -> memref<2x80xi32, #tpu.memory_space<hbm>>
      tpu.wait_dma2 semaphore(%arg16 : memref<!tpu.dma_semaphore, #tpu.memory_space<semaphore_mem>>) src(%dma_wait3A_128 : memref<2x80xi32, #tpu.memory_space<hbm>>) dst(%arg7 : memref<2x80xi32, #tpu.memory_space<vmem>>)
      %dma_wait3A_129 = arith.constant 0 : i32
      %dma_wait3A_130 = tpu.memref_slice %arg3[%dma_wait3A_129] : memref<320000xf32, #tpu.memory_space<hbm>> -> memref<80xf32, #tpu.memory_space<hbm>>
      %dma_wait3A_131 = arith.constant 0 : i32
      %dma_wait3A_132 = tpu.memref_slice %arg3[%dma_wait3A_131] : memref<320000xf32, #tpu.memory_space<hbm>> -> memref<80xf32, #tpu.memory_space<hbm>>
      tpu.wait_dma2 semaphore(%arg16 : memref<!tpu.dma_semaphore, #tpu.memory_space<semaphore_mem>>) src(%dma_wait3A_132 : memref<80xf32, #tpu.memory_space<hbm>>) dst(%arg9 : memref<80xf32, #tpu.memory_space<vmem>>)
      %dma_start3A_133 = arith.constant 1 : i32
      %dma_start3A_134 = arith.constant 0 : i32
      %dma_start3A_135 = tpu.memref_slice %arg7[%dma_start3A_133, %dma_start3A_134] : memref<2x80xi32, #tpu.memory_space<vmem>> -> memref<1x80xi32, #tpu.memory_space<vmem>>
      %dma_start3A_136 = tpu.memref_squeeze %dma_start3A_135 : memref<1x80xi32, #tpu.memory_space<vmem>> -> memref<80xi32, #tpu.memory_space<vmem>>
      %dma_start3A_137 = arith.constant 0 : i32
      %dma_start3A_138 = arith.constant 0 : i32
      %dma_start3A_139 = tpu.memref_slice %arg4[%dma_start3A_137, %dma_start3A_138] : memref<10000x64xi32, #tpu.memory_space<hbm>> -> memref<10000x64xi32, #tpu.memory_space<hbm>>
      tpu.enqueue_indirect_dma source(%dma_start3A_139 : memref<10000x64xi32, #tpu.memory_space<hbm>>) target(%arg11 : memref<80x64xi32, #tpu.memory_space<vmem>>) offsets(%dma_start3A_136 : memref<80xi32, #tpu.memory_space<vmem>>) semaphore(%arg14 : memref<!tpu.dma_semaphore, #tpu.memory_space<semaphore_mem>>)
      %dma_wait3A_140 = arith.constant 1 : i32
      %dma_wait3A_141 = arith.constant 0 : i32
      %dma_wait3A_142 = tpu.memref_slice %arg6[%dma_wait3A_140, %dma_wait3A_141] : memref<2x80xi32, #tpu.memory_space<vmem>> -> memref<1x80xi32, #tpu.memory_space<vmem>>
      %dma_wait3A_143 = tpu.memref_squeeze %dma_wait3A_142 : memref<1x80xi32, #tpu.memory_space<vmem>> -> memref<80xi32, #tpu.memory_space<vmem>>
      %dma_wait3A_144 = arith.constant 0 : i32
      %dma_wait3A_145 = arith.constant 0 : i32
      %dma_wait3A_146 = tpu.memref_slice %arg4[%dma_wait3A_144, %dma_wait3A_145] : memref<10000x64xi32, #tpu.memory_space<hbm>> -> memref<10000x64xi32, #tpu.memory_space<hbm>>
      tpu.wait_indirect_dma semaphore(%arg13 : memref<!tpu.dma_semaphore, #tpu.memory_space<semaphore_mem>>) src(%dma_wait3A_146 : memref<10000x64xi32, #tpu.memory_space<hbm>>) dst(%arg10 : memref<80x64xi32, #tpu.memory_space<vmem>>)
      %parallel_loop3A_147 = arith.constant 0 : i32
      %parallel_loop3A_148 = arith.constant 80 : i32
      %parallel_loop3A_149 = arith.constant 1 : i32
      scf.for %parallel_loop3A_205 = %parallel_loop3A_147 to %parallel_loop3A_148 step %parallel_loop3A_149  : i32 {
        %parallel_loop3A_206 = vector.broadcast %parallel_loop3A_205 : i32 to vector<16xi32>
        %parallel_loop3A_207 = tpu.vector_load_idx %arg8[%parallel_loop3A_206] : memref<80xf32, #tpu.memory_space<vmem>>[vector<16xi32>], vector<16xf32>,
        %parallel_loop3A_208 = arith.index_cast %parallel_loop3A_205 : i32 to index
        %parallel_loop3A_209 = arith.constant 0 : index
        %parallel_loop3A_210 = tpu.vector_load %arg10[%parallel_loop3A_208, %parallel_loop3A_209] {strides = array<i32>} : memref<80x64xi32, #tpu.memory_space<vmem>>, vector<16xi32>,
        %parallel_loop3A_211 = arith.constant 16 : i32
        %parallel_loop3A_212 = vector.broadcast %parallel_loop3A_211 : i32 to vector<16xi32>
        %parallel_loop3A_213 = arith.shli %parallel_loop3A_210, %parallel_loop3A_212 : vector<16xi32>
        %parallel_loop3A_214 = vector.bitcast %parallel_loop3A_213 : vector<16xi32> to vector<16xf32>
        %parallel_loop3A_215 = arith.andi %parallel_loop3A_210, %broadcast_in_dim3A_43 : vector<16xi32>
        %parallel_loop3A_216 = vector.bitcast %parallel_loop3A_215 : vector<16xi32> to vector<16xf32>
        %parallel_loop3A_217 = arith.mulf %parallel_loop3A_214, %parallel_loop3A_207 : vector<16xf32>
        %parallel_loop3A_218 = arith.index_cast %parallel_loop3A_205 : i32 to index
        %parallel_loop3A_219 = arith.constant 0 : index
        %parallel_loop3A_220 = tpu.vector_load %arg12[%parallel_loop3A_218, %parallel_loop3A_219] {strides = array<i32>} : memref<80x128xf32, #tpu.memory_space<vmem>>, vector<16xf32>,
        tpu.vector_store %arg12[%parallel_loop3A_218, %parallel_loop3A_219], %parallel_loop3A_217 {strides = array<i32>} : memref<80x128xf32, #tpu.memory_space<vmem>>, vector<16xf32>,
        %parallel_loop3A_221 = arith.mulf %parallel_loop3A_216, %parallel_loop3A_207 : vector<16xf32>
        %parallel_loop3A_222 = arith.index_cast %parallel_loop3A_205 : i32 to index
        %parallel_loop3A_223 = arith.constant 16 : index
        %parallel_loop3A_224 = tpu.vector_load %arg12[%parallel_loop3A_222, %parallel_loop3A_223] {strides = array<i32>} : memref<80x128xf32, #tpu.memory_space<vmem>>, vector<16xf32>,
        tpu.vector_store %arg12[%parallel_loop3A_222, %parallel_loop3A_223], %parallel_loop3A_221 {strides = array<i32>} : memref<80x128xf32, #tpu.memory_space<vmem>>, vector<16xf32>,
        %parallel_loop3A_225 = arith.index_cast %parallel_loop3A_205 : i32 to index
        %parallel_loop3A_226 = arith.constant 16 : index
        %parallel_loop3A_227 = tpu.vector_load %arg10[%parallel_loop3A_225, %parallel_loop3A_226] {strides = array<i32>} : memref<80x64xi32, #tpu.memory_space<vmem>>, vector<16xi32>,
        %parallel_loop3A_228 = arith.constant 16 : i32
        %parallel_loop3A_229 = vector.broadcast %parallel_loop3A_228 : i32 to vector<16xi32>
        %parallel_loop3A_230 = arith.shli %parallel_loop3A_227, %parallel_loop3A_229 : vector<16xi32>
        %parallel_loop3A_231 = vector.bitcast %parallel_loop3A_230 : vector<16xi32> to vector<16xf32>
        %parallel_loop3A_232 = arith.andi %parallel_loop3A_227, %broadcast_in_dim3A_43 : vector<16xi32>
        %parallel_loop3A_233 = vector.bitcast %parallel_loop3A_232 : vector<16xi32> to vector<16xf32>
        %parallel_loop3A_234 = arith.mulf %parallel_loop3A_231, %parallel_loop3A_207 : vector<16xf32>
        %parallel_loop3A_235 = arith.index_cast %parallel_loop3A_205 : i32 to index
        %parallel_loop3A_236 = arith.constant 32 : index
        %parallel_loop3A_237 = tpu.vector_load %arg12[%parallel_loop3A_235, %parallel_loop3A_236] {strides = array<i32>} : memref<80x128xf32, #tpu.memory_space<vmem>>, vector<16xf32>,
        tpu.vector_store %arg12[%parallel_loop3A_235, %parallel_loop3A_236], %parallel_loop3A_234 {strides = array<i32>} : memref<80x128xf32, #tpu.memory_space<vmem>>, vector<16xf32>,
        %parallel_loop3A_238 = arith.mulf %parallel_loop3A_233, %parallel_loop3A_207 : vector<16xf32>
        %parallel_loop3A_239 = arith.index_cast %parallel_loop3A_205 : i32 to index
        %parallel_loop3A_240 = arith.constant 48 : index
        %parallel_loop3A_241 = tpu.vector_load %arg12[%parallel_loop3A_239, %parallel_loop3A_240] {strides = array<i32>} : memref<80x128xf32, #tpu.memory_space<vmem>>, vector<16xf32>,
        tpu.vector_store %arg12[%parallel_loop3A_239, %parallel_loop3A_240], %parallel_loop3A_238 {strides = array<i32>} : memref<80x128xf32, #tpu.memory_space<vmem>>, vector<16xf32>,
        %parallel_loop3A_242 = arith.index_cast %parallel_loop3A_205 : i32 to index
        %parallel_loop3A_243 = arith.constant 32 : index
        %parallel_loop3A_244 = tpu.vector_load %arg10[%parallel_loop3A_242, %parallel_loop3A_243] {strides = array<i32>} : memref<80x64xi32, #tpu.memory_space<vmem>>, vector<16xi32>,
        %parallel_loop3A_245 = arith.constant 16 : i32
        %parallel_loop3A_246 = vector.broadcast %parallel_loop3A_245 : i32 to vector<16xi32>
        %parallel_loop3A_247 = arith.shli %parallel_loop3A_244, %parallel_loop3A_246 : vector<16xi32>
        %parallel_loop3A_248 = vector.bitcast %parallel_loop3A_247 : vector<16xi32> to vector<16xf32>
        %parallel_loop3A_249 = arith.andi %parallel_loop3A_244, %broadcast_in_dim3A_43 : vector<16xi32>
        %parallel_loop3A_250 = vector.bitcast %parallel_loop3A_249 : vector<16xi32> to vector<16xf32>
        %parallel_loop3A_251 = arith.mulf %parallel_loop3A_248, %parallel_loop3A_207 : vector<16xf32>
        %parallel_loop3A_252 = arith.index_cast %parallel_loop3A_205 : i32 to index
        %parallel_loop3A_253 = arith.constant 64 : index
        %parallel_loop3A_254 = tpu.vector_load %arg12[%parallel_loop3A_252, %parallel_loop3A_253] {strides = array<i32>} : memref<80x128xf32, #tpu.memory_space<vmem>>, vector<16xf32>,
        tpu.vector_store %arg12[%parallel_loop3A_252, %parallel_loop3A_253], %parallel_loop3A_251 {strides = array<i32>} : memref<80x128xf32, #tpu.memory_space<vmem>>, vector<16xf32>,
        %parallel_loop3A_255 = arith.mulf %parallel_loop3A_250, %parallel_loop3A_207 : vector<16xf32>
        %parallel_loop3A_256 = arith.index_cast %parallel_loop3A_205 : i32 to index
        %parallel_loop3A_257 = arith.constant 80 : index
        %parallel_loop3A_258 = tpu.vector_load %arg12[%parallel_loop3A_256, %parallel_loop3A_257] {strides = array<i32>} : memref<80x128xf32, #tpu.memory_space<vmem>>, vector<16xf32>,
        tpu.vector_store %arg12[%parallel_loop3A_256, %parallel_loop3A_257], %parallel_loop3A_255 {strides = array<i32>} : memref<80x128xf32, #tpu.memory_space<vmem>>, vector<16xf32>,
        %parallel_loop3A_259 = arith.index_cast %parallel_loop3A_205 : i32 to index
        %parallel_loop3A_260 = arith.constant 48 : index
        %parallel_loop3A_261 = tpu.vector_load %arg10[%parallel_loop3A_259, %parallel_loop3A_260] {strides = array<i32>} : memref<80x64xi32, #tpu.memory_space<vmem>>, vector<16xi32>,
        %parallel_loop3A_262 = arith.constant 16 : i32
        %parallel_loop3A_263 = vector.broadcast %parallel_loop3A_262 : i32 to vector<16xi32>
        %parallel_loop3A_264 = arith.shli %parallel_loop3A_261, %parallel_loop3A_263 : vector<16xi32>
        %parallel_loop3A_265 = vector.bitcast %parallel_loop3A_264 : vector<16xi32> to vector<16xf32>
        %parallel_loop3A_266 = arith.andi %parallel_loop3A_261, %broadcast_in_dim3A_43 : vector<16xi32>
        %parallel_loop3A_267 = vector.bitcast %parallel_loop3A_266 : vector<16xi32> to vector<16xf32>
        %parallel_loop3A_268 = arith.mulf %parallel_loop3A_265, %parallel_loop3A_207 : vector<16xf32>
        %parallel_loop3A_269 = arith.index_cast %parallel_loop3A_205 : i32 to index
        %parallel_loop3A_270 = arith.constant 96 : index
        %parallel_loop3A_271 = tpu.vector_load %arg12[%parallel_loop3A_269, %parallel_loop3A_270] {strides = array<i32>} : memref<80x128xf32, #tpu.memory_space<vmem>>, vector<16xf32>,
        tpu.vector_store %arg12[%parallel_loop3A_269, %parallel_loop3A_270], %parallel_loop3A_268 {strides = array<i32>} : memref<80x128xf32, #tpu.memory_space<vmem>>, vector<16xf32>,
        %parallel_loop3A_272 = arith.mulf %parallel_loop3A_267, %parallel_loop3A_207 : vector<16xf32>
        %parallel_loop3A_273 = arith.index_cast %parallel_loop3A_205 : i32 to index
        %parallel_loop3A_274 = arith.constant 112 : index
        %parallel_loop3A_275 = tpu.vector_load %arg12[%parallel_loop3A_273, %parallel_loop3A_274] {strides = array<i32>} : memref<80x128xf32, #tpu.memory_space<vmem>>, vector<16xf32>,
        tpu.vector_store %arg12[%parallel_loop3A_273, %parallel_loop3A_274], %parallel_loop3A_272 {strides = array<i32>} : memref<80x128xf32, #tpu.memory_space<vmem>>, vector<16xf32>,
      } {sc.loop_unroll_factor = 8 : i64, sc.parallel_access}
      %run_scoped3A_150 = arith.constant 0 : i32
      "tpu.region"() ({
        %run_scoped3A_205 = tpu.sem_alloc : memref<!tpu.dma_semaphore, #tpu.memory_space<semaphore_mem>>
        %dma_start3A_206 = arith.constant 0 : i32
        %dma_start3A_207 = tpu.memref_slice %arg6[%run_scoped3A_150, %dma_start3A_206] : memref<2x80xi32, #tpu.memory_space<vmem>> -> memref<1x80xi32, #tpu.memory_space<vmem>>
        %dma_start3A_208 = tpu.memref_squeeze %dma_start3A_207 : memref<1x80xi32, #tpu.memory_space<vmem>> -> memref<80xi32, #tpu.memory_space<vmem>>
        %dma_start3A_209 = arith.constant 0 : i32
        %dma_start3A_210 = arith.constant 0 : i32
        %dma_start3A_211 = tpu.memref_slice %arg17[%dma_start3A_209, %dma_start3A_210] : memref<10000x128xf32, #tpu.memory_space<vmem_shared>> -> memref<10000x128xf32, #tpu.memory_space<vmem_shared>>
        tpu.enqueue_indirect_dma source(%arg12 : memref<80x128xf32, #tpu.memory_space<vmem>>) target(%dma_start3A_211 : memref<10000x128xf32, #tpu.memory_space<vmem_shared>>) offsets(%dma_start3A_208 : memref<80xi32, #tpu.memory_space<vmem>>) semaphore(%run_scoped3A_205 : memref<!tpu.dma_semaphore, #tpu.memory_space<semaphore_mem>>) {add = true}
        %dma_wait3A_212 = arith.constant 0 : i32
        %dma_wait3A_213 = tpu.memref_slice %arg6[%run_scoped3A_150, %dma_wait3A_212] : memref<2x80xi32, #tpu.memory_space<vmem>> -> memref<1x80xi32, #tpu.memory_space<vmem>>
        %dma_wait3A_214 = tpu.memref_squeeze %dma_wait3A_213 : memref<1x80xi32, #tpu.memory_space<vmem>> -> memref<80xi32, #tpu.memory_space<vmem>>
        %dma_wait3A_215 = arith.constant 0 : i32
        %dma_wait3A_216 = arith.constant 0 : i32
        %dma_wait3A_217 = tpu.memref_slice %arg17[%dma_wait3A_215, %dma_wait3A_216] : memref<10000x128xf32, #tpu.memory_space<vmem_shared>> -> memref<10000x128xf32, #tpu.memory_space<vmem_shared>>
        tpu.wait_indirect_dma semaphore(%run_scoped3A_205 : memref<!tpu.dma_semaphore, #tpu.memory_space<semaphore_mem>>) src(%arg12 : memref<80x128xf32, #tpu.memory_space<vmem>>) dst(%dma_wait3A_217 : memref<10000x128xf32, #tpu.memory_space<vmem_shared>>)
        tpu.yield
      }) : () -> ()
      %add3A_151 = arith.constant 2 : i32
      %add3A_152 = arith.addi %mul3A_119, %add3A_151 : i32
      %dma_start3A_153 = arith.constant 0 : i32
      %dma_start3A_154 = arith.constant 0 : i32
      %dma_start3A_155 = tpu.memref_slice %arg2[%dma_start3A_153, %add3A, %add3A_152, %dma_start3A_154] : memref<2x32x125x80xi32, #tpu.memory_space<hbm>> -> memref<2x1x1x80xi32, #tpu.memory_space<hbm>>
      %dma_start3A_156 = tpu.memref_squeeze %dma_start3A_155 : memref<2x1x1x80xi32, #tpu.memory_space<hbm>> -> memref<2x80xi32, #tpu.memory_space<hbm>>
      %dma_start3A_157 = arith.constant 0 : i32
      %dma_start3A_158 = arith.constant 0 : i32
      %dma_start3A_159 = tpu.memref_slice %arg2[%dma_start3A_157, %add3A, %add3A_152, %dma_start3A_158] : memref<2x32x125x80xi32, #tpu.memory_space<hbm>> -> memref<2x1x1x80xi32, #tpu.memory_space<hbm>>
      %dma_start3A_160 = tpu.memref_squeeze %dma_start3A_159 : memref<2x1x1x80xi32, #tpu.memory_space<hbm>> -> memref<2x80xi32, #tpu.memory_space<hbm>>
      tpu.enqueue_dma source(%dma_start3A_160 : memref<2x80xi32, #tpu.memory_space<hbm>>) target(%arg6 : memref<2x80xi32, #tpu.memory_space<vmem>>) target_semaphore(%arg15 : memref<!tpu.dma_semaphore, #tpu.memory_space<semaphore_mem>>)
      %mul3A_161 = arith.constant 10000 : i32
      %mul3A_162 = arith.muli %add3A, %mul3A_161 : i32
      %mul3A_163 = arith.constant 80 : i32
      %mul3A_164 = arith.muli %add3A_152, %mul3A_163 : i32
      %add3A_165 = arith.addi %mul3A_162, %mul3A_164 : i32
      %dma_start3A_166 = tpu.memref_slice %arg3[%add3A_165] : memref<320000xf32, #tpu.memory_space<hbm>> -> memref<80xf32, #tpu.memory_space<hbm>>
      %dma_start3A_167 = tpu.memref_slice %arg3[%add3A_165] : memref<320000xf32, #tpu.memory_space<hbm>> -> memref<80xf32, #tpu.memory_space<hbm>>
      tpu.enqueue_dma source(%dma_start3A_167 : memref<80xf32, #tpu.memory_space<hbm>>) target(%arg8 : memref<80xf32, #tpu.memory_space<vmem>>) target_semaphore(%arg15 : memref<!tpu.dma_semaphore, #tpu.memory_space<semaphore_mem>>)
      %dma_wait3A_168 = arith.constant 0 : i32
      %dma_wait3A_169 = arith.constant 0 : i32
      %dma_wait3A_170 = arith.constant 0 : i32
      %dma_wait3A_171 = tpu.memref_slice %arg2[%dma_wait3A_169, %add3A, %dma_wait3A_168, %dma_wait3A_170] : memref<2x32x125x80xi32, #tpu.memory_space<hbm>> -> memref<2x1x1x80xi32, #tpu.memory_space<hbm>>
      %dma_wait3A_172 = tpu.memref_squeeze %dma_wait3A_171 : memref<2x1x1x80xi32, #tpu.memory_space<hbm>> -> memref<2x80xi32, #tpu.memory_space<hbm>>
      %dma_wait3A_173 = arith.constant 0 : i32
      %dma_wait3A_174 = arith.constant 0 : i32
      %dma_wait3A_175 = tpu.memref_slice %arg2[%dma_wait3A_173, %add3A, %dma_wait3A_168, %dma_wait3A_174] : memref<2x32x125x80xi32, #tpu.memory_space<hbm>> -> memref<2x1x1x80xi32, #tpu.memory_space<hbm>>
      %dma_wait3A_176 = tpu.memref_squeeze %dma_wait3A_175 : memref<2x1x1x80xi32, #tpu.memory_space<hbm>> -> memref<2x80xi32, #tpu.memory_space<hbm>>
      tpu.wait_dma2 semaphore(%arg15 : memref<!tpu.dma_semaphore, #tpu.memory_space<semaphore_mem>>) src(%dma_wait3A_176 : memref<2x80xi32, #tpu.memory_space<hbm>>) dst(%arg6 : memref<2x80xi32, #tpu.memory_space<vmem>>)
      %dma_wait3A_177 = arith.constant 0 : i32
      %dma_wait3A_178 = tpu.memref_slice %arg3[%dma_wait3A_177] : memref<320000xf32, #tpu.memory_space<hbm>> -> memref<80xf32, #tpu.memory_space<hbm>>
      %dma_wait3A_179 = arith.constant 0 : i32
      %dma_wait3A_180 = tpu.memref_slice %arg3[%dma_wait3A_179] : memref<320000xf32, #tpu.memory_space<hbm>> -> memref<80xf32, #tpu.memory_space<hbm>>
      tpu.wait_dma2 semaphore(%arg15 : memref<!tpu.dma_semaphore, #tpu.memory_space<semaphore_mem>>) src(%dma_wait3A_180 : memref<80xf32, #tpu.memory_space<hbm>>) dst(%arg8 : memref<80xf32, #tpu.memory_space<vmem>>)
      %dma_start3A_181 = arith.constant 1 : i32
      %dma_start3A_182 = arith.constant 0 : i32
      %dma_start3A_183 = tpu.memref_slice %arg6[%dma_start3A_181, %dma_start3A_182] : memref<2x80xi32, #tpu.memory_space<vmem>> -> memref<1x80xi32, #tpu.memory_space<vmem>>
      %dma_start3A_184 = tpu.memref_squeeze %dma_start3A_183 : memref<1x80xi32, #tpu.memory_space<vmem>> -> memref<80xi32, #tpu.memory_space<vmem>>
      %dma_start3A_185 = arith.constant 0 : i32
      %dma_start3A_186 = arith.constant 0 : i32
      %dma_start3A_187 = tpu.memref_slice %arg4[%dma_start3A_185, %dma_start3A_186] : memref<10000x64xi32, #tpu.memory_space<hbm>> -> memref<10000x64xi32, #tpu.memory_space<hbm>>
      tpu.enqueue_indirect_dma source(%dma_start3A_187 : memref<10000x64xi32, #tpu.memory_space<hbm>>) target(%arg10 : memref<80x64xi32, #tpu.memory_space<vmem>>) offsets(%dma_start3A_184 : memref<80xi32, #tpu.memory_space<vmem>>) semaphore(%arg13 : memref<!tpu.dma_semaphore, #tpu.memory_space<semaphore_mem>>)
      %dma_wait3A_188 = arith.constant 1 : i32
      %dma_wait3A_189 = arith.constant 0 : i32
      %dma_wait3A_190 = tpu.memref_slice %arg7[%dma_wait3A_188, %dma_wait3A_189] : memref<2x80xi32, #tpu.memory_space<vmem>> -> memref<1x80xi32, #tpu.memory_space<vmem>>
      %dma_wait3A_191 = tpu.memref_squeeze %dma_wait3A_190 : memref<1x80xi32, #tpu.memory_space<vmem>> -> memref<80xi32, #tpu.memory_space<vmem>>
      %dma_wait3A_192 = arith.constant 0 : i32
      %dma_wait3A_193 = arith.constant 0 : i32
      %dma_wait3A_194 = tpu.memref_slice %arg4[%dma_wait3A_192, %dma_wait3A_193] : memref<10000x64xi32, #tpu.memory_space<hbm>> -> memref<10000x64xi32, #tpu.memory_space<hbm>>
      tpu.wait_indirect_dma semaphore(%arg14 : memref<!tpu.dma_semaphore, #tpu.memory_space<semaphore_mem>>) src(%dma_wait3A_194 : memref<10000x64xi32, #tpu.memory_space<hbm>>) dst(%arg11 : memref<80x64xi32, #tpu.memory_space<vmem>>)
      %parallel_loop3A_195 = arith.constant 0 : i32
      %parallel_loop3A_196 = arith.constant 80 : i32
      %parallel_loop3A_197 = arith.constant 1 : i32
      scf.for %parallel_loop3A_205 = %parallel_loop3A_195 to %parallel_loop3A_196 step %parallel_loop3A_197  : i32 {
        %parallel_loop3A_206 = vector.broadcast %parallel_loop3A_205 : i32 to vector<16xi32>
        %parallel_loop3A_207 = tpu.vector_load_idx %arg9[%parallel_loop3A_206] : memref<80xf32, #tpu.memory_space<vmem>>[vector<16xi32>], vector<16xf32>,
        %parallel_loop3A_208 = arith.index_cast %parallel_loop3A_205 : i32 to index
        %parallel_loop3A_209 = arith.constant 0 : index
        %parallel_loop3A_210 = tpu.vector_load %arg11[%parallel_loop3A_208, %parallel_loop3A_209] {strides = array<i32>} : memref<80x64xi32, #tpu.memory_space<vmem>>, vector<16xi32>,
        %parallel_loop3A_211 = arith.constant 16 : i32
        %parallel_loop3A_212 = vector.broadcast %parallel_loop3A_211 : i32 to vector<16xi32>
        %parallel_loop3A_213 = arith.shli %parallel_loop3A_210, %parallel_loop3A_212 : vector<16xi32>
        %parallel_loop3A_214 = vector.bitcast %parallel_loop3A_213 : vector<16xi32> to vector<16xf32>
        %parallel_loop3A_215 = arith.andi %parallel_loop3A_210, %broadcast_in_dim3A_43 : vector<16xi32>
        %parallel_loop3A_216 = vector.bitcast %parallel_loop3A_215 : vector<16xi32> to vector<16xf32>
        %parallel_loop3A_217 = arith.mulf %parallel_loop3A_214, %parallel_loop3A_207 : vector<16xf32>
        %parallel_loop3A_218 = arith.index_cast %parallel_loop3A_205 : i32 to index
        %parallel_loop3A_219 = arith.constant 0 : index
        %parallel_loop3A_220 = tpu.vector_load %arg12[%parallel_loop3A_218, %parallel_loop3A_219] {strides = array<i32>} : memref<80x128xf32, #tpu.memory_space<vmem>>, vector<16xf32>,
        tpu.vector_store %arg12[%parallel_loop3A_218, %parallel_loop3A_219], %parallel_loop3A_217 {strides = array<i32>} : memref<80x128xf32, #tpu.memory_space<vmem>>, vector<16xf32>,
        %parallel_loop3A_221 = arith.mulf %parallel_loop3A_216, %parallel_loop3A_207 : vector<16xf32>
        %parallel_loop3A_222 = arith.index_cast %parallel_loop3A_205 : i32 to index
        %parallel_loop3A_223 = arith.constant 16 : index
        %parallel_loop3A_224 = tpu.vector_load %arg12[%parallel_loop3A_222, %parallel_loop3A_223] {strides = array<i32>} : memref<80x128xf32, #tpu.memory_space<vmem>>, vector<16xf32>,
        tpu.vector_store %arg12[%parallel_loop3A_222, %parallel_loop3A_223], %parallel_loop3A_221 {strides = array<i32>} : memref<80x128xf32, #tpu.memory_space<vmem>>, vector<16xf32>,
        %parallel_loop3A_225 = arith.index_cast %parallel_loop3A_205 : i32 to index
        %parallel_loop3A_226 = arith.constant 16 : index
        %parallel_loop3A_227 = tpu.vector_load %arg11[%parallel_loop3A_225, %parallel_loop3A_226] {strides = array<i32>} : memref<80x64xi32, #tpu.memory_space<vmem>>, vector<16xi32>,
        %parallel_loop3A_228 = arith.constant 16 : i32
        %parallel_loop3A_229 = vector.broadcast %parallel_loop3A_228 : i32 to vector<16xi32>
        %parallel_loop3A_230 = arith.shli %parallel_loop3A_227, %parallel_loop3A_229 : vector<16xi32>
        %parallel_loop3A_231 = vector.bitcast %parallel_loop3A_230 : vector<16xi32> to vector<16xf32>
        %parallel_loop3A_232 = arith.andi %parallel_loop3A_227, %broadcast_in_dim3A_43 : vector<16xi32>
        %parallel_loop3A_233 = vector.bitcast %parallel_loop3A_232 : vector<16xi32> to vector<16xf32>
        %parallel_loop3A_234 = arith.mulf %parallel_loop3A_231, %parallel_loop3A_207 : vector<16xf32>
        %parallel_loop3A_235 = arith.index_cast %parallel_loop3A_205 : i32 to index
        %parallel_loop3A_236 = arith.constant 32 : index
        %parallel_loop3A_237 = tpu.vector_load %arg12[%parallel_loop3A_235, %parallel_loop3A_236] {strides = array<i32>} : memref<80x128xf32, #tpu.memory_space<vmem>>, vector<16xf32>,
        tpu.vector_store %arg12[%parallel_loop3A_235, %parallel_loop3A_236], %parallel_loop3A_234 {strides = array<i32>} : memref<80x128xf32, #tpu.memory_space<vmem>>, vector<16xf32>,
        %parallel_loop3A_238 = arith.mulf %parallel_loop3A_233, %parallel_loop3A_207 : vector<16xf32>
        %parallel_loop3A_239 = arith.index_cast %parallel_loop3A_205 : i32 to index
        %parallel_loop3A_240 = arith.constant 48 : index
        %parallel_loop3A_241 = tpu.vector_load %arg12[%parallel_loop3A_239, %parallel_loop3A_240] {strides = array<i32>} : memref<80x128xf32, #tpu.memory_space<vmem>>, vector<16xf32>,
        tpu.vector_store %arg12[%parallel_loop3A_239, %parallel_loop3A_240], %parallel_loop3A_238 {strides = array<i32>} : memref<80x128xf32, #tpu.memory_space<vmem>>, vector<16xf32>,
        %parallel_loop3A_242 = arith.index_cast %parallel_loop3A_205 : i32 to index
        %parallel_loop3A_243 = arith.constant 32 : index
        %parallel_loop3A_244 = tpu.vector_load %arg11[%parallel_loop3A_242, %parallel_loop3A_243] {strides = array<i32>} : memref<80x64xi32, #tpu.memory_space<vmem>>, vector<16xi32>,
        %parallel_loop3A_245 = arith.constant 16 : i32
        %parallel_loop3A_246 = vector.broadcast %parallel_loop3A_245 : i32 to vector<16xi32>
        %parallel_loop3A_247 = arith.shli %parallel_loop3A_244, %parallel_loop3A_246 : vector<16xi32>
        %parallel_loop3A_248 = vector.bitcast %parallel_loop3A_247 : vector<16xi32> to vector<16xf32>
        %parallel_loop3A_249 = arith.andi %parallel_loop3A_244, %broadcast_in_dim3A_43 : vector<16xi32>
        %parallel_loop3A_250 = vector.bitcast %parallel_loop3A_249 : vector<16xi32> to vector<16xf32>
        %parallel_loop3A_251 = arith.mulf %parallel_loop3A_248, %parallel_loop3A_207 : vector<16xf32>
        %parallel_loop3A_252 = arith.index_cast %parallel_loop3A_205 : i32 to index
        %parallel_loop3A_253 = arith.constant 64 : index
        %parallel_loop3A_254 = tpu.vector_load %arg12[%parallel_loop3A_252, %parallel_loop3A_253] {strides = array<i32>} : memref<80x128xf32, #tpu.memory_space<vmem>>, vector<16xf32>,
        tpu.vector_store %arg12[%parallel_loop3A_252, %parallel_loop3A_253], %parallel_loop3A_251 {strides = array<i32>} : memref<80x128xf32, #tpu.memory_space<vmem>>, vector<16xf32>,
        %parallel_loop3A_255 = arith.mulf %parallel_loop3A_250, %parallel_loop3A_207 : vector<16xf32>
        %parallel_loop3A_256 = arith.index_cast %parallel_loop3A_205 : i32 to index
        %parallel_loop3A_257 = arith.constant 80 : index
        %parallel_loop3A_258 = tpu.vector_load %arg12[%parallel_loop3A_256, %parallel_loop3A_257] {strides = array<i32>} : memref<80x128xf32, #tpu.memory_space<vmem>>, vector<16xf32>,
        tpu.vector_store %arg12[%parallel_loop3A_256, %parallel_loop3A_257], %parallel_loop3A_255 {strides = array<i32>} : memref<80x128xf32, #tpu.memory_space<vmem>>, vector<16xf32>,
        %parallel_loop3A_259 = arith.index_cast %parallel_loop3A_205 : i32 to index
        %parallel_loop3A_260 = arith.constant 48 : index
        %parallel_loop3A_261 = tpu.vector_load %arg11[%parallel_loop3A_259, %parallel_loop3A_260] {strides = array<i32>} : memref<80x64xi32, #tpu.memory_space<vmem>>, vector<16xi32>,
        %parallel_loop3A_262 = arith.constant 16 : i32
        %parallel_loop3A_263 = vector.broadcast %parallel_loop3A_262 : i32 to vector<16xi32>
        %parallel_loop3A_264 = arith.shli %parallel_loop3A_261, %parallel_loop3A_263 : vector<16xi32>
        %parallel_loop3A_265 = vector.bitcast %parallel_loop3A_264 : vector<16xi32> to vector<16xf32>
        %parallel_loop3A_266 = arith.andi %parallel_loop3A_261, %broadcast_in_dim3A_43 : vector<16xi32>
        %parallel_loop3A_267 = vector.bitcast %parallel_loop3A_266 : vector<16xi32> to vector<16xf32>
        %parallel_loop3A_268 = arith.mulf %parallel_loop3A_265, %parallel_loop3A_207 : vector<16xf32>
        %parallel_loop3A_269 = arith.index_cast %parallel_loop3A_205 : i32 to index
        %parallel_loop3A_270 = arith.constant 96 : index
        %parallel_loop3A_271 = tpu.vector_load %arg12[%parallel_loop3A_269, %parallel_loop3A_270] {strides = array<i32>} : memref<80x128xf32, #tpu.memory_space<vmem>>, vector<16xf32>,
        tpu.vector_store %arg12[%parallel_loop3A_269, %parallel_loop3A_270], %parallel_loop3A_268 {strides = array<i32>} : memref<80x128xf32, #tpu.memory_space<vmem>>, vector<16xf32>,
        %parallel_loop3A_272 = arith.mulf %parallel_loop3A_267, %parallel_loop3A_207 : vector<16xf32>
        %parallel_loop3A_273 = arith.index_cast %parallel_loop3A_205 : i32 to index
        %parallel_loop3A_274 = arith.constant 112 : index
        %parallel_loop3A_275 = tpu.vector_load %arg12[%parallel_loop3A_273, %parallel_loop3A_274] {strides = array<i32>} : memref<80x128xf32, #tpu.memory_space<vmem>>, vector<16xf32>,
        tpu.vector_store %arg12[%parallel_loop3A_273, %parallel_loop3A_274], %parallel_loop3A_272 {strides = array<i32>} : memref<80x128xf32, #tpu.memory_space<vmem>>, vector<16xf32>,
      } {sc.loop_unroll_factor = 8 : i64, sc.parallel_access}
      %run_scoped3A_198 = arith.constant 0 : i32
      "tpu.region"() ({
        %run_scoped3A_205 = tpu.sem_alloc : memref<!tpu.dma_semaphore, #tpu.memory_space<semaphore_mem>>
        %dma_start3A_206 = arith.constant 0 : i32
        %dma_start3A_207 = tpu.memref_slice %arg7[%run_scoped3A_198, %dma_start3A_206] : memref<2x80xi32, #tpu.memory_space<vmem>> -> memref<1x80xi32, #tpu.memory_space<vmem>>
        %dma_start3A_208 = tpu.memref_squeeze %dma_start3A_207 : memref<1x80xi32, #tpu.memory_space<vmem>> -> memref<80xi32, #tpu.memory_space<vmem>>
        %dma_start3A_209 = arith.constant 0 : i32
        %dma_start3A_210 = arith.constant 0 : i32
        %dma_start3A_211 = tpu.memref_slice %arg17[%dma_start3A_209, %dma_start3A_210] : memref<10000x128xf32, #tpu.memory_space<vmem_shared>> -> memref<10000x128xf32, #tpu.memory_space<vmem_shared>>
        tpu.enqueue_indirect_dma source(%arg12 : memref<80x128xf32, #tpu.memory_space<vmem>>) target(%dma_start3A_211 : memref<10000x128xf32, #tpu.memory_space<vmem_shared>>) offsets(%dma_start3A_208 : memref<80xi32, #tpu.memory_space<vmem>>) semaphore(%run_scoped3A_205 : memref<!tpu.dma_semaphore, #tpu.memory_space<semaphore_mem>>) {add = true}
        %dma_wait3A_212 = arith.constant 0 : i32
        %dma_wait3A_213 = tpu.memref_slice %arg7[%run_scoped3A_198, %dma_wait3A_212] : memref<2x80xi32, #tpu.memory_space<vmem>> -> memref<1x80xi32, #tpu.memory_space<vmem>>
        %dma_wait3A_214 = tpu.memref_squeeze %dma_wait3A_213 : memref<1x80xi32, #tpu.memory_space<vmem>> -> memref<80xi32, #tpu.memory_space<vmem>>
        %dma_wait3A_215 = arith.constant 0 : i32
        %dma_wait3A_216 = arith.constant 0 : i32
        %dma_wait3A_217 = tpu.memref_slice %arg17[%dma_wait3A_215, %dma_wait3A_216] : memref<10000x128xf32, #tpu.memory_space<vmem_shared>> -> memref<10000x128xf32, #tpu.memory_space<vmem_shared>>
        tpu.wait_indirect_dma semaphore(%run_scoped3A_205 : memref<!tpu.dma_semaphore, #tpu.memory_space<semaphore_mem>>) src(%arg12 : memref<80x128xf32, #tpu.memory_space<vmem>>) dst(%dma_wait3A_217 : memref<10000x128xf32, #tpu.memory_space<vmem_shared>>)
        tpu.yield
      }) : () -> ()
      %add3A_199 = arith.constant 3 : i32
      %add3A_200 = arith.addi %mul3A_119, %add3A_199 : i32
      %lt3A = arith.constant 125 : i32
      %lt3A_201 = arith.cmpi slt, %add3A_200, %lt3A : i32
      %convert_element_type3A_202 = arith.extui %lt3A_201 : i1 to i32
      %cond3A_203 = arith.constant 0 : i32
      %cond3A_204 = arith.cmpi ne, %convert_element_type3A_202, %cond3A_203 : i32
      scf.if %cond3A_204 {
        %add3A_205 = arith.constant 3 : i32
        %add3A_206 = arith.addi %mul3A_119, %add3A_205 : i32
        %dma_start3A_207 = arith.constant 0 : i32
        %dma_start3A_208 = arith.constant 0 : i32
        %dma_start3A_209 = tpu.memref_slice %arg2[%dma_start3A_207, %add3A, %add3A_206, %dma_start3A_208] : memref<2x32x125x80xi32, #tpu.memory_space<hbm>> -> memref<2x1x1x80xi32, #tpu.memory_space<hbm>>
        %dma_start3A_210 = tpu.memref_squeeze %dma_start3A_209 : memref<2x1x1x80xi32, #tpu.memory_space<hbm>> -> memref<2x80xi32, #tpu.memory_space<hbm>>
        %dma_start3A_211 = arith.constant 0 : i32
        %dma_start3A_212 = arith.constant 0 : i32
        %dma_start3A_213 = tpu.memref_slice %arg2[%dma_start3A_211, %add3A, %add3A_206, %dma_start3A_212] : memref<2x32x125x80xi32, #tpu.memory_space<hbm>> -> memref<2x1x1x80xi32, #tpu.memory_space<hbm>>
        %dma_start3A_214 = tpu.memref_squeeze %dma_start3A_213 : memref<2x1x1x80xi32, #tpu.memory_space<hbm>> -> memref<2x80xi32, #tpu.memory_space<hbm>>
        tpu.enqueue_dma source(%dma_start3A_214 : memref<2x80xi32, #tpu.memory_space<hbm>>) target(%arg7 : memref<2x80xi32, #tpu.memory_space<vmem>>) target_semaphore(%arg16 : memref<!tpu.dma_semaphore, #tpu.memory_space<semaphore_mem>>)
        %mul3A_215 = arith.constant 10000 : i32
        %mul3A_216 = arith.muli %add3A, %mul3A_215 : i32
        %mul3A_217 = arith.constant 80 : i32
        %mul3A_218 = arith.muli %add3A_206, %mul3A_217 : i32
        %add3A_219 = arith.addi %mul3A_216, %mul3A_218 : i32
        %dma_start3A_220 = tpu.memref_slice %arg3[%add3A_219] : memref<320000xf32, #tpu.memory_space<hbm>> -> memref<80xf32, #tpu.memory_space<hbm>>
        %dma_start3A_221 = tpu.memref_slice %arg3[%add3A_219] : memref<320000xf32, #tpu.memory_space<hbm>> -> memref<80xf32, #tpu.memory_space<hbm>>
        tpu.enqueue_dma source(%dma_start3A_221 : memref<80xf32, #tpu.memory_space<hbm>>) target(%arg9 : memref<80xf32, #tpu.memory_space<vmem>>) target_semaphore(%arg16 : memref<!tpu.dma_semaphore, #tpu.memory_space<semaphore_mem>>)
      } else {
      }
    }
    %scan3A_97 = arith.constant 62 : i32
    %dma_wait3A_98 = arith.constant 1 : i32
    %dma_wait3A_99 = arith.constant 0 : i32
    %dma_wait3A_100 = tpu.memref_slice %arg6[%dma_wait3A_98, %dma_wait3A_99] : memref<2x80xi32, #tpu.memory_space<vmem>> -> memref<1x80xi32, #tpu.memory_space<vmem>>
    %dma_wait3A_101 = tpu.memref_squeeze %dma_wait3A_100 : memref<1x80xi32, #tpu.memory_space<vmem>> -> memref<80xi32, #tpu.memory_space<vmem>>
    %dma_wait3A_102 = arith.constant 0 : i32
    %dma_wait3A_103 = arith.constant 0 : i32
    %dma_wait3A_104 = tpu.memref_slice %arg4[%dma_wait3A_102, %dma_wait3A_103] : memref<10000x64xi32, #tpu.memory_space<hbm>> -> memref<10000x64xi32, #tpu.memory_space<hbm>>
    tpu.wait_indirect_dma semaphore(%arg13 : memref<!tpu.dma_semaphore, #tpu.memory_space<semaphore_mem>>) src(%dma_wait3A_104 : memref<10000x64xi32, #tpu.memory_space<hbm>>) dst(%arg10 : memref<80x64xi32, #tpu.memory_space<vmem>>)
    %parallel_loop3A = arith.constant 0 : i32
    %parallel_loop3A_105 = arith.constant 80 : i32
    %parallel_loop3A_106 = arith.constant 1 : i32
    scf.for %parallel_loop3A_117 = %parallel_loop3A to %parallel_loop3A_105 step %parallel_loop3A_106  : i32 {
      %parallel_loop3A_118 = vector.broadcast %parallel_loop3A_117 : i32 to vector<16xi32>
      %parallel_loop3A_119 = tpu.vector_load_idx %arg8[%parallel_loop3A_118] : memref<80xf32, #tpu.memory_space<vmem>>[vector<16xi32>], vector<16xf32>,
      %parallel_loop3A_120 = arith.index_cast %parallel_loop3A_117 : i32 to index
      %parallel_loop3A_121 = arith.constant 0 : index
      %parallel_loop3A_122 = tpu.vector_load %arg10[%parallel_loop3A_120, %parallel_loop3A_121] {strides = array<i32>} : memref<80x64xi32, #tpu.memory_space<vmem>>, vector<16xi32>,
      %parallel_loop3A_123 = arith.constant 16 : i32
      %parallel_loop3A_124 = vector.broadcast %parallel_loop3A_123 : i32 to vector<16xi32>
      %parallel_loop3A_125 = arith.shli %parallel_loop3A_122, %parallel_loop3A_124 : vector<16xi32>
      %parallel_loop3A_126 = vector.bitcast %parallel_loop3A_125 : vector<16xi32> to vector<16xf32>
      %parallel_loop3A_127 = arith.andi %parallel_loop3A_122, %broadcast_in_dim3A_43 : vector<16xi32>
      %parallel_loop3A_128 = vector.bitcast %parallel_loop3A_127 : vector<16xi32> to vector<16xf32>
      %parallel_loop3A_129 = arith.mulf %parallel_loop3A_126, %parallel_loop3A_119 : vector<16xf32>
      %parallel_loop3A_130 = arith.index_cast %parallel_loop3A_117 : i32 to index
      %parallel_loop3A_131 = arith.constant 0 : index
      %parallel_loop3A_132 = tpu.vector_load %arg12[%parallel_loop3A_130, %parallel_loop3A_131] {strides = array<i32>} : memref<80x128xf32, #tpu.memory_space<vmem>>, vector<16xf32>,
      tpu.vector_store %arg12[%parallel_loop3A_130, %parallel_loop3A_131], %parallel_loop3A_129 {strides = array<i32>} : memref<80x128xf32, #tpu.memory_space<vmem>>, vector<16xf32>,
      %parallel_loop3A_133 = arith.mulf %parallel_loop3A_128, %parallel_loop3A_119 : vector<16xf32>
      %parallel_loop3A_134 = arith.index_cast %parallel_loop3A_117 : i32 to index
      %parallel_loop3A_135 = arith.constant 16 : index
      %parallel_loop3A_136 = tpu.vector_load %arg12[%parallel_loop3A_134, %parallel_loop3A_135] {strides = array<i32>} : memref<80x128xf32, #tpu.memory_space<vmem>>, vector<16xf32>,
      tpu.vector_store %arg12[%parallel_loop3A_134, %parallel_loop3A_135], %parallel_loop3A_133 {strides = array<i32>} : memref<80x128xf32, #tpu.memory_space<vmem>>, vector<16xf32>,
      %parallel_loop3A_137 = arith.index_cast %parallel_loop3A_117 : i32 to index
      %parallel_loop3A_138 = arith.constant 16 : index
      %parallel_loop3A_139 = tpu.vector_load %arg10[%parallel_loop3A_137, %parallel_loop3A_138] {strides = array<i32>} : memref<80x64xi32, #tpu.memory_space<vmem>>, vector<16xi32>,
      %parallel_loop3A_140 = arith.constant 16 : i32
      %parallel_loop3A_141 = vector.broadcast %parallel_loop3A_140 : i32 to vector<16xi32>
      %parallel_loop3A_142 = arith.shli %parallel_loop3A_139, %parallel_loop3A_141 : vector<16xi32>
      %parallel_loop3A_143 = vector.bitcast %parallel_loop3A_142 : vector<16xi32> to vector<16xf32>
      %parallel_loop3A_144 = arith.andi %parallel_loop3A_139, %broadcast_in_dim3A_43 : vector<16xi32>
      %parallel_loop3A_145 = vector.bitcast %parallel_loop3A_144 : vector<16xi32> to vector<16xf32>
      %parallel_loop3A_146 = arith.mulf %parallel_loop3A_143, %parallel_loop3A_119 : vector<16xf32>
      %parallel_loop3A_147 = arith.index_cast %parallel_loop3A_117 : i32 to index
      %parallel_loop3A_148 = arith.constant 32 : index
      %parallel_loop3A_149 = tpu.vector_load %arg12[%parallel_loop3A_147, %parallel_loop3A_148] {strides = array<i32>} : memref<80x128xf32, #tpu.memory_space<vmem>>, vector<16xf32>,
      tpu.vector_store %arg12[%parallel_loop3A_147, %parallel_loop3A_148], %parallel_loop3A_146 {strides = array<i32>} : memref<80x128xf32, #tpu.memory_space<vmem>>, vector<16xf32>,
      %parallel_loop3A_150 = arith.mulf %parallel_loop3A_145, %parallel_loop3A_119 : vector<16xf32>
      %parallel_loop3A_151 = arith.index_cast %parallel_loop3A_117 : i32 to index
      %parallel_loop3A_152 = arith.constant 48 : index
      %parallel_loop3A_153 = tpu.vector_load %arg12[%parallel_loop3A_151, %parallel_loop3A_152] {strides = array<i32>} : memref<80x128xf32, #tpu.memory_space<vmem>>, vector<16xf32>,
      tpu.vector_store %arg12[%parallel_loop3A_151, %parallel_loop3A_152], %parallel_loop3A_150 {strides = array<i32>} : memref<80x128xf32, #tpu.memory_space<vmem>>, vector<16xf32>,
      %parallel_loop3A_154 = arith.index_cast %parallel_loop3A_117 : i32 to index
      %parallel_loop3A_155 = arith.constant 32 : index
      %parallel_loop3A_156 = tpu.vector_load %arg10[%parallel_loop3A_154, %parallel_loop3A_155] {strides = array<i32>} : memref<80x64xi32, #tpu.memory_space<vmem>>, vector<16xi32>,
      %parallel_loop3A_157 = arith.constant 16 : i32
      %parallel_loop3A_158 = vector.broadcast %parallel_loop3A_157 : i32 to vector<16xi32>
      %parallel_loop3A_159 = arith.shli %parallel_loop3A_156, %parallel_loop3A_158 : vector<16xi32>
      %parallel_loop3A_160 = vector.bitcast %parallel_loop3A_159 : vector<16xi32> to vector<16xf32>
      %parallel_loop3A_161 = arith.andi %parallel_loop3A_156, %broadcast_in_dim3A_43 : vector<16xi32>
      %parallel_loop3A_162 = vector.bitcast %parallel_loop3A_161 : vector<16xi32> to vector<16xf32>
      %parallel_loop3A_163 = arith.mulf %parallel_loop3A_160, %parallel_loop3A_119 : vector<16xf32>
      %parallel_loop3A_164 = arith.index_cast %parallel_loop3A_117 : i32 to index
      %parallel_loop3A_165 = arith.constant 64 : index
      %parallel_loop3A_166 = tpu.vector_load %arg12[%parallel_loop3A_164, %parallel_loop3A_165] {strides = array<i32>} : memref<80x128xf32, #tpu.memory_space<vmem>>, vector<16xf32>,
      tpu.vector_store %arg12[%parallel_loop3A_164, %parallel_loop3A_165], %parallel_loop3A_163 {strides = array<i32>} : memref<80x128xf32, #tpu.memory_space<vmem>>, vector<16xf32>,
      %parallel_loop3A_167 = arith.mulf %parallel_loop3A_162, %parallel_loop3A_119 : vector<16xf32>
      %parallel_loop3A_168 = arith.index_cast %parallel_loop3A_117 : i32 to index
      %parallel_loop3A_169 = arith.constant 80 : index
      %parallel_loop3A_170 = tpu.vector_load %arg12[%parallel_loop3A_168, %parallel_loop3A_169] {strides = array<i32>} : memref<80x128xf32, #tpu.memory_space<vmem>>, vector<16xf32>,
      tpu.vector_store %arg12[%parallel_loop3A_168, %parallel_loop3A_169], %parallel_loop3A_167 {strides = array<i32>} : memref<80x128xf32, #tpu.memory_space<vmem>>, vector<16xf32>,
      %parallel_loop3A_171 = arith.index_cast %parallel_loop3A_117 : i32 to index
      %parallel_loop3A_172 = arith.constant 48 : index
      %parallel_loop3A_173 = tpu.vector_load %arg10[%parallel_loop3A_171, %parallel_loop3A_172] {strides = array<i32>} : memref<80x64xi32, #tpu.memory_space<vmem>>, vector<16xi32>,
      %parallel_loop3A_174 = arith.constant 16 : i32
      %parallel_loop3A_175 = vector.broadcast %parallel_loop3A_174 : i32 to vector<16xi32>
      %parallel_loop3A_176 = arith.shli %parallel_loop3A_173, %parallel_loop3A_175 : vector<16xi32>
      %parallel_loop3A_177 = vector.bitcast %parallel_loop3A_176 : vector<16xi32> to vector<16xf32>
      %parallel_loop3A_178 = arith.andi %parallel_loop3A_173, %broadcast_in_dim3A_43 : vector<16xi32>
      %parallel_loop3A_179 = vector.bitcast %parallel_loop3A_178 : vector<16xi32> to vector<16xf32>
      %parallel_loop3A_180 = arith.mulf %parallel_loop3A_177, %parallel_loop3A_119 : vector<16xf32>
      %parallel_loop3A_181 = arith.index_cast %parallel_loop3A_117 : i32 to index
      %parallel_loop3A_182 = arith.constant 96 : index
      %parallel_loop3A_183 = tpu.vector_load %arg12[%parallel_loop3A_181, %parallel_loop3A_182] {strides = array<i32>} : memref<80x128xf32, #tpu.memory_space<vmem>>, vector<16xf32>,
      tpu.vector_store %arg12[%parallel_loop3A_181, %parallel_loop3A_182], %parallel_loop3A_180 {strides = array<i32>} : memref<80x128xf32, #tpu.memory_space<vmem>>, vector<16xf32>,
      %parallel_loop3A_184 = arith.mulf %parallel_loop3A_179, %parallel_loop3A_119 : vector<16xf32>
      %parallel_loop3A_185 = arith.index_cast %parallel_loop3A_117 : i32 to index
      %parallel_loop3A_186 = arith.constant 112 : index
      %parallel_loop3A_187 = tpu.vector_load %arg12[%parallel_loop3A_185, %parallel_loop3A_186] {strides = array<i32>} : memref<80x128xf32, #tpu.memory_space<vmem>>, vector<16xf32>,
      tpu.vector_store %arg12[%parallel_loop3A_185, %parallel_loop3A_186], %parallel_loop3A_184 {strides = array<i32>} : memref<80x128xf32, #tpu.memory_space<vmem>>, vector<16xf32>,
    } {sc.loop_unroll_factor = 8 : i64, sc.parallel_access}
    %run_scoped3A = arith.constant 0 : i32
    "tpu.region"() ({
      %run_scoped3A_117 = tpu.sem_alloc : memref<!tpu.dma_semaphore, #tpu.memory_space<semaphore_mem>>
      %dma_start3A_118 = arith.constant 0 : i32
      %dma_start3A_119 = tpu.memref_slice %arg6[%run_scoped3A, %dma_start3A_118] : memref<2x80xi32, #tpu.memory_space<vmem>> -> memref<1x80xi32, #tpu.memory_space<vmem>>
      %dma_start3A_120 = tpu.memref_squeeze %dma_start3A_119 : memref<1x80xi32, #tpu.memory_space<vmem>> -> memref<80xi32, #tpu.memory_space<vmem>>
      %dma_start3A_121 = arith.constant 0 : i32
      %dma_start3A_122 = arith.constant 0 : i32
      %dma_start3A_123 = tpu.memref_slice %arg17[%dma_start3A_121, %dma_start3A_122] : memref<10000x128xf32, #tpu.memory_space<vmem_shared>> -> memref<10000x128xf32, #tpu.memory_space<vmem_shared>>
      tpu.enqueue_indirect_dma source(%arg12 : memref<80x128xf32, #tpu.memory_space<vmem>>) target(%dma_start3A_123 : memref<10000x128xf32, #tpu.memory_space<vmem_shared>>) offsets(%dma_start3A_120 : memref<80xi32, #tpu.memory_space<vmem>>) semaphore(%run_scoped3A_117 : memref<!tpu.dma_semaphore, #tpu.memory_space<semaphore_mem>>) {add = true}
      %dma_wait3A_124 = arith.constant 0 : i32
      %dma_wait3A_125 = tpu.memref_slice %arg6[%run_scoped3A, %dma_wait3A_124] : memref<2x80xi32, #tpu.memory_space<vmem>> -> memref<1x80xi32, #tpu.memory_space<vmem>>
      %dma_wait3A_126 = tpu.memref_squeeze %dma_wait3A_125 : memref<1x80xi32, #tpu.memory_space<vmem>> -> memref<80xi32, #tpu.memory_space<vmem>>
      %dma_wait3A_127 = arith.constant 0 : i32
      %dma_wait3A_128 = arith.constant 0 : i32
      %dma_wait3A_129 = tpu.memref_slice %arg17[%dma_wait3A_127, %dma_wait3A_128] : memref<10000x128xf32, #tpu.memory_space<vmem_shared>> -> memref<10000x128xf32, #tpu.memory_space<vmem_shared>>
      tpu.wait_indirect_dma semaphore(%run_scoped3A_117 : memref<!tpu.dma_semaphore, #tpu.memory_space<semaphore_mem>>) src(%arg12 : memref<80x128xf32, #tpu.memory_space<vmem>>) dst(%dma_wait3A_129 : memref<10000x128xf32, #tpu.memory_space<vmem_shared>>)
      tpu.yield
    }) : () -> ()
    %barrier3A_107 = arith.constant 0 : index
    tpu.barrier barrier_id(%barrier3A_107)
    %mul3A_108 = arith.constant 624 : i32
    %mul3A_109 = arith.muli %arg1, %mul3A_108 : i32
    %mul3A_110 = arith.constant 624 : i32
    %mul3A_111 = arith.muli %arg1, %mul3A_110 : i32
    "tpu.region"() ({
      %run_scoped3A_117 = tpu.sem_alloc : memref<!tpu.dma_semaphore, #tpu.memory_space<semaphore_mem>>
      %dma_start3A_118 = arith.constant 0 : i32
      %dma_start3A_119 = tpu.memref_slice %arg5[%arg0, %mul3A_111, %dma_start3A_118] : memref<2x10000x128xf32, #tpu.memory_space<hbm>> -> memref<1x624x128xf32, #tpu.memory_space<hbm>>
      %dma_start3A_120 = tpu.memref_squeeze %dma_start3A_119 : memref<1x624x128xf32, #tpu.memory_space<hbm>> -> memref<624x128xf32, #tpu.memory_space<hbm>>
      %dma_start3A_121 = arith.constant 0 : i32
      %dma_start3A_122 = tpu.memref_slice %arg17[%mul3A_109, %dma_start3A_121] : memref<10000x128xf32, #tpu.memory_space<vmem_shared>> -> memref<624x128xf32, #tpu.memory_space<vmem_shared>>
      tpu.enqueue_dma source(%dma_start3A_122 : memref<624x128xf32, #tpu.memory_space<vmem_shared>>) target(%dma_start3A_120 : memref<624x128xf32, #tpu.memory_space<hbm>>) target_semaphore(%run_scoped3A_117 : memref<!tpu.dma_semaphore, #tpu.memory_space<semaphore_mem>>)
      %dma_wait3A_123 = arith.constant 0 : i32
      %dma_wait3A_124 = tpu.memref_slice %arg5[%arg0, %mul3A_111, %dma_wait3A_123] : memref<2x10000x128xf32, #tpu.memory_space<hbm>> -> memref<1x624x128xf32, #tpu.memory_space<hbm>>
      %dma_wait3A_125 = tpu.memref_squeeze %dma_wait3A_124 : memref<1x624x128xf32, #tpu.memory_space<hbm>> -> memref<624x128xf32, #tpu.memory_space<hbm>>
      %dma_wait3A_126 = arith.constant 0 : i32
      %dma_wait3A_127 = tpu.memref_slice %arg17[%mul3A_109, %dma_wait3A_126] : memref<10000x128xf32, #tpu.memory_space<vmem_shared>> -> memref<624x128xf32, #tpu.memory_space<vmem_shared>>
      tpu.wait_dma2 semaphore(%run_scoped3A_117 : memref<!tpu.dma_semaphore, #tpu.memory_space<semaphore_mem>>) src(%dma_wait3A_127 : memref<624x128xf32, #tpu.memory_space<vmem_shared>>) dst(%dma_wait3A_125 : memref<624x128xf32, #tpu.memory_space<hbm>>)
      tpu.yield
    }) : () -> ()
    %eq3A_112 = arith.constant 15 : i32
    %eq3A_113 = arith.cmpi eq, %arg1, %eq3A_112 : i32
    %convert_element_type3A_114 = arith.extui %eq3A_113 : i1 to i32
    %cond3A_115 = arith.constant 0 : i32
    %cond3A_116 = arith.cmpi ne, %convert_element_type3A_114, %cond3A_115 : i32
    scf.if %cond3A_116 {
      "tpu.region"() ({
        %run_scoped3A_117 = tpu.sem_alloc : memref<!tpu.dma_semaphore, #tpu.memory_space<semaphore_mem>>
        %dma_start3A_118 = arith.constant 9984 : i32
        %dma_start3A_119 = arith.constant 0 : i32
        %dma_start3A_120 = tpu.memref_slice %arg5[%arg0, %dma_start3A_118, %dma_start3A_119] : memref<2x10000x128xf32, #tpu.memory_space<hbm>> -> memref<1x16x128xf32, #tpu.memory_space<hbm>>
        %dma_start3A_121 = tpu.memref_squeeze %dma_start3A_120 : memref<1x16x128xf32, #tpu.memory_space<hbm>> -> memref<16x128xf32, #tpu.memory_space<hbm>>
        %dma_start3A_122 = arith.constant 9984 : i32
        %dma_start3A_123 = arith.constant 0 : i32
        %dma_start3A_124 = tpu.memref_slice %arg17[%dma_start3A_122, %dma_start3A_123] : memref<10000x128xf32, #tpu.memory_space<vmem_shared>> -> memref<16x128xf32, #tpu.memory_space<vmem_shared>>
        tpu.enqueue_dma source(%dma_start3A_124 : memref<16x128xf32, #tpu.memory_space<vmem_shared>>) target(%dma_start3A_121 : memref<16x128xf32, #tpu.memory_space<hbm>>) target_semaphore(%run_scoped3A_117 : memref<!tpu.dma_semaphore, #tpu.memory_space<semaphore_mem>>)
        %dma_wait3A_125 = arith.constant 9984 : i32
        %dma_wait3A_126 = arith.constant 0 : i32
        %dma_wait3A_127 = tpu.memref_slice %arg5[%arg0, %dma_wait3A_125, %dma_wait3A_126] : memref<2x10000x128xf32, #tpu.memory_space<hbm>> -> memref<1x16x128xf32, #tpu.memory_space<hbm>>
        %dma_wait3A_128 = tpu.memref_squeeze %dma_wait3A_127 : memref<1x16x128xf32, #tpu.memory_space<hbm>> -> memref<16x128xf32, #tpu.memory_space<hbm>>
        %dma_wait3A_129 = arith.constant 9984 : i32
        %dma_wait3A_130 = arith.constant 0 : i32
        %dma_wait3A_131 = tpu.memref_slice %arg17[%dma_wait3A_129, %dma_wait3A_130] : memref<10000x128xf32, #tpu.memory_space<vmem_shared>> -> memref<16x128xf32, #tpu.memory_space<vmem_shared>>
        tpu.wait_dma2 semaphore(%run_scoped3A_117 : memref<!tpu.dma_semaphore, #tpu.memory_space<semaphore_mem>>) src(%dma_wait3A_131 : memref<16x128xf32, #tpu.memory_space<vmem_shared>>) dst(%dma_wait3A_128 : memref<16x128xf32, #tpu.memory_space<hbm>>)
        tpu.yield
      }) : () -> ()
    } else {
    }
    return
  }
}

#map = affine_map<(d0, d1) -> (0, 0, 0, 0)>
#map1 = affine_map<(d0, d1) -> (0)>
#map2 = affine_map<(d0, d1) -> (0, 0)>
#map3 = affine_map<(d0, d1) -> (0, 0, 0)>
module attributes {stable_mosaic.version = 14 : i64} {
  func.func @_spmm_kernel_body(%arg0: i32, %arg1: i32, %arg2: memref<2x32x125x80xi32, #tpu.memory_space<hbm>>, %arg3: memref<320000xf32, #tpu.memory_space<hbm>>, %arg4: memref<10000x32xi32, #tpu.memory_space<hbm>>, %arg5: memref<2x10000x64xf32, #tpu.memory_space<hbm>>, %arg6: memref<2x80xi32, #tpu.memory_space<vmem>>, %arg7: memref<2x80xi32, #tpu.memory_space<vmem>>, %arg8: memref<80xf32, #tpu.memory_space<vmem>>, %arg9: memref<80xf32, #tpu.memory_space<vmem>>, %arg10: memref<80x32xi32, #tpu.memory_space<vmem>>, %arg11: memref<80x32xi32, #tpu.memory_space<vmem>>, %arg12: memref<80x64xf32, #tpu.memory_space<vmem>>, %arg13: memref<!tpu.dma_semaphore, #tpu.memory_space<semaphore_mem>>, %arg14: memref<!tpu.dma_semaphore, #tpu.memory_space<semaphore_mem>>, %arg15: memref<!tpu.dma_semaphore, #tpu.memory_space<semaphore_mem>>, %arg16: memref<!tpu.dma_semaphore, #tpu.memory_space<semaphore_mem>>, %arg17: memref<10000x64xf32, #tpu.memory_space<vmem_shared>>) attributes {dimension_semantics = [#tpu.dimension_semantics<core_parallel>, #tpu.dimension_semantics<subcore_parallel>], iteration_bounds = array<i64: 2, 16>, scalar_prefetch = 0 : i64, scratch_operands = 12 : i64, tpu.core_type = #tpu.core_type<sc_vector_subcore>, window_params = [{transform_indices = #map}, {transform_indices = #map1}, {transform_indices = #map2}, {transform_indices = #map3}]} {
    %mul3A = arith.constant 16 : i32
    %mul3A_0 = arith.muli %arg0, %mul3A : i32
    %add3A = arith.addi %mul3A_0, %arg1 : i32
    %broadcast_in_dim3A = arith.constant 0.000000e+00 : f32
    %broadcast_in_dim3A_1 = vector.broadcast %broadcast_in_dim3A : f32 to vector<16xf32>
    %scan3A = arith.constant 0 : i32
    %scan3A_2 = arith.constant 0 : i32
    %scan3A_3 = arith.constant 80 : i32
    %scan3A_4 = arith.addi %scan3A_2, %scan3A_3 : i32
    %scan3A_5 = arith.constant 4 : i32
    scf.for %scan3A_117 = %scan3A_2 to %scan3A_4 step %scan3A_5  : i32 {
      %swap3A = arith.index_cast %scan3A_117 : i32 to index
      %swap3A_118 = arith.constant 0 : index
      %swap3A_119 = tpu.vector_load %arg12[%swap3A, %swap3A_118] {strides = array<i32>} : memref<80x64xf32, #tpu.memory_space<vmem>>, vector<16xf32>,
      tpu.vector_store %arg12[%swap3A, %swap3A_118], %broadcast_in_dim3A_1 {strides = array<i32>} : memref<80x64xf32, #tpu.memory_space<vmem>>, vector<16xf32>,
      %swap3A_120 = arith.index_cast %scan3A_117 : i32 to index
      %swap3A_121 = arith.constant 16 : index
      %swap3A_122 = tpu.vector_load %arg12[%swap3A_120, %swap3A_121] {strides = array<i32>} : memref<80x64xf32, #tpu.memory_space<vmem>>, vector<16xf32>,
      tpu.vector_store %arg12[%swap3A_120, %swap3A_121], %broadcast_in_dim3A_1 {strides = array<i32>} : memref<80x64xf32, #tpu.memory_space<vmem>>, vector<16xf32>,
      %swap3A_123 = arith.index_cast %scan3A_117 : i32 to index
      %swap3A_124 = arith.constant 32 : index
      %swap3A_125 = tpu.vector_load %arg12[%swap3A_123, %swap3A_124] {strides = array<i32>} : memref<80x64xf32, #tpu.memory_space<vmem>>, vector<16xf32>,
      tpu.vector_store %arg12[%swap3A_123, %swap3A_124], %broadcast_in_dim3A_1 {strides = array<i32>} : memref<80x64xf32, #tpu.memory_space<vmem>>, vector<16xf32>,
      %swap3A_126 = arith.index_cast %scan3A_117 : i32 to index
      %swap3A_127 = arith.constant 48 : index
      %swap3A_128 = tpu.vector_load %arg12[%swap3A_126, %swap3A_127] {strides = array<i32>} : memref<80x64xf32, #tpu.memory_space<vmem>>, vector<16xf32>,
      tpu.vector_store %arg12[%swap3A_126, %swap3A_127], %broadcast_in_dim3A_1 {strides = array<i32>} : memref<80x64xf32, #tpu.memory_space<vmem>>, vector<16xf32>,
      %scan3A_129 = arith.constant 1 : i32
      %scan3A_130 = arith.addi %scan3A_117, %scan3A_129 : i32
      %swap3A_131 = arith.index_cast %scan3A_130 : i32 to index
      %swap3A_132 = arith.constant 0 : index
      %swap3A_133 = tpu.vector_load %arg12[%swap3A_131, %swap3A_132] {strides = array<i32>} : memref<80x64xf32, #tpu.memory_space<vmem>>, vector<16xf32>,
      tpu.vector_store %arg12[%swap3A_131, %swap3A_132], %broadcast_in_dim3A_1 {strides = array<i32>} : memref<80x64xf32, #tpu.memory_space<vmem>>, vector<16xf32>,
      %swap3A_134 = arith.index_cast %scan3A_130 : i32 to index
      %swap3A_135 = arith.constant 16 : index
      %swap3A_136 = tpu.vector_load %arg12[%swap3A_134, %swap3A_135] {strides = array<i32>} : memref<80x64xf32, #tpu.memory_space<vmem>>, vector<16xf32>,
      tpu.vector_store %arg12[%swap3A_134, %swap3A_135], %broadcast_in_dim3A_1 {strides = array<i32>} : memref<80x64xf32, #tpu.memory_space<vmem>>, vector<16xf32>,
      %swap3A_137 = arith.index_cast %scan3A_130 : i32 to index
      %swap3A_138 = arith.constant 32 : index
      %swap3A_139 = tpu.vector_load %arg12[%swap3A_137, %swap3A_138] {strides = array<i32>} : memref<80x64xf32, #tpu.memory_space<vmem>>, vector<16xf32>,
      tpu.vector_store %arg12[%swap3A_137, %swap3A_138], %broadcast_in_dim3A_1 {strides = array<i32>} : memref<80x64xf32, #tpu.memory_space<vmem>>, vector<16xf32>,
      %swap3A_140 = arith.index_cast %scan3A_130 : i32 to index
      %swap3A_141 = arith.constant 48 : index
      %swap3A_142 = tpu.vector_load %arg12[%swap3A_140, %swap3A_141] {strides = array<i32>} : memref<80x64xf32, #tpu.memory_space<vmem>>, vector<16xf32>,
      tpu.vector_store %arg12[%swap3A_140, %swap3A_141], %broadcast_in_dim3A_1 {strides = array<i32>} : memref<80x64xf32, #tpu.memory_space<vmem>>, vector<16xf32>,
      %scan3A_143 = arith.constant 2 : i32
      %scan3A_144 = arith.addi %scan3A_117, %scan3A_143 : i32
      %swap3A_145 = arith.index_cast %scan3A_144 : i32 to index
      %swap3A_146 = arith.constant 0 : index
      %swap3A_147 = tpu.vector_load %arg12[%swap3A_145, %swap3A_146] {strides = array<i32>} : memref<80x64xf32, #tpu.memory_space<vmem>>, vector<16xf32>,
      tpu.vector_store %arg12[%swap3A_145, %swap3A_146], %broadcast_in_dim3A_1 {strides = array<i32>} : memref<80x64xf32, #tpu.memory_space<vmem>>, vector<16xf32>,
      %swap3A_148 = arith.index_cast %scan3A_144 : i32 to index
      %swap3A_149 = arith.constant 16 : index
      %swap3A_150 = tpu.vector_load %arg12[%swap3A_148, %swap3A_149] {strides = array<i32>} : memref<80x64xf32, #tpu.memory_space<vmem>>, vector<16xf32>,
      tpu.vector_store %arg12[%swap3A_148, %swap3A_149], %broadcast_in_dim3A_1 {strides = array<i32>} : memref<80x64xf32, #tpu.memory_space<vmem>>, vector<16xf32>,
      %swap3A_151 = arith.index_cast %scan3A_144 : i32 to index
      %swap3A_152 = arith.constant 32 : index
      %swap3A_153 = tpu.vector_load %arg12[%swap3A_151, %swap3A_152] {strides = array<i32>} : memref<80x64xf32, #tpu.memory_space<vmem>>, vector<16xf32>,
      tpu.vector_store %arg12[%swap3A_151, %swap3A_152], %broadcast_in_dim3A_1 {strides = array<i32>} : memref<80x64xf32, #tpu.memory_space<vmem>>, vector<16xf32>,
      %swap3A_154 = arith.index_cast %scan3A_144 : i32 to index
      %swap3A_155 = arith.constant 48 : index
      %swap3A_156 = tpu.vector_load %arg12[%swap3A_154, %swap3A_155] {strides = array<i32>} : memref<80x64xf32, #tpu.memory_space<vmem>>, vector<16xf32>,
      tpu.vector_store %arg12[%swap3A_154, %swap3A_155], %broadcast_in_dim3A_1 {strides = array<i32>} : memref<80x64xf32, #tpu.memory_space<vmem>>, vector<16xf32>,
      %scan3A_157 = arith.constant 3 : i32
      %scan3A_158 = arith.addi %scan3A_117, %scan3A_157 : i32
      %swap3A_159 = arith.index_cast %scan3A_158 : i32 to index
      %swap3A_160 = arith.constant 0 : index
      %swap3A_161 = tpu.vector_load %arg12[%swap3A_159, %swap3A_160] {strides = array<i32>} : memref<80x64xf32, #tpu.memory_space<vmem>>, vector<16xf32>,
      tpu.vector_store %arg12[%swap3A_159, %swap3A_160], %broadcast_in_dim3A_1 {strides = array<i32>} : memref<80x64xf32, #tpu.memory_space<vmem>>, vector<16xf32>,
      %swap3A_162 = arith.index_cast %scan3A_158 : i32 to index
      %swap3A_163 = arith.constant 16 : index
      %swap3A_164 = tpu.vector_load %arg12[%swap3A_162, %swap3A_163] {strides = array<i32>} : memref<80x64xf32, #tpu.memory_space<vmem>>, vector<16xf32>,
      tpu.vector_store %arg12[%swap3A_162, %swap3A_163], %broadcast_in_dim3A_1 {strides = array<i32>} : memref<80x64xf32, #tpu.memory_space<vmem>>, vector<16xf32>,
      %swap3A_165 = arith.index_cast %scan3A_158 : i32 to index
      %swap3A_166 = arith.constant 32 : index
      %swap3A_167 = tpu.vector_load %arg12[%swap3A_165, %swap3A_166] {strides = array<i32>} : memref<80x64xf32, #tpu.memory_space<vmem>>, vector<16xf32>,
      tpu.vector_store %arg12[%swap3A_165, %swap3A_166], %broadcast_in_dim3A_1 {strides = array<i32>} : memref<80x64xf32, #tpu.memory_space<vmem>>, vector<16xf32>,
      %swap3A_168 = arith.index_cast %scan3A_158 : i32 to index
      %swap3A_169 = arith.constant 48 : index
      %swap3A_170 = tpu.vector_load %arg12[%swap3A_168, %swap3A_169] {strides = array<i32>} : memref<80x64xf32, #tpu.memory_space<vmem>>, vector<16xf32>,
      tpu.vector_store %arg12[%swap3A_168, %swap3A_169], %broadcast_in_dim3A_1 {strides = array<i32>} : memref<80x64xf32, #tpu.memory_space<vmem>>, vector<16xf32>,
    }
    %scan3A_6 = arith.constant 80 : i32
    %mul3A_7 = arith.constant 624 : i32
    %mul3A_8 = arith.muli %arg1, %mul3A_7 : i32
    %add3A_9 = arith.constant 0 : i32
    %add3A_10 = arith.addi %mul3A_8, %add3A_9 : i32
    "tpu.region"() ({
      %run_scoped3A_117 = tpu.sem_alloc : memref<!tpu.dma_semaphore, #tpu.memory_space<semaphore_mem>>
      %dma_start3A_118 = arith.constant 0 : i32
      %dma_start3A_119 = tpu.memref_slice %arg17[%add3A_10, %dma_start3A_118] : memref<10000x64xf32, #tpu.memory_space<vmem_shared>> -> memref<80x64xf32, #tpu.memory_space<vmem_shared>>
      %dma_start3A_120 = arith.constant 0 : i32
      %dma_start3A_121 = tpu.memref_slice %arg17[%add3A_10, %dma_start3A_120] : memref<10000x64xf32, #tpu.memory_space<vmem_shared>> -> memref<80x64xf32, #tpu.memory_space<vmem_shared>>
      tpu.enqueue_dma source(%arg12 : memref<80x64xf32, #tpu.memory_space<vmem>>) target(%dma_start3A_121 : memref<80x64xf32, #tpu.memory_space<vmem_shared>>) target_semaphore(%run_scoped3A_117 : memref<!tpu.dma_semaphore, #tpu.memory_space<semaphore_mem>>)
      %dma_wait3A_122 = arith.constant 0 : i32
      %dma_wait3A_123 = tpu.memref_slice %arg17[%add3A_10, %dma_wait3A_122] : memref<10000x64xf32, #tpu.memory_space<vmem_shared>> -> memref<80x64xf32, #tpu.memory_space<vmem_shared>>
      %dma_wait3A_124 = arith.constant 0 : i32
      %dma_wait3A_125 = tpu.memref_slice %arg17[%add3A_10, %dma_wait3A_124] : memref<10000x64xf32, #tpu.memory_space<vmem_shared>> -> memref<80x64xf32, #tpu.memory_space<vmem_shared>>
      tpu.wait_dma2 semaphore(%run_scoped3A_117 : memref<!tpu.dma_semaphore, #tpu.memory_space<semaphore_mem>>) src(%arg12 : memref<80x64xf32, #tpu.memory_space<vmem>>) dst(%dma_wait3A_125 : memref<80x64xf32, #tpu.memory_space<vmem_shared>>)
      tpu.yield
    }) : () -> ()
    %mul3A_11 = arith.constant 624 : i32
    %mul3A_12 = arith.muli %arg1, %mul3A_11 : i32
    %add3A_13 = arith.constant 80 : i32
    %add3A_14 = arith.addi %mul3A_12, %add3A_13 : i32
    "tpu.region"() ({
      %run_scoped3A_117 = tpu.sem_alloc : memref<!tpu.dma_semaphore, #tpu.memory_space<semaphore_mem>>
      %dma_start3A_118 = arith.constant 0 : i32
      %dma_start3A_119 = tpu.memref_slice %arg17[%add3A_14, %dma_start3A_118] : memref<10000x64xf32, #tpu.memory_space<vmem_shared>> -> memref<80x64xf32, #tpu.memory_space<vmem_shared>>
      %dma_start3A_120 = arith.constant 0 : i32
      %dma_start3A_121 = tpu.memref_slice %arg17[%add3A_14, %dma_start3A_120] : memref<10000x64xf32, #tpu.memory_space<vmem_shared>> -> memref<80x64xf32, #tpu.memory_space<vmem_shared>>
      tpu.enqueue_dma source(%arg12 : memref<80x64xf32, #tpu.memory_space<vmem>>) target(%dma_start3A_121 : memref<80x64xf32, #tpu.memory_space<vmem_shared>>) target_semaphore(%run_scoped3A_117 : memref<!tpu.dma_semaphore, #tpu.memory_space<semaphore_mem>>)
      %dma_wait3A_122 = arith.constant 0 : i32
      %dma_wait3A_123 = tpu.memref_slice %arg17[%add3A_14, %dma_wait3A_122] : memref<10000x64xf32, #tpu.memory_space<vmem_shared>> -> memref<80x64xf32, #tpu.memory_space<vmem_shared>>
      %dma_wait3A_124 = arith.constant 0 : i32
      %dma_wait3A_125 = tpu.memref_slice %arg17[%add3A_14, %dma_wait3A_124] : memref<10000x64xf32, #tpu.memory_space<vmem_shared>> -> memref<80x64xf32, #tpu.memory_space<vmem_shared>>
      tpu.wait_dma2 semaphore(%run_scoped3A_117 : memref<!tpu.dma_semaphore, #tpu.memory_space<semaphore_mem>>) src(%arg12 : memref<80x64xf32, #tpu.memory_space<vmem>>) dst(%dma_wait3A_125 : memref<80x64xf32, #tpu.memory_space<vmem_shared>>)
      tpu.yield
    }) : () -> ()
    %mul3A_15 = arith.constant 624 : i32
    %mul3A_16 = arith.muli %arg1, %mul3A_15 : i32
    %add3A_17 = arith.constant 160 : i32
    %add3A_18 = arith.addi %mul3A_16, %add3A_17 : i32
    "tpu.region"() ({
      %run_scoped3A_117 = tpu.sem_alloc : memref<!tpu.dma_semaphore, #tpu.memory_space<semaphore_mem>>
      %dma_start3A_118 = arith.constant 0 : i32
      %dma_start3A_119 = tpu.memref_slice %arg17[%add3A_18, %dma_start3A_118] : memref<10000x64xf32, #tpu.memory_space<vmem_shared>> -> memref<80x64xf32, #tpu.memory_space<vmem_shared>>
      %dma_start3A_120 = arith.constant 0 : i32
      %dma_start3A_121 = tpu.memref_slice %arg17[%add3A_18, %dma_start3A_120] : memref<10000x64xf32, #tpu.memory_space<vmem_shared>> -> memref<80x64xf32, #tpu.memory_space<vmem_shared>>
      tpu.enqueue_dma source(%arg12 : memref<80x64xf32, #tpu.memory_space<vmem>>) target(%dma_start3A_121 : memref<80x64xf32, #tpu.memory_space<vmem_shared>>) target_semaphore(%run_scoped3A_117 : memref<!tpu.dma_semaphore, #tpu.memory_space<semaphore_mem>>)
      %dma_wait3A_122 = arith.constant 0 : i32
      %dma_wait3A_123 = tpu.memref_slice %arg17[%add3A_18, %dma_wait3A_122] : memref<10000x64xf32, #tpu.memory_space<vmem_shared>> -> memref<80x64xf32, #tpu.memory_space<vmem_shared>>
      %dma_wait3A_124 = arith.constant 0 : i32
      %dma_wait3A_125 = tpu.memref_slice %arg17[%add3A_18, %dma_wait3A_124] : memref<10000x64xf32, #tpu.memory_space<vmem_shared>> -> memref<80x64xf32, #tpu.memory_space<vmem_shared>>
      tpu.wait_dma2 semaphore(%run_scoped3A_117 : memref<!tpu.dma_semaphore, #tpu.memory_space<semaphore_mem>>) src(%arg12 : memref<80x64xf32, #tpu.memory_space<vmem>>) dst(%dma_wait3A_125 : memref<80x64xf32, #tpu.memory_space<vmem_shared>>)
      tpu.yield
    }) : () -> ()
    %mul3A_19 = arith.constant 624 : i32
    %mul3A_20 = arith.muli %arg1, %mul3A_19 : i32
    %add3A_21 = arith.constant 240 : i32
    %add3A_22 = arith.addi %mul3A_20, %add3A_21 : i32
    "tpu.region"() ({
      %run_scoped3A_117 = tpu.sem_alloc : memref<!tpu.dma_semaphore, #tpu.memory_space<semaphore_mem>>
      %dma_start3A_118 = arith.constant 0 : i32
      %dma_start3A_119 = tpu.memref_slice %arg17[%add3A_22, %dma_start3A_118] : memref<10000x64xf32, #tpu.memory_space<vmem_shared>> -> memref<80x64xf32, #tpu.memory_space<vmem_shared>>
      %dma_start3A_120 = arith.constant 0 : i32
      %dma_start3A_121 = tpu.memref_slice %arg17[%add3A_22, %dma_start3A_120] : memref<10000x64xf32, #tpu.memory_space<vmem_shared>> -> memref<80x64xf32, #tpu.memory_space<vmem_shared>>
      tpu.enqueue_dma source(%arg12 : memref<80x64xf32, #tpu.memory_space<vmem>>) target(%dma_start3A_121 : memref<80x64xf32, #tpu.memory_space<vmem_shared>>) target_semaphore(%run_scoped3A_117 : memref<!tpu.dma_semaphore, #tpu.memory_space<semaphore_mem>>)
      %dma_wait3A_122 = arith.constant 0 : i32
      %dma_wait3A_123 = tpu.memref_slice %arg17[%add3A_22, %dma_wait3A_122] : memref<10000x64xf32, #tpu.memory_space<vmem_shared>> -> memref<80x64xf32, #tpu.memory_space<vmem_shared>>
      %dma_wait3A_124 = arith.constant 0 : i32
      %dma_wait3A_125 = tpu.memref_slice %arg17[%add3A_22, %dma_wait3A_124] : memref<10000x64xf32, #tpu.memory_space<vmem_shared>> -> memref<80x64xf32, #tpu.memory_space<vmem_shared>>
      tpu.wait_dma2 semaphore(%run_scoped3A_117 : memref<!tpu.dma_semaphore, #tpu.memory_space<semaphore_mem>>) src(%arg12 : memref<80x64xf32, #tpu.memory_space<vmem>>) dst(%dma_wait3A_125 : memref<80x64xf32, #tpu.memory_space<vmem_shared>>)
      tpu.yield
    }) : () -> ()
    %mul3A_23 = arith.constant 624 : i32
    %mul3A_24 = arith.muli %arg1, %mul3A_23 : i32
    %add3A_25 = arith.constant 320 : i32
    %add3A_26 = arith.addi %mul3A_24, %add3A_25 : i32
    "tpu.region"() ({
      %run_scoped3A_117 = tpu.sem_alloc : memref<!tpu.dma_semaphore, #tpu.memory_space<semaphore_mem>>
      %dma_start3A_118 = arith.constant 0 : i32
      %dma_start3A_119 = tpu.memref_slice %arg17[%add3A_26, %dma_start3A_118] : memref<10000x64xf32, #tpu.memory_space<vmem_shared>> -> memref<80x64xf32, #tpu.memory_space<vmem_shared>>
      %dma_start3A_120 = arith.constant 0 : i32
      %dma_start3A_121 = tpu.memref_slice %arg17[%add3A_26, %dma_start3A_120] : memref<10000x64xf32, #tpu.memory_space<vmem_shared>> -> memref<80x64xf32, #tpu.memory_space<vmem_shared>>
      tpu.enqueue_dma source(%arg12 : memref<80x64xf32, #tpu.memory_space<vmem>>) target(%dma_start3A_121 : memref<80x64xf32, #tpu.memory_space<vmem_shared>>) target_semaphore(%run_scoped3A_117 : memref<!tpu.dma_semaphore, #tpu.memory_space<semaphore_mem>>)
      %dma_wait3A_122 = arith.constant 0 : i32
      %dma_wait3A_123 = tpu.memref_slice %arg17[%add3A_26, %dma_wait3A_122] : memref<10000x64xf32, #tpu.memory_space<vmem_shared>> -> memref<80x64xf32, #tpu.memory_space<vmem_shared>>
      %dma_wait3A_124 = arith.constant 0 : i32
      %dma_wait3A_125 = tpu.memref_slice %arg17[%add3A_26, %dma_wait3A_124] : memref<10000x64xf32, #tpu.memory_space<vmem_shared>> -> memref<80x64xf32, #tpu.memory_space<vmem_shared>>
      tpu.wait_dma2 semaphore(%run_scoped3A_117 : memref<!tpu.dma_semaphore, #tpu.memory_space<semaphore_mem>>) src(%arg12 : memref<80x64xf32, #tpu.memory_space<vmem>>) dst(%dma_wait3A_125 : memref<80x64xf32, #tpu.memory_space<vmem_shared>>)
      tpu.yield
    }) : () -> ()
    %mul3A_27 = arith.constant 624 : i32
    %mul3A_28 = arith.muli %arg1, %mul3A_27 : i32
    %add3A_29 = arith.constant 400 : i32
    %add3A_30 = arith.addi %mul3A_28, %add3A_29 : i32
    "tpu.region"() ({
      %run_scoped3A_117 = tpu.sem_alloc : memref<!tpu.dma_semaphore, #tpu.memory_space<semaphore_mem>>
      %dma_start3A_118 = arith.constant 0 : i32
      %dma_start3A_119 = tpu.memref_slice %arg17[%add3A_30, %dma_start3A_118] : memref<10000x64xf32, #tpu.memory_space<vmem_shared>> -> memref<80x64xf32, #tpu.memory_space<vmem_shared>>
      %dma_start3A_120 = arith.constant 0 : i32
      %dma_start3A_121 = tpu.memref_slice %arg17[%add3A_30, %dma_start3A_120] : memref<10000x64xf32, #tpu.memory_space<vmem_shared>> -> memref<80x64xf32, #tpu.memory_space<vmem_shared>>
      tpu.enqueue_dma source(%arg12 : memref<80x64xf32, #tpu.memory_space<vmem>>) target(%dma_start3A_121 : memref<80x64xf32, #tpu.memory_space<vmem_shared>>) target_semaphore(%run_scoped3A_117 : memref<!tpu.dma_semaphore, #tpu.memory_space<semaphore_mem>>)
      %dma_wait3A_122 = arith.constant 0 : i32
      %dma_wait3A_123 = tpu.memref_slice %arg17[%add3A_30, %dma_wait3A_122] : memref<10000x64xf32, #tpu.memory_space<vmem_shared>> -> memref<80x64xf32, #tpu.memory_space<vmem_shared>>
      %dma_wait3A_124 = arith.constant 0 : i32
      %dma_wait3A_125 = tpu.memref_slice %arg17[%add3A_30, %dma_wait3A_124] : memref<10000x64xf32, #tpu.memory_space<vmem_shared>> -> memref<80x64xf32, #tpu.memory_space<vmem_shared>>
      tpu.wait_dma2 semaphore(%run_scoped3A_117 : memref<!tpu.dma_semaphore, #tpu.memory_space<semaphore_mem>>) src(%arg12 : memref<80x64xf32, #tpu.memory_space<vmem>>) dst(%dma_wait3A_125 : memref<80x64xf32, #tpu.memory_space<vmem_shared>>)
      tpu.yield
    }) : () -> ()
    %mul3A_31 = arith.constant 624 : i32
    %mul3A_32 = arith.muli %arg1, %mul3A_31 : i32
    %add3A_33 = arith.constant 480 : i32
    %add3A_34 = arith.addi %mul3A_32, %add3A_33 : i32
    "tpu.region"() ({
      %run_scoped3A_117 = tpu.sem_alloc : memref<!tpu.dma_semaphore, #tpu.memory_space<semaphore_mem>>
      %dma_start3A_118 = arith.constant 0 : i32
      %dma_start3A_119 = tpu.memref_slice %arg17[%add3A_34, %dma_start3A_118] : memref<10000x64xf32, #tpu.memory_space<vmem_shared>> -> memref<80x64xf32, #tpu.memory_space<vmem_shared>>
      %dma_start3A_120 = arith.constant 0 : i32
      %dma_start3A_121 = tpu.memref_slice %arg17[%add3A_34, %dma_start3A_120] : memref<10000x64xf32, #tpu.memory_space<vmem_shared>> -> memref<80x64xf32, #tpu.memory_space<vmem_shared>>
      tpu.enqueue_dma source(%arg12 : memref<80x64xf32, #tpu.memory_space<vmem>>) target(%dma_start3A_121 : memref<80x64xf32, #tpu.memory_space<vmem_shared>>) target_semaphore(%run_scoped3A_117 : memref<!tpu.dma_semaphore, #tpu.memory_space<semaphore_mem>>)
      %dma_wait3A_122 = arith.constant 0 : i32
      %dma_wait3A_123 = tpu.memref_slice %arg17[%add3A_34, %dma_wait3A_122] : memref<10000x64xf32, #tpu.memory_space<vmem_shared>> -> memref<80x64xf32, #tpu.memory_space<vmem_shared>>
      %dma_wait3A_124 = arith.constant 0 : i32
      %dma_wait3A_125 = tpu.memref_slice %arg17[%add3A_34, %dma_wait3A_124] : memref<10000x64xf32, #tpu.memory_space<vmem_shared>> -> memref<80x64xf32, #tpu.memory_space<vmem_shared>>
      tpu.wait_dma2 semaphore(%run_scoped3A_117 : memref<!tpu.dma_semaphore, #tpu.memory_space<semaphore_mem>>) src(%arg12 : memref<80x64xf32, #tpu.memory_space<vmem>>) dst(%dma_wait3A_125 : memref<80x64xf32, #tpu.memory_space<vmem_shared>>)
      tpu.yield
    }) : () -> ()
    %mul3A_35 = arith.constant 624 : i32
    %mul3A_36 = arith.muli %arg1, %mul3A_35 : i32
    %add3A_37 = arith.constant 624 : i32
    %add3A_38 = arith.addi %mul3A_36, %add3A_37 : i32
    %sub3A = arith.constant 64 : i32
    %sub3A_39 = arith.subi %add3A_38, %sub3A : i32
    "tpu.region"() ({
      %run_scoped3A_117 = tpu.sem_alloc : memref<!tpu.dma_semaphore, #tpu.memory_space<semaphore_mem>>
      %dma_start3A_118 = arith.constant 0 : i32
      %dma_start3A_119 = arith.constant 0 : i32
      %dma_start3A_120 = tpu.memref_slice %arg12[%dma_start3A_118, %dma_start3A_119] : memref<80x64xf32, #tpu.memory_space<vmem>> -> memref<64x64xf32, #tpu.memory_space<vmem>>
      %dma_start3A_121 = arith.constant 0 : i32
      %dma_start3A_122 = tpu.memref_slice %arg17[%sub3A_39, %dma_start3A_121] : memref<10000x64xf32, #tpu.memory_space<vmem_shared>> -> memref<64x64xf32, #tpu.memory_space<vmem_shared>>
      %dma_start3A_123 = arith.constant 0 : i32
      %dma_start3A_124 = tpu.memref_slice %arg17[%sub3A_39, %dma_start3A_123] : memref<10000x64xf32, #tpu.memory_space<vmem_shared>> -> memref<64x64xf32, #tpu.memory_space<vmem_shared>>
      %dma_start3A_125 = arith.constant 0 : i32
      %dma_start3A_126 = arith.constant 0 : i32
      %dma_start3A_127 = tpu.memref_slice %arg12[%dma_start3A_125, %dma_start3A_126] : memref<80x64xf32, #tpu.memory_space<vmem>> -> memref<64x64xf32, #tpu.memory_space<vmem>>
      tpu.enqueue_dma source(%dma_start3A_127 : memref<64x64xf32, #tpu.memory_space<vmem>>) target(%dma_start3A_124 : memref<64x64xf32, #tpu.memory_space<vmem_shared>>) target_semaphore(%run_scoped3A_117 : memref<!tpu.dma_semaphore, #tpu.memory_space<semaphore_mem>>)
      %dma_wait3A_128 = arith.constant 0 : i32
      %dma_wait3A_129 = arith.constant 0 : i32
      %dma_wait3A_130 = tpu.memref_slice %arg12[%dma_wait3A_128, %dma_wait3A_129] : memref<80x64xf32, #tpu.memory_space<vmem>> -> memref<64x64xf32, #tpu.memory_space<vmem>>
      %dma_wait3A_131 = arith.constant 0 : i32
      %dma_wait3A_132 = tpu.memref_slice %arg17[%sub3A_39, %dma_wait3A_131] : memref<10000x64xf32, #tpu.memory_space<vmem_shared>> -> memref<64x64xf32, #tpu.memory_space<vmem_shared>>
      %dma_wait3A_133 = arith.constant 0 : i32
      %dma_wait3A_134 = tpu.memref_slice %arg17[%sub3A_39, %dma_wait3A_133] : memref<10000x64xf32, #tpu.memory_space<vmem_shared>> -> memref<64x64xf32, #tpu.memory_space<vmem_shared>>
      %dma_wait3A_135 = arith.constant 0 : i32
      %dma_wait3A_136 = arith.constant 0 : i32
      %dma_wait3A_137 = tpu.memref_slice %arg12[%dma_wait3A_135, %dma_wait3A_136] : memref<80x64xf32, #tpu.memory_space<vmem>> -> memref<64x64xf32, #tpu.memory_space<vmem>>
      tpu.wait_dma2 semaphore(%run_scoped3A_117 : memref<!tpu.dma_semaphore, #tpu.memory_space<semaphore_mem>>) src(%dma_wait3A_137 : memref<64x64xf32, #tpu.memory_space<vmem>>) dst(%dma_wait3A_134 : memref<64x64xf32, #tpu.memory_space<vmem_shared>>)
      tpu.yield
    }) : () -> ()
    %eq3A = arith.constant 15 : i32
    %eq3A_40 = arith.cmpi eq, %arg1, %eq3A : i32
    %convert_element_type3A = arith.extui %eq3A_40 : i1 to i32
    %cond3A = arith.constant 0 : i32
    %cond3A_41 = arith.cmpi ne, %convert_element_type3A, %cond3A : i32
    scf.if %cond3A_41 {
      "tpu.region"() ({
        %run_scoped3A_117 = tpu.sem_alloc : memref<!tpu.dma_semaphore, #tpu.memory_space<semaphore_mem>>
        %dma_start3A_118 = arith.constant 0 : i32
        %dma_start3A_119 = arith.constant 0 : i32
        %dma_start3A_120 = tpu.memref_slice %arg12[%dma_start3A_118, %dma_start3A_119] : memref<80x64xf32, #tpu.memory_space<vmem>> -> memref<16x64xf32, #tpu.memory_space<vmem>>
        %dma_start3A_121 = arith.constant 9984 : i32
        %dma_start3A_122 = arith.constant 0 : i32
        %dma_start3A_123 = tpu.memref_slice %arg17[%dma_start3A_121, %dma_start3A_122] : memref<10000x64xf32, #tpu.memory_space<vmem_shared>> -> memref<16x64xf32, #tpu.memory_space<vmem_shared>>
        %dma_start3A_124 = arith.constant 9984 : i32
        %dma_start3A_125 = arith.constant 0 : i32
        %dma_start3A_126 = tpu.memref_slice %arg17[%dma_start3A_124, %dma_start3A_125] : memref<10000x64xf32, #tpu.memory_space<vmem_shared>> -> memref<16x64xf32, #tpu.memory_space<vmem_shared>>
        %dma_start3A_127 = arith.constant 0 : i32
        %dma_start3A_128 = arith.constant 0 : i32
        %dma_start3A_129 = tpu.memref_slice %arg12[%dma_start3A_127, %dma_start3A_128] : memref<80x64xf32, #tpu.memory_space<vmem>> -> memref<16x64xf32, #tpu.memory_space<vmem>>
        tpu.enqueue_dma source(%dma_start3A_129 : memref<16x64xf32, #tpu.memory_space<vmem>>) target(%dma_start3A_126 : memref<16x64xf32, #tpu.memory_space<vmem_shared>>) target_semaphore(%run_scoped3A_117 : memref<!tpu.dma_semaphore, #tpu.memory_space<semaphore_mem>>)
        %dma_wait3A_130 = arith.constant 0 : i32
        %dma_wait3A_131 = arith.constant 0 : i32
        %dma_wait3A_132 = tpu.memref_slice %arg12[%dma_wait3A_130, %dma_wait3A_131] : memref<80x64xf32, #tpu.memory_space<vmem>> -> memref<16x64xf32, #tpu.memory_space<vmem>>
        %dma_wait3A_133 = arith.constant 9984 : i32
        %dma_wait3A_134 = arith.constant 0 : i32
        %dma_wait3A_135 = tpu.memref_slice %arg17[%dma_wait3A_133, %dma_wait3A_134] : memref<10000x64xf32, #tpu.memory_space<vmem_shared>> -> memref<16x64xf32, #tpu.memory_space<vmem_shared>>
        %dma_wait3A_136 = arith.constant 9984 : i32
        %dma_wait3A_137 = arith.constant 0 : i32
        %dma_wait3A_138 = tpu.memref_slice %arg17[%dma_wait3A_136, %dma_wait3A_137] : memref<10000x64xf32, #tpu.memory_space<vmem_shared>> -> memref<16x64xf32, #tpu.memory_space<vmem_shared>>
        %dma_wait3A_139 = arith.constant 0 : i32
        %dma_wait3A_140 = arith.constant 0 : i32
        %dma_wait3A_141 = tpu.memref_slice %arg12[%dma_wait3A_139, %dma_wait3A_140] : memref<80x64xf32, #tpu.memory_space<vmem>> -> memref<16x64xf32, #tpu.memory_space<vmem>>
        tpu.wait_dma2 semaphore(%run_scoped3A_117 : memref<!tpu.dma_semaphore, #tpu.memory_space<semaphore_mem>>) src(%dma_wait3A_141 : memref<16x64xf32, #tpu.memory_space<vmem>>) dst(%dma_wait3A_138 : memref<16x64xf32, #tpu.memory_space<vmem_shared>>)
        tpu.yield
      }) : () -> ()
    } else {
    }
    %barrier3A = arith.constant 0 : index
    tpu.barrier barrier_id(%barrier3A)
    %broadcast_in_dim3A_42 = arith.constant -65536 : i32
    %broadcast_in_dim3A_43 = vector.broadcast %broadcast_in_dim3A_42 : i32 to vector<16xi32>
    %dma_start3A = arith.constant 0 : i32
    %dma_start3A_44 = arith.constant 0 : i32
    %dma_start3A_45 = arith.constant 0 : i32
    %dma_start3A_46 = tpu.memref_slice %arg2[%dma_start3A_44, %add3A, %dma_start3A, %dma_start3A_45] : memref<2x32x125x80xi32, #tpu.memory_space<hbm>> -> memref<2x1x1x80xi32, #tpu.memory_space<hbm>>
    %dma_start3A_47 = tpu.memref_squeeze %dma_start3A_46 : memref<2x1x1x80xi32, #tpu.memory_space<hbm>> -> memref<2x80xi32, #tpu.memory_space<hbm>>
    %dma_start3A_48 = arith.constant 0 : i32
    %dma_start3A_49 = arith.constant 0 : i32
    %dma_start3A_50 = tpu.memref_slice %arg2[%dma_start3A_48, %add3A, %dma_start3A, %dma_start3A_49] : memref<2x32x125x80xi32, #tpu.memory_space<hbm>> -> memref<2x1x1x80xi32, #tpu.memory_space<hbm>>
    %dma_start3A_51 = tpu.memref_squeeze %dma_start3A_50 : memref<2x1x1x80xi32, #tpu.memory_space<hbm>> -> memref<2x80xi32, #tpu.memory_space<hbm>>
    tpu.enqueue_dma source(%dma_start3A_51 : memref<2x80xi32, #tpu.memory_space<hbm>>) target(%arg6 : memref<2x80xi32, #tpu.memory_space<vmem>>) target_semaphore(%arg15 : memref<!tpu.dma_semaphore, #tpu.memory_space<semaphore_mem>>)
    %mul3A_52 = arith.constant 10000 : i32
    %mul3A_53 = arith.muli %add3A, %mul3A_52 : i32
    %add3A_54 = arith.constant 0 : i32
    %add3A_55 = arith.addi %mul3A_53, %add3A_54 : i32
    %dma_start3A_56 = tpu.memref_slice %arg3[%add3A_55] : memref<320000xf32, #tpu.memory_space<hbm>> -> memref<80xf32, #tpu.memory_space<hbm>>
    %dma_start3A_57 = tpu.memref_slice %arg3[%add3A_55] : memref<320000xf32, #tpu.memory_space<hbm>> -> memref<80xf32, #tpu.memory_space<hbm>>
    tpu.enqueue_dma source(%dma_start3A_57 : memref<80xf32, #tpu.memory_space<hbm>>) target(%arg8 : memref<80xf32, #tpu.memory_space<vmem>>) target_semaphore(%arg15 : memref<!tpu.dma_semaphore, #tpu.memory_space<semaphore_mem>>)
    %dma_start3A_58 = arith.constant 1 : i32
    %dma_start3A_59 = arith.constant 0 : i32
    %dma_start3A_60 = arith.constant 0 : i32
    %dma_start3A_61 = tpu.memref_slice %arg2[%dma_start3A_59, %add3A, %dma_start3A_58, %dma_start3A_60] : memref<2x32x125x80xi32, #tpu.memory_space<hbm>> -> memref<2x1x1x80xi32, #tpu.memory_space<hbm>>
    %dma_start3A_62 = tpu.memref_squeeze %dma_start3A_61 : memref<2x1x1x80xi32, #tpu.memory_space<hbm>> -> memref<2x80xi32, #tpu.memory_space<hbm>>
    %dma_start3A_63 = arith.constant 0 : i32
    %dma_start3A_64 = arith.constant 0 : i32
    %dma_start3A_65 = tpu.memref_slice %arg2[%dma_start3A_63, %add3A, %dma_start3A_58, %dma_start3A_64] : memref<2x32x125x80xi32, #tpu.memory_space<hbm>> -> memref<2x1x1x80xi32, #tpu.memory_space<hbm>>
    %dma_start3A_66 = tpu.memref_squeeze %dma_start3A_65 : memref<2x1x1x80xi32, #tpu.memory_space<hbm>> -> memref<2x80xi32, #tpu.memory_space<hbm>>
    tpu.enqueue_dma source(%dma_start3A_66 : memref<2x80xi32, #tpu.memory_space<hbm>>) target(%arg7 : memref<2x80xi32, #tpu.memory_space<vmem>>) target_semaphore(%arg16 : memref<!tpu.dma_semaphore, #tpu.memory_space<semaphore_mem>>)
    %mul3A_67 = arith.constant 10000 : i32
    %mul3A_68 = arith.muli %add3A, %mul3A_67 : i32
    %add3A_69 = arith.constant 80 : i32
    %add3A_70 = arith.addi %mul3A_68, %add3A_69 : i32
    %dma_start3A_71 = tpu.memref_slice %arg3[%add3A_70] : memref<320000xf32, #tpu.memory_space<hbm>> -> memref<80xf32, #tpu.memory_space<hbm>>
    %dma_start3A_72 = tpu.memref_slice %arg3[%add3A_70] : memref<320000xf32, #tpu.memory_space<hbm>> -> memref<80xf32, #tpu.memory_space<hbm>>
    tpu.enqueue_dma source(%dma_start3A_72 : memref<80xf32, #tpu.memory_space<hbm>>) target(%arg9 : memref<80xf32, #tpu.memory_space<vmem>>) target_semaphore(%arg16 : memref<!tpu.dma_semaphore, #tpu.memory_space<semaphore_mem>>)
    %dma_wait3A = arith.constant 0 : i32
    %dma_wait3A_73 = arith.constant 0 : i32
    %dma_wait3A_74 = arith.constant 0 : i32
    %dma_wait3A_75 = tpu.memref_slice %arg2[%dma_wait3A_73, %add3A, %dma_wait3A, %dma_wait3A_74] : memref<2x32x125x80xi32, #tpu.memory_space<hbm>> -> memref<2x1x1x80xi32, #tpu.memory_space<hbm>>
    %dma_wait3A_76 = tpu.memref_squeeze %dma_wait3A_75 : memref<2x1x1x80xi32, #tpu.memory_space<hbm>> -> memref<2x80xi32, #tpu.memory_space<hbm>>
    %dma_wait3A_77 = arith.constant 0 : i32
    %dma_wait3A_78 = arith.constant 0 : i32
    %dma_wait3A_79 = tpu.memref_slice %arg2[%dma_wait3A_77, %add3A, %dma_wait3A, %dma_wait3A_78] : memref<2x32x125x80xi32, #tpu.memory_space<hbm>> -> memref<2x1x1x80xi32, #tpu.memory_space<hbm>>
    %dma_wait3A_80 = tpu.memref_squeeze %dma_wait3A_79 : memref<2x1x1x80xi32, #tpu.memory_space<hbm>> -> memref<2x80xi32, #tpu.memory_space<hbm>>
    tpu.wait_dma2 semaphore(%arg15 : memref<!tpu.dma_semaphore, #tpu.memory_space<semaphore_mem>>) src(%dma_wait3A_80 : memref<2x80xi32, #tpu.memory_space<hbm>>) dst(%arg6 : memref<2x80xi32, #tpu.memory_space<vmem>>)
    %dma_wait3A_81 = arith.constant 0 : i32
    %dma_wait3A_82 = tpu.memref_slice %arg3[%dma_wait3A_81] : memref<320000xf32, #tpu.memory_space<hbm>> -> memref<80xf32, #tpu.memory_space<hbm>>
    %dma_wait3A_83 = arith.constant 0 : i32
    %dma_wait3A_84 = tpu.memref_slice %arg3[%dma_wait3A_83] : memref<320000xf32, #tpu.memory_space<hbm>> -> memref<80xf32, #tpu.memory_space<hbm>>
    tpu.wait_dma2 semaphore(%arg15 : memref<!tpu.dma_semaphore, #tpu.memory_space<semaphore_mem>>) src(%dma_wait3A_84 : memref<80xf32, #tpu.memory_space<hbm>>) dst(%arg8 : memref<80xf32, #tpu.memory_space<vmem>>)
    %dma_start3A_85 = arith.constant 1 : i32
    %dma_start3A_86 = arith.constant 0 : i32
    %dma_start3A_87 = tpu.memref_slice %arg6[%dma_start3A_85, %dma_start3A_86] : memref<2x80xi32, #tpu.memory_space<vmem>> -> memref<1x80xi32, #tpu.memory_space<vmem>>
    %dma_start3A_88 = tpu.memref_squeeze %dma_start3A_87 : memref<1x80xi32, #tpu.memory_space<vmem>> -> memref<80xi32, #tpu.memory_space<vmem>>
    %dma_start3A_89 = arith.constant 0 : i32
    %dma_start3A_90 = arith.constant 0 : i32
    %dma_start3A_91 = tpu.memref_slice %arg4[%dma_start3A_89, %dma_start3A_90] : memref<10000x32xi32, #tpu.memory_space<hbm>> -> memref<10000x32xi32, #tpu.memory_space<hbm>>
    tpu.enqueue_indirect_dma source(%dma_start3A_91 : memref<10000x32xi32, #tpu.memory_space<hbm>>) target(%arg10 : memref<80x32xi32, #tpu.memory_space<vmem>>) offsets(%dma_start3A_88 : memref<80xi32, #tpu.memory_space<vmem>>) semaphore(%arg13 : memref<!tpu.dma_semaphore, #tpu.memory_space<semaphore_mem>>)
    %scan3A_92 = arith.constant 0 : i32
    %scan3A_93 = arith.constant 0 : i32
    %scan3A_94 = arith.constant 62 : i32
    %scan3A_95 = arith.addi %scan3A_93, %scan3A_94 : i32
    %scan3A_96 = arith.constant 1 : i32
    scf.for %scan3A_117 = %scan3A_93 to %scan3A_95 step %scan3A_96  : i32 {
      %mul3A_118 = arith.constant 2 : i32
      %mul3A_119 = arith.muli %mul3A_118, %scan3A_117 : i32
      %dma_wait3A_120 = arith.constant 0 : i32
      %dma_wait3A_121 = arith.constant 0 : i32
      %dma_wait3A_122 = arith.constant 0 : i32
      %dma_wait3A_123 = tpu.memref_slice %arg2[%dma_wait3A_121, %add3A, %dma_wait3A_120, %dma_wait3A_122] : memref<2x32x125x80xi32, #tpu.memory_space<hbm>> -> memref<2x1x1x80xi32, #tpu.memory_space<hbm>>
      %dma_wait3A_124 = tpu.memref_squeeze %dma_wait3A_123 : memref<2x1x1x80xi32, #tpu.memory_space<hbm>> -> memref<2x80xi32, #tpu.memory_space<hbm>>
      %dma_wait3A_125 = arith.constant 0 : i32
      %dma_wait3A_126 = arith.constant 0 : i32
      %dma_wait3A_127 = tpu.memref_slice %arg2[%dma_wait3A_125, %add3A, %dma_wait3A_120, %dma_wait3A_126] : memref<2x32x125x80xi32, #tpu.memory_space<hbm>> -> memref<2x1x1x80xi32, #tpu.memory_space<hbm>>
      %dma_wait3A_128 = tpu.memref_squeeze %dma_wait3A_127 : memref<2x1x1x80xi32, #tpu.memory_space<hbm>> -> memref<2x80xi32, #tpu.memory_space<hbm>>
      tpu.wait_dma2 semaphore(%arg16 : memref<!tpu.dma_semaphore, #tpu.memory_space<semaphore_mem>>) src(%dma_wait3A_128 : memref<2x80xi32, #tpu.memory_space<hbm>>) dst(%arg7 : memref<2x80xi32, #tpu.memory_space<vmem>>)
      %dma_wait3A_129 = arith.constant 0 : i32
      %dma_wait3A_130 = tpu.memref_slice %arg3[%dma_wait3A_129] : memref<320000xf32, #tpu.memory_space<hbm>> -> memref<80xf32, #tpu.memory_space<hbm>>
      %dma_wait3A_131 = arith.constant 0 : i32
      %dma_wait3A_132 = tpu.memref_slice %arg3[%dma_wait3A_131] : memref<320000xf32, #tpu.memory_space<hbm>> -> memref<80xf32, #tpu.memory_space<hbm>>
      tpu.wait_dma2 semaphore(%arg16 : memref<!tpu.dma_semaphore, #tpu.memory_space<semaphore_mem>>) src(%dma_wait3A_132 : memref<80xf32, #tpu.memory_space<hbm>>) dst(%arg9 : memref<80xf32, #tpu.memory_space<vmem>>)
      %dma_start3A_133 = arith.constant 1 : i32
      %dma_start3A_134 = arith.constant 0 : i32
      %dma_start3A_135 = tpu.memref_slice %arg7[%dma_start3A_133, %dma_start3A_134] : memref<2x80xi32, #tpu.memory_space<vmem>> -> memref<1x80xi32, #tpu.memory_space<vmem>>
      %dma_start3A_136 = tpu.memref_squeeze %dma_start3A_135 : memref<1x80xi32, #tpu.memory_space<vmem>> -> memref<80xi32, #tpu.memory_space<vmem>>
      %dma_start3A_137 = arith.constant 0 : i32
      %dma_start3A_138 = arith.constant 0 : i32
      %dma_start3A_139 = tpu.memref_slice %arg4[%dma_start3A_137, %dma_start3A_138] : memref<10000x32xi32, #tpu.memory_space<hbm>> -> memref<10000x32xi32, #tpu.memory_space<hbm>>
      tpu.enqueue_indirect_dma source(%dma_start3A_139 : memref<10000x32xi32, #tpu.memory_space<hbm>>) target(%arg11 : memref<80x32xi32, #tpu.memory_space<vmem>>) offsets(%dma_start3A_136 : memref<80xi32, #tpu.memory_space<vmem>>) semaphore(%arg14 : memref<!tpu.dma_semaphore, #tpu.memory_space<semaphore_mem>>)
      %dma_wait3A_140 = arith.constant 1 : i32
      %dma_wait3A_141 = arith.constant 0 : i32
      %dma_wait3A_142 = tpu.memref_slice %arg6[%dma_wait3A_140, %dma_wait3A_141] : memref<2x80xi32, #tpu.memory_space<vmem>> -> memref<1x80xi32, #tpu.memory_space<vmem>>
      %dma_wait3A_143 = tpu.memref_squeeze %dma_wait3A_142 : memref<1x80xi32, #tpu.memory_space<vmem>> -> memref<80xi32, #tpu.memory_space<vmem>>
      %dma_wait3A_144 = arith.constant 0 : i32
      %dma_wait3A_145 = arith.constant 0 : i32
      %dma_wait3A_146 = tpu.memref_slice %arg4[%dma_wait3A_144, %dma_wait3A_145] : memref<10000x32xi32, #tpu.memory_space<hbm>> -> memref<10000x32xi32, #tpu.memory_space<hbm>>
      tpu.wait_indirect_dma semaphore(%arg13 : memref<!tpu.dma_semaphore, #tpu.memory_space<semaphore_mem>>) src(%dma_wait3A_146 : memref<10000x32xi32, #tpu.memory_space<hbm>>) dst(%arg10 : memref<80x32xi32, #tpu.memory_space<vmem>>)
      %parallel_loop3A_147 = arith.constant 0 : i32
      %parallel_loop3A_148 = arith.constant 80 : i32
      %parallel_loop3A_149 = arith.constant 1 : i32
      scf.for %parallel_loop3A_205 = %parallel_loop3A_147 to %parallel_loop3A_148 step %parallel_loop3A_149  : i32 {
        %parallel_loop3A_206 = vector.broadcast %parallel_loop3A_205 : i32 to vector<16xi32>
        %parallel_loop3A_207 = tpu.vector_load_idx %arg8[%parallel_loop3A_206] : memref<80xf32, #tpu.memory_space<vmem>>[vector<16xi32>], vector<16xf32>,
        %parallel_loop3A_208 = arith.index_cast %parallel_loop3A_205 : i32 to index
        %parallel_loop3A_209 = arith.constant 0 : index
        %parallel_loop3A_210 = tpu.vector_load %arg10[%parallel_loop3A_208, %parallel_loop3A_209] {strides = array<i32>} : memref<80x32xi32, #tpu.memory_space<vmem>>, vector<16xi32>,
        %parallel_loop3A_211 = arith.constant 16 : i32
        %parallel_loop3A_212 = vector.broadcast %parallel_loop3A_211 : i32 to vector<16xi32>
        %parallel_loop3A_213 = arith.shli %parallel_loop3A_210, %parallel_loop3A_212 : vector<16xi32>
        %parallel_loop3A_214 = vector.bitcast %parallel_loop3A_213 : vector<16xi32> to vector<16xf32>
        %parallel_loop3A_215 = arith.andi %parallel_loop3A_210, %broadcast_in_dim3A_43 : vector<16xi32>
        %parallel_loop3A_216 = vector.bitcast %parallel_loop3A_215 : vector<16xi32> to vector<16xf32>
        %parallel_loop3A_217 = arith.mulf %parallel_loop3A_214, %parallel_loop3A_207 : vector<16xf32>
        %parallel_loop3A_218 = arith.index_cast %parallel_loop3A_205 : i32 to index
        %parallel_loop3A_219 = arith.constant 0 : index
        %parallel_loop3A_220 = tpu.vector_load %arg12[%parallel_loop3A_218, %parallel_loop3A_219] {strides = array<i32>} : memref<80x64xf32, #tpu.memory_space<vmem>>, vector<16xf32>,
        tpu.vector_store %arg12[%parallel_loop3A_218, %parallel_loop3A_219], %parallel_loop3A_217 {strides = array<i32>} : memref<80x64xf32, #tpu.memory_space<vmem>>, vector<16xf32>,
        %parallel_loop3A_221 = arith.mulf %parallel_loop3A_216, %parallel_loop3A_207 : vector<16xf32>
        %parallel_loop3A_222 = arith.index_cast %parallel_loop3A_205 : i32 to index
        %parallel_loop3A_223 = arith.constant 16 : index
        %parallel_loop3A_224 = tpu.vector_load %arg12[%parallel_loop3A_222, %parallel_loop3A_223] {strides = array<i32>} : memref<80x64xf32, #tpu.memory_space<vmem>>, vector<16xf32>,
        tpu.vector_store %arg12[%parallel_loop3A_222, %parallel_loop3A_223], %parallel_loop3A_221 {strides = array<i32>} : memref<80x64xf32, #tpu.memory_space<vmem>>, vector<16xf32>,
        %parallel_loop3A_225 = arith.index_cast %parallel_loop3A_205 : i32 to index
        %parallel_loop3A_226 = arith.constant 16 : index
        %parallel_loop3A_227 = tpu.vector_load %arg10[%parallel_loop3A_225, %parallel_loop3A_226] {strides = array<i32>} : memref<80x32xi32, #tpu.memory_space<vmem>>, vector<16xi32>,
        %parallel_loop3A_228 = arith.constant 16 : i32
        %parallel_loop3A_229 = vector.broadcast %parallel_loop3A_228 : i32 to vector<16xi32>
        %parallel_loop3A_230 = arith.shli %parallel_loop3A_227, %parallel_loop3A_229 : vector<16xi32>
        %parallel_loop3A_231 = vector.bitcast %parallel_loop3A_230 : vector<16xi32> to vector<16xf32>
        %parallel_loop3A_232 = arith.andi %parallel_loop3A_227, %broadcast_in_dim3A_43 : vector<16xi32>
        %parallel_loop3A_233 = vector.bitcast %parallel_loop3A_232 : vector<16xi32> to vector<16xf32>
        %parallel_loop3A_234 = arith.mulf %parallel_loop3A_231, %parallel_loop3A_207 : vector<16xf32>
        %parallel_loop3A_235 = arith.index_cast %parallel_loop3A_205 : i32 to index
        %parallel_loop3A_236 = arith.constant 32 : index
        %parallel_loop3A_237 = tpu.vector_load %arg12[%parallel_loop3A_235, %parallel_loop3A_236] {strides = array<i32>} : memref<80x64xf32, #tpu.memory_space<vmem>>, vector<16xf32>,
        tpu.vector_store %arg12[%parallel_loop3A_235, %parallel_loop3A_236], %parallel_loop3A_234 {strides = array<i32>} : memref<80x64xf32, #tpu.memory_space<vmem>>, vector<16xf32>,
        %parallel_loop3A_238 = arith.mulf %parallel_loop3A_233, %parallel_loop3A_207 : vector<16xf32>
        %parallel_loop3A_239 = arith.index_cast %parallel_loop3A_205 : i32 to index
        %parallel_loop3A_240 = arith.constant 48 : index
        %parallel_loop3A_241 = tpu.vector_load %arg12[%parallel_loop3A_239, %parallel_loop3A_240] {strides = array<i32>} : memref<80x64xf32, #tpu.memory_space<vmem>>, vector<16xf32>,
        tpu.vector_store %arg12[%parallel_loop3A_239, %parallel_loop3A_240], %parallel_loop3A_238 {strides = array<i32>} : memref<80x64xf32, #tpu.memory_space<vmem>>, vector<16xf32>,
      } {sc.loop_unroll_factor = 8 : i64, sc.parallel_access}
      %run_scoped3A_150 = arith.constant 0 : i32
      "tpu.region"() ({
        %run_scoped3A_205 = tpu.sem_alloc : memref<!tpu.dma_semaphore, #tpu.memory_space<semaphore_mem>>
        %dma_start3A_206 = arith.constant 0 : i32
        %dma_start3A_207 = tpu.memref_slice %arg6[%run_scoped3A_150, %dma_start3A_206] : memref<2x80xi32, #tpu.memory_space<vmem>> -> memref<1x80xi32, #tpu.memory_space<vmem>>
        %dma_start3A_208 = tpu.memref_squeeze %dma_start3A_207 : memref<1x80xi32, #tpu.memory_space<vmem>> -> memref<80xi32, #tpu.memory_space<vmem>>
        %dma_start3A_209 = arith.constant 0 : i32
        %dma_start3A_210 = arith.constant 0 : i32
        %dma_start3A_211 = tpu.memref_slice %arg17[%dma_start3A_209, %dma_start3A_210] : memref<10000x64xf32, #tpu.memory_space<vmem_shared>> -> memref<10000x64xf32, #tpu.memory_space<vmem_shared>>
        tpu.enqueue_indirect_dma source(%arg12 : memref<80x64xf32, #tpu.memory_space<vmem>>) target(%dma_start3A_211 : memref<10000x64xf32, #tpu.memory_space<vmem_shared>>) offsets(%dma_start3A_208 : memref<80xi32, #tpu.memory_space<vmem>>) semaphore(%run_scoped3A_205 : memref<!tpu.dma_semaphore, #tpu.memory_space<semaphore_mem>>) {add = true}
        %dma_wait3A_212 = arith.constant 0 : i32
        %dma_wait3A_213 = tpu.memref_slice %arg6[%run_scoped3A_150, %dma_wait3A_212] : memref<2x80xi32, #tpu.memory_space<vmem>> -> memref<1x80xi32, #tpu.memory_space<vmem>>
        %dma_wait3A_214 = tpu.memref_squeeze %dma_wait3A_213 : memref<1x80xi32, #tpu.memory_space<vmem>> -> memref<80xi32, #tpu.memory_space<vmem>>
        %dma_wait3A_215 = arith.constant 0 : i32
        %dma_wait3A_216 = arith.constant 0 : i32
        %dma_wait3A_217 = tpu.memref_slice %arg17[%dma_wait3A_215, %dma_wait3A_216] : memref<10000x64xf32, #tpu.memory_space<vmem_shared>> -> memref<10000x64xf32, #tpu.memory_space<vmem_shared>>
        tpu.wait_indirect_dma semaphore(%run_scoped3A_205 : memref<!tpu.dma_semaphore, #tpu.memory_space<semaphore_mem>>) src(%arg12 : memref<80x64xf32, #tpu.memory_space<vmem>>) dst(%dma_wait3A_217 : memref<10000x64xf32, #tpu.memory_space<vmem_shared>>)
        tpu.yield
      }) : () -> ()
      %add3A_151 = arith.constant 2 : i32
      %add3A_152 = arith.addi %mul3A_119, %add3A_151 : i32
      %dma_start3A_153 = arith.constant 0 : i32
      %dma_start3A_154 = arith.constant 0 : i32
      %dma_start3A_155 = tpu.memref_slice %arg2[%dma_start3A_153, %add3A, %add3A_152, %dma_start3A_154] : memref<2x32x125x80xi32, #tpu.memory_space<hbm>> -> memref<2x1x1x80xi32, #tpu.memory_space<hbm>>
      %dma_start3A_156 = tpu.memref_squeeze %dma_start3A_155 : memref<2x1x1x80xi32, #tpu.memory_space<hbm>> -> memref<2x80xi32, #tpu.memory_space<hbm>>
      %dma_start3A_157 = arith.constant 0 : i32
      %dma_start3A_158 = arith.constant 0 : i32
      %dma_start3A_159 = tpu.memref_slice %arg2[%dma_start3A_157, %add3A, %add3A_152, %dma_start3A_158] : memref<2x32x125x80xi32, #tpu.memory_space<hbm>> -> memref<2x1x1x80xi32, #tpu.memory_space<hbm>>
      %dma_start3A_160 = tpu.memref_squeeze %dma_start3A_159 : memref<2x1x1x80xi32, #tpu.memory_space<hbm>> -> memref<2x80xi32, #tpu.memory_space<hbm>>
      tpu.enqueue_dma source(%dma_start3A_160 : memref<2x80xi32, #tpu.memory_space<hbm>>) target(%arg6 : memref<2x80xi32, #tpu.memory_space<vmem>>) target_semaphore(%arg15 : memref<!tpu.dma_semaphore, #tpu.memory_space<semaphore_mem>>)
      %mul3A_161 = arith.constant 10000 : i32
      %mul3A_162 = arith.muli %add3A, %mul3A_161 : i32
      %mul3A_163 = arith.constant 80 : i32
      %mul3A_164 = arith.muli %add3A_152, %mul3A_163 : i32
      %add3A_165 = arith.addi %mul3A_162, %mul3A_164 : i32
      %dma_start3A_166 = tpu.memref_slice %arg3[%add3A_165] : memref<320000xf32, #tpu.memory_space<hbm>> -> memref<80xf32, #tpu.memory_space<hbm>>
      %dma_start3A_167 = tpu.memref_slice %arg3[%add3A_165] : memref<320000xf32, #tpu.memory_space<hbm>> -> memref<80xf32, #tpu.memory_space<hbm>>
      tpu.enqueue_dma source(%dma_start3A_167 : memref<80xf32, #tpu.memory_space<hbm>>) target(%arg8 : memref<80xf32, #tpu.memory_space<vmem>>) target_semaphore(%arg15 : memref<!tpu.dma_semaphore, #tpu.memory_space<semaphore_mem>>)
      %dma_wait3A_168 = arith.constant 0 : i32
      %dma_wait3A_169 = arith.constant 0 : i32
      %dma_wait3A_170 = arith.constant 0 : i32
      %dma_wait3A_171 = tpu.memref_slice %arg2[%dma_wait3A_169, %add3A, %dma_wait3A_168, %dma_wait3A_170] : memref<2x32x125x80xi32, #tpu.memory_space<hbm>> -> memref<2x1x1x80xi32, #tpu.memory_space<hbm>>
      %dma_wait3A_172 = tpu.memref_squeeze %dma_wait3A_171 : memref<2x1x1x80xi32, #tpu.memory_space<hbm>> -> memref<2x80xi32, #tpu.memory_space<hbm>>
      %dma_wait3A_173 = arith.constant 0 : i32
      %dma_wait3A_174 = arith.constant 0 : i32
      %dma_wait3A_175 = tpu.memref_slice %arg2[%dma_wait3A_173, %add3A, %dma_wait3A_168, %dma_wait3A_174] : memref<2x32x125x80xi32, #tpu.memory_space<hbm>> -> memref<2x1x1x80xi32, #tpu.memory_space<hbm>>
      %dma_wait3A_176 = tpu.memref_squeeze %dma_wait3A_175 : memref<2x1x1x80xi32, #tpu.memory_space<hbm>> -> memref<2x80xi32, #tpu.memory_space<hbm>>
      tpu.wait_dma2 semaphore(%arg15 : memref<!tpu.dma_semaphore, #tpu.memory_space<semaphore_mem>>) src(%dma_wait3A_176 : memref<2x80xi32, #tpu.memory_space<hbm>>) dst(%arg6 : memref<2x80xi32, #tpu.memory_space<vmem>>)
      %dma_wait3A_177 = arith.constant 0 : i32
      %dma_wait3A_178 = tpu.memref_slice %arg3[%dma_wait3A_177] : memref<320000xf32, #tpu.memory_space<hbm>> -> memref<80xf32, #tpu.memory_space<hbm>>
      %dma_wait3A_179 = arith.constant 0 : i32
      %dma_wait3A_180 = tpu.memref_slice %arg3[%dma_wait3A_179] : memref<320000xf32, #tpu.memory_space<hbm>> -> memref<80xf32, #tpu.memory_space<hbm>>
      tpu.wait_dma2 semaphore(%arg15 : memref<!tpu.dma_semaphore, #tpu.memory_space<semaphore_mem>>) src(%dma_wait3A_180 : memref<80xf32, #tpu.memory_space<hbm>>) dst(%arg8 : memref<80xf32, #tpu.memory_space<vmem>>)
      %dma_start3A_181 = arith.constant 1 : i32
      %dma_start3A_182 = arith.constant 0 : i32
      %dma_start3A_183 = tpu.memref_slice %arg6[%dma_start3A_181, %dma_start3A_182] : memref<2x80xi32, #tpu.memory_space<vmem>> -> memref<1x80xi32, #tpu.memory_space<vmem>>
      %dma_start3A_184 = tpu.memref_squeeze %dma_start3A_183 : memref<1x80xi32, #tpu.memory_space<vmem>> -> memref<80xi32, #tpu.memory_space<vmem>>
      %dma_start3A_185 = arith.constant 0 : i32
      %dma_start3A_186 = arith.constant 0 : i32
      %dma_start3A_187 = tpu.memref_slice %arg4[%dma_start3A_185, %dma_start3A_186] : memref<10000x32xi32, #tpu.memory_space<hbm>> -> memref<10000x32xi32, #tpu.memory_space<hbm>>
      tpu.enqueue_indirect_dma source(%dma_start3A_187 : memref<10000x32xi32, #tpu.memory_space<hbm>>) target(%arg10 : memref<80x32xi32, #tpu.memory_space<vmem>>) offsets(%dma_start3A_184 : memref<80xi32, #tpu.memory_space<vmem>>) semaphore(%arg13 : memref<!tpu.dma_semaphore, #tpu.memory_space<semaphore_mem>>)
      %dma_wait3A_188 = arith.constant 1 : i32
      %dma_wait3A_189 = arith.constant 0 : i32
      %dma_wait3A_190 = tpu.memref_slice %arg7[%dma_wait3A_188, %dma_wait3A_189] : memref<2x80xi32, #tpu.memory_space<vmem>> -> memref<1x80xi32, #tpu.memory_space<vmem>>
      %dma_wait3A_191 = tpu.memref_squeeze %dma_wait3A_190 : memref<1x80xi32, #tpu.memory_space<vmem>> -> memref<80xi32, #tpu.memory_space<vmem>>
      %dma_wait3A_192 = arith.constant 0 : i32
      %dma_wait3A_193 = arith.constant 0 : i32
      %dma_wait3A_194 = tpu.memref_slice %arg4[%dma_wait3A_192, %dma_wait3A_193] : memref<10000x32xi32, #tpu.memory_space<hbm>> -> memref<10000x32xi32, #tpu.memory_space<hbm>>
      tpu.wait_indirect_dma semaphore(%arg14 : memref<!tpu.dma_semaphore, #tpu.memory_space<semaphore_mem>>) src(%dma_wait3A_194 : memref<10000x32xi32, #tpu.memory_space<hbm>>) dst(%arg11 : memref<80x32xi32, #tpu.memory_space<vmem>>)
      %parallel_loop3A_195 = arith.constant 0 : i32
      %parallel_loop3A_196 = arith.constant 80 : i32
      %parallel_loop3A_197 = arith.constant 1 : i32
      scf.for %parallel_loop3A_205 = %parallel_loop3A_195 to %parallel_loop3A_196 step %parallel_loop3A_197  : i32 {
        %parallel_loop3A_206 = vector.broadcast %parallel_loop3A_205 : i32 to vector<16xi32>
        %parallel_loop3A_207 = tpu.vector_load_idx %arg9[%parallel_loop3A_206] : memref<80xf32, #tpu.memory_space<vmem>>[vector<16xi32>], vector<16xf32>,
        %parallel_loop3A_208 = arith.index_cast %parallel_loop3A_205 : i32 to index
        %parallel_loop3A_209 = arith.constant 0 : index
        %parallel_loop3A_210 = tpu.vector_load %arg11[%parallel_loop3A_208, %parallel_loop3A_209] {strides = array<i32>} : memref<80x32xi32, #tpu.memory_space<vmem>>, vector<16xi32>,
        %parallel_loop3A_211 = arith.constant 16 : i32
        %parallel_loop3A_212 = vector.broadcast %parallel_loop3A_211 : i32 to vector<16xi32>
        %parallel_loop3A_213 = arith.shli %parallel_loop3A_210, %parallel_loop3A_212 : vector<16xi32>
        %parallel_loop3A_214 = vector.bitcast %parallel_loop3A_213 : vector<16xi32> to vector<16xf32>
        %parallel_loop3A_215 = arith.andi %parallel_loop3A_210, %broadcast_in_dim3A_43 : vector<16xi32>
        %parallel_loop3A_216 = vector.bitcast %parallel_loop3A_215 : vector<16xi32> to vector<16xf32>
        %parallel_loop3A_217 = arith.mulf %parallel_loop3A_214, %parallel_loop3A_207 : vector<16xf32>
        %parallel_loop3A_218 = arith.index_cast %parallel_loop3A_205 : i32 to index
        %parallel_loop3A_219 = arith.constant 0 : index
        %parallel_loop3A_220 = tpu.vector_load %arg12[%parallel_loop3A_218, %parallel_loop3A_219] {strides = array<i32>} : memref<80x64xf32, #tpu.memory_space<vmem>>, vector<16xf32>,
        tpu.vector_store %arg12[%parallel_loop3A_218, %parallel_loop3A_219], %parallel_loop3A_217 {strides = array<i32>} : memref<80x64xf32, #tpu.memory_space<vmem>>, vector<16xf32>,
        %parallel_loop3A_221 = arith.mulf %parallel_loop3A_216, %parallel_loop3A_207 : vector<16xf32>
        %parallel_loop3A_222 = arith.index_cast %parallel_loop3A_205 : i32 to index
        %parallel_loop3A_223 = arith.constant 16 : index
        %parallel_loop3A_224 = tpu.vector_load %arg12[%parallel_loop3A_222, %parallel_loop3A_223] {strides = array<i32>} : memref<80x64xf32, #tpu.memory_space<vmem>>, vector<16xf32>,
        tpu.vector_store %arg12[%parallel_loop3A_222, %parallel_loop3A_223], %parallel_loop3A_221 {strides = array<i32>} : memref<80x64xf32, #tpu.memory_space<vmem>>, vector<16xf32>,
        %parallel_loop3A_225 = arith.index_cast %parallel_loop3A_205 : i32 to index
        %parallel_loop3A_226 = arith.constant 16 : index
        %parallel_loop3A_227 = tpu.vector_load %arg11[%parallel_loop3A_225, %parallel_loop3A_226] {strides = array<i32>} : memref<80x32xi32, #tpu.memory_space<vmem>>, vector<16xi32>,
        %parallel_loop3A_228 = arith.constant 16 : i32
        %parallel_loop3A_229 = vector.broadcast %parallel_loop3A_228 : i32 to vector<16xi32>
        %parallel_loop3A_230 = arith.shli %parallel_loop3A_227, %parallel_loop3A_229 : vector<16xi32>
        %parallel_loop3A_231 = vector.bitcast %parallel_loop3A_230 : vector<16xi32> to vector<16xf32>
        %parallel_loop3A_232 = arith.andi %parallel_loop3A_227, %broadcast_in_dim3A_43 : vector<16xi32>
        %parallel_loop3A_233 = vector.bitcast %parallel_loop3A_232 : vector<16xi32> to vector<16xf32>
        %parallel_loop3A_234 = arith.mulf %parallel_loop3A_231, %parallel_loop3A_207 : vector<16xf32>
        %parallel_loop3A_235 = arith.index_cast %parallel_loop3A_205 : i32 to index
        %parallel_loop3A_236 = arith.constant 32 : index
        %parallel_loop3A_237 = tpu.vector_load %arg12[%parallel_loop3A_235, %parallel_loop3A_236] {strides = array<i32>} : memref<80x64xf32, #tpu.memory_space<vmem>>, vector<16xf32>,
        tpu.vector_store %arg12[%parallel_loop3A_235, %parallel_loop3A_236], %parallel_loop3A_234 {strides = array<i32>} : memref<80x64xf32, #tpu.memory_space<vmem>>, vector<16xf32>,
        %parallel_loop3A_238 = arith.mulf %parallel_loop3A_233, %parallel_loop3A_207 : vector<16xf32>
        %parallel_loop3A_239 = arith.index_cast %parallel_loop3A_205 : i32 to index
        %parallel_loop3A_240 = arith.constant 48 : index
        %parallel_loop3A_241 = tpu.vector_load %arg12[%parallel_loop3A_239, %parallel_loop3A_240] {strides = array<i32>} : memref<80x64xf32, #tpu.memory_space<vmem>>, vector<16xf32>,
        tpu.vector_store %arg12[%parallel_loop3A_239, %parallel_loop3A_240], %parallel_loop3A_238 {strides = array<i32>} : memref<80x64xf32, #tpu.memory_space<vmem>>, vector<16xf32>,
      } {sc.loop_unroll_factor = 8 : i64, sc.parallel_access}
      %run_scoped3A_198 = arith.constant 0 : i32
      "tpu.region"() ({
        %run_scoped3A_205 = tpu.sem_alloc : memref<!tpu.dma_semaphore, #tpu.memory_space<semaphore_mem>>
        %dma_start3A_206 = arith.constant 0 : i32
        %dma_start3A_207 = tpu.memref_slice %arg7[%run_scoped3A_198, %dma_start3A_206] : memref<2x80xi32, #tpu.memory_space<vmem>> -> memref<1x80xi32, #tpu.memory_space<vmem>>
        %dma_start3A_208 = tpu.memref_squeeze %dma_start3A_207 : memref<1x80xi32, #tpu.memory_space<vmem>> -> memref<80xi32, #tpu.memory_space<vmem>>
        %dma_start3A_209 = arith.constant 0 : i32
        %dma_start3A_210 = arith.constant 0 : i32
        %dma_start3A_211 = tpu.memref_slice %arg17[%dma_start3A_209, %dma_start3A_210] : memref<10000x64xf32, #tpu.memory_space<vmem_shared>> -> memref<10000x64xf32, #tpu.memory_space<vmem_shared>>
        tpu.enqueue_indirect_dma source(%arg12 : memref<80x64xf32, #tpu.memory_space<vmem>>) target(%dma_start3A_211 : memref<10000x64xf32, #tpu.memory_space<vmem_shared>>) offsets(%dma_start3A_208 : memref<80xi32, #tpu.memory_space<vmem>>) semaphore(%run_scoped3A_205 : memref<!tpu.dma_semaphore, #tpu.memory_space<semaphore_mem>>) {add = true}
        %dma_wait3A_212 = arith.constant 0 : i32
        %dma_wait3A_213 = tpu.memref_slice %arg7[%run_scoped3A_198, %dma_wait3A_212] : memref<2x80xi32, #tpu.memory_space<vmem>> -> memref<1x80xi32, #tpu.memory_space<vmem>>
        %dma_wait3A_214 = tpu.memref_squeeze %dma_wait3A_213 : memref<1x80xi32, #tpu.memory_space<vmem>> -> memref<80xi32, #tpu.memory_space<vmem>>
        %dma_wait3A_215 = arith.constant 0 : i32
        %dma_wait3A_216 = arith.constant 0 : i32
        %dma_wait3A_217 = tpu.memref_slice %arg17[%dma_wait3A_215, %dma_wait3A_216] : memref<10000x64xf32, #tpu.memory_space<vmem_shared>> -> memref<10000x64xf32, #tpu.memory_space<vmem_shared>>
        tpu.wait_indirect_dma semaphore(%run_scoped3A_205 : memref<!tpu.dma_semaphore, #tpu.memory_space<semaphore_mem>>) src(%arg12 : memref<80x64xf32, #tpu.memory_space<vmem>>) dst(%dma_wait3A_217 : memref<10000x64xf32, #tpu.memory_space<vmem_shared>>)
        tpu.yield
      }) : () -> ()
      %add3A_199 = arith.constant 3 : i32
      %add3A_200 = arith.addi %mul3A_119, %add3A_199 : i32
      %lt3A = arith.constant 125 : i32
      %lt3A_201 = arith.cmpi slt, %add3A_200, %lt3A : i32
      %convert_element_type3A_202 = arith.extui %lt3A_201 : i1 to i32
      %cond3A_203 = arith.constant 0 : i32
      %cond3A_204 = arith.cmpi ne, %convert_element_type3A_202, %cond3A_203 : i32
      scf.if %cond3A_204 {
        %add3A_205 = arith.constant 3 : i32
        %add3A_206 = arith.addi %mul3A_119, %add3A_205 : i32
        %dma_start3A_207 = arith.constant 0 : i32
        %dma_start3A_208 = arith.constant 0 : i32
        %dma_start3A_209 = tpu.memref_slice %arg2[%dma_start3A_207, %add3A, %add3A_206, %dma_start3A_208] : memref<2x32x125x80xi32, #tpu.memory_space<hbm>> -> memref<2x1x1x80xi32, #tpu.memory_space<hbm>>
        %dma_start3A_210 = tpu.memref_squeeze %dma_start3A_209 : memref<2x1x1x80xi32, #tpu.memory_space<hbm>> -> memref<2x80xi32, #tpu.memory_space<hbm>>
        %dma_start3A_211 = arith.constant 0 : i32
        %dma_start3A_212 = arith.constant 0 : i32
        %dma_start3A_213 = tpu.memref_slice %arg2[%dma_start3A_211, %add3A, %add3A_206, %dma_start3A_212] : memref<2x32x125x80xi32, #tpu.memory_space<hbm>> -> memref<2x1x1x80xi32, #tpu.memory_space<hbm>>
        %dma_start3A_214 = tpu.memref_squeeze %dma_start3A_213 : memref<2x1x1x80xi32, #tpu.memory_space<hbm>> -> memref<2x80xi32, #tpu.memory_space<hbm>>
        tpu.enqueue_dma source(%dma_start3A_214 : memref<2x80xi32, #tpu.memory_space<hbm>>) target(%arg7 : memref<2x80xi32, #tpu.memory_space<vmem>>) target_semaphore(%arg16 : memref<!tpu.dma_semaphore, #tpu.memory_space<semaphore_mem>>)
        %mul3A_215 = arith.constant 10000 : i32
        %mul3A_216 = arith.muli %add3A, %mul3A_215 : i32
        %mul3A_217 = arith.constant 80 : i32
        %mul3A_218 = arith.muli %add3A_206, %mul3A_217 : i32
        %add3A_219 = arith.addi %mul3A_216, %mul3A_218 : i32
        %dma_start3A_220 = tpu.memref_slice %arg3[%add3A_219] : memref<320000xf32, #tpu.memory_space<hbm>> -> memref<80xf32, #tpu.memory_space<hbm>>
        %dma_start3A_221 = tpu.memref_slice %arg3[%add3A_219] : memref<320000xf32, #tpu.memory_space<hbm>> -> memref<80xf32, #tpu.memory_space<hbm>>
        tpu.enqueue_dma source(%dma_start3A_221 : memref<80xf32, #tpu.memory_space<hbm>>) target(%arg9 : memref<80xf32, #tpu.memory_space<vmem>>) target_semaphore(%arg16 : memref<!tpu.dma_semaphore, #tpu.memory_space<semaphore_mem>>)
      } else {
      }
    }
    %scan3A_97 = arith.constant 62 : i32
    %dma_wait3A_98 = arith.constant 1 : i32
    %dma_wait3A_99 = arith.constant 0 : i32
    %dma_wait3A_100 = tpu.memref_slice %arg6[%dma_wait3A_98, %dma_wait3A_99] : memref<2x80xi32, #tpu.memory_space<vmem>> -> memref<1x80xi32, #tpu.memory_space<vmem>>
    %dma_wait3A_101 = tpu.memref_squeeze %dma_wait3A_100 : memref<1x80xi32, #tpu.memory_space<vmem>> -> memref<80xi32, #tpu.memory_space<vmem>>
    %dma_wait3A_102 = arith.constant 0 : i32
    %dma_wait3A_103 = arith.constant 0 : i32
    %dma_wait3A_104 = tpu.memref_slice %arg4[%dma_wait3A_102, %dma_wait3A_103] : memref<10000x32xi32, #tpu.memory_space<hbm>> -> memref<10000x32xi32, #tpu.memory_space<hbm>>
    tpu.wait_indirect_dma semaphore(%arg13 : memref<!tpu.dma_semaphore, #tpu.memory_space<semaphore_mem>>) src(%dma_wait3A_104 : memref<10000x32xi32, #tpu.memory_space<hbm>>) dst(%arg10 : memref<80x32xi32, #tpu.memory_space<vmem>>)
    %parallel_loop3A = arith.constant 0 : i32
    %parallel_loop3A_105 = arith.constant 80 : i32
    %parallel_loop3A_106 = arith.constant 1 : i32
    scf.for %parallel_loop3A_117 = %parallel_loop3A to %parallel_loop3A_105 step %parallel_loop3A_106  : i32 {
      %parallel_loop3A_118 = vector.broadcast %parallel_loop3A_117 : i32 to vector<16xi32>
      %parallel_loop3A_119 = tpu.vector_load_idx %arg8[%parallel_loop3A_118] : memref<80xf32, #tpu.memory_space<vmem>>[vector<16xi32>], vector<16xf32>,
      %parallel_loop3A_120 = arith.index_cast %parallel_loop3A_117 : i32 to index
      %parallel_loop3A_121 = arith.constant 0 : index
      %parallel_loop3A_122 = tpu.vector_load %arg10[%parallel_loop3A_120, %parallel_loop3A_121] {strides = array<i32>} : memref<80x32xi32, #tpu.memory_space<vmem>>, vector<16xi32>,
      %parallel_loop3A_123 = arith.constant 16 : i32
      %parallel_loop3A_124 = vector.broadcast %parallel_loop3A_123 : i32 to vector<16xi32>
      %parallel_loop3A_125 = arith.shli %parallel_loop3A_122, %parallel_loop3A_124 : vector<16xi32>
      %parallel_loop3A_126 = vector.bitcast %parallel_loop3A_125 : vector<16xi32> to vector<16xf32>
      %parallel_loop3A_127 = arith.andi %parallel_loop3A_122, %broadcast_in_dim3A_43 : vector<16xi32>
      %parallel_loop3A_128 = vector.bitcast %parallel_loop3A_127 : vector<16xi32> to vector<16xf32>
      %parallel_loop3A_129 = arith.mulf %parallel_loop3A_126, %parallel_loop3A_119 : vector<16xf32>
      %parallel_loop3A_130 = arith.index_cast %parallel_loop3A_117 : i32 to index
      %parallel_loop3A_131 = arith.constant 0 : index
      %parallel_loop3A_132 = tpu.vector_load %arg12[%parallel_loop3A_130, %parallel_loop3A_131] {strides = array<i32>} : memref<80x64xf32, #tpu.memory_space<vmem>>, vector<16xf32>,
      tpu.vector_store %arg12[%parallel_loop3A_130, %parallel_loop3A_131], %parallel_loop3A_129 {strides = array<i32>} : memref<80x64xf32, #tpu.memory_space<vmem>>, vector<16xf32>,
      %parallel_loop3A_133 = arith.mulf %parallel_loop3A_128, %parallel_loop3A_119 : vector<16xf32>
      %parallel_loop3A_134 = arith.index_cast %parallel_loop3A_117 : i32 to index
      %parallel_loop3A_135 = arith.constant 16 : index
      %parallel_loop3A_136 = tpu.vector_load %arg12[%parallel_loop3A_134, %parallel_loop3A_135] {strides = array<i32>} : memref<80x64xf32, #tpu.memory_space<vmem>>, vector<16xf32>,
      tpu.vector_store %arg12[%parallel_loop3A_134, %parallel_loop3A_135], %parallel_loop3A_133 {strides = array<i32>} : memref<80x64xf32, #tpu.memory_space<vmem>>, vector<16xf32>,
      %parallel_loop3A_137 = arith.index_cast %parallel_loop3A_117 : i32 to index
      %parallel_loop3A_138 = arith.constant 16 : index
      %parallel_loop3A_139 = tpu.vector_load %arg10[%parallel_loop3A_137, %parallel_loop3A_138] {strides = array<i32>} : memref<80x32xi32, #tpu.memory_space<vmem>>, vector<16xi32>,
      %parallel_loop3A_140 = arith.constant 16 : i32
      %parallel_loop3A_141 = vector.broadcast %parallel_loop3A_140 : i32 to vector<16xi32>
      %parallel_loop3A_142 = arith.shli %parallel_loop3A_139, %parallel_loop3A_141 : vector<16xi32>
      %parallel_loop3A_143 = vector.bitcast %parallel_loop3A_142 : vector<16xi32> to vector<16xf32>
      %parallel_loop3A_144 = arith.andi %parallel_loop3A_139, %broadcast_in_dim3A_43 : vector<16xi32>
      %parallel_loop3A_145 = vector.bitcast %parallel_loop3A_144 : vector<16xi32> to vector<16xf32>
      %parallel_loop3A_146 = arith.mulf %parallel_loop3A_143, %parallel_loop3A_119 : vector<16xf32>
      %parallel_loop3A_147 = arith.index_cast %parallel_loop3A_117 : i32 to index
      %parallel_loop3A_148 = arith.constant 32 : index
      %parallel_loop3A_149 = tpu.vector_load %arg12[%parallel_loop3A_147, %parallel_loop3A_148] {strides = array<i32>} : memref<80x64xf32, #tpu.memory_space<vmem>>, vector<16xf32>,
      tpu.vector_store %arg12[%parallel_loop3A_147, %parallel_loop3A_148], %parallel_loop3A_146 {strides = array<i32>} : memref<80x64xf32, #tpu.memory_space<vmem>>, vector<16xf32>,
      %parallel_loop3A_150 = arith.mulf %parallel_loop3A_145, %parallel_loop3A_119 : vector<16xf32>
      %parallel_loop3A_151 = arith.index_cast %parallel_loop3A_117 : i32 to index
      %parallel_loop3A_152 = arith.constant 48 : index
      %parallel_loop3A_153 = tpu.vector_load %arg12[%parallel_loop3A_151, %parallel_loop3A_152] {strides = array<i32>} : memref<80x64xf32, #tpu.memory_space<vmem>>, vector<16xf32>,
      tpu.vector_store %arg12[%parallel_loop3A_151, %parallel_loop3A_152], %parallel_loop3A_150 {strides = array<i32>} : memref<80x64xf32, #tpu.memory_space<vmem>>, vector<16xf32>,
    } {sc.loop_unroll_factor = 8 : i64, sc.parallel_access}
    %run_scoped3A = arith.constant 0 : i32
    "tpu.region"() ({
      %run_scoped3A_117 = tpu.sem_alloc : memref<!tpu.dma_semaphore, #tpu.memory_space<semaphore_mem>>
      %dma_start3A_118 = arith.constant 0 : i32
      %dma_start3A_119 = tpu.memref_slice %arg6[%run_scoped3A, %dma_start3A_118] : memref<2x80xi32, #tpu.memory_space<vmem>> -> memref<1x80xi32, #tpu.memory_space<vmem>>
      %dma_start3A_120 = tpu.memref_squeeze %dma_start3A_119 : memref<1x80xi32, #tpu.memory_space<vmem>> -> memref<80xi32, #tpu.memory_space<vmem>>
      %dma_start3A_121 = arith.constant 0 : i32
      %dma_start3A_122 = arith.constant 0 : i32
      %dma_start3A_123 = tpu.memref_slice %arg17[%dma_start3A_121, %dma_start3A_122] : memref<10000x64xf32, #tpu.memory_space<vmem_shared>> -> memref<10000x64xf32, #tpu.memory_space<vmem_shared>>
      tpu.enqueue_indirect_dma source(%arg12 : memref<80x64xf32, #tpu.memory_space<vmem>>) target(%dma_start3A_123 : memref<10000x64xf32, #tpu.memory_space<vmem_shared>>) offsets(%dma_start3A_120 : memref<80xi32, #tpu.memory_space<vmem>>) semaphore(%run_scoped3A_117 : memref<!tpu.dma_semaphore, #tpu.memory_space<semaphore_mem>>) {add = true}
      %dma_wait3A_124 = arith.constant 0 : i32
      %dma_wait3A_125 = tpu.memref_slice %arg6[%run_scoped3A, %dma_wait3A_124] : memref<2x80xi32, #tpu.memory_space<vmem>> -> memref<1x80xi32, #tpu.memory_space<vmem>>
      %dma_wait3A_126 = tpu.memref_squeeze %dma_wait3A_125 : memref<1x80xi32, #tpu.memory_space<vmem>> -> memref<80xi32, #tpu.memory_space<vmem>>
      %dma_wait3A_127 = arith.constant 0 : i32
      %dma_wait3A_128 = arith.constant 0 : i32
      %dma_wait3A_129 = tpu.memref_slice %arg17[%dma_wait3A_127, %dma_wait3A_128] : memref<10000x64xf32, #tpu.memory_space<vmem_shared>> -> memref<10000x64xf32, #tpu.memory_space<vmem_shared>>
      tpu.wait_indirect_dma semaphore(%run_scoped3A_117 : memref<!tpu.dma_semaphore, #tpu.memory_space<semaphore_mem>>) src(%arg12 : memref<80x64xf32, #tpu.memory_space<vmem>>) dst(%dma_wait3A_129 : memref<10000x64xf32, #tpu.memory_space<vmem_shared>>)
      tpu.yield
    }) : () -> ()
    %barrier3A_107 = arith.constant 0 : index
    tpu.barrier barrier_id(%barrier3A_107)
    %mul3A_108 = arith.constant 624 : i32
    %mul3A_109 = arith.muli %arg1, %mul3A_108 : i32
    %mul3A_110 = arith.constant 624 : i32
    %mul3A_111 = arith.muli %arg1, %mul3A_110 : i32
    "tpu.region"() ({
      %run_scoped3A_117 = tpu.sem_alloc : memref<!tpu.dma_semaphore, #tpu.memory_space<semaphore_mem>>
      %dma_start3A_118 = arith.constant 0 : i32
      %dma_start3A_119 = tpu.memref_slice %arg5[%arg0, %mul3A_111, %dma_start3A_118] : memref<2x10000x64xf32, #tpu.memory_space<hbm>> -> memref<1x624x64xf32, #tpu.memory_space<hbm>>
      %dma_start3A_120 = tpu.memref_squeeze %dma_start3A_119 : memref<1x624x64xf32, #tpu.memory_space<hbm>> -> memref<624x64xf32, #tpu.memory_space<hbm>>
      %dma_start3A_121 = arith.constant 0 : i32
      %dma_start3A_122 = tpu.memref_slice %arg17[%mul3A_109, %dma_start3A_121] : memref<10000x64xf32, #tpu.memory_space<vmem_shared>> -> memref<624x64xf32, #tpu.memory_space<vmem_shared>>
      tpu.enqueue_dma source(%dma_start3A_122 : memref<624x64xf32, #tpu.memory_space<vmem_shared>>) target(%dma_start3A_120 : memref<624x64xf32, #tpu.memory_space<hbm>>) target_semaphore(%run_scoped3A_117 : memref<!tpu.dma_semaphore, #tpu.memory_space<semaphore_mem>>)
      %dma_wait3A_123 = arith.constant 0 : i32
      %dma_wait3A_124 = tpu.memref_slice %arg5[%arg0, %mul3A_111, %dma_wait3A_123] : memref<2x10000x64xf32, #tpu.memory_space<hbm>> -> memref<1x624x64xf32, #tpu.memory_space<hbm>>
      %dma_wait3A_125 = tpu.memref_squeeze %dma_wait3A_124 : memref<1x624x64xf32, #tpu.memory_space<hbm>> -> memref<624x64xf32, #tpu.memory_space<hbm>>
      %dma_wait3A_126 = arith.constant 0 : i32
      %dma_wait3A_127 = tpu.memref_slice %arg17[%mul3A_109, %dma_wait3A_126] : memref<10000x64xf32, #tpu.memory_space<vmem_shared>> -> memref<624x64xf32, #tpu.memory_space<vmem_shared>>
      tpu.wait_dma2 semaphore(%run_scoped3A_117 : memref<!tpu.dma_semaphore, #tpu.memory_space<semaphore_mem>>) src(%dma_wait3A_127 : memref<624x64xf32, #tpu.memory_space<vmem_shared>>) dst(%dma_wait3A_125 : memref<624x64xf32, #tpu.memory_space<hbm>>)
      tpu.yield
    }) : () -> ()
    %eq3A_112 = arith.constant 15 : i32
    %eq3A_113 = arith.cmpi eq, %arg1, %eq3A_112 : i32
    %convert_element_type3A_114 = arith.extui %eq3A_113 : i1 to i32
    %cond3A_115 = arith.constant 0 : i32
    %cond3A_116 = arith.cmpi ne, %convert_element_type3A_114, %cond3A_115 : i32
    scf.if %cond3A_116 {
      "tpu.region"() ({
        %run_scoped3A_117 = tpu.sem_alloc : memref<!tpu.dma_semaphore, #tpu.memory_space<semaphore_mem>>
        %dma_start3A_118 = arith.constant 9984 : i32
        %dma_start3A_119 = arith.constant 0 : i32
        %dma_start3A_120 = tpu.memref_slice %arg5[%arg0, %dma_start3A_118, %dma_start3A_119] : memref<2x10000x64xf32, #tpu.memory_space<hbm>> -> memref<1x16x64xf32, #tpu.memory_space<hbm>>
        %dma_start3A_121 = tpu.memref_squeeze %dma_start3A_120 : memref<1x16x64xf32, #tpu.memory_space<hbm>> -> memref<16x64xf32, #tpu.memory_space<hbm>>
        %dma_start3A_122 = arith.constant 9984 : i32
        %dma_start3A_123 = arith.constant 0 : i32
        %dma_start3A_124 = tpu.memref_slice %arg17[%dma_start3A_122, %dma_start3A_123] : memref<10000x64xf32, #tpu.memory_space<vmem_shared>> -> memref<16x64xf32, #tpu.memory_space<vmem_shared>>
        tpu.enqueue_dma source(%dma_start3A_124 : memref<16x64xf32, #tpu.memory_space<vmem_shared>>) target(%dma_start3A_121 : memref<16x64xf32, #tpu.memory_space<hbm>>) target_semaphore(%run_scoped3A_117 : memref<!tpu.dma_semaphore, #tpu.memory_space<semaphore_mem>>)
        %dma_wait3A_125 = arith.constant 9984 : i32
        %dma_wait3A_126 = arith.constant 0 : i32
        %dma_wait3A_127 = tpu.memref_slice %arg5[%arg0, %dma_wait3A_125, %dma_wait3A_126] : memref<2x10000x64xf32, #tpu.memory_space<hbm>> -> memref<1x16x64xf32, #tpu.memory_space<hbm>>
        %dma_wait3A_128 = tpu.memref_squeeze %dma_wait3A_127 : memref<1x16x64xf32, #tpu.memory_space<hbm>> -> memref<16x64xf32, #tpu.memory_space<hbm>>
        %dma_wait3A_129 = arith.constant 9984 : i32
        %dma_wait3A_130 = arith.constant 0 : i32
        %dma_wait3A_131 = tpu.memref_slice %arg17[%dma_wait3A_129, %dma_wait3A_130] : memref<10000x64xf32, #tpu.memory_space<vmem_shared>> -> memref<16x64xf32, #tpu.memory_space<vmem_shared>>
        tpu.wait_dma2 semaphore(%run_scoped3A_117 : memref<!tpu.dma_semaphore, #tpu.memory_space<semaphore_mem>>) src(%dma_wait3A_131 : memref<16x64xf32, #tpu.memory_space<vmem_shared>>) dst(%dma_wait3A_128 : memref<16x64xf32, #tpu.memory_space<hbm>>)
        tpu.yield
      }) : () -> ()
    } else {
    }
    return
  }
}

module attributes {stable_mosaic.version = 14 : i64} {
  func.func @_mm_body(%arg0: i32, %arg1: memref<1000x128xf32, #tpu.memory_space<vmem>>, %arg2: memref<128x128xf32, #tpu.memory_space<vmem>>, %arg3: memref<1000x64xi32, #tpu.memory_space<vmem>>) attributes {dimension_semantics = [#tpu.dimension_semantics<arbitrary>], iteration_bounds = array<i64: 10>, scalar_prefetch = 0 : i64, scratch_operands = 0 : i64, tpu.core_type = #tpu.core_type<tc>, window_params = [{transform_indices = @transform_0, window_bounds = array<i64: 1000, 128>}, {pipeline_mode = #tpu.pipeline_mode<synchronous>, transform_indices = @transform_1, window_bounds = array<i64: 128, 128>}, {transform_indices = @transform_2, window_bounds = array<i64: 1000, 64>}]} {
    %get3A = arith.constant 0 : index
    %get3A_0 = arith.constant 0 : index
    %get3A_1 = vector.load %arg1[%get3A, %get3A_0] : memref<1000x128xf32, #tpu.memory_space<vmem>>, vector<1000x128xf32>
    %get3A_2 = arith.constant 0 : index
    %get3A_3 = arith.constant 0 : index
    %get3A_4 = vector.load %arg2[%get3A_2, %get3A_3] : memref<128x128xf32, #tpu.memory_space<vmem>>, vector<128x128xf32>
    %dot_general3A = arith.constant dense<0.000000e+00> : vector<1000x128xf32>
    %dot_general3A_5 = tpu.matmul %get3A_1, %get3A_4, %dot_general3A {dimension_numbers = #tpu.dot_dimension_numbers<[1], [0], [0], [1], [0, 0, 1, 1], [], []>, transpose_lhs_hint = false} : vector<1000x128xf32>, vector<128x128xf32>, vector<1000x128xf32> -> vector<1000x128xf32>
    %bitcast_convert_type3A = tpu.bitcast %dot_general3A_5 : vector<1000x128xf32> -> vector<1000x128xi32>
    %add3A = arith.constant 32767 : i32
    %add3A_6 = vector.broadcast %add3A : i32 to vector<1000x128xi32>
    %add3A_7 = arith.addi %bitcast_convert_type3A, %add3A_6 : vector<1000x128xi32>
    %shift_right_logical3A = arith.constant 16 : i32
    %shift_right_logical3A_8 = vector.broadcast %shift_right_logical3A : i32 to vector<1000x128xi32>
    %shift_right_logical3A_9 = arith.shrui %bitcast_convert_type3A, %shift_right_logical3A_8 : vector<1000x128xi32>
    %and3A = arith.constant 1 : i32
    %and3A_10 = vector.broadcast %and3A : i32 to vector<1000x128xi32>
    %and3A_11 = arith.andi %shift_right_logical3A_9, %and3A_10 : vector<1000x128xi32>
    %add3A_12 = arith.addi %add3A_7, %and3A_11 : vector<1000x128xi32>
    %slice3A = vector.extract_strided_slice %add3A_12 {offsets = [0, 0], sizes = [1000, 64], strides = [1, 1]} : vector<1000x128xi32> to vector<1000x64xi32>
    %shift_right_logical3A_13 = arith.constant 16 : i32
    %shift_right_logical3A_14 = vector.broadcast %shift_right_logical3A_13 : i32 to vector<1000x64xi32>
    %shift_right_logical3A_15 = arith.shrui %slice3A, %shift_right_logical3A_14 : vector<1000x64xi32>
    %slice3A_16 = vector.extract_strided_slice %add3A_12 {offsets = [0, 64], sizes = [1000, 64], strides = [1, 1]} : vector<1000x128xi32> to vector<1000x64xi32>
    %and3A_17 = arith.constant -65536 : i32
    %and3A_18 = vector.broadcast %and3A_17 : i32 to vector<1000x64xi32>
    %and3A_19 = arith.andi %slice3A_16, %and3A_18 : vector<1000x64xi32>
    %or3A = arith.ori %shift_right_logical3A_15, %and3A_19 : vector<1000x64xi32>
    %bitcast_convert_type3A_20 = tpu.bitcast %or3A : vector<1000x64xi32> -> vector<1000x64xi32>
    %swap3A = arith.constant 0 : index
    %swap3A_21 = arith.constant 0 : index
    %swap3A_22 = vector.load %arg3[%swap3A, %swap3A_21] : memref<1000x64xi32, #tpu.memory_space<vmem>>, vector<1000x64xi32>
    tpu.vector_store %arg3[%swap3A, %swap3A_21], %bitcast_convert_type3A_20 {strides = array<i32>} : memref<1000x64xi32, #tpu.memory_space<vmem>>, vector<1000x64xi32>,
    return
  }
  func.func @transform_0(%arg0: i32) -> (i32, i32) {
    %c0_i32 = arith.constant 0 : i32
    %c0_i32_0 = arith.constant 0 : i32
    return %arg0, %c0_i32 : i32, i32
  }
  func.func @transform_1(%arg0: i32) -> (i32, i32) {
    %c0_i32 = arith.constant 0 : i32
    %c0_i32_0 = arith.constant 0 : i32
    %c0_i32_1 = arith.constant 0 : i32
    return %c0_i32, %c0_i32_0 : i32, i32
  }
  func.func @transform_2(%arg0: i32) -> (i32, i32) {
    %c0_i32 = arith.constant 0 : i32
    %c0_i32_0 = arith.constant 0 : i32
    return %arg0, %c0_i32 : i32, i32
  }
}

module attributes {stable_mosaic.version = 14 : i64} {
  func.func @_fuse_body(%arg0: i32, %arg1: memref<2x1000x128xf32, #tpu.memory_space<vmem>>, %arg2: memref<1x128xf32, #tpu.memory_space<vmem>>, %arg3: memref<128x64xf32, #tpu.memory_space<vmem>>, %arg4: memref<1000x32xi32, #tpu.memory_space<vmem>>) attributes {dimension_semantics = [#tpu.dimension_semantics<arbitrary>], iteration_bounds = array<i64: 10>, scalar_prefetch = 0 : i64, scratch_operands = 0 : i64, tpu.core_type = #tpu.core_type<tc>, window_params = [{transform_indices = @transform_0, window_bounds = array<i64: 2, 1000, 128>}, {pipeline_mode = #tpu.pipeline_mode<synchronous>, transform_indices = @transform_1, window_bounds = array<i64: 1, 128>}, {pipeline_mode = #tpu.pipeline_mode<synchronous>, transform_indices = @transform_2, window_bounds = array<i64: 128, 64>}, {transform_indices = @transform_3, window_bounds = array<i64: 1000, 32>}]} {
    %get3A = arith.constant 0 : index
    %get3A_0 = arith.constant 0 : index
    %get3A_1 = arith.constant 0 : index
    %get3A_2 = vector.load %arg1[%get3A, %get3A_0, %get3A_1] : memref<2x1000x128xf32, #tpu.memory_space<vmem>>, vector<1x1000x128xf32>
    %get3A_3 = vector.shape_cast %get3A_2 : vector<1x1000x128xf32> to vector<1000x128xf32>
    %get3A_4 = arith.constant 1 : index
    %get3A_5 = arith.constant 0 : index
    %get3A_6 = arith.constant 0 : index
    %get3A_7 = vector.load %arg1[%get3A_4, %get3A_5, %get3A_6] : memref<2x1000x128xf32, #tpu.memory_space<vmem>>, vector<1x1000x128xf32>
    %get3A_8 = vector.shape_cast %get3A_7 : vector<1x1000x128xf32> to vector<1000x128xf32>
    %add3A = arith.addf %get3A_3, %get3A_8 : vector<1000x128xf32>
    %get3A_9 = arith.constant 0 : index
    %get3A_10 = arith.constant 0 : index
    %get3A_11 = vector.load %arg2[%get3A_9, %get3A_10] : memref<1x128xf32, #tpu.memory_space<vmem>>, vector<1x128xf32>
    %add3A_12 = vector.broadcast %get3A_11 : vector<1x128xf32> to vector<1000x128xf32>
    %add3A_13 = arith.addf %add3A, %add3A_12 : vector<1000x128xf32>
    %max3A = arith.constant 0.000000e+00 : f32
    %max3A_14 = vector.broadcast %max3A : f32 to vector<1000x128xf32>
    %max3A_15 = arith.maximumf %add3A_13, %max3A_14 : vector<1000x128xf32>
    %get3A_16 = arith.constant 0 : index
    %get3A_17 = arith.constant 0 : index
    %get3A_18 = vector.load %arg3[%get3A_16, %get3A_17] : memref<128x64xf32, #tpu.memory_space<vmem>>, vector<128x64xf32>
    %dot_general3A = arith.constant dense<0.000000e+00> : vector<1000x64xf32>
    %dot_general3A_19 = tpu.matmul %max3A_15, %get3A_18, %dot_general3A {dimension_numbers = #tpu.dot_dimension_numbers<[1], [0], [0], [1], [0, 0, 1, 1], [], []>, transpose_lhs_hint = false} : vector<1000x128xf32>, vector<128x64xf32>, vector<1000x64xf32> -> vector<1000x64xf32>
    %bitcast_convert_type3A = tpu.bitcast %dot_general3A_19 : vector<1000x64xf32> -> vector<1000x64xi32>
    %add3A_20 = arith.constant 32767 : i32
    %add3A_21 = vector.broadcast %add3A_20 : i32 to vector<1000x64xi32>
    %add3A_22 = arith.addi %bitcast_convert_type3A, %add3A_21 : vector<1000x64xi32>
    %shift_right_logical3A = arith.constant 16 : i32
    %shift_right_logical3A_23 = vector.broadcast %shift_right_logical3A : i32 to vector<1000x64xi32>
    %shift_right_logical3A_24 = arith.shrui %bitcast_convert_type3A, %shift_right_logical3A_23 : vector<1000x64xi32>
    %and3A = arith.constant 1 : i32
    %and3A_25 = vector.broadcast %and3A : i32 to vector<1000x64xi32>
    %and3A_26 = arith.andi %shift_right_logical3A_24, %and3A_25 : vector<1000x64xi32>
    %add3A_27 = arith.addi %add3A_22, %and3A_26 : vector<1000x64xi32>
    %slice3A = vector.extract_strided_slice %add3A_27 {offsets = [0, 0], sizes = [1000, 32], strides = [1, 1]} : vector<1000x64xi32> to vector<1000x32xi32>
    %shift_right_logical3A_28 = arith.constant 16 : i32
    %shift_right_logical3A_29 = vector.broadcast %shift_right_logical3A_28 : i32 to vector<1000x32xi32>
    %shift_right_logical3A_30 = arith.shrui %slice3A, %shift_right_logical3A_29 : vector<1000x32xi32>
    %slice3A_31 = vector.extract_strided_slice %add3A_27 {offsets = [0, 32], sizes = [1000, 32], strides = [1, 1]} : vector<1000x64xi32> to vector<1000x32xi32>
    %and3A_32 = arith.constant -65536 : i32
    %and3A_33 = vector.broadcast %and3A_32 : i32 to vector<1000x32xi32>
    %and3A_34 = arith.andi %slice3A_31, %and3A_33 : vector<1000x32xi32>
    %or3A = arith.ori %shift_right_logical3A_30, %and3A_34 : vector<1000x32xi32>
    %bitcast_convert_type3A_35 = tpu.bitcast %or3A : vector<1000x32xi32> -> vector<1000x32xi32>
    %swap3A = arith.constant 0 : index
    %swap3A_36 = arith.constant 0 : index
    %swap3A_37 = vector.load %arg4[%swap3A, %swap3A_36] : memref<1000x32xi32, #tpu.memory_space<vmem>>, vector<1000x32xi32>
    tpu.vector_store %arg4[%swap3A, %swap3A_36], %bitcast_convert_type3A_35 {strides = array<i32>} : memref<1000x32xi32, #tpu.memory_space<vmem>>, vector<1000x32xi32>,
    return
  }
  func.func @transform_0(%arg0: i32) -> (i32, i32, i32) {
    %c0_i32 = arith.constant 0 : i32
    %c0_i32_0 = arith.constant 0 : i32
    %c0_i32_1 = arith.constant 0 : i32
    return %c0_i32, %arg0, %c0_i32_0 : i32, i32, i32
  }
  func.func @transform_1(%arg0: i32) -> (i32, i32) {
    %c0_i32 = arith.constant 0 : i32
    %c0_i32_0 = arith.constant 0 : i32
    %c0_i32_1 = arith.constant 0 : i32
    return %c0_i32, %c0_i32_0 : i32, i32
  }
  func.func @transform_2(%arg0: i32) -> (i32, i32) {
    %c0_i32 = arith.constant 0 : i32
    %c0_i32_0 = arith.constant 0 : i32
    %c0_i32_1 = arith.constant 0 : i32
    return %c0_i32, %c0_i32_0 : i32, i32
  }
  func.func @transform_3(%arg0: i32) -> (i32, i32) {
    %c0_i32 = arith.constant 0 : i32
    %c0_i32_0 = arith.constant 0 : i32
    return %arg0, %c0_i32 : i32, i32
  }
}

module attributes {stable_mosaic.version = 14 : i64} {
  func.func @_comb_body(%arg0: i32, %arg1: memref<2x1000x64xf32, #tpu.memory_space<vmem>>, %arg2: memref<1x40xf32, #tpu.memory_space<vmem>>, %arg3: memref<1000x40xf32, #tpu.memory_space<vmem>>) attributes {dimension_semantics = [#tpu.dimension_semantics<arbitrary>], iteration_bounds = array<i64: 10>, scalar_prefetch = 0 : i64, scratch_operands = 0 : i64, tpu.core_type = #tpu.core_type<tc>, window_params = [{transform_indices = @transform_0, window_bounds = array<i64: 2, 1000, 64>}, {pipeline_mode = #tpu.pipeline_mode<synchronous>, transform_indices = @transform_1, window_bounds = array<i64: 1, 40>}, {transform_indices = @transform_2, window_bounds = array<i64: 1000, 40>}]} {
    %get3A = arith.constant 0 : index
    %get3A_0 = arith.constant 0 : index
    %get3A_1 = arith.constant 0 : index
    %get3A_2 = vector.load %arg1[%get3A, %get3A_0, %get3A_1] : memref<2x1000x64xf32, #tpu.memory_space<vmem>>, vector<1x1000x64xf32>
    %get3A_3 = vector.shape_cast %get3A_2 : vector<1x1000x64xf32> to vector<1000x64xf32>
    %get3A_4 = arith.constant 1 : index
    %get3A_5 = arith.constant 0 : index
    %get3A_6 = arith.constant 0 : index
    %get3A_7 = vector.load %arg1[%get3A_4, %get3A_5, %get3A_6] : memref<2x1000x64xf32, #tpu.memory_space<vmem>>, vector<1x1000x64xf32>
    %get3A_8 = vector.shape_cast %get3A_7 : vector<1x1000x64xf32> to vector<1000x64xf32>
    %add3A = arith.addf %get3A_3, %get3A_8 : vector<1000x64xf32>
    %slice3A = vector.extract_strided_slice %add3A {offsets = [0, 0], sizes = [1000, 40], strides = [1, 1]} : vector<1000x64xf32> to vector<1000x40xf32>
    %get3A_9 = arith.constant 0 : index
    %get3A_10 = arith.constant 0 : index
    %get3A_11 = vector.load %arg2[%get3A_9, %get3A_10] : memref<1x40xf32, #tpu.memory_space<vmem>>, vector<1x40xf32>
    %add3A_12 = vector.broadcast %get3A_11 : vector<1x40xf32> to vector<1000x40xf32>
    %add3A_13 = arith.addf %slice3A, %add3A_12 : vector<1000x40xf32>
    %swap3A = arith.constant 0 : index
    %swap3A_14 = arith.constant 0 : index
    %swap3A_15 = vector.load %arg3[%swap3A, %swap3A_14] : memref<1000x40xf32, #tpu.memory_space<vmem>>, vector<1000x40xf32>
    tpu.vector_store %arg3[%swap3A, %swap3A_14], %add3A_13 {strides = array<i32>} : memref<1000x40xf32, #tpu.memory_space<vmem>>, vector<1000x40xf32>,
    return
  }
  func.func @transform_0(%arg0: i32) -> (i32, i32, i32) {
    %c0_i32 = arith.constant 0 : i32
    %c0_i32_0 = arith.constant 0 : i32
    %c0_i32_1 = arith.constant 0 : i32
    return %c0_i32, %arg0, %c0_i32_0 : i32, i32, i32
  }
  func.func @transform_1(%arg0: i32) -> (i32, i32) {
    %c0_i32 = arith.constant 0 : i32
    %c0_i32_0 = arith.constant 0 : i32
    %c0_i32_1 = arith.constant 0 : i32
    return %c0_i32, %c0_i32_0 : i32, i32
  }
  func.func @transform_2(%arg0: i32) -> (i32, i32) {
    %c0_i32 = arith.constant 0 : i32
    %c0_i32_0 = arith.constant 0 : i32
    return %arg0, %c0_i32 : i32, i32
  }
}

</mosaic_0001>

<sc_bundles>
// kernel: kernel.10.cloned.1.call-start
scs
__scs_entry_jumppad:
0x0: {  	(pc) =	sbr.rel $0x88, $3  }
0x1: {  	(tag) =	ssettag $0x0;
	lr =	simm.s32 $0x1  }
0x2: {  	[smem:$0x3F9A] =	sst lr;
	_ =	strace $0xD0000000  }
0x3: {  	_ = 	snop  }
0x4: {  	_ = 	snop  }
0x5: {  	_ = 	snop  }
0x6: {  	_ = 	snop  }
0x7: {  	_ = 	snop  }
__scs_overlays_trampoline_lowered:
0x8: {  	[smem:$0x3FA9] =	sst s0  }
0x9: {  	[smem:$0x3FAA] =	sst s1  }
0xa: {  	[smem:$0x3FAB] =	sst s2  }
0xb: {  	[smem:$0x3FAC] =	sst s3  }
0xc: {  	[smem:$0x3FAD] =	sst s4  }
0xd: {  	[smem:$0x3FAE] =	sst s5  }
0xe: {  	[smem:$0x3FAF] =	sst s6  }
0xf: {  	[smem:$0x3FB0] =	sst s7  }
0x10: {  	[smem:$0x3FB1] =	sst s8  }
0x11: {  	[smem:$0x3FB2] =	sst s9;
	s0 =	simm.s32 @!p0 $0x0  }
0x12: {  	s1 =	sld [smem:$0x3F98];
	s0 =	simm.s32 @p0 $0x1  }
0x13: {  	[smem:$0x3FB3] =	sst s0;
	s0 =	simm.s32 @!p1 $0x0  }
0x14: {  	s2 =	sld [smem:$0x3F97];
	s0 =	simm.s32 @p1 $0x1  }
0x15: {  	[smem:$0x3FB4] =	sst s0;
	s0 =	simm.s32 @!p2 $0x0  }
0x16: {  	s3 =	sld [smem:$0x3FDB];
	s0 =	simm.s32 @p2 $0x1  }
0x17: {  	s4 =	simm.s32 $0x1BF5;
	[smem:$0x3FB6] =	sst s0  }
0x18: {  	s0 =	sld [smem:$0x3F99];
	_ =	swait.ge [sflag:s4], $0x0  }
0x19: {  	s7 =	sld [smem:$0x3F9A]  }
0x1a: {  	s8 =	sadd.s32 $0xFFFFE003, lr  }
0x1b: {  	s9 =	sadd.s32 $0xFFFFFEF7, lr;
	s5 =	simm.s32 $0xFFFFFFFF;
	p2 =	slt.u32 s8, $0xFFFFF086  }
0x1c: {  	p1 =	slt.u32 s9, $0xF7A;
	s5 =	simm.s32 @!p2 $0x0  }
0x1d: {  	s5 =	simm.s32 @p1 $0x1;
	p0 =	seq.s32 s7, s2  }
0x1e: {  	s7 =	smul.u32 @!p0 $0xF7A, s2;
	p2 =	seq.s32 @!p0 s5, $0x0  }
0x1f: {  	s9 =	smul.u32 $0xF7A, s1;
	s8 =	simm.s32 @!p0 $0x1BF5;
	p2 =	por !p2, p0  }
0x20: {  	[sflag:s8] =	ssyncset.s32 @!p0 $0xFFFFF086;
	s6 =	sadd.s32 @!p0 s3, s7;
	s7 =	simm.s32 @!p0 $0x108  }
0x21: {  	s3 =	sadd.s32 s3, s9;
	s6 =	sadd.s32 @!p0 $0x88, s6;
	s7 =	simm.s32 @p2 $0x1082  }
0x22: {  	[simem:s7], [sflag:s8] =	dma.local @!p0 [hbm:s6], $0xF7A  }
0x23: {  	s9 =	sor.u32 $0xD0000000, s2;
	s6 =	simm.s32 $0x108;
	_ =	swait.ge @!p0 [sflag:s8], $0x0  }
0x24: {  	s3 =	sadd.s32 $0x88, s3;
	s6 =	simm.s32 @!p1 $0x1082;
	[sflag:s4] =	ssyncset.s32 $0xFFFFF086  }
0x25: {  	[simem:s6], [sflag:s4] =	dma.local [hbm:s3], $0xF7A  }
0x26: {  	[smem:$0x3F9A] =	sst s1;
	(tag) =	ssettag s2;
	_ =	strace s9  }
0x27: {  	s1 =	sld [smem:$0x3FAA]  }
0x28: {  	s2 =	sld [smem:$0x3FAB]  }
0x29: {  	s4 =	sld [smem:$0x3FAD]  }
0x2a: {  	p0 =	seq.s32 s5, $0x0;
	s5 =	sld [smem:$0x3FAE]  }
0x2b: {  	s6 =	sld [smem:$0x3FAF]  }
0x2c: {  	s7 =	sld [smem:$0x3FB0]  }
0x2d: {  	s3 =	simm.s32 $0x108;
	s8 =	sld [smem:$0x3FB1]  }
0x2e: {  	s3 =	simm.s32 @!p0 $0x1082;
	s9 =	sld [smem:$0x3FB2]  }
0x2f: {  	lr =	sadd.s32 s0, s3;
	s0 =	sld [smem:$0x3FA9]  }
0x30: {  	s3 =	sld [smem:$0x3FAC]  }
0x31: {  	[smem:$0x3FB5] =	sst s10  }
0x32: {  	s10 =	sld [smem:$0x3FB3];
	_ =	sdelay $0x3  }
0x33: {  	p0 =	seq.s32 s10, $0x1;
	s10 =	sld [smem:$0x3FB5];
	_ =	sdelay $0x3  }
0x34: {  	[smem:$0x3FB5] =	sst s10  }
0x35: {  	s10 =	sld [smem:$0x3FB4];
	_ =	sdelay $0x3  }
0x36: {  	p1 =	seq.s32 s10, $0x1;
	s10 =	sld [smem:$0x3FB5];
	_ =	sdelay $0x3  }
0x37: {  	[smem:$0x3FB5] =	sst s10  }
0x38: {  	s10 =	sld [smem:$0x3FB6]  }
0x39: {  	_ = 	snop;
	(pc) =	sbr.ind lr, $3  }
0x3a: {  	_ = 	snop  }
0x3b: {  	_ = 	snop  }
0x3c: {  	p2 =	seq.s32 s10, $0x1;
	s10 =	sld [smem:$0x3FB5]  }
0x3d: {  	_ =	shalt  }
0x3e: {  	_ =	shalt  }
0x3f: {  	_ =	shalt  }
0x40: {  	_ =	shalt  }
0x41: {  	_ =	shalt  }
0x42: {  	_ =	shalt  }
0x43: {  	_ =	shalt  }
0x44: {  	_ =	shalt  }
0x45: {  	_ =	shalt  }
0x46: {  	_ =	shalt  }
0x47: {  	_ =	shalt  }
0x48: {  	_ =	shalt  }
0x49: {  	_ =	shalt  }
0x4a: {  	_ =	shalt  }
0x4b: {  	_ =	shalt  }
0x4c: {  	_ =	shalt  }
0x4d: {  	_ =	shalt  }
0x4e: {  	_ =	shalt  }
0x4f: {  	_ =	shalt  }
0x50: {  	_ =	shalt  }
0x51: {  	_ =	shalt  }
0x52: {  	_ =	shalt  }
0x53: {  	_ =	shalt  }
0x54: {  	_ =	shalt  }
0x55: {  	_ =	shalt  }
0x56: {  	_ =	shalt  }
0x57: {  	_ =	shalt  }
0x58: {  	_ =	shalt  }
0x59: {  	_ =	shalt  }
0x5a: {  	_ =	shalt  }
0x5b: {  	_ =	shalt  }
0x5c: {  	_ =	shalt  }
0x5d: {  	_ =	shalt  }
0x5e: {  	_ =	shalt  }
0x5f: {  	_ =	shalt  }
0x60: {  	_ =	shalt  }
0x61: {  	_ =	shalt  }
0x62: {  	_ =	shalt  }
0x63: {  	_ =	shalt  }
0x64: {  	_ =	shalt  }
0x65: {  	_ =	shalt  }
0x66: {  	_ =	shalt  }
0x67: {  	_ =	shalt  }
0x68: {  	_ =	shalt  }
0x69: {  	_ =	shalt  }
0x6a: {  	_ =	shalt  }
0x6b: {  	_ =	shalt  }
0x6c: {  	_ =	shalt  }
0x6d: {  	_ =	shalt  }
0x6e: {  	_ =	shalt  }
0x6f: {  	_ =	shalt  }
0x70: {  	_ =	shalt  }
0x71: {  	_ =	shalt  }
0x72: {  	_ =	shalt  }
0x73: {  	_ =	shalt  }
0x74: {  	_ =	shalt  }
0x75: {  	_ =	shalt  }
0x76: {  	_ =	shalt  }
0x77: {  	_ =	shalt  }
0x78: {  	_ =	shalt  }
0x79: {  	_ =	shalt  }
0x7a: {  	_ =	shalt  }
0x7b: {  	_ =	shalt  }
0x7c: {  	_ =	shalt  }
0x7d: {  	_ =	shalt  }
0x7e: {  	_ =	shalt  }
0x7f: {  	_ =	shalt  }
0x80: {  	_ =	shalt  }
0x81: {  	_ =	shalt  }
0x82: {  	_ =	shalt  }
0x83: {  	_ =	shalt  }
0x84: {  	_ =	shalt  }
0x85: {  	_ =	shalt  }
0x86: {  	_ =	shalt  }
0x87: {  	_ =	shalt  }
.Lfunc_end0:
.L_simem_size_0:
called_computation.1_lowered:
.L_overlay_start_0:
0x88: {  	s2 =	sld [smem:$0x3FD9]  }
0x89: {  	s3 =	sld [smem:$0x3FFE];
	_ =	sdelay $0x1  }
0x8a: {  	s1 =	srdreg.scid  }
0x8b: {  	s0 =	sand.u32 $0x1, s1  }
0x8c: {  	s17 =	sshll.u32 s0, $0xA;
	s2 =	sadd.s32 s3, s2  }
0x8d: {  	s2 =	sadd.s32 s2, s17  }
0x8e: {  	[smem:$0x3FC1] =	sst s2  }
0x8f: {  	_ = 	snop  }
0x90: {  	s2 =	sld [smem:$0x3FC7]  }
0x91: {  	s18 =	sld [smem:$0x3FD0];
	(tm) =	ssettm $0x1  }
0x92: {  	s4 =	sld [smem:$0x3FFB];
	_ =	sdelay $0x3  }
0x93: {  	_ =	strace s4  }
0x94: {  	s4 =	sld [smem:$0x3FFC];
	_ =	sdelay $0x3  }
0x95: {  	_ =	strace s4  }
0x96: {  	s4 =	sld [smem:$0x3FFD];
	_ =	sdelay $0x3  }
0x97: {  	_ =	strace s4  }
0x98: {  	_ =	strace $0x8FFFFFFF  }
0x99: {  	s19 =	sld [smem:$0x3FDB];
	_ =	sdelay $0x1  }
0x9a: {  	s5 =	simm.s32 $_scs_section_size  }
0x9b: {  	s6 =	simm.s32 $_size__tile_overlayer_lowered;
	s7 =	simm.s32 $_tile_overlayer_lowered  }
0x9c: {  	s22 =	simm.s32 $0x1BFF;
	s21 =	sshll.u32 s7, $0x1;
	s4 =	sadd.s32 s5, s19  }
0x9d: {  	s8 =	simm.s32 $0x0;
	s20 =	sshll.u32 s6, $0x1;
	s6 =	sadd.s32 s21, s4  }
0x9e: {  	[timem:s8], [sflag:s22] =	dma.local [hbm:s6], s20  }
0x9f: {  	_ =	swait.ge [sflag:s22], s20  }
0xa0: {  	s5 =	ssub.s32 $0x0, s20;
	[sflag:s22] =	ssyncset.done $0x0  }
0xa1: {  	[sflag:s22] =	ssyncadd.s32 s5;
	_ =	sdelay $0x1  }
0xa2: {  	s23 =	simm.s32 $0x1B8B  }
0xa3: {  	_ =	swait.ge [sflag:s23], $0x1  }
0xa4: {  	[sflag:s23] =	ssyncset.done $0x0  }
0xa5: {  	s25 =	simm.s32 $0x1B8E;
	s24 =	sld [smem:$0x3FFE];
	[sflag:s23] =	ssyncadd.s32 $0xFFFFFFFF  }
0xa6: {  	s26 =	simm.s32 $execute0_lowered;
	[smem:$0x3FD2] =	sst s25  }
0xa7: {  	s6 =	sshll.u32 s26, $0x1;
	_ =	strace $0x80000049;
	[dreg:$0x1] =	wrdreg $0xFFFFFFFF  }
0xa8: {  	s28 =	simm.s32 $_size_execute0_lowered;
	s4 =	sadd.s32 s4, s6;
	[dreg:$0x0] =	wrdreg $0x0  }
0xa9: {  	s6 =	sshll.u32 s28, $0x1;
	[dreg:$0x2] =	wrdreg s4  }
0xaa: {  	[dreg:$0x3] =	wrdreg s6  }
0xab: {  	[dreg:$0x4] =	wrdreg $0xC0  }
0xac: {  	_ =	task [dreg:s8], $0x5FFFF  }
0xad: {  	[dreg:$0x1] =	wrdreg $0xFFFFFFFF  }
0xae: {  	[dreg:$0x0] =	wrdreg $0x60  }
0xaf: {  	[dreg:$0x2] =	wrdreg s24  }
0xb0: {  	[dreg:$0x3] =	wrdreg s2  }
0xb1: {  	[dreg:$0x4] =	wrdreg s18  }
0xb2: {  	[dreg:$0x5] =	wrdreg $0x29E00  }
0xb3: {  	[dreg:$0x6] =	wrdreg $0x9  }
0xb4: {  	_ =	task.clear_ibuf [dreg:s8], $0x7FFFF;
	_ =	strace $0x90000049  }
0xb5: {  	s29 =	simm.s32 $0x9;
	_ =	strace $0x8000004B  }
0xb6: {  	_ =	swait.ge [sflag:s29], $0x1  }
0xb7: {  	[sflag:s29] =	ssyncadd.s32 $0xFFFFFFFF  }
0xb8: {  	_ =	strace $0x9000004B  }
0xb9: {  	_ =	sfence  }
0xba: {  	s30 =	sld [smem:$0x0];
	_ =	sdelay $0x2  }
0xbb: {  	s31 =	sshll.u32 s1, $0xD;
	s1 =	sshrl.u32 s1, $0x2  }
0xbc: {  	s3 =	sand.u32 $0x4000, s31;
	s1 =	sadd.s32 s1, s30  }
0xbd: {  	s0 =	sor.u32 s3, s0;
	s1 =	sshll.u32 s1, $0x11  }
0xbe: {  	s0 =	sor.u32 s1, s0  }
0xbf: {  	s0 =	sadd.s32 $0x8F2B, s0  }
0xc0: {  	[sflag:s0] =	ssyncadd.remote.s32 $0x1  }
0xc1: {  	_ =	sfence.sel $0xFFFF  }
0xc2: {  	[dreg:$0x0] =	wrdreg $0xFFFFFFFF;
	(pc) =	sbr.abs _section_cstart, $3  }
0xc3: {  	[dreg:$0x1] =	wrdreg $0xFFFFFFFF  }
0xc4: {  	_ =	task.clear_ibuf [dreg:s8], $0x2FFFF;
	_ =	strace $0x9FFFFFFF  }
0xc5: {  	(tm) =	ssettm $0x7FFFFFFF  }
tec
execute0_lowered:
.L_overlay_start_1:
0x0: {  	(tag) =	ssettag $0x1  }
0x1: {  	s0 =	rddreg [dreg:$0x0]  }
0x2: {  	s1 =	rddreg [dreg:$0x1]  }
0x3: {  	s2 =	rddreg [dreg:$0x2]  }
0x4: {  	s3 =	rddreg [dreg:$0x3]  }
0x5: {  	s5 =	simm.s32 $0x0;
	s4 =	srdreg.scid;
	s12 =	stileid.u32  }
0x6: {  	s28 =	simm.s32 $0x50;
	s29 =	simm.s32 $0x4E200;
	s30 =	simm.s32 $0x140  }
0x7: {  	s31 =	simm.s32 $0xA0;
	[smem:$0x7FF] =	sst s5;
	s4 =	sand.u32 $0x1, s4  }
0x8: {  	s8 =	smul.u32 $0x27000, s12;
	s6 =	sadd.s32 $0x1400, s0;
	s0 =	sadd.s32 $0x14E00, s0  }
0x9: {  	s11 =	smul.u32 $0x9C00, s12;
	s19 =	sadd.s32 $0x9C000, s3;
	p0 =	sne.s32 s12, $0xF  }
0xa: {  	_ =	strace $0x8000004A;
	s7 =	ssub.s32 $0x2, s4;
	s8 =	sshrl.u32 s8, $0x2  }
0xb: {  	[dreg:$0xd] =	wrdreg s19;
	s18 =	sadd.s32 s11, s3;
	s8 =	sadd.s32 s8, s3  }
0xc: {  	s10 =	sshll.u32 s4, $0x4;
	[dreg:$0x5] =	wrdreg s18;
	s24 =	sadd.s32 $0x1400, s8  }
0xd: {  	s4 =	smul.u32 $0x9C400, s4;
	s25 =	sadd.s32 $0x2800, s8;
	[dreg:$0x6] =	wrdreg s24  }
0xe: {  	s9 =	sshrl.u32 s7, $0x1;
	s26 =	sadd.s32 $0x3C00, s8;
	[dreg:$0x7] =	wrdreg s25  }
0xf: {  	s10 =	sor.u32 s12, s10;
	s13 =	sadd.s32 $0x5000, s8;
	[dreg:$0x8] =	wrdreg s26  }
0x10: {  	s12 =	simm.s32 $0x1;
	s14 =	sadd.s32 $0x6400, s8;
	[dreg:$0x9] =	wrdreg s13  }
0x11: {  	s10 =	smul.u32 $0x2710, s10;
	s15 =	sadd.s32 $0x7800, s8;
	[dreg:$0xa] =	wrdreg s14  }
0x12: {  	s9 =	ssub.s32 s7, s9;
	s16 =	sadd.s32 $0x8C00, s8;
	[dreg:$0xb] =	wrdreg s15  }
0x13: {  	[dreg:$0xc] =	wrdreg s16;
	s17 =	sshrl.u32 s10, $0x3;
	s24 =	sadd.s32 s11, s4  }
0x14: {  	s4 =	sshrl.u32 s4, $0x3;
	s26 =	smax.u32 s9, $0x1;
	s9 =	simm.s32 $0x4  }
0x15: {  	s11 =	simm.s32 $0xBE0;
	s13 =	simm.s32 $0x2;
	s14 =	simm.s32 $0x0  }
0x16: {  	s20 =	sadd.s32 s6, s17;
	s21 =	sadd.s32 s1, s17;
	[dreg:$0x14] =	wrdreg s26  }
0x17: {  	s8 =	sadd.s32 $0xA, s17;
	s26 =	simm.s32 $0x5;
	[dreg:$0xe] =	wrdreg s20  }
0x18: {  	[dreg:$0xf] =	wrdreg s21;
	s22 =	sadd.s32 s6, s8;
	s23 =	sadd.s32 s1, s8  }
0x19: {  	s20 =	sadd.s32 $0xA0, s10;
	s8 =	sshrl.u32 s24, $0x3;
	[dreg:$0x10] =	wrdreg s22  }
0x1a: {  	s21 =	sadd.s32 $0xF0, s10;
	s10 =	simm.s32 $0xF0;
	[dreg:$0x11] =	wrdreg s23  }
0x1b: {  	s25 =	sadd.s32 s0, s8;
	s0 =	sadd.s32 s0, s4;
	s4 =	simm.s32 $0x3  }
0x1c: {  	v1 =	vimm.s32 $0x0;
	vm0 =	vcmask $0x300;
	s8 =	simm.s32 $0x1E0;
	[dreg:$0x12] =	wrdreg s25;
	s0 =	sadd.s32 $0x13800, s0  }
0x1d: {  	v0 =	vimm.f32 $0.0e+00;
	v1 =	vsel vm0, $0x3, v1;
	s25 =	simm.s32 $0x15E0;
	[dreg:$0x13] =	wrdreg s0;
	s0 =	simm.s32 $0x190  }
.LBB2_1:
0x1e: {  	s16 =	simm.s32 $0x1660  }
0x1f: {  	[tilespmem:s16+$0xFFFFFF80] =	vst v0  }
0x20: {  	[tilespmem:s16+$0x70] =	vst v0  }
0x21: {  	[tilespmem:s16+$0x60] =	vst v0  }
0x22: {  	[tilespmem:s16+$0x50] =	vst v0  }
0x23: {  	[tilespmem:s16+$0x40] =	vst v0  }
0x24: {  	[tilespmem:s16+$0x30] =	vst v0  }
0x25: {  	[tilespmem:s16+$0x20] =	vst v0  }
0x26: {  	[tilespmem:s16+$0x10] =	vst v0  }
0x27: {  	[tilespmem:s16+$0x0] =	vst v0  }
0x28: {  	[tilespmem:s16+$0xFFFFFFF0] =	vst v0  }
0x29: {  	[tilespmem:s16+$0xFFFFFFE0] =	vst v0  }
0x2a: {  	[tilespmem:s16+$0xFFFFFFD0] =	vst v0  }
0x2b: {  	[tilespmem:s16+$0xFFFFFFC0] =	vst v0  }
0x2c: {  	[tilespmem:s16+$0xFFFFFFB0] =	vst v0  }
0x2d: {  	s17 =	simm.s32 $0x0;
	[tilespmem:s16+$0xFFFFFFA0] =	vst v0  }
.LBB2_2:
0x2e: {  	s17 =	sadd.s32 $0x4, s17;
	[tilespmem:s16+$0xFFFFFF90] =	vst v0;
	s16 =	sadd.s32 $0x100, s16  }
0x2f: {  	[tilespmem:s16+$0xFFFFFF80] =	vst v0;
	p1 =	slt.u32 s17, $0x4C  }
0x30: {  	[tilespmem:s16+$0x70] =	vst v0  }
0x31: {  	[tilespmem:s16+$0x60] =	vst v0  }
0x32: {  	[tilespmem:s16+$0x50] =	vst v0  }
0x33: {  	[tilespmem:s16+$0x40] =	vst v0  }
0x34: {  	[tilespmem:s16+$0x30] =	vst v0  }
0x35: {  	[tilespmem:s16+$0x20] =	vst v0  }
0x36: {  	[tilespmem:s16+$0x10] =	vst v0  }
0x37: {  	[tilespmem:s16+$0x0] =	vst v0  }
0x38: {  	[tilespmem:s16+$0xFFFFFFF0] =	vst v0  }
.Ltmp0:
0x39: {  	[tilespmem:s16+$0xFFFFFFE0] =	vst v0;
	(pc) =	sbr.rel @p1 .LBB2_2-.Ltmp0, $4  }
0x3a: {  	[tilespmem:s16+$0xFFFFFFD0] =	vst v0  }
0x3b: {  	[tilespmem:s16+$0xFFFFFFC0] =	vst v0  }
0x3c: {  	[tilespmem:s16+$0xFFFFFFB0] =	vst v0  }
0x3d: {  	[tilespmem:s16+$0xFFFFFFA0] =	vst v0  }
0x3e: {  	[tilespmem:s16+$0xFFFFFF90] =	vst v0  }
0x3f: {  	[spmem:s18] =	stream.linear.scatter [tilespmem:s25], [sflag:$0x5], $0x1400, $0x38;
	[tilespmem:$0xC620] =	vst v63  }
0x40: {  	_ =	swait.ge [sflag:s26], $0x1400  }
0x41: {  	[sflag:s26] =	ssyncset.done $0x0  }
0x42: {  	s7 =	rddreg [dreg:$0x6];
	[sflag:s26] =	ssyncadd.s32 $0xFFFFEC00  }
0x43: {  	[spmem:s7] =	stream.linear.scatter [tilespmem:s25], [sflag:$0x5], $0x1400, $0x38;
	[tilespmem:$0xC620] =	vst v63  }
0x44: {  	_ =	swait.ge [sflag:s26], $0x1400  }
0x45: {  	[sflag:s26] =	ssyncset.done $0x0  }
0x46: {  	s23 =	rddreg [dreg:$0x7];
	[sflag:s26] =	ssyncadd.s32 $0xFFFFEC00  }
0x47: {  	[spmem:s23] =	stream.linear.scatter [tilespmem:s25], [sflag:$0x5], $0x1400, $0x38;
	[tilespmem:$0xC620] =	vst v63  }
0x48: {  	_ =	swait.ge [sflag:s26], $0x1400  }
0x49: {  	[sflag:s26] =	ssyncset.done $0x0  }
0x4a: {  	s24 =	rddreg [dreg:$0x8];
	[sflag:s26] =	ssyncadd.s32 $0xFFFFEC00  }
0x4b: {  	[spmem:s24] =	stream.linear.scatter [tilespmem:s25], [sflag:$0x5], $0x1400, $0x38;
	[tilespmem:$0xC620] =	vst v63  }
0x4c: {  	_ =	swait.ge [sflag:s26], $0x1400  }
0x4d: {  	[sflag:s26] =	ssyncset.done $0x0  }
0x4e: {  	s15 =	rddreg [dreg:$0x9];
	[sflag:s26] =	ssyncadd.s32 $0xFFFFEC00  }
0x4f: {  	[spmem:s15] =	stream.linear.scatter [tilespmem:s25], [sflag:$0x5], $0x1400, $0x38;
	[tilespmem:$0xC620] =	vst v63  }
0x50: {  	_ =	swait.ge [sflag:s26], $0x1400  }
0x51: {  	[sflag:s26] =	ssyncset.done $0x0  }
0x52: {  	s16 =	rddreg [dreg:$0xa];
	[sflag:s26] =	ssyncadd.s32 $0xFFFFEC00  }
0x53: {  	[spmem:s16] =	stream.linear.scatter [tilespmem:s25], [sflag:$0x5], $0x1400, $0x38;
	[tilespmem:$0xC620] =	vst v63  }
0x54: {  	_ =	swait.ge [sflag:s26], $0x1400  }
0x55: {  	[sflag:s26] =	ssyncset.done $0x0  }
0x56: {  	s17 =	rddreg [dreg:$0xb];
	[sflag:s26] =	ssyncadd.s32 $0xFFFFEC00  }
0x57: {  	[spmem:s17] =	stream.linear.scatter [tilespmem:s25], [sflag:$0x5], $0x1400, $0x38;
	[tilespmem:$0xC620] =	vst v63  }
0x58: {  	_ =	swait.ge [sflag:s26], $0x1400  }
0x59: {  	[sflag:s26] =	ssyncset.done $0x0  }
0x5a: {  	s18 =	rddreg [dreg:$0xc];
	[sflag:s26] =	ssyncadd.s32 $0xFFFFEC00  }
0x5b: {  	[spmem:s18] =	stream.linear.scatter [tilespmem:s25], [sflag:$0x5], $0x1000, $0x38;
	[tilespmem:$0xC620] =	vst v63  }
0x5c: {  	_ =	swait.ge [sflag:s26], $0x1000  }
0x5d: {  	[sflag:s26] =	ssyncset.done $0x0  }
0x5e: {  	s16 =	simm.s32 @!p0 $0x15E0;
	[sflag:s26] =	ssyncadd.s32 $0xFFFFF000  }
0x5f: {  	[spmem:s19] =	stream.linear.scatter @!p0 [tilespmem:s16], [sflag:$0x5], $0x400, $0x38;
	[tilespmem:$0xC620] =	vst v63  }
0x60: {  	s16 =	simm.s32 @!p0 $0x5  }
0x61: {  	_ =	swait.ge @!p0 [sflag:s16], $0x400  }
0x62: {  	[sflag:s16] =	ssyncset.done @!p0 $0x0  }
0x63: {  	[sflag:s16] =	ssyncadd.s32 @!p0 $0xFFFFFC00  }
0x64: {  	[bflag:$0x0] =	sbarrier.arrive $0xFFFF  }
0x65: {  	s16 =	simm.s32 $0x0;
	s19 =	rddreg [dreg:$0xe]  }
0x66: {  	[tilespmem:s16], [sflag:$0x3] =	stream.strided.gather [hbm4b:s19+s28], $0xA0, s29, s28, $0x38;
	[tilespmem:$0xC620] =	vst v63  }
0x67: {  	s22 =	rddreg [dreg:$0xf]  }
0x68: {  	[tilespmem:s30], [sflag:$0x3] =	stream.linear.gather [hbm4b:s22+s16], $0x50, $0x38;
	[tilespmem:$0xC620] =	vst v63  }
0x69: {  	s23 =	rddreg [dreg:$0x10]  }
0x6a: {  	[tilespmem:s31], [sflag:$0x4] =	stream.strided.gather [hbm4b:s23+s28], $0xA0, s29, s28, $0x38;
	[tilespmem:$0xC620] =	vst v63  }
0x6b: {  	s24 =	rddreg [dreg:$0x11]  }
0x6c: {  	[tilespmem:s0], [sflag:$0x4] =	stream.linear.gather [hbm4b:s24+s16], $0x50, $0x38;
	[tilespmem:$0xC620] =	vst v63  }
0x6d: {  	_ =	swait.ge [sflag:s4], $0xA0  }
0x6e: {  	[sflag:s4] =	ssyncset.done $0x0  }
0x6f: {  	[sflag:s4] =	ssyncadd.s32 $0xFFFFFF60  }
0x70: {  	_ =	swait.ge [sflag:s4], $0x50  }
0x71: {  	[sflag:s4] =	ssyncset.done $0x0  }
0x72: {  	s17 =	simm.s32 $0x0;
	[sflag:s4] =	ssyncadd.s32 $0xFFFFFFB0  }
0x73: {  	[tilespmem:s8], [sflag:$0x1] =	stream.indirect.gather [hbm4b:s2+s28], $0x20, s28, s28, $0xb8;
	[tilespmem:$0xC620] =	vst v63  }
.LBB2_4:
0x74: {  	_ =	swait.ge [sflag:s9], $0xA0  }
0x75: {  	s18 =	simm.s32 $0x1;
	s15 =	simm.s32 $0x2;
	[sflag:s9] =	ssyncset.done $0x0  }
0x76: {  	s19 =	simm.s32 $0x3;
	s22 =	simm.s32 $0x7;
	v2 =	vmov s18;
	v3 =	vmov s15;
	[sflag:s9] =	ssyncadd.s32 $0xFFFFFF60  }
0x77: {  	v4 =	vmov s19;
	v5 =	vmov s22;
	v2 =	vshrl.u32 v2, $0x3;
	_ =	swait.ge [sflag:s9], $0x50  }
0x78: {  	v3 =	vshrl.u32 v3, $0x3;
	v4 =	vshrl.u32 v4, $0x3;
	v2 =	vshll.u32 v2, v1;
	[sflag:s9] =	ssyncset.done $0x0  }
0x79: {  	v5 =	vshrl.u32 v5, $0x3;
	v3 =	vshll.u32 v3, v1;
	v2 =	vadd.s32 $0x1, v2;
	[sflag:s9] =	ssyncadd.s32 $0xFFFFFFB0  }
0x7a: {  	v5 =	vshll.u32 v5, v1;
	v3 =	vadd.s32 $0x2, v3;
	v2 =	vbroadcast v2, $0x0;
	[tilespmem:s11], [sflag:$0x2] =	stream.indirect.gather [hbm4b:s2+s28], $0x20, s10, s28, $0xb8;
	[tilespmem:$0xC620] =	vst v63  }
0x7b: {  	v4 =	vshll.u32 v4, v1;
	v5 =	vadd.s32 $0x7, v5;
	v3 =	vbroadcast v3, $0x0;
	_ =	swait.ge [sflag:s12], $0xA00  }
0x7c: {  	s23 =	simm.s32 $0x4;
	v4 =	vadd.s32 $0x3, v4;
	v5 =	vbroadcast v5, $0x0;
	[sflag:s12] =	ssyncset.done $0x0  }
0x7d: {  	v6 =	vmov s23;
	s22 =	simm.s32 $0x5;
	s19 =	simm.s32 $0x260;
	v4 =	vbroadcast v4, $0x0;
	[sflag:s12] =	ssyncadd.s32 $0xFFFFF600  }
0x7e: {  	s15 =	simm.s32 $0xB;
	s23 =	simm.s32 $0x6;
	v6 =	vshrl.u32 v6, $0x3;
	v9 =	vmov s22;
	v13 =	vld [tilespmem:s19+$0x60]  }
0x7f: {  	v10 =	vmov s15;
	v12 =	vmov s23;
	v9 =	vshrl.u32 v9, $0x3;
	v16 =	vld [tilespmem:s19+$0xFFFFFFA0]  }
0x80: {  	v6 =	vshll.u32 v6, v1;
	v12 =	vshrl.u32 v12, $0x3;
	v9 =	vshll.u32 v9, v1;
	v7 =	vld.idx.msk [tilespmem:v2+s30+$0x0], $0xffff  }
0x81: {  	v10 =	vshrl.u32 v10, $0x3;
	v12 =	vshll.u32 v12, v1;
	v9 =	vadd.s32 $0x5, v9;
	v8 =	vld.idx.msk [tilespmem:v3+s30+$0x0], $0xffff  }
0x82: {  	s7 =	simm.s32 $0xA;
	v6 =	vadd.s32 $0x4, v6;
	v12 =	vadd.s32 $0x6, v12;
	v9 =	vbroadcast v9, $0x0;
	v15 =	vld.idx.msk [tilespmem:v5+s30+$0x0], $0xffff  }
0x83: {  	s24 =	simm.s32 $0x9;
	v2 =	vbroadcast v6, $0x0;
	v6 =	vmov s16;
	v11 =	vld.idx.msk [tilespmem:v4+s30+$0x0], $0xffff;
	v4 =	vmov s7  }
0x84: {  	v3 =	vmov s24;
	v6 =	vshrl.u32 v6, $0x3;
	v17 =	vshrl.u32 v4, $0x3;
	v4 =	vld [tilespmem:s19+$0xFFFFFFC0]  }
0x85: {  	v12 =	vbroadcast v12, $0x0;
	s24 =	simm.s32 $0xC;
	v3 =	vshrl.u32 v3, $0x3;
	v5 =	vshll.u32 v6, v1;
	v6 =	vld [tilespmem:s19+$0xFFFFFF80]  }
0x86: {  	v18 =	vld [tilespmem:s19+$0xFFFFFFE0];
	v14 =	vmov s24;
	v3 =	vshll.u32 v3, v1;
	v20 =	vshll.u32 v13, $0x10  }
0x87: {  	v19 =	vbroadcast v5, $0x0;
	v5 =	vld [tilespmem:s19+$0x0];
	v13 =	vand.u32 $0xFFFF0000, v13;
	v20 =	vmul.f32 v20, v15  }
0x88: {  	s18 =	simm.s32 $0x16E0;
	v22 =	vld [tilespmem:s19+$0x20];
	v14 =	vshrl.u32 v14, $0x3;
	v24 =	vshll.u32 v16, $0x10;
	v13 =	vmul.f32 v13, v15  }
0x89: {  	v16 =	vand.u32 $0xFFFF0000, v16;
	v2 =	vld.idx.msk [tilespmem:v2+s30+$0x0], $0xffff;
	v26 =	vshll.u32 v4, $0x10;
	v27 =	vand.u32 $0xFFFF0000, v4;
	[tilespmem:s18+$0xC0] =	vst v20  }
0x8a: {  	v4 =	vmul.f32 v24, v7;
	v21 =	vshll.u32 v6, $0x10;
	v23 =	vand.u32 $0xFFFF0000, v6;
	v6 =	vld.idx.msk [tilespmem:v9+s30+$0x0], $0xffff;
	[tilespmem:s18+$0xD0] =	vst v13  }
0x8b: {  	v17 =	vshll.u32 v17, v1;
	v9 =	vshll.u32 v18, $0x10;
	v13 =	vmul.f32 v16, v7;
	v59 =	vld [tilespmem:s19+$0x70]  }
0x8c: {  	v16 =	vshll.u32 v5, $0x10;
	v20 =	vand.u32 $0xFFFF0000, v5;
	v5 =	vld.idx.msk [tilespmem:v12+s30+$0x0], $0xffff;
	[tilespmem:s18+$0xFFFFFF40] =	vst v4;
	v12 =	vmul.f32 v26, v8  }
0x8d: {  	v25 =	vld [tilespmem:s19+$0x40];
	v3 =	vadd.s32 $0x1, v3;
	v14 =	vshll.u32 v14, v1;
	v9 =	vmul.f32 v9, v11;
	[tilespmem:s18+$0xFFFFFF50] =	vst v13  }
0x8e: {  	v17 =	vadd.s32 $0x2, v17;
	v18 =	vand.u32 $0xFFFF0000, v18;
	v13 =	vmul.f32 v27, v8;
	[tilespmem:s18+$0xFFFFFF80] =	vst v12  }
0x8f: {  	v3 =	vbroadcast v3, $0x0;
	v60 =	vshll.u32 v22, $0x10;
	v4 =	vld.idx.msk [tilespmem:v19+s30+$0x0], $0xffff;
	v12 =	vmul.f32 v18, v11;
	[tilespmem:s18+$0xFFFFFFC0] =	vst v9  }
0x90: {  	v22 =	vand.u32 $0xFFFF0000, v22;
	v61 =	vld [tilespmem:s19+$0xFFFFFFB0];
	v18 =	vshll.u32 v10, v1;
	[tilespmem:s18+$0xFFFFFF90] =	vst v13;
	v10 =	vmul.f32 v16, v2  }
0x91: {  	v13 =	vmul.f32 v20, v2;
	v20 =	vmul.f32 v22, v6;
	[tilespmem:s18+$0xFFFFFFD0] =	vst v12;
	v22 =	vand.u32 $0xFFFF0000, v59  }
0x92: {  	v19 =	vshll.u32 v25, $0x10;
	v9 =	vmul.f32 v60, v6;
	[tilespmem:s18+$0x0] =	vst v10;
	v12 =	vmul.f32 v22, v15;
	v22 =	vld [tilespmem:s19+$0xFFFFFFF0]  }
0x93: {  	v25 =	vand.u32 $0xFFFF0000, v25;
	v18 =	vadd.s32 $0x3, v18;
	v16 =	vld [tilespmem:s19+$0xFFFFFFD0];
	v19 =	vmul.f32 v19, v5;
	[tilespmem:s18+$0x10] =	vst v13  }
0x94: {  	v24 =	vshll.u32 v59, $0x10;
	v25 =	vmul.f32 v25, v5;
	v21 =	vmul.f32 v21, v4;
	[tilespmem:s18+$0x40] =	vst v9  }
0x95: {  	v23 =	vmul.f32 v23, v4;
	v9 =	vbroadcast v17, $0x0;
	v10 =	vshll.u32 v61, $0x10;
	[tilespmem:s18+$0x80] =	vst v19  }
0x96: {  	v63 =	vld [tilespmem:s19+$0x10];
	v62 =	vand.u32 $0xFFFF0000, v61;
	v19 =	vadd.s32 $0x4, v14;
	[tilespmem:s18+$0xF0] =	vst v12;
	v12 =	vmul.f32 v10, v7  }
0x97: {  	[tilespmem:s18+$0x50] =	vst v20;
	v10 =	vmul.f32 v62, v7;
	v7 =	vmul.f32 v24, v15;
	v17 =	vand.u32 $0xFFFF0000, v22  }
0x98: {  	v13 =	vshll.u32 v16, $0x10;
	v16 =	vand.u32 $0xFFFF0000, v16;
	v14 =	vmul.f32 v17, v11;
	v17 =	vld [tilespmem:s19+$0x30]  }
0x99: {  	s23 =	simm.s32 $0xF;
	[tilespmem:s18+$0x90] =	vst v25;
	v15 =	vmul.f32 v13, v8;
	v13 =	vmul.f32 v16, v8;
	v8 =	vshll.u32 v22, $0x10  }
0x9a: {  	[tilespmem:s18+$0xFFFFFF00] =	vst v21;
	v21 =	vmov s23;
	v16 =	vmul.f32 v8, v11;
	v8 =	vbroadcast v18, $0x0;
	v18 =	vld [tilespmem:s19+$0x50]  }
0x9b: {  	s22 =	simm.s32 $0x8;
	s23 =	simm.s32 $0x10;
	[tilespmem:s18+$0xFFFFFF10] =	vst v23;
	v20 =	vshll.u32 v63, $0x10;
	v11 =	vbroadcast v19, $0x0;
	v19 =	vand.u32 $0xFFFF0000, v63  }
.LBB2_5:
0x9c: {  	p1 =	slt.u32 s23, $0x48;
	v21 =	vshrl.u32 v21, $0x3;
	v22 =	vld [tilespmem:s19+$0xFFFFFF90];
	[tilespmem:s18+$0xFFFFFF60] =	vst v12;
	v12 =	vmul.f32 v20, v2;
	v19 =	vmul.f32 v19, v2  }
0x9d: {  	v2 =	vshll.u32 v21, v1;
	[tilespmem:s18+$0xFFFFFF70] =	vst v10;
	v10 =	vshll.u32 v17, $0x10;
	v17 =	vand.u32 $0xFFFF0000, v17  }
0x9e: {  	v2 =	vadd.s32 $0x7, v2;
	[tilespmem:s18+$0xFFFFFFA0] =	vst v15;
	v15 =	vmul.f32 v10, v6;
	v6 =	vmul.f32 v17, v6  }
0x9f: {  	v17 =	vbroadcast v2, $0x0;
	[tilespmem:s18+$0xFFFFFFB0] =	vst v13;
	v2 =	vshll.u32 v18, $0x10;
	v13 =	vand.u32 $0xFFFF0000, v18  }
0xa0: {  	v10 =	vld.idx.msk [tilespmem:v3+s30+$0x0], $0xffff;
	[tilespmem:s18+$0xFFFFFFE0] =	vst v16;
	v3 =	vmul.f32 v2, v5;
	v5 =	vmul.f32 v13, v5  }
0xa1: {  	s24 =	sadd.s32 $0x1, s23;
	v2 =	vmov s22;
	v9 =	vld.idx.msk [tilespmem:v9+s30+$0x0], $0xffff;
	v13 =	vshll.u32 v22, $0x10;
	v16 =	vand.u32 $0xFFFF0000, v22;
	[tilespmem:s18+$0xFFFFFFF0] =	vst v14  }
0xa2: {  	s7 =	sadd.s32 $0x5, s22;
	v14 =	vmov s24;
	s24 =	sadd.s32 $0x2, s23;
	v8 =	vld.idx.msk [tilespmem:v8+s30+$0x0], $0xffff;
	v13 =	vmul.f32 v13, v4;
	v4 =	vmul.f32 v16, v4;
	[tilespmem:s18+$0x20] =	vst v12  }
0xa3: {  	s19 =	sadd.s32 $0x100, s19;
	v12 =	vmov s24;
	s24 =	sadd.s32 $0x3, s23;
	v16 =	vshrl.u32 v2, $0x3;
	v2 =	vld.idx.msk [tilespmem:v11+s30+$0x0], $0xffff;
	v11 =	vmov s7;
	s7 =	sadd.s32 $0x6, s22;
	[tilespmem:s18+$0x30] =	vst v19  }
0xa4: {  	v18 =	vmov s24;
	s24 =	sadd.s32 $0x4, s23;
	s22 =	smov.u32 s23;
	v11 =	vshrl.u32 v11, $0x3;
	v19 =	vmov s7;
	v20 =	vld [tilespmem:s19+$0x60];
	[tilespmem:s18+$0x60] =	vst v15  }
0xa5: {  	v15 =	vmov s24;
	v11 =	vshll.u32 v11, v1;
	v19 =	vshrl.u32 v19, $0x3;
	v17 =	vld.idx.msk [tilespmem:v17+s30+$0x0], $0xffff;
	[tilespmem:s18+$0x70] =	vst v6  }
0xa6: {  	v6 =	vshll.u32 v16, v1;
	v16 =	vld [tilespmem:s19+$0xFFFFFF80];
	v11 =	vadd.s32 $0x5, v11;
	v19 =	vshll.u32 v19, v1;
	[tilespmem:s18+$0xA0] =	vst v3  }
0xa7: {  	v3 =	vshrl.u32 v14, $0x3;
	v14 =	vld [tilespmem:s19+$0xFFFFFFA0];
	v11 =	vbroadcast v11, $0x0;
	v19 =	vadd.s32 $0x6, v19;
	[tilespmem:s18+$0xB0] =	vst v5  }
0xa8: {  	v12 =	vshrl.u32 v12, $0x3;
	v3 =	vshll.u32 v3, v1;
	v5 =	vld [tilespmem:s19+$0xFFFFFFC0];
	v19 =	vbroadcast v19, $0x0;
	[tilespmem:s18+$0xE0] =	vst v7  }
0xa9: {  	v15 =	vshrl.u32 v15, $0x3;
	v3 =	vadd.s32 $0x1, v3;
	v7 =	vshrl.u32 v18, $0x3;
	v18 =	vld [tilespmem:s19+$0xFFFFFFE0];
	[tilespmem:s18+$0xFFFFFF20] =	vst v13  }
0xaa: {  	v3 =	vbroadcast v3, $0x0;
	v13 =	vbroadcast v6, $0x0;
	v6 =	vshll.u32 v20, $0x10;
	v21 =	vld [tilespmem:s19+$0x0];
	[tilespmem:s18+$0xFFFFFF30] =	vst v4  }
0xab: {  	v4 =	vand.u32 $0xFFFF0000, v20;
	v20 =	vmul.f32 v6, v17;
	v22 =	vshll.u32 v16, $0x10;
	v23 =	vld [tilespmem:s19+$0x20]  }
0xac: {  	s18 =	sadd.s32 $0x200, s18;
	v16 =	vand.u32 $0xFFFF0000, v16;
	v4 =	vmul.f32 v4, v17;
	v24 =	vshll.u32 v14, $0x10;
	v25 =	vld [tilespmem:s19+$0x40]  }
0xad: {  	v14 =	vand.u32 $0xFFFF0000, v14;
	v26 =	vshll.u32 v5, $0x10;
	v27 =	vand.u32 $0xFFFF0000, v5;
	v6 =	vld.idx.msk [tilespmem:v11+s30+$0x0], $0xffff;
	[tilespmem:s18+$0xC0] =	vst v20  }
0xae: {  	v11 =	vmul.f32 v24, v10;
	v20 =	vshll.u32 v18, $0x10;
	v18 =	vand.u32 $0xFFFF0000, v18;
	v5 =	vld.idx.msk [tilespmem:v19+s30+$0x0], $0xffff;
	[tilespmem:s18+$0xD0] =	vst v4  }
0xaf: {  	v14 =	vmul.f32 v14, v10;
	v19 =	vshll.u32 v21, $0x10;
	v21 =	vand.u32 $0xFFFF0000, v21;
	v24 =	vld [tilespmem:s19+$0x70]  }
0xb0: {  	v4 =	vld.idx.msk [tilespmem:v13+s30+$0x0], $0xffff;
	[tilespmem:s18+$0xFFFFFF40] =	vst v11;
	v11 =	vmul.f32 v26, v9;
	v13 =	vshll.u32 v23, $0x10;
	v23 =	vand.u32 $0xFFFF0000, v23  }
0xb1: {  	[tilespmem:s18+$0xFFFFFF50] =	vst v14;
	v14 =	vmul.f32 v27, v9;
	v26 =	vshll.u32 v25, $0x10;
	v25 =	vand.u32 $0xFFFF0000, v25  }
0xb2: {  	v12 =	vshll.u32 v12, v1;
	v18 =	vmul.f32 v18, v8;
	v27 =	vld [tilespmem:s19+$0xFFFFFFB0];
	[tilespmem:s18+$0xFFFFFF80] =	vst v11;
	v11 =	vmul.f32 v20, v8  }
0xb3: {  	v20 =	vshll.u32 v7, v1;
	v7 =	vmul.f32 v19, v2;
	[tilespmem:s18+$0xFFFFFF90] =	vst v14;
	v14 =	vmul.f32 v21, v2  }
0xb4: {  	v21 =	vmul.f32 v23, v6;
	v19 =	vld [tilespmem:s19+$0xFFFFFFD0];
	[tilespmem:s18+$0xFFFFFFC0] =	vst v11;
	v11 =	vmul.f32 v13, v6;
	v13 =	vand.u32 $0xFFFF0000, v24  }
0xb5: {  	v23 =	vshll.u32 v24, $0x10;
	[tilespmem:s18+$0xFFFFFFD0] =	vst v18;
	v18 =	vmul.f32 v26, v5;
	v13 =	vmul.f32 v13, v17  }
0xb6: {  	v25 =	vmul.f32 v25, v5;
	v24 =	vshll.u32 v15, v1;
	v22 =	vmul.f32 v22, v4;
	v26 =	vld [tilespmem:s19+$0xFFFFFFF0];
	[tilespmem:s18+$0x0] =	vst v7  }
0xb7: {  	v28 =	vmul.f32 v16, v4;
	v7 =	vshll.u32 v27, $0x10;
	v15 =	vand.u32 $0xFFFF0000, v27;
	[tilespmem:s18+$0xF0] =	vst v13  }
0xb8: {  	v16 =	vadd.s32 $0x2, v12;
	v12 =	vmul.f32 v7, v10;
	v10 =	vmul.f32 v15, v10;
	[tilespmem:s18+$0x10] =	vst v14  }
0xb9: {  	v7 =	vmul.f32 v23, v17;
	v13 =	vshll.u32 v19, $0x10;
	v14 =	vand.u32 $0xFFFF0000, v19;
	v19 =	vld [tilespmem:s19+$0x10];
	[tilespmem:s18+$0x40] =	vst v11  }
.Ltmp1:
0xba: {  	v11 =	vadd.s32 $0x3, v20;
	v15 =	vmul.f32 v13, v9;
	v13 =	vmul.f32 v14, v9;
	[tilespmem:s18+$0x50] =	vst v21;
	(pc) =	sbr.rel @p1 .LBB2_5-.Ltmp1, $4  }
0xbb: {  	v9 =	vbroadcast v16, $0x0;
	v14 =	vshll.u32 v26, $0x10;
	v20 =	vand.u32 $0xFFFF0000, v26;
	v17 =	vld [tilespmem:s19+$0x30];
	[tilespmem:s18+$0x80] =	vst v18  }
0xbc: {  	v18 =	vadd.s32 $0x4, v24;
	v16 =	vmul.f32 v14, v8;
	v14 =	vmul.f32 v20, v8;
	[tilespmem:s18+$0x90] =	vst v25  }
0xbd: {  	s7 =	sadd.s32 $0x7, s23;
	v8 =	vbroadcast v11, $0x0;
	v11 =	vbroadcast v18, $0x0;
	[tilespmem:s18+$0xFFFFFF00] =	vst v22;
	v18 =	vld [tilespmem:s19+$0x50]  }
0xbe: {  	s23 =	sadd.s32 $0x8, s23;
	v21 =	vmov s7;
	[tilespmem:s18+$0xFFFFFF10] =	vst v28;
	v20 =	vshll.u32 v19, $0x10;
	v19 =	vand.u32 $0xFFFF0000, v19  }
0xbf: {  	[tilespmem:s18+$0xFFFFFF60] =	vst v12  }
0xc0: {  	v21 =	vshrl.u32 v21, $0x3;
	[tilespmem:s18+$0xFFFFFF70] =	vst v10  }
0xc1: {  	[tilespmem:s18+$0xFFFFFFA0] =	vst v15;
	v21 =	vshll.u32 v21, v1  }
0xc2: {  	[tilespmem:s18+$0xFFFFFFB0] =	vst v13;
	v13 =	vmul.f32 v20, v2;
	v12 =	vadd.s32 $0x7, v21  }
0xc3: {  	[tilespmem:s18+$0xFFFFFFE0] =	vst v16;
	s23 =	sadd.s32 $0x100, s19;
	v10 =	vbroadcast v12, $0x0  }
0xc4: {  	[tilespmem:s18+$0x20] =	vst v13;
	v13 =	vld [tilespmem:s23+$0x60]  }
0xc5: {  	v2 =	vmul.f32 v19, v2;
	[tilespmem:s18+$0xFFFFFFF0] =	vst v14;
	v15 =	vshll.u32 v17, $0x10;
	v12 =	vld [tilespmem:s19+$0xFFFFFF90]  }
0xc6: {  	[tilespmem:s18+$0xE0] =	vst v7;
	v14 =	vand.u32 $0xFFFF0000, v17;
	v15 =	vmul.f32 v15, v6;
	v16 =	vshll.u32 v18, $0x10  }
0xc7: {  	v6 =	vmul.f32 v14, v6;
	[tilespmem:s18+$0x30] =	vst v2;
	v14 =	vand.u32 $0xFFFF0000, v18;
	v16 =	vmul.f32 v16, v5  }
0xc8: {  	s7 =	sadd.s32 $0x5, s22;
	v9 =	vld.idx.msk [tilespmem:v9+s30+$0x0], $0xffff;
	v5 =	vmul.f32 v14, v5;
	[tilespmem:s18+$0x60] =	vst v15  }
0xc9: {  	v15 =	vmov s7;
	[tilespmem:s18+$0xA0] =	vst v16;
	v16 =	vshll.u32 v13, $0x10;
	v2 =	vld.idx.msk [tilespmem:v10+s30+$0x0], $0xffff  }
0xca: {  	[tilespmem:s18+$0xB0] =	vst v5;
	v5 =	vld [tilespmem:s23+$0xFFFFFFC0];
	v7 =	vand.u32 $0xFFFF0000, v13;
	v14 =	vshll.u32 v12, $0x10;
	v12 =	vand.u32 $0xFFFF0000, v12  }
0xcb: {  	s24 =	sadd.s32 $0x6, s22;
	[tilespmem:s18+$0x70] =	vst v6;
	v6 =	vld [tilespmem:s23+$0xFFFFFFA0];
	v14 =	vmul.f32 v14, v4;
	v4 =	vmul.f32 v12, v4;
	v12 =	vshrl.u32 v15, $0x3  }
0xcc: {  	v3 =	vld.idx.msk [tilespmem:v3+s30+$0x0], $0xffff;
	v10 =	vmov s22;
	v15 =	vmov s24;
	v12 =	vshll.u32 v12, v1  }
0xcd: {  	v15 =	vshrl.u32 v15, $0x3;
	v10 =	vshrl.u32 v10, $0x3;
	v12 =	vadd.s32 $0x5, v12  }
0xce: {  	v15 =	vshll.u32 v15, v1;
	[tilespmem:s18+$0xFFFFFF20] =	vst v14;
	v12 =	vbroadcast v12, $0x0;
	v13 =	vmul.f32 v16, v2;
	v16 =	vld [tilespmem:s23+$0xFFFFFFE0]  }
0xcf: {  	v8 =	vld.idx.msk [tilespmem:v8+s30+$0x0], $0xffff;
	s15 =	sadd.s32 $0x200, s18;
	[tilespmem:s18+$0xFFFFFF30] =	vst v4;
	v4 =	vshll.u32 v5, $0x10;
	v14 =	vadd.s32 $0x6, v15;
	v7 =	vmul.f32 v7, v2  }
0xd0: {  	v15 =	vshll.u32 v6, $0x10;
	v4 =	vmul.f32 v4, v9;
	[tilespmem:s15+$0xC0] =	vst v13;
	v13 =	vbroadcast v14, $0x0;
	v14 =	vld [tilespmem:s23+$0x0]  }
0xd1: {  	v11 =	vld.idx.msk [tilespmem:v11+s30+$0x0], $0xffff;
	v6 =	vand.u32 $0xFFFF0000, v6;
	v15 =	vmul.f32 v15, v3;
	[tilespmem:s15+$0xD0] =	vst v7;
	v7 =	vshll.u32 v10, v1  }
0xd2: {  	v5 =	vand.u32 $0xFFFF0000, v5;
	v6 =	vmul.f32 v6, v3;
	[tilespmem:s15+$0xFFFFFF80] =	vst v4;
	v10 =	vld [tilespmem:s23+$0x70];
	v7 =	vbroadcast v7, $0x0  }
0xd3: {  	v5 =	vmul.f32 v5, v9;
	[tilespmem:s15+$0xFFFFFF40] =	vst v15;
	v15 =	vld [tilespmem:s23+$0x20];
	v17 =	vshll.u32 v16, $0x10  }
0xd4: {  	[tilespmem:s15+$0xFFFFFF50] =	vst v6;
	v6 =	vld.idx.msk [tilespmem:v12+s30+$0x0], $0xffff;
	v12 =	vand.u32 $0xFFFF0000, v16;
	v4 =	vmul.f32 v17, v8  }
0xd5: {  	[tilespmem:s15+$0xFFFFFF90] =	vst v5;
	v16 =	vld [tilespmem:s23+$0x40];
	v12 =	vmul.f32 v12, v8;
	v17 =	vshll.u32 v14, $0x10  }
0xd6: {  	v14 =	vand.u32 $0xFFFF0000, v14;
	v5 =	vld.idx.msk [tilespmem:v13+s30+$0x0], $0xffff;
	v13 =	vmul.f32 v17, v11;
	[tilespmem:s15+$0xFFFFFFC0] =	vst v4  }
0xd7: {  	v4 =	vand.u32 $0xFFFF0000, v10;
	v17 =	vld [tilespmem:s23+$0xFFFFFF80];
	[tilespmem:s15+$0xFFFFFFD0] =	vst v12;
	v14 =	vmul.f32 v14, v11  }
0xd8: {  	v12 =	vshll.u32 v15, $0x10;
	v4 =	vmul.f32 v4, v2;
	v7 =	vld.idx.msk [tilespmem:v7+s30+$0x0], $0xffff;
	[tilespmem:s15+$0x0] =	vst v13  }
0xd9: {  	v12 =	vmul.f32 v12, v6;
	v13 =	vand.u32 $0xFFFF0000, v15;
	v15 =	vld [tilespmem:s23+$0xFFFFFFB0];
	[tilespmem:s15+$0x10] =	vst v14  }
0xda: {  	[tilespmem:s15+$0xF0] =	vst v4;
	v4 =	vshll.u32 v16, $0x10;
	v13 =	vmul.f32 v13, v6  }
0xdb: {  	v14 =	vand.u32 $0xFFFF0000, v16;
	v16 =	vld [tilespmem:s23+$0xFFFFFFD0];
	[tilespmem:s15+$0x40] =	vst v12;
	v4 =	vmul.f32 v4, v5  }
0xdc: {  	v12 =	vshll.u32 v17, $0x10;
	v14 =	vmul.f32 v14, v5;
	[tilespmem:s15+$0x50] =	vst v13  }
0xdd: {  	v13 =	vand.u32 $0xFFFF0000, v17;
	v17 =	vld [tilespmem:s23+$0xFFFFFFF0];
	v12 =	vmul.f32 v12, v7;
	[tilespmem:s15+$0x80] =	vst v4  }
0xde: {  	v4 =	vmul.f32 v13, v7;
	v13 =	vshll.u32 v15, $0x10;
	[tilespmem:s15+$0x90] =	vst v14  }
0xdf: {  	v14 =	vand.u32 $0xFFFF0000, v15;
	v15 =	vld [tilespmem:s23+$0x10];
	v13 =	vmul.f32 v13, v3;
	[tilespmem:s15+$0xFFFFFF00] =	vst v12  }
0xe0: {  	v3 =	vmul.f32 v14, v3;
	v12 =	vshll.u32 v16, $0x10;
	[tilespmem:s15+$0xFFFFFF10] =	vst v4  }
0xe1: {  	v14 =	vld [tilespmem:s23+$0x30];
	v4 =	vand.u32 $0xFFFF0000, v16;
	v12 =	vmul.f32 v12, v9;
	[tilespmem:s15+$0xFFFFFF60] =	vst v13  }
0xe2: {  	v4 =	vmul.f32 v4, v9;
	v9 =	vshll.u32 v17, $0x10;
	[tilespmem:s15+$0xFFFFFF70] =	vst v3  }
0xe3: {  	v3 =	vand.u32 $0xFFFF0000, v17;
	v13 =	vld [tilespmem:s23+$0x50];
	v9 =	vmul.f32 v9, v8;
	[tilespmem:s15+$0xFFFFFFA0] =	vst v12  }
0xe4: {  	v3 =	vmul.f32 v3, v8;
	v8 =	vshll.u32 v15, $0x10;
	[tilespmem:s15+$0xFFFFFFB0] =	vst v4  }
0xe5: {  	v4 =	vand.u32 $0xFFFF0000, v15;
	v8 =	vmul.f32 v8, v11;
	[tilespmem:s15+$0xFFFFFFE0] =	vst v9  }
0xe6: {  	v9 =	vld [tilespmem:s23+$0xFFFFFF90];
	v4 =	vmul.f32 v4, v11;
	v11 =	vshll.u32 v14, $0x10;
	[tilespmem:s15+$0xFFFFFFF0] =	vst v3  }
0xe7: {  	v3 =	vand.u32 $0xFFFF0000, v14;
	v11 =	vmul.f32 v11, v6;
	[tilespmem:s15+$0x20] =	vst v8  }
0xe8: {  	v3 =	vmul.f32 v3, v6;
	v6 =	vshll.u32 v13, $0x10;
	[tilespmem:s15+$0x30] =	vst v4  }
0xe9: {  	v4 =	vand.u32 $0xFFFF0000, v13;
	v6 =	vmul.f32 v6, v5;
	[tilespmem:s15+$0x60] =	vst v11  }
0xea: {  	v8 =	vshll.u32 v10, $0x10;
	v4 =	vmul.f32 v4, v5;
	[tilespmem:s15+$0x70] =	vst v3  }
0xeb: {  	v2 =	vmul.f32 v8, v2;
	v3 =	vshll.u32 v9, $0x10;
	[tilespmem:s15+$0xA0] =	vst v6  }
0xec: {  	v5 =	vand.u32 $0xFFFF0000, v9;
	[tilespmem:s15+$0xB0] =	vst v4;
	v3 =	vmul.f32 v3, v7  }
0xed: {  	[tilespmem:s15+$0xE0] =	vst v2;
	v4 =	vmul.f32 v5, v7  }
0xee: {  	[tilespmem:s15+$0xFFFFFF20] =	vst v3  }
0xef: {  	s7 =	simm.s32 $0x0;
	s18 =	smul.u32 $0xA0, s17;
	[tilespmem:s15+$0xFFFFFF30] =	vst v4  }
0xf0: {  	[spmem:s3] =	stream.indirect.scatter.add.f32 [tilespmem:s25], [sflag:$0x5], $0x40, s7, s28, $0xb8;
	[tilespmem:$0xC620] =	vst v63  }
0xf1: {  	s22 =	sadd.s32 s18, s20;
	_ =	swait.ge [sflag:s26], $0x1400  }
0xf2: {  	s19 =	sshrl.u32 s22, $0x3;
	[sflag:s26] =	ssyncset.done $0x0  }
0xf3: {  	s23 =	sadd.s32 s6, s19;
	[sflag:s26] =	ssyncadd.s32 $0xFFFFEC00  }
0xf4: {  	[tilespmem:s7], [sflag:$0x3] =	stream.strided.gather [hbm4b:s23+s28], $0xA0, s29, s28, $0x38;
	[tilespmem:$0xC620] =	vst v63  }
0xf5: {  	s24 =	simm.s32 $0x1;
	s19 =	sadd.s32 s1, s19  }
0xf6: {  	v2 =	vmov s24;
	[tilespmem:s30], [sflag:$0x3] =	stream.linear.gather [hbm4b:s19+s7], $0x50, $0x38;
	[tilespmem:$0xC620] =	vst v63  }
0xf7: {  	v2 =	vshrl.u32 v2, $0x3;
	s15 =	simm.s32 $0x2;
	_ =	swait.ge [sflag:s4], $0xA0  }
0xf8: {  	s22 =	simm.s32 $0x3;
	v2 =	vshll.u32 v2, v1;
	v3 =	vmov s15;
	[sflag:s4] =	ssyncset.done $0x0  }
0xf9: {  	v4 =	vmov s22;
	v2 =	vadd.s32 $0x1, v2;
	v3 =	vshrl.u32 v3, $0x3;
	[sflag:s4] =	ssyncadd.s32 $0xFFFFFF60  }
0xfa: {  	v4 =	vshrl.u32 v4, $0x3;
	v2 =	vbroadcast v2, $0x0;
	v3 =	vshll.u32 v3, v1;
	s23 =	simm.s32 $0x7;
	_ =	swait.ge [sflag:s4], $0x50  }
0xfb: {  	v4 =	vshll.u32 v4, v1;
	v3 =	vadd.s32 $0x2, v3;
	v5 =	vmov s23;
	[sflag:s4] =	ssyncset.done $0x0  }
0xfc: {  	v4 =	vadd.s32 $0x3, v4;
	v3 =	vbroadcast v3, $0x0;
	v5 =	vshrl.u32 v5, $0x3;
	[sflag:s4] =	ssyncadd.s32 $0xFFFFFFB0  }
0xfd: {  	v4 =	vbroadcast v4, $0x0;
	v5 =	vshll.u32 v5, v1;
	[tilespmem:s8], [sflag:$0x1] =	stream.indirect.gather [hbm4b:s2+s28], $0x20, s28, s28, $0xb8;
	[tilespmem:$0xC620] =	vst v63  }
0xfe: {  	v5 =	vadd.s32 $0x7, v5;
	_ =	swait.ge [sflag:s13], $0xA00  }
0xff: {  	s24 =	simm.s32 $0x4;
	v5 =	vbroadcast v5, $0x0;
	[sflag:s13] =	ssyncset.done $0x0  }
0x100: {  	v6 =	vmov s24;
	s23 =	simm.s32 $0x5;
	[sflag:s13] =	ssyncadd.s32 $0xFFFFF600  }
0x101: {  	s24 =	simm.s32 $0xB;
	v6 =	vshrl.u32 v6, $0x3;
	v9 =	vmov s23;
	v7 =	vld.idx.msk [tilespmem:v2+s0+$0x0], $0xffff  }
0x102: {  	v10 =	vmov s24;
	v6 =	vshll.u32 v6, v1;
	s23 =	simm.s32 $0xC;
	v9 =	vshrl.u32 v9, $0x3;
	v8 =	vld.idx.msk [tilespmem:v3+s0+$0x0], $0xffff  }
0x103: {  	s22 =	simm.s32 $0xC60;
	v10 =	vshrl.u32 v10, $0x3;
	v14 =	vmov s23;
	v9 =	vshll.u32 v9, v1;
	v11 =	vld.idx.msk [tilespmem:v4+s0+$0x0], $0xffff  }
0x104: {  	v6 =	vadd.s32 $0x4, v6;
	s15 =	simm.s32 $0x9;
	v14 =	vshrl.u32 v14, $0x3;
	v9 =	vadd.s32 $0x5, v9;
	v13 =	vld [tilespmem:s22+$0x60]  }
0x105: {  	s19 =	simm.s32 $0xA;
	v9 =	vbroadcast v9, $0x0;
	v2 =	vbroadcast v6, $0x0;
	v3 =	vmov s15;
	s15 =	simm.s32 $0x6;
	v15 =	vld.idx.msk [tilespmem:v5+s0+$0x0], $0xffff  }
0x106: {  	v6 =	vmov s7;
	v4 =	vmov s19;
	v16 =	vld [tilespmem:s22+$0xFFFFFFA0];
	v12 =	vmov s15  }
0x107: {  	v6 =	vshrl.u32 v6, $0x3;
	v17 =	vshrl.u32 v4, $0x3;
	v4 =	vld [tilespmem:s22+$0xFFFFFFC0];
	v12 =	vshrl.u32 v12, $0x3  }
0x108: {  	v3 =	vshrl.u32 v3, $0x3;
	v5 =	vshll.u32 v6, v1;
	v6 =	vld [tilespmem:s22+$0xFFFFFF80];
	v12 =	vshll.u32 v12, v1  }
0x109: {  	v14 =	vshll.u32 v14, v1;
	v18 =	vld [tilespmem:s22+$0xFFFFFFE0];
	v3 =	vshll.u32 v3, v1;
	v12 =	vadd.s32 $0x6, v12  }
0x10a: {  	v22 =	vld [tilespmem:s22+$0x20];
	v19 =	vbroadcast v5, $0x0;
	v12 =	vbroadcast v12, $0x0;
	v20 =	vshll.u32 v13, $0x10  }
0x10b: {  	v5 =	vld [tilespmem:s22+$0x0];
	v13 =	vand.u32 $0xFFFF0000, v13;
	v24 =	vshll.u32 v16, $0x10;
	v20 =	vmul.f32 v20, v15  }
0x10c: {  	s19 =	simm.s32 $0x16E0;
	v25 =	vld [tilespmem:s22+$0x40];
	v16 =	vand.u32 $0xFFFF0000, v16;
	v13 =	vmul.f32 v13, v15;
	v26 =	vshll.u32 v4, $0x10  }
0x10d: {  	v2 =	vld.idx.msk [tilespmem:v2+s0+$0x0], $0xffff;
	v27 =	vand.u32 $0xFFFF0000, v4;
	v4 =	vmul.f32 v24, v7;
	v21 =	vshll.u32 v6, $0x10;
	[tilespmem:s19+$0xC0] =	vst v20  }
0x10e: {  	v23 =	vand.u32 $0xFFFF0000, v6;
	v6 =	vld.idx.msk [tilespmem:v9+s0+$0x0], $0xffff;
	v9 =	vshll.u32 v18, $0x10;
	[tilespmem:s19+$0xD0] =	vst v13;
	v13 =	vmul.f32 v16, v7  }
0x10f: {  	v17 =	vshll.u32 v17, v1;
	v3 =	vadd.s32 $0x1, v3;
	[tilespmem:s19+$0xFFFFFF40] =	vst v4;
	v9 =	vmul.f32 v9, v11;
	v59 =	vld [tilespmem:s22+$0x70]  }
0x110: {  	v16 =	vshll.u32 v5, $0x10;
	v20 =	vand.u32 $0xFFFF0000, v5;
	[tilespmem:s19+$0xFFFFFF50] =	vst v13;
	v5 =	vld.idx.msk [tilespmem:v12+s0+$0x0], $0xffff;
	v12 =	vmul.f32 v26, v8  }
0x111: {  	v17 =	vadd.s32 $0x2, v17;
	v18 =	vand.u32 $0xFFFF0000, v18;
	v4 =	vld.idx.msk [tilespmem:v19+s0+$0x0], $0xffff;
	v13 =	vmul.f32 v27, v8;
	[tilespmem:s19+$0xFFFFFFC0] =	vst v9  }
0x112: {  	v3 =	vbroadcast v3, $0x0;
	v60 =	vshll.u32 v22, $0x10;
	[tilespmem:s19+$0xFFFFFF80] =	vst v12;
	v12 =	vmul.f32 v18, v11  }
0x113: {  	v22 =	vand.u32 $0xFFFF0000, v22;
	v19 =	vshll.u32 v25, $0x10;
	v61 =	vld [tilespmem:s22+$0xFFFFFFB0];
	[tilespmem:s19+$0xFFFFFF90] =	vst v13;
	v13 =	vmul.f32 v20, v2  }
0x114: {  	v9 =	vmul.f32 v60, v6;
	v20 =	vmul.f32 v22, v6;
	v22 =	vand.u32 $0xFFFF0000, v59;
	[tilespmem:s19+$0xFFFFFFD0] =	vst v12  }
0x115: {  	v18 =	vshll.u32 v10, v1;
	v10 =	vmul.f32 v16, v2;
	[tilespmem:s19+$0x10] =	vst v13;
	v12 =	vmul.f32 v22, v15;
	v22 =	vld [tilespmem:s22+$0xFFFFFFF0]  }
0x116: {  	v25 =	vand.u32 $0xFFFF0000, v25;
	v16 =	vld [tilespmem:s22+$0xFFFFFFD0];
	v21 =	vmul.f32 v21, v4;
	v23 =	vmul.f32 v23, v4;
	[tilespmem:s19+$0x40] =	vst v9  }
0x117: {  	v24 =	vshll.u32 v59, $0x10;
	[tilespmem:s19+$0x50] =	vst v20;
	v9 =	vbroadcast v17, $0x0;
	v19 =	vmul.f32 v19, v5  }
0x118: {  	[tilespmem:s19+$0x0] =	vst v10;
	v25 =	vmul.f32 v25, v5;
	v10 =	vshll.u32 v61, $0x10;
	v62 =	vand.u32 $0xFFFF0000, v61  }
0x119: {  	v18 =	vadd.s32 $0x3, v18;
	v63 =	vld [tilespmem:s22+$0x10];
	[tilespmem:s19+$0xF0] =	vst v12;
	v12 =	vmul.f32 v10, v7;
	v10 =	vmul.f32 v62, v7  }
0x11a: {  	v7 =	vmul.f32 v24, v15;
	[tilespmem:s19+$0x80] =	vst v19;
	v19 =	vadd.s32 $0x4, v14;
	v17 =	vand.u32 $0xFFFF0000, v22  }
0x11b: {  	v13 =	vshll.u32 v16, $0x10;
	v16 =	vand.u32 $0xFFFF0000, v16;
	v14 =	vmul.f32 v17, v11;
	v17 =	vld [tilespmem:s22+$0x30]  }
0x11c: {  	s24 =	simm.s32 $0xF;
	[tilespmem:s19+$0x90] =	vst v25;
	v15 =	vmul.f32 v13, v8;
	v13 =	vmul.f32 v16, v8;
	v8 =	vshll.u32 v22, $0x10  }
0x11d: {  	[tilespmem:s19+$0xFFFFFF00] =	vst v21;
	v21 =	vmov s24;
	v16 =	vmul.f32 v8, v11;
	v8 =	vbroadcast v18, $0x0;
	v18 =	vld [tilespmem:s22+$0x50]  }
0x11e: {  	s23 =	simm.s32 $0x8;
	s24 =	simm.s32 $0x10;
	[tilespmem:s19+$0xFFFFFF10] =	vst v23;
	v20 =	vshll.u32 v63, $0x10;
	v11 =	vbroadcast v19, $0x0;
	v19 =	vand.u32 $0xFFFF0000, v63  }
.LBB2_7:
0x11f: {  	p1 =	slt.u32 s24, $0x48;
	v21 =	vshrl.u32 v21, $0x3;
	v22 =	vld [tilespmem:s22+$0xFFFFFF90];
	[tilespmem:s19+$0xFFFFFF60] =	vst v12;
	v12 =	vmul.f32 v20, v2;
	v19 =	vmul.f32 v19, v2  }
0x120: {  	v2 =	vshll.u32 v21, v1;
	[tilespmem:s19+$0xFFFFFF70] =	vst v10;
	v10 =	vshll.u32 v17, $0x10;
	v17 =	vand.u32 $0xFFFF0000, v17  }
0x121: {  	v2 =	vadd.s32 $0x7, v2;
	[tilespmem:s19+$0xFFFFFFA0] =	vst v15;
	v15 =	vmul.f32 v10, v6;
	v6 =	vmul.f32 v17, v6  }
0x122: {  	v17 =	vbroadcast v2, $0x0;
	[tilespmem:s19+$0xFFFFFFB0] =	vst v13;
	v2 =	vshll.u32 v18, $0x10;
	v13 =	vand.u32 $0xFFFF0000, v18  }
0x123: {  	v10 =	vld.idx.msk [tilespmem:v3+s0+$0x0], $0xffff;
	[tilespmem:s19+$0xFFFFFFE0] =	vst v16;
	v3 =	vmul.f32 v2, v5;
	v5 =	vmul.f32 v13, v5  }
0x124: {  	s7 =	sadd.s32 $0x1, s24;
	v2 =	vmov s23;
	v9 =	vld.idx.msk [tilespmem:v9+s0+$0x0], $0xffff;
	v13 =	vshll.u32 v22, $0x10;
	v16 =	vand.u32 $0xFFFF0000, v22;
	[tilespmem:s19+$0xFFFFFFF0] =	vst v14  }
0x125: {  	s15 =	sadd.s32 $0x5, s23;
	v14 =	vmov s7;
	s7 =	sadd.s32 $0x2, s24;
	v8 =	vld.idx.msk [tilespmem:v8+s0+$0x0], $0xffff;
	v13 =	vmul.f32 v13, v4;
	v4 =	vmul.f32 v16, v4;
	[tilespmem:s19+$0x20] =	vst v12  }
0x126: {  	s22 =	sadd.s32 $0x100, s22;
	v12 =	vmov s7;
	s7 =	sadd.s32 $0x3, s24;
	v16 =	vshrl.u32 v2, $0x3;
	v2 =	vld.idx.msk [tilespmem:v11+s0+$0x0], $0xffff;
	v11 =	vmov s15;
	s15 =	sadd.s32 $0x6, s23;
	[tilespmem:s19+$0x30] =	vst v19  }
0x127: {  	v18 =	vmov s7;
	s7 =	sadd.s32 $0x4, s24;
	s23 =	smov.u32 s24;
	v11 =	vshrl.u32 v11, $0x3;
	v19 =	vmov s15;
	v20 =	vld [tilespmem:s22+$0x60];
	[tilespmem:s19+$0x60] =	vst v15  }
0x128: {  	v15 =	vmov s7;
	v11 =	vshll.u32 v11, v1;
	v19 =	vshrl.u32 v19, $0x3;
	v17 =	vld.idx.msk [tilespmem:v17+s0+$0x0], $0xffff;
	[tilespmem:s19+$0x70] =	vst v6  }
0x129: {  	v6 =	vshll.u32 v16, v1;
	v16 =	vld [tilespmem:s22+$0xFFFFFF80];
	v11 =	vadd.s32 $0x5, v11;
	v19 =	vshll.u32 v19, v1;
	[tilespmem:s19+$0xA0] =	vst v3  }
0x12a: {  	v3 =	vshrl.u32 v14, $0x3;
	v14 =	vld [tilespmem:s22+$0xFFFFFFA0];
	v11 =	vbroadcast v11, $0x0;
	v19 =	vadd.s32 $0x6, v19;
	[tilespmem:s19+$0xB0] =	vst v5  }
0x12b: {  	v12 =	vshrl.u32 v12, $0x3;
	v3 =	vshll.u32 v3, v1;
	v5 =	vld [tilespmem:s22+$0xFFFFFFC0];
	v19 =	vbroadcast v19, $0x0;
	[tilespmem:s19+$0xE0] =	vst v7  }
0x12c: {  	v15 =	vshrl.u32 v15, $0x3;
	v3 =	vadd.s32 $0x1, v3;
	v7 =	vshrl.u32 v18, $0x3;
	v18 =	vld [tilespmem:s22+$0xFFFFFFE0];
	[tilespmem:s19+$0xFFFFFF20] =	vst v13  }
0x12d: {  	v3 =	vbroadcast v3, $0x0;
	v13 =	vbroadcast v6, $0x0;
	v6 =	vshll.u32 v20, $0x10;
	v21 =	vld [tilespmem:s22+$0x0];
	[tilespmem:s19+$0xFFFFFF30] =	vst v4  }
0x12e: {  	v4 =	vand.u32 $0xFFFF0000, v20;
	v20 =	vmul.f32 v6, v17;
	v22 =	vshll.u32 v16, $0x10;
	v23 =	vld [tilespmem:s22+$0x20]  }
0x12f: {  	s19 =	sadd.s32 $0x200, s19;
	v16 =	vand.u32 $0xFFFF0000, v16;
	v4 =	vmul.f32 v4, v17;
	v24 =	vshll.u32 v14, $0x10;
	v25 =	vld [tilespmem:s22+$0x40]  }
0x130: {  	v14 =	vand.u32 $0xFFFF0000, v14;
	v26 =	vshll.u32 v5, $0x10;
	v27 =	vand.u32 $0xFFFF0000, v5;
	v6 =	vld.idx.msk [tilespmem:v11+s0+$0x0], $0xffff;
	[tilespmem:s19+$0xC0] =	vst v20  }
0x131: {  	v11 =	vmul.f32 v24, v10;
	v20 =	vshll.u32 v18, $0x10;
	v18 =	vand.u32 $0xFFFF0000, v18;
	v5 =	vld.idx.msk [tilespmem:v19+s0+$0x0], $0xffff;
	[tilespmem:s19+$0xD0] =	vst v4  }
0x132: {  	v14 =	vmul.f32 v14, v10;
	v19 =	vshll.u32 v21, $0x10;
	v21 =	vand.u32 $0xFFFF0000, v21;
	v24 =	vld [tilespmem:s22+$0x70]  }
0x133: {  	v4 =	vld.idx.msk [tilespmem:v13+s0+$0x0], $0xffff;
	[tilespmem:s19+$0xFFFFFF40] =	vst v11;
	v11 =	vmul.f32 v26, v9;
	v13 =	vshll.u32 v23, $0x10;
	v23 =	vand.u32 $0xFFFF0000, v23  }
0x134: {  	[tilespmem:s19+$0xFFFFFF50] =	vst v14;
	v14 =	vmul.f32 v27, v9;
	v26 =	vshll.u32 v25, $0x10;
	v25 =	vand.u32 $0xFFFF0000, v25  }
0x135: {  	v12 =	vshll.u32 v12, v1;
	v18 =	vmul.f32 v18, v8;
	v27 =	vld [tilespmem:s22+$0xFFFFFFB0];
	[tilespmem:s19+$0xFFFFFF80] =	vst v11;
	v11 =	vmul.f32 v20, v8  }
0x136: {  	v20 =	vshll.u32 v7, v1;
	v7 =	vmul.f32 v19, v2;
	[tilespmem:s19+$0xFFFFFF90] =	vst v14;
	v14 =	vmul.f32 v21, v2  }
0x137: {  	v21 =	vmul.f32 v23, v6;
	v19 =	vld [tilespmem:s22+$0xFFFFFFD0];
	[tilespmem:s19+$0xFFFFFFC0] =	vst v11;
	v11 =	vmul.f32 v13, v6;
	v13 =	vand.u32 $0xFFFF0000, v24  }
0x138: {  	v23 =	vshll.u32 v24, $0x10;
	[tilespmem:s19+$0xFFFFFFD0] =	vst v18;
	v18 =	vmul.f32 v26, v5;
	v13 =	vmul.f32 v13, v17  }
0x139: {  	v25 =	vmul.f32 v25, v5;
	v24 =	vshll.u32 v15, v1;
	v22 =	vmul.f32 v22, v4;
	v26 =	vld [tilespmem:s22+$0xFFFFFFF0];
	[tilespmem:s19+$0x0] =	vst v7  }
0x13a: {  	v28 =	vmul.f32 v16, v4;
	v7 =	vshll.u32 v27, $0x10;
	v15 =	vand.u32 $0xFFFF0000, v27;
	[tilespmem:s19+$0xF0] =	vst v13  }
0x13b: {  	v16 =	vadd.s32 $0x2, v12;
	v12 =	vmul.f32 v7, v10;
	v10 =	vmul.f32 v15, v10;
	[tilespmem:s19+$0x10] =	vst v14  }
0x13c: {  	v7 =	vmul.f32 v23, v17;
	v13 =	vshll.u32 v19, $0x10;
	v14 =	vand.u32 $0xFFFF0000, v19;
	v19 =	vld [tilespmem:s22+$0x10];
	[tilespmem:s19+$0x40] =	vst v11  }
.Ltmp2:
0x13d: {  	v11 =	vadd.s32 $0x3, v20;
	v15 =	vmul.f32 v13, v9;
	v13 =	vmul.f32 v14, v9;
	[tilespmem:s19+$0x50] =	vst v21;
	(pc) =	sbr.rel @p1 .LBB2_7-.Ltmp2, $4  }
0x13e: {  	v9 =	vbroadcast v16, $0x0;
	v14 =	vshll.u32 v26, $0x10;
	v20 =	vand.u32 $0xFFFF0000, v26;
	v17 =	vld [tilespmem:s22+$0x30];
	[tilespmem:s19+$0x80] =	vst v18  }
0x13f: {  	v18 =	vadd.s32 $0x4, v24;
	v16 =	vmul.f32 v14, v8;
	v14 =	vmul.f32 v20, v8;
	[tilespmem:s19+$0x90] =	vst v25  }
0x140: {  	s7 =	sadd.s32 $0x7, s24;
	v8 =	vbroadcast v11, $0x0;
	v11 =	vbroadcast v18, $0x0;
	[tilespmem:s19+$0xFFFFFF00] =	vst v22;
	v18 =	vld [tilespmem:s22+$0x50]  }
0x141: {  	s24 =	sadd.s32 $0x8, s24;
	v21 =	vmov s7;
	[tilespmem:s19+$0xFFFFFF10] =	vst v28;
	v20 =	vshll.u32 v19, $0x10;
	v19 =	vand.u32 $0xFFFF0000, v19  }
0x142: {  	[tilespmem:s19+$0xFFFFFF60] =	vst v12  }
0x143: {  	[tilespmem:s19+$0xFFFFFF70] =	vst v10  }
0x144: {  	[tilespmem:s19+$0xFFFFFFA0] =	vst v15  }
0x145: {  	v21 =	vshrl.u32 v21, $0x3;
	[tilespmem:s19+$0xFFFFFFB0] =	vst v13;
	v44 =	vmul.f32 v20, v2  }
0x146: {  	v43 =	vld [tilespmem:s22+$0xFFFFFF90];
	[tilespmem:s19+$0xFFFFFFE0] =	vst v16;
	v2 =	vmul.f32 v19, v2;
	v52 =	vmov s23;
	s7 =	sadd.s32 $0x5, s23;
	v21 =	vshll.u32 v21, v1  }
0x147: {  	[tilespmem:s19+$0xFFFFFFF0] =	vst v14;
	s23 =	sadd.s32 $0x6, s23;
	v45 =	vshll.u32 v17, $0x10;
	v46 =	vand.u32 $0xFFFF0000, v17;
	v54 =	vmov s7  }
0x148: {  	s15 =	sadd.s32 $0x100, s22;
	v3 =	vld.idx.msk [tilespmem:v3+s0+$0x0], $0xffff;
	[tilespmem:s19+$0xE0] =	vst v7;
	v58 =	vmov s23;
	v41 =	vadd.s32 $0x7, v21;
	v15 =	vmul.f32 v45, v6  }
0x149: {  	v55 =	vld [tilespmem:s15+$0xFFFFFFA0];
	[tilespmem:s19+$0x20] =	vst v44;
	v49 =	vmul.f32 v46, v6;
	v42 =	vbroadcast v41, $0x0;
	v47 =	vshll.u32 v18, $0x10  }
0x14a: {  	v9 =	vld.idx.msk [tilespmem:v9+s0+$0x0], $0xffff;
	[tilespmem:s19+$0x30] =	vst v2;
	v57 =	vshrl.u32 v54, $0x3;
	v50 =	vand.u32 $0xFFFF0000, v18;
	v16 =	vmul.f32 v47, v5  }
0x14b: {  	v59 =	vld [tilespmem:s15+$0xFFFFFFC0];
	v51 =	vmul.f32 v50, v5;
	[tilespmem:s19+$0x60] =	vst v15;
	v15 =	vshrl.u32 v58, $0x3;
	v53 =	vshll.u32 v43, $0x10  }
0x14c: {  	v8 =	vld.idx.msk [tilespmem:v8+s0+$0x0], $0xffff;
	[tilespmem:s19+$0x70] =	vst v49;
	v12 =	vand.u32 $0xFFFF0000, v43;
	v15 =	vshll.u32 v15, v1;
	v14 =	vmul.f32 v53, v4  }
0x14d: {  	v63 =	vld [tilespmem:s15+$0xFFFFFFE0];
	v56 =	vmul.f32 v12, v4;
	[tilespmem:s19+$0xA0] =	vst v16;
	v12 =	vshll.u32 v57, v1;
	v19 =	vadd.s32 $0x6, v15  }
0x14e: {  	v48 =	vld [tilespmem:s15+$0x60];
	[tilespmem:s19+$0xB0] =	vst v51;
	v20 =	vshll.u32 v55, $0x10;
	v12 =	vadd.s32 $0x5, v12;
	v21 =	vbroadcast v19, $0x0  }
0x14f: {  	v6 =	vand.u32 $0xFFFF0000, v55;
	v15 =	vmul.f32 v20, v3;
	v12 =	vbroadcast v12, $0x0;
	[tilespmem:s19+$0xFFFFFF20] =	vst v14;
	v2 =	vld.idx.msk [tilespmem:v42+s0+$0x0], $0xffff  }
0x150: {  	s24 =	sadd.s32 $0x200, s19;
	v22 =	vld [tilespmem:s15+$0x0];
	v24 =	vshll.u32 v59, $0x10;
	v6 =	vmul.f32 v6, v3;
	[tilespmem:s19+$0xFFFFFF30] =	vst v56  }
0x151: {  	v11 =	vld.idx.msk [tilespmem:v11+s0+$0x0], $0xffff;
	v5 =	vand.u32 $0xFFFF0000, v59;
	v4 =	vmul.f32 v24, v9;
	[tilespmem:s24+$0xFFFFFF40] =	vst v15  }
0x152: {  	v26 =	vld [tilespmem:s15+$0x20];
	v27 =	vshll.u32 v63, $0x10;
	v5 =	vmul.f32 v5, v9;
	[tilespmem:s24+$0xFFFFFF50] =	vst v6  }
0x153: {  	v31 =	vld [tilespmem:s15+$0x40];
	v60 =	vshll.u32 v48, $0x10;
	v30 =	vmul.f32 v27, v8;
	[tilespmem:s24+$0xFFFFFF80] =	vst v4  }
0x154: {  	v61 =	vand.u32 $0xFFFF0000, v48;
	[tilespmem:s24+$0xFFFFFF90] =	vst v5;
	v33 =	vld.idx.msk [tilespmem:v21+s0+$0x0], $0xffff;
	v62 =	vmul.f32 v60, v2  }
0x155: {  	v10 =	vshrl.u32 v52, $0x3;
	v14 =	vand.u32 $0xFFFF0000, v22;
	[tilespmem:s24+$0xFFFFFFC0] =	vst v30;
	v7 =	vmul.f32 v61, v2;
	v28 =	vld.idx.msk [tilespmem:v12+s0+$0x0], $0xffff  }
0x156: {  	v23 =	vshll.u32 v10, v1;
	v29 =	vand.u32 $0xFFFF0000, v63;
	v14 =	vmul.f32 v14, v11;
	v39 =	vld [tilespmem:s15+$0xFFFFFFB0];
	[tilespmem:s24+$0xC0] =	vst v62  }
0x157: {  	v32 =	vshll.u32 v22, $0x10;
	v12 =	vmul.f32 v29, v8;
	[tilespmem:s24+$0xD0] =	vst v7;
	v7 =	vbroadcast v23, $0x0  }
0x158: {  	v41 =	vand.u32 $0xFFFF0000, v31;
	v34 =	vmul.f32 v32, v11;
	[tilespmem:s24+$0x10] =	vst v14;
	v25 =	vld [tilespmem:s15+$0x70]  }
0x159: {  	v38 =	vand.u32 $0xFFFF0000, v26;
	[tilespmem:s24+$0xFFFFFFD0] =	vst v12;
	v14 =	vmul.f32 v41, v33  }
0x15a: {  	v37 =	vshll.u32 v26, $0x10;
	[tilespmem:s24+$0x0] =	vst v34;
	v45 =	vld [tilespmem:s15+$0xFFFFFFF0];
	v13 =	vmul.f32 v38, v28  }
0x15b: {  	v47 =	vshll.u32 v39, $0x10;
	v12 =	vmul.f32 v37, v28;
	[tilespmem:s24+$0x90] =	vst v14  }
0x15c: {  	v36 =	vld [tilespmem:s15+$0xFFFFFF80];
	v48 =	vand.u32 $0xFFFF0000, v39;
	[tilespmem:s24+$0x50] =	vst v13;
	v13 =	vmul.f32 v47, v3  }
0x15d: {  	[tilespmem:s24+$0x40] =	vst v12;
	v3 =	vmul.f32 v48, v3;
	v35 =	vand.u32 $0xFFFF0000, v25;
	v7 =	vld.idx.msk [tilespmem:v7+s0+$0x0], $0xffff  }
0x15e: {  	v42 =	vld [tilespmem:s15+$0xFFFFFFD0];
	v61 =	vshll.u32 v25, $0x10;
	v4 =	vmul.f32 v35, v2;
	[tilespmem:s24+$0xFFFFFF60] =	vst v13  }
0x15f: {  	v52 =	vld [tilespmem:s15+$0x30];
	[tilespmem:s24+$0xFFFFFF70] =	vst v3;
	v3 =	vand.u32 $0xFFFF0000, v45;
	v2 =	vmul.f32 v61, v2  }
0x160: {  	v40 =	vshll.u32 v31, $0x10;
	v3 =	vmul.f32 v3, v8;
	[tilespmem:s24+$0xF0] =	vst v4  }
0x161: {  	v43 =	vshll.u32 v36, $0x10;
	v4 =	vmul.f32 v40, v33;
	[tilespmem:s24+$0xE0] =	vst v2  }
0x162: {  	v44 =	vand.u32 $0xFFFF0000, v36;
	v49 =	vld [tilespmem:s15+$0x10];
	[tilespmem:s24+$0xFFFFFFF0] =	vst v3;
	v12 =	vmul.f32 v43, v7  }
0x163: {  	v51 =	vand.u32 $0xFFFF0000, v42;
	[tilespmem:s24+$0x80] =	vst v4;
	v46 =	vmul.f32 v44, v7  }
0x164: {  	v4 =	vmul.f32 v51, v9;
	v3 =	vand.u32 $0xFFFF0000, v52;
	[tilespmem:s24+$0xFFFFFF00] =	vst v12  }
0x165: {  	v50 =	vshll.u32 v42, $0x10;
	v54 =	vld [tilespmem:s15+$0x50];
	v3 =	vmul.f32 v3, v28;
	[tilespmem:s24+$0xFFFFFF10] =	vst v46  }
0x166: {  	v53 =	vshll.u32 v45, $0x10;
	v12 =	vmul.f32 v50, v9;
	[tilespmem:s24+$0xFFFFFFB0] =	vst v4  }
0x167: {  	v55 =	vshll.u32 v49, $0x10;
	v9 =	vmul.f32 v53, v8;
	v57 =	vld [tilespmem:s15+$0xFFFFFF90];
	[tilespmem:s24+$0x70] =	vst v3  }
0x168: {  	v56 =	vand.u32 $0xFFFF0000, v49;
	v8 =	vmul.f32 v55, v11;
	[tilespmem:s24+$0xFFFFFFA0] =	vst v12  }
0x169: {  	v58 =	vshll.u32 v52, $0x10;
	v4 =	vmul.f32 v56, v11;
	[tilespmem:s24+$0xFFFFFFE0] =	vst v9  }
0x16a: {  	v11 =	vmul.f32 v58, v28;
	[tilespmem:s24+$0x20] =	vst v8;
	v59 =	vshll.u32 v54, $0x10  }
0x16b: {  	[tilespmem:s24+$0x30] =	vst v4;
	v60 =	vand.u32 $0xFFFF0000, v54;
	v6 =	vmul.f32 v59, v33  }
0x16c: {  	[tilespmem:s24+$0x60] =	vst v11;
	v4 =	vmul.f32 v60, v33;
	v3 =	vshll.u32 v57, $0x10  }
0x16d: {  	v62 =	vand.u32 $0xFFFF0000, v57;
	[tilespmem:s24+$0xA0] =	vst v6;
	v3 =	vmul.f32 v3, v7  }
0x16e: {  	[tilespmem:s24+$0xB0] =	vst v4;
	v63 =	vmul.f32 v62, v7  }
0x16f: {  	p1 =	seq.s32 s17, $0x3D;
	[tilespmem:s24+$0xFFFFFF20] =	vst v3  }
.Ltmp3:
0x170: {  	[tilespmem:s24+$0xFFFFFF30] =	vst v63;
	(pc) =	sbr.rel @p1 .LBB2_10-.Ltmp3, $4  }
0x171: {  	[spmem:s3] =	stream.indirect.scatter.add.f32 [tilespmem:s25], [sflag:$0x5], $0x40, s31, s28, $0xb8;
	[tilespmem:$0xC620] =	vst v63  }
0x172: {  	_ =	swait.ge [sflag:s26], $0x1400  }
0x173: {  	[sflag:s26] =	ssyncset.done $0x0  }
0x174: {  	[sflag:s26] =	ssyncadd.s32 $0xFFFFEC00  }
0x175: {  	s7 =	sadd.s32 s18, s21  }
.Ltmp4:
0x176: {  	s7 =	sshrl.u32 s7, $0x3;
	(pc) =	sbr.rel .LBB2_4-.Ltmp4, $4  }
0x177: {  	s15 =	sadd.s32 s6, s7  }
0x178: {  	[tilespmem:s31], [sflag:$0x4] =	stream.strided.gather [hbm4b:s15+s28], $0xA0, s29, s28, $0x38;
	[tilespmem:$0xC620] =	vst v63  }
0x179: {  	s17 =	sadd.s32 $0x1, s17;
	s7 =	sadd.s32 s1, s7  }
0x17a: {  	[tilespmem:s0], [sflag:$0x4] =	stream.linear.gather [hbm4b:s7+s5], $0x50, $0x38;
	[tilespmem:$0xC620] =	vst v63  }
.LBB2_10:
0x17b: {  	s7 =	simm.s32 $0x1;
	s18 =	simm.s32 $0x2  }
0x17c: {  	s19 =	simm.s32 $0x3;
	s22 =	simm.s32 $0x7;
	v2 =	vmov s7;
	v3 =	vmov s18  }
0x17d: {  	s23 =	simm.s32 $0x4;
	v4 =	vmov s19;
	v5 =	vmov s22;
	v2 =	vshrl.u32 v2, $0x3  }
0x17e: {  	v6 =	vmov s23;
	v5 =	vshrl.u32 v5, $0x3;
	v2 =	vshll.u32 v2, v1  }
0x17f: {  	_ =	swait.ge [sflag:s12], $0xA00;
	v4 =	vshrl.u32 v4, $0x3;
	v5 =	vshll.u32 v5, v1;
	v2 =	vadd.s32 $0x1, v2  }
0x180: {  	[sflag:s12] =	ssyncset.done $0x0;
	v4 =	vshll.u32 v4, v1;
	v5 =	vadd.s32 $0x7, v5;
	v2 =	vbroadcast v2, $0x0  }
0x181: {  	s17 =	simm.s32 $0x260;
	s18 =	simm.s32 $0x5;
	v3 =	vshrl.u32 v3, $0x3;
	[sflag:s12] =	ssyncadd.s32 $0xFFFFF600;
	v4 =	vadd.s32 $0x3, v4;
	v5 =	vbroadcast v5, $0x0  }
0x182: {  	s19 =	simm.s32 $0xB;
	s22 =	simm.s32 $0x6;
	v6 =	vshrl.u32 v6, $0x3;
	v9 =	vmov s18;
	v13 =	vld [tilespmem:s17+$0x60];
	v4 =	vbroadcast v4, $0x0  }
0x183: {  	s23 =	simm.s32 $0xC;
	v10 =	vmov s19;
	v12 =	vmov s22;
	v3 =	vshll.u32 v3, v1;
	v16 =	vld [tilespmem:s17+$0xFFFFFFA0]  }
0x184: {  	v14 =	vmov s23;
	v6 =	vshll.u32 v6, v1;
	v18 =	vld [tilespmem:s17+$0xFFFFFFE0];
	v3 =	vadd.s32 $0x2, v3  }
0x185: {  	v9 =	vshrl.u32 v9, $0x3;
	v12 =	vshrl.u32 v12, $0x3;
	v22 =	vld [tilespmem:s17+$0x20];
	v3 =	vbroadcast v3, $0x0  }
0x186: {  	v10 =	vshrl.u32 v10, $0x3;
	v14 =	vshrl.u32 v14, $0x3;
	v9 =	vshll.u32 v9, v1;
	v7 =	vld.idx.msk [tilespmem:v2+s30+$0x0], $0xffff  }
0x187: {  	s24 =	simm.s32 $0x0;
	s16 =	simm.s32 $0xA;
	v6 =	vadd.s32 $0x4, v6;
	v12 =	vshll.u32 v12, v1;
	v9 =	vadd.s32 $0x5, v9;
	v15 =	vld.idx.msk [tilespmem:v5+s30+$0x0], $0xffff  }
0x188: {  	v2 =	vbroadcast v6, $0x0;
	v6 =	vmov s24;
	v11 =	vld.idx.msk [tilespmem:v4+s30+$0x0], $0xffff;
	v4 =	vmov s16  }
0x189: {  	v9 =	vbroadcast v9, $0x0;
	v6 =	vshrl.u32 v6, $0x3;
	v17 =	vshrl.u32 v4, $0x3;
	v4 =	vld [tilespmem:s17+$0xFFFFFFC0]  }
0x18a: {  	v14 =	vshll.u32 v14, v1;
	v12 =	vadd.s32 $0x6, v12;
	v5 =	vshll.u32 v6, v1;
	v6 =	vld [tilespmem:s17+$0xFFFFFF80]  }
0x18b: {  	v12 =	vbroadcast v12, $0x0;
	v20 =	vshll.u32 v13, $0x10;
	v13 =	vand.u32 $0xFFFF0000, v13;
	v8 =	vld.idx.msk [tilespmem:v3+s30+$0x0], $0xffff  }
0x18c: {  	v24 =	vshll.u32 v16, $0x10;
	v19 =	vbroadcast v5, $0x0;
	v5 =	vld [tilespmem:s17+$0x0];
	v20 =	vmul.f32 v20, v15  }
0x18d: {  	s15 =	simm.s32 $0x9;
	v16 =	vand.u32 $0xFFFF0000, v16;
	v60 =	vshll.u32 v22, $0x10;
	s16 =	simm.s32 $0x16E0;
	v13 =	vmul.f32 v13, v15  }
0x18e: {  	v3 =	vmov s15;
	v2 =	vld.idx.msk [tilespmem:v2+s30+$0x0], $0xffff;
	v26 =	vshll.u32 v4, $0x10;
	v27 =	vand.u32 $0xFFFF0000, v4;
	[tilespmem:s16+$0xC0] =	vst v20  }
0x18f: {  	v4 =	vmul.f32 v24, v7;
	v21 =	vshll.u32 v6, $0x10;
	v23 =	vand.u32 $0xFFFF0000, v6;
	v6 =	vld.idx.msk [tilespmem:v9+s30+$0x0], $0xffff;
	[tilespmem:s16+$0xD0] =	vst v13  }
0x190: {  	v3 =	vshrl.u32 v3, $0x3;
	v9 =	vshll.u32 v18, $0x10;
	v13 =	vmul.f32 v16, v7;
	v59 =	vld [tilespmem:s17+$0x70]  }
0x191: {  	v16 =	vshll.u32 v5, $0x10;
	v20 =	vand.u32 $0xFFFF0000, v5;
	v5 =	vld.idx.msk [tilespmem:v12+s30+$0x0], $0xffff;
	[tilespmem:s16+$0xFFFFFF40] =	vst v4;
	v12 =	vmul.f32 v26, v8  }
0x192: {  	v25 =	vld [tilespmem:s17+$0x40];
	v22 =	vand.u32 $0xFFFF0000, v22;
	v3 =	vshll.u32 v3, v1;
	v9 =	vmul.f32 v9, v11;
	[tilespmem:s16+$0xFFFFFF50] =	vst v13  }
0x193: {  	v17 =	vshll.u32 v17, v1;
	v18 =	vand.u32 $0xFFFF0000, v18;
	v13 =	vmul.f32 v27, v8;
	[tilespmem:s16+$0xFFFFFF80] =	vst v12  }
0x194: {  	v3 =	vadd.s32 $0x1, v3;
	v17 =	vadd.s32 $0x2, v17;
	v4 =	vld.idx.msk [tilespmem:v19+s30+$0x0], $0xffff;
	v12 =	vmul.f32 v18, v11;
	[tilespmem:s16+$0xFFFFFFC0] =	vst v9  }
0x195: {  	v3 =	vbroadcast v3, $0x0;
	v61 =	vld [tilespmem:s17+$0xFFFFFFB0];
	v18 =	vshll.u32 v10, v1;
	[tilespmem:s16+$0xFFFFFF90] =	vst v13;
	v10 =	vmul.f32 v16, v2  }
0x196: {  	v13 =	vmul.f32 v20, v2;
	v20 =	vmul.f32 v22, v6;
	[tilespmem:s16+$0xFFFFFFD0] =	vst v12;
	v22 =	vand.u32 $0xFFFF0000, v59  }
0x197: {  	v19 =	vshll.u32 v25, $0x10;
	v9 =	vmul.f32 v60, v6;
	[tilespmem:s16+$0x0] =	vst v10;
	v12 =	vmul.f32 v22, v15;
	v22 =	vld [tilespmem:s17+$0xFFFFFFF0]  }
0x198: {  	v25 =	vand.u32 $0xFFFF0000, v25;
	v18 =	vadd.s32 $0x3, v18;
	v16 =	vld [tilespmem:s17+$0xFFFFFFD0];
	v19 =	vmul.f32 v19, v5;
	[tilespmem:s16+$0x10] =	vst v13  }
0x199: {  	v24 =	vshll.u32 v59, $0x10;
	v25 =	vmul.f32 v25, v5;
	v21 =	vmul.f32 v21, v4;
	[tilespmem:s16+$0x40] =	vst v9  }
0x19a: {  	v23 =	vmul.f32 v23, v4;
	v9 =	vbroadcast v17, $0x0;
	v10 =	vshll.u32 v61, $0x10;
	[tilespmem:s16+$0x80] =	vst v19  }
0x19b: {  	v63 =	vld [tilespmem:s17+$0x10];
	v62 =	vand.u32 $0xFFFF0000, v61;
	v19 =	vadd.s32 $0x4, v14;
	[tilespmem:s16+$0xF0] =	vst v12;
	v12 =	vmul.f32 v10, v7  }
0x19c: {  	[tilespmem:s16+$0x50] =	vst v20;
	v10 =	vmul.f32 v62, v7;
	v7 =	vmul.f32 v24, v15;
	v17 =	vand.u32 $0xFFFF0000, v22  }
0x19d: {  	v13 =	vshll.u32 v16, $0x10;
	v16 =	vand.u32 $0xFFFF0000, v16;
	v14 =	vmul.f32 v17, v11;
	v17 =	vld [tilespmem:s17+$0x30]  }
0x19e: {  	s24 =	simm.s32 $0xF;
	[tilespmem:s16+$0x90] =	vst v25;
	v15 =	vmul.f32 v13, v8;
	v13 =	vmul.f32 v16, v8;
	v8 =	vshll.u32 v22, $0x10  }
0x19f: {  	[tilespmem:s16+$0xFFFFFF00] =	vst v21;
	v21 =	vmov s24;
	v16 =	vmul.f32 v8, v11;
	v8 =	vbroadcast v18, $0x0;
	v18 =	vld [tilespmem:s17+$0x50]  }
0x1a0: {  	s18 =	simm.s32 $0x8;
	s19 =	simm.s32 $0x10;
	[tilespmem:s16+$0xFFFFFF10] =	vst v23;
	v20 =	vshll.u32 v63, $0x10;
	v11 =	vbroadcast v19, $0x0;
	v19 =	vand.u32 $0xFFFF0000, v63  }
.LBB2_11:
0x1a1: {  	p1 =	slt.u32 s19, $0x48;
	v21 =	vshrl.u32 v21, $0x3;
	v22 =	vld [tilespmem:s17+$0xFFFFFF90];
	[tilespmem:s16+$0xFFFFFF60] =	vst v12;
	v12 =	vmul.f32 v20, v2;
	v19 =	vmul.f32 v19, v2  }
0x1a2: {  	v2 =	vshll.u32 v21, v1;
	[tilespmem:s16+$0xFFFFFF70] =	vst v10;
	v10 =	vshll.u32 v17, $0x10;
	v17 =	vand.u32 $0xFFFF0000, v17  }
0x1a3: {  	v2 =	vadd.s32 $0x7, v2;
	[tilespmem:s16+$0xFFFFFFA0] =	vst v15;
	v15 =	vmul.f32 v10, v6;
	v6 =	vmul.f32 v17, v6  }
0x1a4: {  	v17 =	vbroadcast v2, $0x0;
	[tilespmem:s16+$0xFFFFFFB0] =	vst v13;
	v2 =	vshll.u32 v18, $0x10;
	v13 =	vand.u32 $0xFFFF0000, v18  }
0x1a5: {  	v10 =	vld.idx.msk [tilespmem:v3+s30+$0x0], $0xffff;
	[tilespmem:s16+$0xFFFFFFE0] =	vst v16;
	v3 =	vmul.f32 v2, v5;
	v5 =	vmul.f32 v13, v5  }
0x1a6: {  	s7 =	sadd.s32 $0x1, s19;
	v2 =	vmov s18;
	v9 =	vld.idx.msk [tilespmem:v9+s30+$0x0], $0xffff;
	v13 =	vshll.u32 v22, $0x10;
	v16 =	vand.u32 $0xFFFF0000, v22;
	[tilespmem:s16+$0xFFFFFFF0] =	vst v14  }
0x1a7: {  	s15 =	sadd.s32 $0x5, s18;
	v14 =	vmov s7;
	s7 =	sadd.s32 $0x2, s19;
	v8 =	vld.idx.msk [tilespmem:v8+s30+$0x0], $0xffff;
	v13 =	vmul.f32 v13, v4;
	v4 =	vmul.f32 v16, v4;
	[tilespmem:s16+$0x20] =	vst v12  }
0x1a8: {  	s17 =	sadd.s32 $0x100, s17;
	v12 =	vmov s7;
	s7 =	sadd.s32 $0x3, s19;
	v16 =	vshrl.u32 v2, $0x3;
	v2 =	vld.idx.msk [tilespmem:v11+s30+$0x0], $0xffff;
	v11 =	vmov s15;
	s15 =	sadd.s32 $0x6, s18;
	[tilespmem:s16+$0x30] =	vst v19  }
0x1a9: {  	v18 =	vmov s7;
	s7 =	sadd.s32 $0x4, s19;
	s18 =	smov.u32 s19;
	v11 =	vshrl.u32 v11, $0x3;
	v19 =	vmov s15;
	v20 =	vld [tilespmem:s17+$0x60];
	[tilespmem:s16+$0x60] =	vst v15  }
0x1aa: {  	v15 =	vmov s7;
	v11 =	vshll.u32 v11, v1;
	v19 =	vshrl.u32 v19, $0x3;
	v17 =	vld.idx.msk [tilespmem:v17+s30+$0x0], $0xffff;
	[tilespmem:s16+$0x70] =	vst v6  }
0x1ab: {  	v6 =	vshll.u32 v16, v1;
	v16 =	vld [tilespmem:s17+$0xFFFFFF80];
	v11 =	vadd.s32 $0x5, v11;
	v19 =	vshll.u32 v19, v1;
	[tilespmem:s16+$0xA0] =	vst v3  }
0x1ac: {  	v3 =	vshrl.u32 v14, $0x3;
	v14 =	vld [tilespmem:s17+$0xFFFFFFA0];
	v11 =	vbroadcast v11, $0x0;
	v19 =	vadd.s32 $0x6, v19;
	[tilespmem:s16+$0xB0] =	vst v5  }
0x1ad: {  	v12 =	vshrl.u32 v12, $0x3;
	v3 =	vshll.u32 v3, v1;
	v5 =	vld [tilespmem:s17+$0xFFFFFFC0];
	v19 =	vbroadcast v19, $0x0;
	[tilespmem:s16+$0xE0] =	vst v7  }
0x1ae: {  	v15 =	vshrl.u32 v15, $0x3;
	v3 =	vadd.s32 $0x1, v3;
	v7 =	vshrl.u32 v18, $0x3;
	v18 =	vld [tilespmem:s17+$0xFFFFFFE0];
	[tilespmem:s16+$0xFFFFFF20] =	vst v13  }
0x1af: {  	v3 =	vbroadcast v3, $0x0;
	v13 =	vbroadcast v6, $0x0;
	v6 =	vshll.u32 v20, $0x10;
	v21 =	vld [tilespmem:s17+$0x0];
	[tilespmem:s16+$0xFFFFFF30] =	vst v4  }
0x1b0: {  	v4 =	vand.u32 $0xFFFF0000, v20;
	v20 =	vmul.f32 v6, v17;
	v22 =	vshll.u32 v16, $0x10;
	v23 =	vld [tilespmem:s17+$0x20]  }
0x1b1: {  	s16 =	sadd.s32 $0x200, s16;
	v16 =	vand.u32 $0xFFFF0000, v16;
	v4 =	vmul.f32 v4, v17;
	v24 =	vshll.u32 v14, $0x10;
	v25 =	vld [tilespmem:s17+$0x40]  }
0x1b2: {  	v14 =	vand.u32 $0xFFFF0000, v14;
	v26 =	vshll.u32 v5, $0x10;
	v27 =	vand.u32 $0xFFFF0000, v5;
	v6 =	vld.idx.msk [tilespmem:v11+s30+$0x0], $0xffff;
	[tilespmem:s16+$0xC0] =	vst v20  }
0x1b3: {  	v11 =	vmul.f32 v24, v10;
	v20 =	vshll.u32 v18, $0x10;
	v18 =	vand.u32 $0xFFFF0000, v18;
	v5 =	vld.idx.msk [tilespmem:v19+s30+$0x0], $0xffff;
	[tilespmem:s16+$0xD0] =	vst v4  }
0x1b4: {  	v14 =	vmul.f32 v14, v10;
	v19 =	vshll.u32 v21, $0x10;
	v21 =	vand.u32 $0xFFFF0000, v21;
	v24 =	vld [tilespmem:s17+$0x70]  }
0x1b5: {  	v4 =	vld.idx.msk [tilespmem:v13+s30+$0x0], $0xffff;
	[tilespmem:s16+$0xFFFFFF40] =	vst v11;
	v11 =	vmul.f32 v26, v9;
	v13 =	vshll.u32 v23, $0x10;
	v23 =	vand.u32 $0xFFFF0000, v23  }
0x1b6: {  	[tilespmem:s16+$0xFFFFFF50] =	vst v14;
	v14 =	vmul.f32 v27, v9;
	v26 =	vshll.u32 v25, $0x10;
	v25 =	vand.u32 $0xFFFF0000, v25  }
0x1b7: {  	v12 =	vshll.u32 v12, v1;
	v18 =	vmul.f32 v18, v8;
	v27 =	vld [tilespmem:s17+$0xFFFFFFB0];
	[tilespmem:s16+$0xFFFFFF80] =	vst v11;
	v11 =	vmul.f32 v20, v8  }
0x1b8: {  	v20 =	vshll.u32 v7, v1;
	v7 =	vmul.f32 v19, v2;
	[tilespmem:s16+$0xFFFFFF90] =	vst v14;
	v14 =	vmul.f32 v21, v2  }
0x1b9: {  	v21 =	vmul.f32 v23, v6;
	v19 =	vld [tilespmem:s17+$0xFFFFFFD0];
	[tilespmem:s16+$0xFFFFFFC0] =	vst v11;
	v11 =	vmul.f32 v13, v6;
	v13 =	vand.u32 $0xFFFF0000, v24  }
0x1ba: {  	v23 =	vshll.u32 v24, $0x10;
	[tilespmem:s16+$0xFFFFFFD0] =	vst v18;
	v18 =	vmul.f32 v26, v5;
	v13 =	vmul.f32 v13, v17  }
0x1bb: {  	v25 =	vmul.f32 v25, v5;
	v24 =	vshll.u32 v15, v1;
	v22 =	vmul.f32 v22, v4;
	v26 =	vld [tilespmem:s17+$0xFFFFFFF0];
	[tilespmem:s16+$0x0] =	vst v7  }
0x1bc: {  	v28 =	vmul.f32 v16, v4;
	v7 =	vshll.u32 v27, $0x10;
	v15 =	vand.u32 $0xFFFF0000, v27;
	[tilespmem:s16+$0xF0] =	vst v13  }
0x1bd: {  	v16 =	vadd.s32 $0x2, v12;
	v12 =	vmul.f32 v7, v10;
	v10 =	vmul.f32 v15, v10;
	[tilespmem:s16+$0x10] =	vst v14  }
0x1be: {  	v7 =	vmul.f32 v23, v17;
	v13 =	vshll.u32 v19, $0x10;
	v14 =	vand.u32 $0xFFFF0000, v19;
	v19 =	vld [tilespmem:s17+$0x10];
	[tilespmem:s16+$0x40] =	vst v11  }
.Ltmp5:
0x1bf: {  	v11 =	vadd.s32 $0x3, v20;
	v15 =	vmul.f32 v13, v9;
	v13 =	vmul.f32 v14, v9;
	[tilespmem:s16+$0x50] =	vst v21;
	(pc) =	sbr.rel @p1 .LBB2_11-.Ltmp5, $4  }
0x1c0: {  	v9 =	vbroadcast v16, $0x0;
	v14 =	vshll.u32 v26, $0x10;
	v20 =	vand.u32 $0xFFFF0000, v26;
	v17 =	vld [tilespmem:s17+$0x30];
	[tilespmem:s16+$0x80] =	vst v18  }
0x1c1: {  	v18 =	vadd.s32 $0x4, v24;
	v16 =	vmul.f32 v14, v8;
	v14 =	vmul.f32 v20, v8;
	[tilespmem:s16+$0x90] =	vst v25  }
0x1c2: {  	s7 =	sadd.s32 $0x7, s19;
	v8 =	vbroadcast v11, $0x0;
	v11 =	vbroadcast v18, $0x0;
	[tilespmem:s16+$0xFFFFFF00] =	vst v22;
	v18 =	vld [tilespmem:s17+$0x50]  }
0x1c3: {  	s19 =	sadd.s32 $0x8, s19;
	v21 =	vmov s7;
	[tilespmem:s16+$0xFFFFFF10] =	vst v28;
	v20 =	vshll.u32 v19, $0x10;
	v19 =	vand.u32 $0xFFFF0000, v19  }
0x1c4: {  	[tilespmem:s16+$0xFFFFFF60] =	vst v12  }
0x1c5: {  	[tilespmem:s16+$0xFFFFFF70] =	vst v10  }
0x1c6: {  	[tilespmem:s16+$0xFFFFFFA0] =	vst v15  }
0x1c7: {  	v21 =	vshrl.u32 v21, $0x3;
	[tilespmem:s16+$0xFFFFFFB0] =	vst v13;
	v44 =	vmul.f32 v20, v2  }
0x1c8: {  	v43 =	vld [tilespmem:s17+$0xFFFFFF90];
	[tilespmem:s16+$0xFFFFFFE0] =	vst v16;
	v2 =	vmul.f32 v19, v2;
	v52 =	vmov s18;
	s7 =	sadd.s32 $0x5, s18;
	v21 =	vshll.u32 v21, v1  }
0x1c9: {  	[tilespmem:s16+$0xFFFFFFF0] =	vst v14;
	s18 =	sadd.s32 $0x6, s18;
	v45 =	vshll.u32 v17, $0x10;
	v46 =	vand.u32 $0xFFFF0000, v17;
	v54 =	vmov s7  }
0x1ca: {  	s15 =	sadd.s32 $0x100, s17;
	v3 =	vld.idx.msk [tilespmem:v3+s30+$0x0], $0xffff;
	[tilespmem:s16+$0xE0] =	vst v7;
	v58 =	vmov s18;
	v41 =	vadd.s32 $0x7, v21;
	v15 =	vmul.f32 v45, v6  }
0x1cb: {  	v55 =	vld [tilespmem:s15+$0xFFFFFFA0];
	[tilespmem:s16+$0x20] =	vst v44;
	v49 =	vmul.f32 v46, v6;
	v42 =	vbroadcast v41, $0x0;
	v47 =	vshll.u32 v18, $0x10  }
0x1cc: {  	v9 =	vld.idx.msk [tilespmem:v9+s30+$0x0], $0xffff;
	[tilespmem:s16+$0x30] =	vst v2;
	v57 =	vshrl.u32 v54, $0x3;
	v50 =	vand.u32 $0xFFFF0000, v18;
	v16 =	vmul.f32 v47, v5  }
0x1cd: {  	v59 =	vld [tilespmem:s15+$0xFFFFFFC0];
	v51 =	vmul.f32 v50, v5;
	[tilespmem:s16+$0x60] =	vst v15;
	v15 =	vshrl.u32 v58, $0x3;
	v53 =	vshll.u32 v43, $0x10  }
0x1ce: {  	v8 =	vld.idx.msk [tilespmem:v8+s30+$0x0], $0xffff;
	[tilespmem:s16+$0x70] =	vst v49;
	v12 =	vand.u32 $0xFFFF0000, v43;
	v15 =	vshll.u32 v15, v1;
	v14 =	vmul.f32 v53, v4  }
0x1cf: {  	v63 =	vld [tilespmem:s15+$0xFFFFFFE0];
	v56 =	vmul.f32 v12, v4;
	[tilespmem:s16+$0xA0] =	vst v16;
	v12 =	vshll.u32 v57, v1;
	v19 =	vadd.s32 $0x6, v15  }
0x1d0: {  	v48 =	vld [tilespmem:s15+$0x60];
	[tilespmem:s16+$0xB0] =	vst v51;
	v20 =	vshll.u32 v55, $0x10;
	v12 =	vadd.s32 $0x5, v12;
	v21 =	vbroadcast v19, $0x0  }
0x1d1: {  	v6 =	vand.u32 $0xFFFF0000, v55;
	v15 =	vmul.f32 v20, v3;
	v12 =	vbroadcast v12, $0x0;
	[tilespmem:s16+$0xFFFFFF20] =	vst v14;
	v2 =	vld.idx.msk [tilespmem:v42+s30+$0x0], $0xffff  }
0x1d2: {  	s19 =	sadd.s32 $0x200, s16;
	v22 =	vld [tilespmem:s15+$0x0];
	v24 =	vshll.u32 v59, $0x10;
	v6 =	vmul.f32 v6, v3;
	[tilespmem:s16+$0xFFFFFF30] =	vst v56  }
0x1d3: {  	v11 =	vld.idx.msk [tilespmem:v11+s30+$0x0], $0xffff;
	v5 =	vand.u32 $0xFFFF0000, v59;
	v4 =	vmul.f32 v24, v9;
	[tilespmem:s19+$0xFFFFFF40] =	vst v15  }
0x1d4: {  	v26 =	vld [tilespmem:s15+$0x20];
	v27 =	vshll.u32 v63, $0x10;
	v5 =	vmul.f32 v5, v9;
	[tilespmem:s19+$0xFFFFFF50] =	vst v6  }
0x1d5: {  	v31 =	vld [tilespmem:s15+$0x40];
	v60 =	vshll.u32 v48, $0x10;
	v30 =	vmul.f32 v27, v8;
	[tilespmem:s19+$0xFFFFFF80] =	vst v4  }
0x1d6: {  	v61 =	vand.u32 $0xFFFF0000, v48;
	[tilespmem:s19+$0xFFFFFF90] =	vst v5;
	v33 =	vld.idx.msk [tilespmem:v21+s30+$0x0], $0xffff;
	v62 =	vmul.f32 v60, v2  }
0x1d7: {  	v10 =	vshrl.u32 v52, $0x3;
	v14 =	vand.u32 $0xFFFF0000, v22;
	[tilespmem:s19+$0xFFFFFFC0] =	vst v30;
	v7 =	vmul.f32 v61, v2;
	v28 =	vld.idx.msk [tilespmem:v12+s30+$0x0], $0xffff  }
0x1d8: {  	v23 =	vshll.u32 v10, v1;
	v29 =	vand.u32 $0xFFFF0000, v63;
	v14 =	vmul.f32 v14, v11;
	v39 =	vld [tilespmem:s15+$0xFFFFFFB0];
	[tilespmem:s19+$0xC0] =	vst v62  }
0x1d9: {  	v32 =	vshll.u32 v22, $0x10;
	v12 =	vmul.f32 v29, v8;
	[tilespmem:s19+$0xD0] =	vst v7;
	v7 =	vbroadcast v23, $0x0  }
0x1da: {  	v41 =	vand.u32 $0xFFFF0000, v31;
	v34 =	vmul.f32 v32, v11;
	[tilespmem:s19+$0x10] =	vst v14;
	v25 =	vld [tilespmem:s15+$0x70]  }
0x1db: {  	v38 =	vand.u32 $0xFFFF0000, v26;
	[tilespmem:s19+$0xFFFFFFD0] =	vst v12;
	v14 =	vmul.f32 v41, v33  }
0x1dc: {  	v37 =	vshll.u32 v26, $0x10;
	[tilespmem:s19+$0x0] =	vst v34;
	v45 =	vld [tilespmem:s15+$0xFFFFFFF0];
	v13 =	vmul.f32 v38, v28  }
0x1dd: {  	v47 =	vshll.u32 v39, $0x10;
	v12 =	vmul.f32 v37, v28;
	[tilespmem:s19+$0x90] =	vst v14  }
0x1de: {  	v36 =	vld [tilespmem:s15+$0xFFFFFF80];
	v48 =	vand.u32 $0xFFFF0000, v39;
	[tilespmem:s19+$0x50] =	vst v13;
	v13 =	vmul.f32 v47, v3  }
0x1df: {  	[tilespmem:s19+$0x40] =	vst v12;
	v3 =	vmul.f32 v48, v3;
	v35 =	vand.u32 $0xFFFF0000, v25;
	v7 =	vld.idx.msk [tilespmem:v7+s30+$0x0], $0xffff  }
0x1e0: {  	v42 =	vld [tilespmem:s15+$0xFFFFFFD0];
	v61 =	vshll.u32 v25, $0x10;
	v4 =	vmul.f32 v35, v2;
	[tilespmem:s19+$0xFFFFFF60] =	vst v13  }
0x1e1: {  	v52 =	vld [tilespmem:s15+$0x30];
	[tilespmem:s19+$0xFFFFFF70] =	vst v3;
	v3 =	vand.u32 $0xFFFF0000, v45;
	v2 =	vmul.f32 v61, v2  }
0x1e2: {  	v40 =	vshll.u32 v31, $0x10;
	v3 =	vmul.f32 v3, v8;
	[tilespmem:s19+$0xF0] =	vst v4  }
0x1e3: {  	v43 =	vshll.u32 v36, $0x10;
	v4 =	vmul.f32 v40, v33;
	[tilespmem:s19+$0xE0] =	vst v2  }
0x1e4: {  	v44 =	vand.u32 $0xFFFF0000, v36;
	v49 =	vld [tilespmem:s15+$0x10];
	[tilespmem:s19+$0xFFFFFFF0] =	vst v3;
	v12 =	vmul.f32 v43, v7  }
0x1e5: {  	v51 =	vand.u32 $0xFFFF0000, v42;
	[tilespmem:s19+$0x80] =	vst v4;
	v46 =	vmul.f32 v44, v7  }
0x1e6: {  	v4 =	vmul.f32 v51, v9;
	v3 =	vand.u32 $0xFFFF0000, v52;
	[tilespmem:s19+$0xFFFFFF00] =	vst v12  }
0x1e7: {  	v50 =	vshll.u32 v42, $0x10;
	v54 =	vld [tilespmem:s15+$0x50];
	v3 =	vmul.f32 v3, v28;
	[tilespmem:s19+$0xFFFFFF10] =	vst v46  }
0x1e8: {  	v53 =	vshll.u32 v45, $0x10;
	v12 =	vmul.f32 v50, v9;
	[tilespmem:s19+$0xFFFFFFB0] =	vst v4  }
0x1e9: {  	v55 =	vshll.u32 v49, $0x10;
	v9 =	vmul.f32 v53, v8;
	v57 =	vld [tilespmem:s15+$0xFFFFFF90];
	[tilespmem:s19+$0x70] =	vst v3  }
0x1ea: {  	v56 =	vand.u32 $0xFFFF0000, v49;
	v8 =	vmul.f32 v55, v11;
	[tilespmem:s19+$0xFFFFFFA0] =	vst v12  }
0x1eb: {  	v58 =	vshll.u32 v52, $0x10;
	v4 =	vmul.f32 v56, v11;
	[tilespmem:s19+$0xFFFFFFE0] =	vst v9  }
0x1ec: {  	v11 =	vmul.f32 v58, v28;
	[tilespmem:s19+$0x20] =	vst v8;
	v59 =	vshll.u32 v54, $0x10  }
0x1ed: {  	[tilespmem:s19+$0x30] =	vst v4;
	v60 =	vand.u32 $0xFFFF0000, v54;
	v6 =	vmul.f32 v59, v33  }
0x1ee: {  	[tilespmem:s19+$0x60] =	vst v11;
	v4 =	vmul.f32 v60, v33;
	v3 =	vshll.u32 v57, $0x10  }
0x1ef: {  	v62 =	vand.u32 $0xFFFF0000, v57;
	[tilespmem:s19+$0xA0] =	vst v6;
	v3 =	vmul.f32 v3, v7  }
0x1f0: {  	[tilespmem:s19+$0xB0] =	vst v4;
	v63 =	vmul.f32 v62, v7  }
0x1f1: {  	[tilespmem:s19+$0xFFFFFF20] =	vst v3  }
0x1f2: {  	[tilespmem:s19+$0xFFFFFF30] =	vst v63  }
0x1f3: {  	[spmem:s3] =	stream.indirect.scatter.add.f32 [tilespmem:s25], [sflag:$0x5], $0x40, s5, s28, $0xb8;
	[tilespmem:$0xC620] =	vst v63  }
0x1f4: {  	_ =	swait.ge [sflag:s26], $0x1400  }
0x1f5: {  	[sflag:s26] =	ssyncset.done $0x0  }
0x1f6: {  	[sflag:s26] =	ssyncadd.s32 $0xFFFFEC00  }
0x1f7: {  	s22 =	stileid.u32;
	[bflag:$0x0] =	sbarrier.arrive $0xFFFF  }
0x1f8: {  	s7 =	sshll.u32 s22, $0x6;
	s18 =	rddreg [dreg:$0x5]  }
0x1f9: {  	s7 =	sor.u32 $0x1C05, s7;
	s23 =	rddreg [dreg:$0x12];
	s15 =	sshrl.u32 s18, $0x3  }
0x1fa: {  	[hbm:s23], [sflag:s7] =	dma.local [spmem:s15], $0x1380  }
0x1fb: {  	_ =	swait.ge [sflag:s26], $0x1380  }
0x1fc: {  	[sflag:s26] =	ssyncset.done $0x0;
	s19 =	rddreg [dreg:$0xd]  }
0x1fd: {  	s16 =	rddreg [dreg:$0x13];
	[sflag:s26] =	ssyncadd.s32 $0xFFFFEC80;
	s15 =	sshrl.u32 @!p0 s19, $0x3  }
0x1fe: {  	[hbm:s16], [sflag:s7] =	dma.local @!p0 [spmem:s15], $0x80  }
0x1ff: {  	s7 =	simm.s32 @!p0 $0x5  }
0x200: {  	_ =	swait.ge @!p0 [sflag:s7], $0x80  }
0x201: {  	s14 =	sadd.s32 $0x1, s14;
	s24 =	rddreg [dreg:$0x14]  }
0x202: {  	p1 =	sne.s32 s14, s24  }
.Ltmp6:
0x203: {  	_ = 	snop;
	(pc) =	sbr.rel @p1 .LBB2_1-.Ltmp6, $3  }
0x204: {  	_ =	sdelay $0x1  }
0x205: {  	[sflag:s7] =	ssyncset.done @!p0 $0x0  }
0x206: {  	[sflag:s7] =	ssyncadd.s32 @!p0 $0xFFFFFF80  }
0x207: {  	_ =	sfence.sel $0x180000  }
0x208: {  	[bflag:$0x0] =	sbarrier.arrive $0xFFFF  }
0x209: {  	_ =	strace $0x9000004A  }
0x20a: {  	s0 =	stileid.u32;
	[bflag:$0x2] =	sbarrier.arrive $0xFFFF  }
0x20b: {  	p0 =	sne.s32 s0, $0x0;
	s0 =	rddreg [dreg:$0x4]  }
0x20c: {  	s0 =	sadd.s32 @!p0 $0x100000, s0  }
0x20d: {  	[sflag:s0] =	ssyncadd.tile.s32 @!p0 $0x1;
	_ =	shalt  }
.Lfunc_end2:
_tile_overlayer_lowered:
.L_overlay_start_2:
0x20e: {  	(tag) =	ssettag $0x2  }
0x20f: {  	s0 =	rddreg [dreg:$0x0];
	s2 =	stileid.u32  }
0x210: {  	s1 =	rddreg [dreg:$0x1];
	p0 =	sne.s32 s2, $0x0  }
0x211: {  	s3 =	rddreg [dreg:$0x2];
	[bflag:$0x3] =	sbarrier.arrive $0xFFFF;
	s2 =	simm.s32 @!p0 $0x1C05  }
0x212: {  	[timem:s3], [sflag:s2] =	dma.local @!p0 [hbm:s0], s1  }
0x213: {  	s0 =	simm.s32 @!p0 $0x5  }
0x214: {  	_ =	swait.ge @!p0 [sflag:s0], s1  }
0x215: {  	s1 =	ssub.s32 @!p0 $0x0, s1;
	[sflag:s0] =	ssyncset.done @!p0 $0x0  }
0x216: {  	[sflag:s0] =	ssyncadd.s32 @!p0 s1  }
0x217: {  	[bflag:$0x3] =	sbarrier.arrive $0xFFFF  }
0x218: {  	_ =	shalt  }

// kernel: kernel.7.cloned.1.call-start
scs
__scs_entry_jumppad:
0x0: {  	(pc) =	sbr.rel $0x88, $3  }
0x1: {  	(tag) =	ssettag $0x0;
	lr =	simm.s32 $0x1  }
0x2: {  	[smem:$0x3F9A] =	sst lr;
	_ =	strace $0xD0000000  }
0x3: {  	_ = 	snop  }
0x4: {  	_ = 	snop  }
0x5: {  	_ = 	snop  }
0x6: {  	_ = 	snop  }
0x7: {  	_ = 	snop  }
__scs_overlays_trampoline_lowered:
0x8: {  	[smem:$0x3FA9] =	sst s0  }
0x9: {  	[smem:$0x3FAA] =	sst s1  }
0xa: {  	[smem:$0x3FAB] =	sst s2  }
0xb: {  	[smem:$0x3FAC] =	sst s3  }
0xc: {  	[smem:$0x3FAD] =	sst s4  }
0xd: {  	[smem:$0x3FAE] =	sst s5  }
0xe: {  	[smem:$0x3FAF] =	sst s6  }
0xf: {  	[smem:$0x3FB0] =	sst s7  }
0x10: {  	[smem:$0x3FB1] =	sst s8  }
0x11: {  	[smem:$0x3FB2] =	sst s9;
	s0 =	simm.s32 @!p0 $0x0  }
0x12: {  	s1 =	sld [smem:$0x3F98];
	s0 =	simm.s32 @p0 $0x1  }
0x13: {  	[smem:$0x3FB3] =	sst s0;
	s0 =	simm.s32 @!p1 $0x0  }
0x14: {  	s2 =	sld [smem:$0x3F97];
	s0 =	simm.s32 @p1 $0x1  }
0x15: {  	[smem:$0x3FB4] =	sst s0;
	s0 =	simm.s32 @!p2 $0x0  }
0x16: {  	s3 =	sld [smem:$0x3FDB];
	s0 =	simm.s32 @p2 $0x1  }
0x17: {  	s4 =	simm.s32 $0x1BF5;
	[smem:$0x3FB6] =	sst s0  }
0x18: {  	s0 =	sld [smem:$0x3F99];
	_ =	swait.ge [sflag:s4], $0x0  }
0x19: {  	s7 =	sld [smem:$0x3F9A]  }
0x1a: {  	s8 =	sadd.s32 $0xFFFFE003, lr  }
0x1b: {  	s9 =	sadd.s32 $0xFFFFFEF7, lr;
	s5 =	simm.s32 $0xFFFFFFFF;
	p2 =	slt.u32 s8, $0xFFFFF086  }
0x1c: {  	p1 =	slt.u32 s9, $0xF7A;
	s5 =	simm.s32 @!p2 $0x0  }
0x1d: {  	s5 =	simm.s32 @p1 $0x1;
	p0 =	seq.s32 s7, s2  }
0x1e: {  	s7 =	smul.u32 @!p0 $0xF7A, s2;
	p2 =	seq.s32 @!p0 s5, $0x0  }
0x1f: {  	s9 =	smul.u32 $0xF7A, s1;
	s8 =	simm.s32 @!p0 $0x1BF5;
	p2 =	por !p2, p0  }
0x20: {  	[sflag:s8] =	ssyncset.s32 @!p0 $0xFFFFF086;
	s6 =	sadd.s32 @!p0 s3, s7;
	s7 =	simm.s32 @!p0 $0x108  }
0x21: {  	s3 =	sadd.s32 s3, s9;
	s6 =	sadd.s32 @!p0 $0x88, s6;
	s7 =	simm.s32 @p2 $0x1082  }
0x22: {  	[simem:s7], [sflag:s8] =	dma.local @!p0 [hbm:s6], $0xF7A  }
0x23: {  	s9 =	sor.u32 $0xD0000000, s2;
	s6 =	simm.s32 $0x108;
	_ =	swait.ge @!p0 [sflag:s8], $0x0  }
0x24: {  	s3 =	sadd.s32 $0x88, s3;
	s6 =	simm.s32 @!p1 $0x1082;
	[sflag:s4] =	ssyncset.s32 $0xFFFFF086  }
0x25: {  	[simem:s6], [sflag:s4] =	dma.local [hbm:s3], $0xF7A  }
0x26: {  	[smem:$0x3F9A] =	sst s1;
	(tag) =	ssettag s2;
	_ =	strace s9  }
0x27: {  	s1 =	sld [smem:$0x3FAA]  }
0x28: {  	s2 =	sld [smem:$0x3FAB]  }
0x29: {  	s4 =	sld [smem:$0x3FAD]  }
0x2a: {  	p0 =	seq.s32 s5, $0x0;
	s5 =	sld [smem:$0x3FAE]  }
0x2b: {  	s6 =	sld [smem:$0x3FAF]  }
0x2c: {  	s7 =	sld [smem:$0x3FB0]  }
0x2d: {  	s3 =	simm.s32 $0x108;
	s8 =	sld [smem:$0x3FB1]  }
0x2e: {  	s3 =	simm.s32 @!p0 $0x1082;
	s9 =	sld [smem:$0x3FB2]  }
0x2f: {  	lr =	sadd.s32 s0, s3;
	s0 =	sld [smem:$0x3FA9]  }
0x30: {  	s3 =	sld [smem:$0x3FAC]  }
0x31: {  	[smem:$0x3FB5] =	sst s10  }
0x32: {  	s10 =	sld [smem:$0x3FB3];
	_ =	sdelay $0x3  }
0x33: {  	p0 =	seq.s32 s10, $0x1;
	s10 =	sld [smem:$0x3FB5];
	_ =	sdelay $0x3  }
0x34: {  	[smem:$0x3FB5] =	sst s10  }
0x35: {  	s10 =	sld [smem:$0x3FB4];
	_ =	sdelay $0x3  }
0x36: {  	p1 =	seq.s32 s10, $0x1;
	s10 =	sld [smem:$0x3FB5];
	_ =	sdelay $0x3  }
0x37: {  	[smem:$0x3FB5] =	sst s10  }
0x38: {  	s10 =	sld [smem:$0x3FB6]  }
0x39: {  	_ = 	snop;
	(pc) =	sbr.ind lr, $3  }
0x3a: {  	_ = 	snop  }
0x3b: {  	_ = 	snop  }
0x3c: {  	p2 =	seq.s32 s10, $0x1;
	s10 =	sld [smem:$0x3FB5]  }
0x3d: {  	_ =	shalt  }
0x3e: {  	_ =	shalt  }
0x3f: {  	_ =	shalt  }
0x40: {  	_ =	shalt  }
0x41: {  	_ =	shalt  }
0x42: {  	_ =	shalt  }
0x43: {  	_ =	shalt  }
0x44: {  	_ =	shalt  }
0x45: {  	_ =	shalt  }
0x46: {  	_ =	shalt  }
0x47: {  	_ =	shalt  }
0x48: {  	_ =	shalt  }
0x49: {  	_ =	shalt  }
0x4a: {  	_ =	shalt  }
0x4b: {  	_ =	shalt  }
0x4c: {  	_ =	shalt  }
0x4d: {  	_ =	shalt  }
0x4e: {  	_ =	shalt  }
0x4f: {  	_ =	shalt  }
0x50: {  	_ =	shalt  }
0x51: {  	_ =	shalt  }
0x52: {  	_ =	shalt  }
0x53: {  	_ =	shalt  }
0x54: {  	_ =	shalt  }
0x55: {  	_ =	shalt  }
0x56: {  	_ =	shalt  }
0x57: {  	_ =	shalt  }
0x58: {  	_ =	shalt  }
0x59: {  	_ =	shalt  }
0x5a: {  	_ =	shalt  }
0x5b: {  	_ =	shalt  }
0x5c: {  	_ =	shalt  }
0x5d: {  	_ =	shalt  }
0x5e: {  	_ =	shalt  }
0x5f: {  	_ =	shalt  }
0x60: {  	_ =	shalt  }
0x61: {  	_ =	shalt  }
0x62: {  	_ =	shalt  }
0x63: {  	_ =	shalt  }
0x64: {  	_ =	shalt  }
0x65: {  	_ =	shalt  }
0x66: {  	_ =	shalt  }
0x67: {  	_ =	shalt  }
0x68: {  	_ =	shalt  }
0x69: {  	_ =	shalt  }
0x6a: {  	_ =	shalt  }
0x6b: {  	_ =	shalt  }
0x6c: {  	_ =	shalt  }
0x6d: {  	_ =	shalt  }
0x6e: {  	_ =	shalt  }
0x6f: {  	_ =	shalt  }
0x70: {  	_ =	shalt  }
0x71: {  	_ =	shalt  }
0x72: {  	_ =	shalt  }
0x73: {  	_ =	shalt  }
0x74: {  	_ =	shalt  }
0x75: {  	_ =	shalt  }
0x76: {  	_ =	shalt  }
0x77: {  	_ =	shalt  }
0x78: {  	_ =	shalt  }
0x79: {  	_ =	shalt  }
0x7a: {  	_ =	shalt  }
0x7b: {  	_ =	shalt  }
0x7c: {  	_ =	shalt  }
0x7d: {  	_ =	shalt  }
0x7e: {  	_ =	shalt  }
0x7f: {  	_ =	shalt  }
0x80: {  	_ =	shalt  }
0x81: {  	_ =	shalt  }
0x82: {  	_ =	shalt  }
0x83: {  	_ =	shalt  }
0x84: {  	_ =	shalt  }
0x85: {  	_ =	shalt  }
0x86: {  	_ =	shalt  }
0x87: {  	_ =	shalt  }
.Lfunc_end0:
.L_simem_size_0:
called_computation_lowered:
.L_overlay_start_0:
0x88: {  	s2 =	sld [smem:$0x3FD9]  }
0x89: {  	s3 =	sld [smem:$0x3FFE];
	_ =	sdelay $0x1  }
0x8a: {  	s1 =	srdreg.scid  }
0x8b: {  	s0 =	sand.u32 $0x1, s1  }
0x8c: {  	s17 =	sshll.u32 s0, $0xA;
	s2 =	sadd.s32 s3, s2  }
0x8d: {  	s2 =	sadd.s32 s2, s17  }
0x8e: {  	[smem:$0x3FC1] =	sst s2  }
0x8f: {  	_ = 	snop  }
0x90: {  	s2 =	sld [smem:$0x3FC7];
	(tm) =	ssettm $0x1  }
0x91: {  	s18 =	sld [smem:$0x3FFB];
	_ =	sdelay $0x3  }
0x92: {  	_ =	strace s18  }
0x93: {  	s3 =	sld [smem:$0x3FFC];
	_ =	sdelay $0x3  }
0x94: {  	_ =	strace s3  }
0x95: {  	s3 =	sld [smem:$0x3FFD];
	_ =	sdelay $0x3  }
0x96: {  	_ =	strace s3  }
0x97: {  	_ =	strace $0x8FFFFFFF  }
0x98: {  	s19 =	sld [smem:$0x3FDB];
	_ =	sdelay $0x1  }
0x99: {  	s4 =	simm.s32 $_scs_section_size  }
0x9a: {  	s5 =	simm.s32 $_size__tile_overlayer_lowered;
	s6 =	simm.s32 $_tile_overlayer_lowered  }
0x9b: {  	s22 =	simm.s32 $0x1BFF;
	s21 =	sshll.u32 s6, $0x1;
	s3 =	sadd.s32 s4, s19  }
0x9c: {  	s7 =	simm.s32 $0x0;
	s20 =	sshll.u32 s5, $0x1;
	s5 =	sadd.s32 s21, s3  }
0x9d: {  	[timem:s7], [sflag:s22] =	dma.local [hbm:s5], s20  }
0x9e: {  	_ =	swait.ge [sflag:s22], s20  }
0x9f: {  	s4 =	ssub.s32 $0x0, s20;
	[sflag:s22] =	ssyncset.done $0x0  }
0xa0: {  	[sflag:s22] =	ssyncadd.s32 s4;
	_ =	sdelay $0x1  }
0xa1: {  	s23 =	simm.s32 $0x1B8B  }
0xa2: {  	_ =	swait.ge [sflag:s23], $0x1  }
0xa3: {  	[sflag:s23] =	ssyncset.done $0x0  }
0xa4: {  	s25 =	simm.s32 $0x1B8E;
	s24 =	sld [smem:$0x3FFE];
	[sflag:s23] =	ssyncadd.s32 $0xFFFFFFFF  }
0xa5: {  	s26 =	simm.s32 $execute0_lowered;
	[smem:$0x3FD2] =	sst s25  }
0xa6: {  	s5 =	sshll.u32 s26, $0x1;
	_ =	strace $0x80000046;
	[dreg:$0x1] =	wrdreg $0xFFFFFFFF  }
0xa7: {  	s28 =	simm.s32 $_size_execute0_lowered;
	s3 =	sadd.s32 s3, s5;
	[dreg:$0x0] =	wrdreg $0x0  }
0xa8: {  	s5 =	sshll.u32 s28, $0x1;
	[dreg:$0x2] =	wrdreg s3  }
0xa9: {  	[dreg:$0x3] =	wrdreg s5  }
0xaa: {  	[dreg:$0x4] =	wrdreg $0xC0  }
0xab: {  	_ =	task [dreg:s7], $0x5FFFF  }
0xac: {  	[dreg:$0x1] =	wrdreg $0xFFFFFFFF  }
0xad: {  	[dreg:$0x0] =	wrdreg $0x60  }
0xae: {  	[dreg:$0x2] =	wrdreg s24  }
0xaf: {  	[dreg:$0x3] =	wrdreg s2  }
0xb0: {  	[dreg:$0x4] =	wrdreg $0x51E00  }
0xb1: {  	[dreg:$0x5] =	wrdreg $0x9  }
0xb2: {  	_ =	task.clear_ibuf [dreg:s7], $0x6FFFF;
	_ =	strace $0x90000046  }
0xb3: {  	s29 =	simm.s32 $0x9;
	_ =	strace $0x80000048  }
0xb4: {  	_ =	swait.ge [sflag:s29], $0x1  }
0xb5: {  	[sflag:s29] =	ssyncadd.s32 $0xFFFFFFFF  }
0xb6: {  	_ =	strace $0x90000048  }
0xb7: {  	_ =	sfence  }
0xb8: {  	s30 =	sld [smem:$0x0];
	_ =	sdelay $0x2  }
0xb9: {  	s31 =	sshll.u32 s1, $0xD;
	s1 =	sshrl.u32 s1, $0x2  }
0xba: {  	s3 =	sand.u32 $0x4000, s31;
	s1 =	sadd.s32 s1, s30  }
0xbb: {  	s0 =	sor.u32 s3, s0;
	s1 =	sshll.u32 s1, $0x11  }
0xbc: {  	s0 =	sor.u32 s1, s0  }
0xbd: {  	s0 =	sadd.s32 $0x8F2B, s0  }
0xbe: {  	[sflag:s0] =	ssyncadd.remote.s32 $0x1  }
0xbf: {  	_ =	sfence.sel $0xFFFF  }
0xc0: {  	[dreg:$0x0] =	wrdreg $0xFFFFFFFF;
	(pc) =	sbr.abs _section_cstart, $3  }
0xc1: {  	[dreg:$0x1] =	wrdreg $0xFFFFFFFF  }
0xc2: {  	_ =	task.clear_ibuf [dreg:s7], $0x2FFFF;
	_ =	strace $0x9FFFFFFF  }
0xc3: {  	(tm) =	ssettm $0x7FFFFFFF  }
tec
execute0_lowered:
.L_overlay_start_1:
0x0: {  	(tag) =	ssettag $0x1  }
0x1: {  	s0 =	rddreg [dreg:$0x0]  }
0x2: {  	s1 =	rddreg [dreg:$0x1]  }
0x3: {  	s2 =	rddreg [dreg:$0x2];
	s4 =	simm.s32 $0x0  }
0x4: {  	s3 =	srdreg.scid;
	s12 =	stileid.u32;
	s28 =	simm.s32 $0x50  }
0x5: {  	s29 =	simm.s32 $0x4E200;
	s30 =	simm.s32 $0x140;
	s31 =	simm.s32 $0xA0  }
0x6: {  	[smem:$0x7FF] =	sst s4;
	s3 =	sand.u32 $0x1, s3;
	s5 =	sadd.s32 $0x1400, s0  }
0x7: {  	s8 =	smul.u32 $0x4E000, s12;
	s6 =	sadd.s32 $0x14E00, s0;
	s0 =	sadd.s32 $0x28800, s0  }
0x8: {  	s11 =	smul.u32 $0x13800, s12;
	p0 =	sne.s32 s12, $0xF;
	_ =	strace $0x80000047  }
0x9: {  	s7 =	ssub.s32 $0x2, s3;
	s10 =	sshll.u32 s3, $0x4;
	s3 =	smul.u32 $0x138800, s3  }
0xa: {  	s9 =	sshrl.u32 s7, $0x1;
	s8 =	sshrl.u32 s8, $0x2;
	s13 =	sor.u32 s12, s10  }
0xb: {  	s17 =	sadd.s32 s11, s2;
	s10 =	simm.s32 $0xF0;
	s8 =	sadd.s32 s8, s2  }
0xc: {  	s12 =	simm.s32 $0x1;
	[dreg:$0x4] =	wrdreg s17;
	s14 =	sadd.s32 $0x2800, s8  }
0xd: {  	s7 =	ssub.s32 s7, s9;
	s15 =	sadd.s32 $0x5000, s8;
	[dreg:$0x5] =	wrdreg s14  }
0xe: {  	s9 =	smul.u32 $0x2710, s13;
	s16 =	sadd.s32 $0x7800, s8;
	[dreg:$0x6] =	wrdreg s15  }
0xf: {  	s25 =	sadd.s32 s11, s3;
	s18 =	sadd.s32 $0xA000, s8;
	[dreg:$0x7] =	wrdreg s16  }
0x10: {  	s3 =	sshrl.u32 s3, $0x3;
	s19 =	sadd.s32 $0xC800, s8;
	[dreg:$0x8] =	wrdreg s18  }
0x11: {  	s11 =	simm.s32 $0x15E0;
	s20 =	sadd.s32 $0xF000, s8;
	[dreg:$0x9] =	wrdreg s19  }
0x12: {  	s13 =	simm.s32 $0x2;
	s8 =	sadd.s32 $0x11800, s8;
	[dreg:$0xa] =	wrdreg s20  }
0x13: {  	s26 =	smax.u32 s7, $0x1;
	[dreg:$0xb] =	wrdreg s8;
	s18 =	sadd.s32 $0x138000, s2  }
0x14: {  	s21 =	sshrl.u32 s9, $0x3;
	s20 =	sadd.s32 $0xA0, s9;
	[dreg:$0x13] =	wrdreg s26  }
0x15: {  	s26 =	simm.s32 $0x5;
	s22 =	sadd.s32 s5, s21;
	[dreg:$0xc] =	wrdreg s18  }
0x16: {  	s23 =	sadd.s32 s1, s21;
	s8 =	sadd.s32 $0xA, s21;
	[dreg:$0xd] =	wrdreg s22  }
0x17: {  	s14 =	simm.s32 $0x0;
	[dreg:$0xe] =	wrdreg s23;
	s24 =	sadd.s32 s5, s8  }
0x18: {  	s21 =	sadd.s32 $0xF0, s9;
	s8 =	sadd.s32 s1, s8;
	[dreg:$0xf] =	wrdreg s24  }
0x19: {  	s9 =	simm.s32 $0x4;
	[dreg:$0x10] =	wrdreg s8;
	s8 =	sshrl.u32 s25, $0x3  }
0x1a: {  	s25 =	simm.s32 $0x29E0;
	s8 =	sadd.s32 s0, s8;
	s0 =	sadd.s32 s0, s3  }
0x1b: {  	v1 =	vimm.s32 $0x0;
	vm0 =	vcmask $0x300;
	s3 =	simm.s32 $0x3;
	[dreg:$0x11] =	wrdreg s8;
	s0 =	sadd.s32 $0x27000, s0  }
0x1c: {  	v0 =	vimm.f32 $0.0e+00;
	v1 =	vsel vm0, $0x3, v1;
	s8 =	simm.s32 $0x1E0;
	[dreg:$0x12] =	wrdreg s0;
	s0 =	simm.s32 $0x190  }
.LBB2_1:
0x1d: {  	s7 =	simm.s32 $0x2AE0  }
0x1e: {  	[tilespmem:s7+$0xFFFFFF00] =	vst v0  }
0x1f: {  	[tilespmem:s7+$0xF0] =	vst v0  }
0x20: {  	[tilespmem:s7+$0xE0] =	vst v0  }
0x21: {  	[tilespmem:s7+$0xD0] =	vst v0  }
0x22: {  	[tilespmem:s7+$0xC0] =	vst v0  }
0x23: {  	[tilespmem:s7+$0xB0] =	vst v0  }
0x24: {  	[tilespmem:s7+$0xA0] =	vst v0  }
0x25: {  	[tilespmem:s7+$0x90] =	vst v0  }
0x26: {  	[tilespmem:s7+$0x80] =	vst v0  }
0x27: {  	[tilespmem:s7+$0x70] =	vst v0  }
0x28: {  	[tilespmem:s7+$0x60] =	vst v0  }
0x29: {  	[tilespmem:s7+$0x50] =	vst v0  }
0x2a: {  	[tilespmem:s7+$0x40] =	vst v0  }
0x2b: {  	[tilespmem:s7+$0x30] =	vst v0  }
0x2c: {  	[tilespmem:s7+$0x20] =	vst v0  }
0x2d: {  	[tilespmem:s7+$0x10] =	vst v0  }
0x2e: {  	[tilespmem:s7+$0x0] =	vst v0  }
0x2f: {  	[tilespmem:s7+$0xFFFFFFF0] =	vst v0  }
0x30: {  	[tilespmem:s7+$0xFFFFFFE0] =	vst v0  }
0x31: {  	[tilespmem:s7+$0xFFFFFFD0] =	vst v0  }
0x32: {  	[tilespmem:s7+$0xFFFFFFC0] =	vst v0  }
0x33: {  	[tilespmem:s7+$0xFFFFFFB0] =	vst v0  }
0x34: {  	[tilespmem:s7+$0xFFFFFFA0] =	vst v0  }
0x35: {  	[tilespmem:s7+$0xFFFFFF90] =	vst v0  }
0x36: {  	[tilespmem:s7+$0xFFFFFF80] =	vst v0  }
0x37: {  	[tilespmem:s7+$0xFFFFFF70] =	vst v0  }
0x38: {  	[tilespmem:s7+$0xFFFFFF60] =	vst v0  }
0x39: {  	[tilespmem:s7+$0xFFFFFF50] =	vst v0  }
0x3a: {  	[tilespmem:s7+$0xFFFFFF40] =	vst v0  }
0x3b: {  	[tilespmem:s7+$0xFFFFFF30] =	vst v0  }
0x3c: {  	s16 =	simm.s32 $0x0;
	[tilespmem:s7+$0xFFFFFF20] =	vst v0  }
.LBB2_2:
0x3d: {  	s16 =	sadd.s32 $0x4, s16;
	[tilespmem:s7+$0xFFFFFF10] =	vst v0;
	s7 =	sadd.s32 $0x200, s7  }
0x3e: {  	[tilespmem:s7+$0xFFFFFF00] =	vst v0;
	p1 =	slt.u32 s16, $0x4C  }
0x3f: {  	[tilespmem:s7+$0xF0] =	vst v0  }
0x40: {  	[tilespmem:s7+$0xE0] =	vst v0  }
0x41: {  	[tilespmem:s7+$0xD0] =	vst v0  }
0x42: {  	[tilespmem:s7+$0xC0] =	vst v0  }
0x43: {  	[tilespmem:s7+$0xB0] =	vst v0  }
0x44: {  	[tilespmem:s7+$0xA0] =	vst v0  }
0x45: {  	[tilespmem:s7+$0x90] =	vst v0  }
0x46: {  	[tilespmem:s7+$0x80] =	vst v0  }
0x47: {  	[tilespmem:s7+$0x70] =	vst v0  }
0x48: {  	[tilespmem:s7+$0x60] =	vst v0  }
0x49: {  	[tilespmem:s7+$0x50] =	vst v0  }
0x4a: {  	[tilespmem:s7+$0x40] =	vst v0  }
0x4b: {  	[tilespmem:s7+$0x30] =	vst v0  }
0x4c: {  	[tilespmem:s7+$0x20] =	vst v0  }
0x4d: {  	[tilespmem:s7+$0x10] =	vst v0  }
0x4e: {  	[tilespmem:s7+$0x0] =	vst v0  }
0x4f: {  	[tilespmem:s7+$0xFFFFFFF0] =	vst v0  }
0x50: {  	[tilespmem:s7+$0xFFFFFFE0] =	vst v0  }
0x51: {  	[tilespmem:s7+$0xFFFFFFD0] =	vst v0  }
0x52: {  	[tilespmem:s7+$0xFFFFFFC0] =	vst v0  }
0x53: {  	[tilespmem:s7+$0xFFFFFFB0] =	vst v0  }
0x54: {  	[tilespmem:s7+$0xFFFFFFA0] =	vst v0  }
0x55: {  	[tilespmem:s7+$0xFFFFFF90] =	vst v0  }
0x56: {  	[tilespmem:s7+$0xFFFFFF80] =	vst v0  }
0x57: {  	[tilespmem:s7+$0xFFFFFF70] =	vst v0  }
.Ltmp0:
0x58: {  	[tilespmem:s7+$0xFFFFFF60] =	vst v0;
	(pc) =	sbr.rel @p1 .LBB2_2-.Ltmp0, $4  }
0x59: {  	[tilespmem:s7+$0xFFFFFF50] =	vst v0  }
0x5a: {  	[tilespmem:s7+$0xFFFFFF40] =	vst v0  }
0x5b: {  	[tilespmem:s7+$0xFFFFFF30] =	vst v0  }
0x5c: {  	[tilespmem:s7+$0xFFFFFF20] =	vst v0  }
0x5d: {  	[tilespmem:s7+$0xFFFFFF10] =	vst v0  }
0x5e: {  	[spmem:s17] =	stream.linear.scatter [tilespmem:s25], [sflag:$0x5], $0x2800, $0x38;
	[tilespmem:$0x18A60] =	vst v63  }
0x5f: {  	_ =	swait.ge [sflag:s26], $0x2800  }
0x60: {  	[sflag:s26] =	ssyncset.done $0x0  }
0x61: {  	s19 =	rddreg [dreg:$0x5];
	[sflag:s26] =	ssyncadd.s32 $0xFFFFD800  }
0x62: {  	[spmem:s19] =	stream.linear.scatter [tilespmem:s25], [sflag:$0x5], $0x2800, $0x38;
	[tilespmem:$0x18A60] =	vst v63  }
0x63: {  	_ =	swait.ge [sflag:s26], $0x2800  }
0x64: {  	[sflag:s26] =	ssyncset.done $0x0  }
0x65: {  	s22 =	rddreg [dreg:$0x6];
	[sflag:s26] =	ssyncadd.s32 $0xFFFFD800  }
0x66: {  	[spmem:s22] =	stream.linear.scatter [tilespmem:s25], [sflag:$0x5], $0x2800, $0x38;
	[tilespmem:$0x18A60] =	vst v63  }
0x67: {  	_ =	swait.ge [sflag:s26], $0x2800  }
0x68: {  	[sflag:s26] =	ssyncset.done $0x0  }
0x69: {  	s23 =	rddreg [dreg:$0x7];
	[sflag:s26] =	ssyncadd.s32 $0xFFFFD800  }
0x6a: {  	[spmem:s23] =	stream.linear.scatter [tilespmem:s25], [sflag:$0x5], $0x2800, $0x38;
	[tilespmem:$0x18A60] =	vst v63  }
0x6b: {  	_ =	swait.ge [sflag:s26], $0x2800  }
0x6c: {  	[sflag:s26] =	ssyncset.done $0x0  }
0x6d: {  	s24 =	rddreg [dreg:$0x8];
	[sflag:s26] =	ssyncadd.s32 $0xFFFFD800  }
0x6e: {  	[spmem:s24] =	stream.linear.scatter [tilespmem:s25], [sflag:$0x5], $0x2800, $0x38;
	[tilespmem:$0x18A60] =	vst v63  }
0x6f: {  	_ =	swait.ge [sflag:s26], $0x2800  }
0x70: {  	[sflag:s26] =	ssyncset.done $0x0  }
0x71: {  	s15 =	rddreg [dreg:$0x9];
	[sflag:s26] =	ssyncadd.s32 $0xFFFFD800  }
0x72: {  	[spmem:s15] =	stream.linear.scatter [tilespmem:s25], [sflag:$0x5], $0x2800, $0x38;
	[tilespmem:$0x18A60] =	vst v63  }
0x73: {  	_ =	swait.ge [sflag:s26], $0x2800  }
0x74: {  	[sflag:s26] =	ssyncset.done $0x0  }
0x75: {  	s16 =	rddreg [dreg:$0xa];
	[sflag:s26] =	ssyncadd.s32 $0xFFFFD800  }
0x76: {  	[spmem:s16] =	stream.linear.scatter [tilespmem:s25], [sflag:$0x5], $0x2800, $0x38;
	[tilespmem:$0x18A60] =	vst v63  }
0x77: {  	_ =	swait.ge [sflag:s26], $0x2800  }
0x78: {  	[sflag:s26] =	ssyncset.done $0x0  }
0x79: {  	s17 =	rddreg [dreg:$0xb];
	[sflag:s26] =	ssyncadd.s32 $0xFFFFD800  }
0x7a: {  	[spmem:s17] =	stream.linear.scatter [tilespmem:s25], [sflag:$0x5], $0x2000, $0x38;
	[tilespmem:$0x18A60] =	vst v63  }
0x7b: {  	_ =	swait.ge [sflag:s26], $0x2000  }
0x7c: {  	[sflag:s26] =	ssyncset.done $0x0  }
0x7d: {  	s7 =	simm.s32 @!p0 $0x29E0;
	[sflag:s26] =	ssyncadd.s32 $0xFFFFE000  }
0x7e: {  	[spmem:s18] =	stream.linear.scatter @!p0 [tilespmem:s7], [sflag:$0x5], $0x800, $0x38;
	[tilespmem:$0x18A60] =	vst v63  }
0x7f: {  	s7 =	simm.s32 @!p0 $0x5  }
0x80: {  	_ =	swait.ge @!p0 [sflag:s7], $0x800  }
0x81: {  	[sflag:s7] =	ssyncset.done @!p0 $0x0  }
0x82: {  	[sflag:s7] =	ssyncadd.s32 @!p0 $0xFFFFF800  }
0x83: {  	[bflag:$0x0] =	sbarrier.arrive $0xFFFF  }
0x84: {  	s16 =	simm.s32 $0x0;
	s19 =	rddreg [dreg:$0xd]  }
0x85: {  	[tilespmem:s16], [sflag:$0x3] =	stream.strided.gather [hbm4b:s19+s28], $0xA0, s29, s28, $0x38;
	[tilespmem:$0x18A60] =	vst v63  }
0x86: {  	s22 =	rddreg [dreg:$0xe]  }
0x87: {  	[tilespmem:s30], [sflag:$0x3] =	stream.linear.gather [hbm4b:s22+s16], $0x50, $0x38;
	[tilespmem:$0x18A60] =	vst v63  }
0x88: {  	s23 =	rddreg [dreg:$0xf]  }
0x89: {  	[tilespmem:s31], [sflag:$0x4] =	stream.strided.gather [hbm4b:s23+s28], $0xA0, s29, s28, $0x38;
	[tilespmem:$0x18A60] =	vst v63  }
0x8a: {  	s24 =	rddreg [dreg:$0x10]  }
0x8b: {  	[tilespmem:s0], [sflag:$0x4] =	stream.linear.gather [hbm4b:s24+s16], $0x50, $0x38;
	[tilespmem:$0x18A60] =	vst v63  }
0x8c: {  	_ =	swait.ge [sflag:s3], $0xA0  }
0x8d: {  	[sflag:s3] =	ssyncset.done $0x0  }
0x8e: {  	[sflag:s3] =	ssyncadd.s32 $0xFFFFFF60  }
0x8f: {  	_ =	swait.ge [sflag:s3], $0x50  }
0x90: {  	[sflag:s3] =	ssyncset.done $0x0  }
0x91: {  	s17 =	simm.s32 $0x0;
	[sflag:s3] =	ssyncadd.s32 $0xFFFFFFB0  }
0x92: {  	[tilespmem:s8], [sflag:$0x1] =	stream.indirect.gather [hbm4b:s6+s28], $0x40, s28, s28, $0xb8;
	[tilespmem:$0x18A60] =	vst v63  }
.LBB2_4:
0x93: {  	_ =	swait.ge [sflag:s9], $0xA0  }
0x94: {  	s7 =	simm.s32 $0x7;
	[sflag:s9] =	ssyncset.done $0x0  }
0x95: {  	s18 =	simm.s32 $0x1;
	v2 =	vmov s7;
	[sflag:s9] =	ssyncadd.s32 $0xFFFFFF60  }
0x96: {  	s15 =	simm.s32 $0x2;
	v3 =	vmov s18;
	v2 =	vshrl.u32 v2, $0x3;
	_ =	swait.ge [sflag:s9], $0x50  }
0x97: {  	v4 =	vmov s15;
	v3 =	vshrl.u32 v3, $0x3;
	v2 =	vshll.u32 v2, v1;
	[sflag:s9] =	ssyncset.done $0x0  }
0x98: {  	v4 =	vshrl.u32 v4, $0x3;
	v3 =	vshll.u32 v3, v1;
	v2 =	vadd.s32 $0x7, v2;
	[sflag:s9] =	ssyncadd.s32 $0xFFFFFFB0  }
0x99: {  	v4 =	vshll.u32 v4, v1;
	v3 =	vadd.s32 $0x1, v3;
	v2 =	vbroadcast v2, $0x0;
	[tilespmem:s11], [sflag:$0x2] =	stream.indirect.gather [hbm4b:s6+s28], $0x40, s10, s28, $0xb8;
	[tilespmem:$0x18A60] =	vst v63  }
0x9a: {  	s18 =	simm.s32 $0x3;
	v4 =	vadd.s32 $0x2, v4;
	v3 =	vbroadcast v3, $0x0;
	_ =	swait.ge [sflag:s12], $0x1400  }
0x9b: {  	s19 =	simm.s32 $0x4;
	v5 =	vmov s18;
	v4 =	vbroadcast v4, $0x0;
	[sflag:s12] =	ssyncset.done $0x0  }
0x9c: {  	v6 =	vmov s19;
	s19 =	simm.s32 $0x2E0;
	v5 =	vshrl.u32 v5, $0x3;
	[sflag:s12] =	ssyncadd.s32 $0xFFFFEC00  }
0x9d: {  	v6 =	vshrl.u32 v6, $0x3;
	v5 =	vshll.u32 v5, v1;
	v10 =	vld [tilespmem:s19+$0xC0]  }
0x9e: {  	v6 =	vshll.u32 v6, v1;
	v5 =	vadd.s32 $0x3, v5;
	v11 =	vld [tilespmem:s19+$0xFFFFFF40]  }
0x9f: {  	v7 =	vadd.s32 $0x4, v6;
	v5 =	vbroadcast v5, $0x0;
	v6 =	vld.idx.msk [tilespmem:v2+s30+$0x0], $0xffff  }
0xa0: {  	s22 =	simm.s32 $0x5;
	s23 =	simm.s32 $0x6;
	v9 =	vld.idx.msk [tilespmem:v3+s30+$0x0], $0xffff  }
0xa1: {  	v3 =	vmov s22;
	v8 =	vld.idx.msk [tilespmem:v4+s30+$0x0], $0xffff;
	v4 =	vmov s23  }
0xa2: {  	v3 =	vshrl.u32 v3, $0x3;
	v4 =	vshrl.u32 v4, $0x3  }
0xa3: {  	v12 =	vld [tilespmem:s19+$0xFFFFFF80];
	v2 =	vbroadcast v7, $0x0;
	v3 =	vshll.u32 v3, v1;
	v4 =	vshll.u32 v4, v1  }
0xa4: {  	v14 =	vld [tilespmem:s19+$0xFFFFFFC0];
	v3 =	vadd.s32 $0x5, v3;
	v4 =	vadd.s32 $0x6, v4;
	v13 =	vshll.u32 v10, $0x10  }
0xa5: {  	v7 =	vld.idx.msk [tilespmem:v5+s30+$0x0], $0xffff;
	v5 =	vand.u32 $0xFFFF0000, v10;
	v3 =	vbroadcast v3, $0x0;
	v10 =	vmul.f32 v13, v6  }
0xa6: {  	s18 =	simm.s32 $0x2BE0;
	v15 =	vshll.u32 v11, $0x10;
	v13 =	vmov s16;
	v5 =	vmul.f32 v5, v6  }
0xa7: {  	v11 =	vand.u32 $0xFFFF0000, v11;
	v15 =	vmul.f32 v15, v9;
	v13 =	vshrl.u32 v13, $0x3;
	[tilespmem:s18+$0x180] =	vst v10  }
0xa8: {  	v4 =	vbroadcast v4, $0x0;
	v11 =	vmul.f32 v11, v9;
	v10 =	vld [tilespmem:s19+$0x0];
	[tilespmem:s18+$0x190] =	vst v5;
	v5 =	vshll.u32 v13, v1  }
0xa9: {  	v2 =	vld.idx.msk [tilespmem:v2+s30+$0x0], $0xffff;
	v13 =	vshll.u32 v12, $0x10;
	[tilespmem:s18+$0xFFFFFE80] =	vst v15;
	v15 =	vshll.u32 v14, $0x10;
	v14 =	vand.u32 $0xFFFF0000, v14  }
0xaa: {  	v16 =	vld [tilespmem:s19+$0xD0];
	v17 =	vbroadcast v5, $0x0;
	v5 =	vand.u32 $0xFFFF0000, v12;
	v12 =	vmul.f32 v13, v8  }
0xab: {  	[tilespmem:s18+$0xFFFFFE90] =	vst v11;
	v14 =	vmul.f32 v14, v7  }
0xac: {  	v18 =	vld [tilespmem:s19+$0x40];
	v11 =	vmul.f32 v5, v8;
	[tilespmem:s18+$0xFFFFFF00] =	vst v12  }
0xad: {  	v12 =	vmul.f32 v15, v7;
	v5 =	vld.idx.msk [tilespmem:v3+s30+$0x0], $0xffff;
	[tilespmem:s18+$0xFFFFFF90] =	vst v14;
	v3 =	vshll.u32 v10, $0x10  }
0xae: {  	[tilespmem:s18+$0xFFFFFF10] =	vst v11;
	v11 =	vld [tilespmem:s19+$0x80];
	v10 =	vand.u32 $0xFFFF0000, v10;
	v15 =	vmul.f32 v3, v2  }
0xaf: {  	v4 =	vld.idx.msk [tilespmem:v4+s30+$0x0], $0xffff;
	[tilespmem:s18+$0xFFFFFF80] =	vst v12;
	v3 =	vshll.u32 v16, $0x10;
	v10 =	vmul.f32 v10, v2  }
0xb0: {  	v13 =	vld [tilespmem:s19+$0xFFFFFF00];
	v12 =	vand.u32 $0xFFFF0000, v16;
	v14 =	vmul.f32 v3, v6;
	[tilespmem:s18+$0x0] =	vst v15  }
0xb1: {  	v3 =	vld.idx.msk [tilespmem:v17+s30+$0x0], $0xffff;
	v12 =	vmul.f32 v12, v6;
	v15 =	vshll.u32 v18, $0x10;
	[tilespmem:s18+$0x10] =	vst v10  }
0xb2: {  	v16 =	vld [tilespmem:s19+$0xFFFFFF50];
	[tilespmem:s18+$0x1A0] =	vst v14;
	v14 =	vand.u32 $0xFFFF0000, v18;
	v15 =	vmul.f32 v15, v5  }
0xb3: {  	[tilespmem:s18+$0x1B0] =	vst v12;
	v12 =	vshll.u32 v11, $0x10;
	v14 =	vmul.f32 v14, v5  }
0xb4: {  	v17 =	vld [tilespmem:s19+$0xFFFFFF90];
	v11 =	vand.u32 $0xFFFF0000, v11;
	v12 =	vmul.f32 v12, v4;
	[tilespmem:s18+$0x80] =	vst v15  }
0xb5: {  	v10 =	vld [tilespmem:s19+$0xE0];
	v11 =	vmul.f32 v11, v4;
	v15 =	vshll.u32 v13, $0x10;
	[tilespmem:s18+$0x90] =	vst v14  }
0xb6: {  	v18 =	vld [tilespmem:s19+$0xFFFFFFD0];
	v13 =	vand.u32 $0xFFFF0000, v13;
	v14 =	vmul.f32 v15, v3;
	[tilespmem:s18+$0x100] =	vst v12  }
0xb7: {  	v15 =	vshll.u32 v16, $0x10;
	v12 =	vmul.f32 v13, v3;
	v13 =	vand.u32 $0xFFFF0000, v16;
	v16 =	vld [tilespmem:s19+$0x10];
	[tilespmem:s18+$0x110] =	vst v11  }
0xb8: {  	v15 =	vmul.f32 v15, v9;
	v19 =	vld [tilespmem:s19+$0x50];
	[tilespmem:s18+$0xFFFFFE00] =	vst v14  }
0xb9: {  	v11 =	vmul.f32 v13, v9;
	v13 =	vshll.u32 v17, $0x10;
	v17 =	vand.u32 $0xFFFF0000, v17;
	v20 =	vld [tilespmem:s19+$0x90];
	[tilespmem:s18+$0xFFFFFE10] =	vst v12  }
0xba: {  	v13 =	vmul.f32 v13, v8;
	v14 =	vshll.u32 v10, $0x10;
	v10 =	vand.u32 $0xFFFF0000, v10;
	[tilespmem:s18+$0xFFFFFEA0] =	vst v15  }
0xbb: {  	v15 =	vmul.f32 v17, v8;
	[tilespmem:s18+$0xFFFFFEB0] =	vst v11;
	v12 =	vmul.f32 v14, v6;
	v14 =	vshll.u32 v18, $0x10  }
0xbc: {  	v17 =	vand.u32 $0xFFFF0000, v18;
	v10 =	vmul.f32 v10, v6;
	v18 =	vld [tilespmem:s19+$0xFFFFFF10];
	[tilespmem:s18+$0xFFFFFF20] =	vst v13;
	v14 =	vmul.f32 v14, v7  }
0xbd: {  	v22 =	vld [tilespmem:s19+$0xFFFFFF60];
	[tilespmem:s18+$0x1C0] =	vst v12;
	v12 =	vmul.f32 v17, v7;
	v17 =	vshll.u32 v16, $0x10;
	v16 =	vand.u32 $0xFFFF0000, v16  }
0xbe: {  	[tilespmem:s18+$0x1D0] =	vst v10;
	v21 =	vshll.u32 v20, $0x10;
	v10 =	vmul.f32 v17, v2;
	v17 =	vshll.u32 v19, $0x10  }
0xbf: {  	[tilespmem:s18+$0xFFFFFF30] =	vst v15;
	v16 =	vmul.f32 v16, v2;
	v19 =	vand.u32 $0xFFFF0000, v19;
	v17 =	vmul.f32 v17, v5  }
0xc0: {  	s15 =	simm.s32 $0xA;
	v11 =	vld [tilespmem:s19+$0xF0];
	[tilespmem:s18+$0xFFFFFFA0] =	vst v14;
	v13 =	vmul.f32 v19, v5;
	v19 =	vand.u32 $0xFFFF0000, v20;
	v20 =	vmul.f32 v21, v4  }
0xc1: {  	v21 =	vld [tilespmem:s19+$0xFFFFFFA0];
	[tilespmem:s18+$0xFFFFFFB0] =	vst v12;
	v12 =	vmov s15;
	v15 =	vmul.f32 v19, v4;
	v19 =	vshll.u32 v18, $0x10  }
0xc2: {  	s22 =	simm.s32 $0xB;
	v18 =	vand.u32 $0xFFFF0000, v18;
	v23 =	vld [tilespmem:s19+$0xFFFFFFE0];
	v24 =	vshll.u32 v22, $0x10;
	v22 =	vand.u32 $0xFFFF0000, v22  }
0xc3: {  	s24 =	simm.s32 $0x9;
	[tilespmem:s18+$0x30] =	vst v16;
	v16 =	vmov s22;
	v12 =	vshrl.u32 v12, $0x3;
	v14 =	vmul.f32 v19, v3  }
0xc4: {  	[tilespmem:s18+$0x20] =	vst v10;
	v18 =	vmul.f32 v18, v3;
	v19 =	vmov s24;
	v24 =	vmul.f32 v24, v9  }
0xc5: {  	v22 =	vmul.f32 v22, v9;
	[tilespmem:s18+$0xA0] =	vst v17;
	v10 =	vshll.u32 v11, $0x10;
	v11 =	vand.u32 $0xFFFF0000, v11  }
0xc6: {  	v25 =	vld [tilespmem:s19+$0x20];
	[tilespmem:s18+$0xB0] =	vst v13;
	v12 =	vshll.u32 v12, v1;
	v13 =	vshrl.u32 v19, $0x3;
	v11 =	vmul.f32 v11, v6  }
0xc7: {  	[tilespmem:s18+$0x120] =	vst v20;
	v17 =	vshll.u32 v21, $0x10;
	v21 =	vand.u32 $0xFFFF0000, v21;
	v19 =	vshll.u32 v23, $0x10  }
0xc8: {  	s23 =	simm.s32 $0xC;
	[tilespmem:s18+$0x1F0] =	vst v11;
	v11 =	vmul.f32 v17, v8;
	v17 =	vmul.f32 v21, v8;
	v21 =	vand.u32 $0xFFFF0000, v23;
	v23 =	vld [tilespmem:s19+$0x60]  }
0xc9: {  	[tilespmem:s18+$0x130] =	vst v15;
	v15 =	vshrl.u32 v16, $0x3;
	v6 =	vmul.f32 v10, v6;
	v10 =	vmov s23  }
0xca: {  	[tilespmem:s18+$0xFFFFFE20] =	vst v14;
	v13 =	vshll.u32 v13, v1;
	v10 =	vshrl.u32 v10, $0x3;
	v20 =	vmul.f32 v21, v7;
	v21 =	vld [tilespmem:s19+$0xA0]  }
0xcb: {  	[tilespmem:s18+$0xFFFFFE30] =	vst v18;
	v19 =	vmul.f32 v19, v7;
	v14 =	vshll.u32 v25, $0x10;
	v16 =	vand.u32 $0xFFFF0000, v25  }
0xcc: {  	[tilespmem:s18+$0xFFFFFEC0] =	vst v24;
	v62 =	vshll.u32 v10, v1;
	v18 =	vmul.f32 v14, v2;
	v14 =	vshll.u32 v15, v1;
	v15 =	vld [tilespmem:s19+$0xFFFFFF20]  }
0xcd: {  	[tilespmem:s18+$0xFFFFFED0] =	vst v22;
	v16 =	vmul.f32 v16, v2;
	v10 =	vshll.u32 v23, $0x10;
	v22 =	vand.u32 $0xFFFF0000, v23  }
0xce: {  	v13 =	vadd.s32 $0x1, v13;
	[tilespmem:s18+$0xFFFFFF40] =	vst v11;
	v23 =	vld [tilespmem:s19+$0xFFFFFF70];
	v63 =	vmul.f32 v10, v5;
	v22 =	vmul.f32 v22, v5  }
0xcf: {  	[tilespmem:s18+$0xFFFFFF50] =	vst v17;
	v10 =	vbroadcast v13, $0x0;
	v11 =	vshll.u32 v21, $0x10;
	v13 =	vand.u32 $0xFFFF0000, v21  }
0xd0: {  	v12 =	vadd.s32 $0x2, v12;
	[tilespmem:s18+$0xFFFFFFC0] =	vst v19;
	v17 =	vld [tilespmem:s19+$0xFFFFFFB0];
	v19 =	vmul.f32 v11, v4;
	v21 =	vmul.f32 v13, v4  }
0xd1: {  	[tilespmem:s18+$0xFFFFFFD0] =	vst v20;
	v11 =	vbroadcast v12, $0x0;
	v12 =	vshll.u32 v15, $0x10;
	v13 =	vand.u32 $0xFFFF0000, v15  }
0xd2: {  	[tilespmem:s18+$0x40] =	vst v18;
	v27 =	vld [tilespmem:s19+$0xFFFFFFF0];
	v15 =	vadd.s32 $0x3, v14;
	v26 =	vmul.f32 v12, v3;
	v14 =	vmul.f32 v13, v3  }
0xd3: {  	[tilespmem:s18+$0x50] =	vst v16;
	v12 =	vbroadcast v15, $0x0;
	v13 =	vshll.u32 v23, $0x10;
	v15 =	vand.u32 $0xFFFF0000, v23  }
0xd4: {  	v18 =	vadd.s32 $0x4, v62;
	[tilespmem:s18+$0xC0] =	vst v63;
	v16 =	vmul.f32 v13, v9;
	v15 =	vmul.f32 v15, v9;
	v9 =	vld [tilespmem:s19+$0x30]  }
0xd5: {  	s24 =	simm.s32 $0xF;
	[tilespmem:s18+$0xD0] =	vst v22;
	v13 =	vbroadcast v18, $0x0;
	v18 =	vshll.u32 v17, $0x10;
	v17 =	vand.u32 $0xFFFF0000, v17  }
0xd6: {  	v22 =	vmov s24;
	[tilespmem:s18+$0x140] =	vst v19;
	v20 =	vmul.f32 v18, v8;
	v17 =	vmul.f32 v17, v8;
	v8 =	vld [tilespmem:s19+$0x70]  }
0xd7: {  	v19 =	vshll.u32 v27, $0x10;
	[tilespmem:s18+$0x150] =	vst v21;
	v23 =	vand.u32 $0xFFFF0000, v27;
	v18 =	vshrl.u32 v22, $0x3  }
0xd8: {  	s22 =	simm.s32 $0x2BE0;
	s23 =	simm.s32 $0x8;
	s24 =	simm.s32 $0x10;
	[tilespmem:s18+$0xFFFFFE40] =	vst v26;
	v21 =	vmul.f32 v19, v7;
	v19 =	vld [tilespmem:s19+$0xB0];
	v22 =	vshll.u32 v18, v1;
	v18 =	vmul.f32 v23, v7  }
.LBB2_5:
0xd9: {  	p1 =	slt.u32 s24, $0x48;
	v7 =	vadd.s32 $0x7, v22;
	[tilespmem:s18+$0xFFFFFE50] =	vst v14;
	v14 =	vshll.u32 v9, $0x10;
	v22 =	vand.u32 $0xFFFF0000, v9  }
0xda: {  	v23 =	vbroadcast v7, $0x0;
	v24 =	vld [tilespmem:s19+$0xFFFFFF30];
	[tilespmem:s18+$0xFFFFFEE0] =	vst v16;
	v14 =	vmul.f32 v14, v2  }
0xdb: {  	s7 =	sadd.s32 $0x5, s23;
	v9 =	vld.idx.msk [tilespmem:v10+s30+$0x0], $0xffff;
	[tilespmem:s18+$0xFFFFFEF0] =	vst v15;
	v15 =	vmul.f32 v22, v2;
	v2 =	vshll.u32 v8, $0x10;
	v7 =	vand.u32 $0xFFFF0000, v8  }
0xdc: {  	v10 =	vmov s7;
	s7 =	sadd.s32 $0x6, s23;
	v8 =	vld.idx.msk [tilespmem:v11+s30+$0x0], $0xffff;
	[tilespmem:s18+$0xFFFFFF60] =	vst v20;
	v11 =	vmul.f32 v2, v5;
	v5 =	vmul.f32 v7, v5  }
0xdd: {  	v7 =	vld.idx.msk [tilespmem:v12+s30+$0x0], $0xffff;
	v12 =	vmov s7;
	[tilespmem:s18+$0xFFFFFF70] =	vst v17;
	v16 =	vshll.u32 v19, $0x10;
	v17 =	vand.u32 $0xFFFF0000, v19  }
0xde: {  	s19 =	sadd.s32 $0x200, s19;
	v10 =	vshrl.u32 v10, $0x3;
	v2 =	vld.idx.msk [tilespmem:v13+s30+$0x0], $0xffff;
	[tilespmem:s18+$0xFFFFFFE0] =	vst v21;
	v13 =	vmul.f32 v16, v4;
	v4 =	vmul.f32 v17, v4  }
0xdf: {  	v16 =	vshll.u32 v10, v1;
	v17 =	vld [tilespmem:s19+$0xC0];
	v19 =	vshll.u32 v24, $0x10;
	v20 =	vand.u32 $0xFFFF0000, v24;
	[tilespmem:s18+$0xFFFFFFF0] =	vst v18  }
0xe0: {  	v12 =	vshrl.u32 v12, $0x3;
	v10 =	vld.idx.msk [tilespmem:v23+s30+$0x0], $0xffff;
	v18 =	vmul.f32 v19, v3;
	v3 =	vmul.f32 v20, v3;
	[tilespmem:s18+$0x60] =	vst v14  }
0xe1: {  	v16 =	vadd.s32 $0x5, v16;
	v12 =	vshll.u32 v12, v1;
	v14 =	vld [tilespmem:s19+$0xFFFFFF00];
	[tilespmem:s18+$0x70] =	vst v15  }
0xe2: {  	v16 =	vbroadcast v16, $0x0;
	v12 =	vadd.s32 $0x6, v12;
	v15 =	vmov s23;
	s23 =	smov.u32 s24;
	v19 =	vld [tilespmem:s19+$0xFFFFFF40];
	[tilespmem:s18+$0xE0] =	vst v11  }
0xe3: {  	v12 =	vbroadcast v12, $0x0;
	v11 =	vshrl.u32 v15, $0x3;
	v15 =	vld [tilespmem:s19+$0xFFFFFF80];
	[tilespmem:s18+$0xF0] =	vst v5  }
0xe4: {  	v5 =	vshll.u32 v11, v1;
	v11 =	vld [tilespmem:s19+$0xFFFFFFC0];
	[tilespmem:s18+$0x160] =	vst v13  }
0xe5: {  	v13 =	vbroadcast v5, $0x0;
	v5 =	vshll.u32 v17, $0x10;
	v20 =	vld [tilespmem:s19+$0x0];
	[tilespmem:s18+$0x170] =	vst v4  }
0xe6: {  	v4 =	vand.u32 $0xFFFF0000, v17;
	v17 =	vmul.f32 v5, v10;
	v21 =	vshll.u32 v14, $0x10;
	v22 =	vld [tilespmem:s19+$0x40];
	[tilespmem:s18+$0x1E0] =	vst v6  }
0xe7: {  	v6 =	vand.u32 $0xFFFF0000, v14;
	v24 =	vmul.f32 v4, v10;
	s18 =	sadd.s32 $0x400, s18;
	v14 =	vshll.u32 v19, $0x10;
	v23 =	vld [tilespmem:s19+$0x80];
	[tilespmem:s22+$0xFFFFFE60] =	vst v18  }
0xe8: {  	v18 =	vand.u32 $0xFFFF0000, v19;
	v19 =	vshll.u32 v15, $0x10;
	v15 =	vand.u32 $0xFFFF0000, v15;
	v5 =	vld.idx.msk [tilespmem:v16+s30+$0x0], $0xffff;
	[tilespmem:s18+$0x180] =	vst v17  }
0xe9: {  	v14 =	vmul.f32 v14, v9;
	v16 =	vshll.u32 v11, $0x10;
	v11 =	vand.u32 $0xFFFF0000, v11;
	v4 =	vld.idx.msk [tilespmem:v12+s30+$0x0], $0xffff;
	[tilespmem:s18+$0x190] =	vst v24  }
0xea: {  	v12 =	vmul.f32 v18, v9;
	v17 =	vshll.u32 v20, $0x10;
	v18 =	vand.u32 $0xFFFF0000, v20;
	v20 =	vld [tilespmem:s19+$0xD0];
	[tilespmem:s22+$0xFFFFFE70] =	vst v3;
	s22 =	smov.u32 s18  }
0xeb: {  	[tilespmem:s18+$0xFFFFFE80] =	vst v14;
	v14 =	vmul.f32 v19, v8;
	v19 =	vshll.u32 v22, $0x10;
	v22 =	vand.u32 $0xFFFF0000, v22  }
0xec: {  	v3 =	vld.idx.msk [tilespmem:v13+s30+$0x0], $0xffff;
	[tilespmem:s18+$0xFFFFFE90] =	vst v12;
	v12 =	vmul.f32 v15, v8;
	v13 =	vshll.u32 v23, $0x10;
	v15 =	vand.u32 $0xFFFF0000, v23  }
0xed: {  	v11 =	vmul.f32 v11, v7;
	v23 =	vld [tilespmem:s19+$0xFFFFFF50];
	[tilespmem:s18+$0xFFFFFF00] =	vst v14;
	v14 =	vmul.f32 v16, v7  }
0xee: {  	v16 =	vmul.f32 v18, v2;
	[tilespmem:s18+$0xFFFFFF10] =	vst v12;
	v12 =	vmul.f32 v17, v2  }
0xef: {  	v18 =	vmul.f32 v22, v5;
	v17 =	vld [tilespmem:s19+$0xFFFFFF90];
	[tilespmem:s18+$0xFFFFFF80] =	vst v14;
	v14 =	vmul.f32 v19, v5;
	v19 =	vshll.u32 v20, $0x10  }
0xf0: {  	[tilespmem:s18+$0xFFFFFF90] =	vst v11;
	v11 =	vmul.f32 v13, v4;
	v13 =	vand.u32 $0xFFFF0000, v20;
	v19 =	vmul.f32 v19, v10  }
0xf1: {  	v20 =	vld [tilespmem:s19+$0xFFFFFFD0];
	[tilespmem:s18+$0x0] =	vst v12;
	v12 =	vmul.f32 v15, v4;
	v13 =	vmul.f32 v13, v10  }
0xf2: {  	v15 =	vmul.f32 v21, v3;
	v6 =	vmul.f32 v6, v3;
	v21 =	vshll.u32 v23, $0x10;
	[tilespmem:s18+$0x1A0] =	vst v19  }
0xf3: {  	v19 =	vand.u32 $0xFFFF0000, v23;
	v21 =	vmul.f32 v21, v9;
	[tilespmem:s18+$0x1B0] =	vst v13  }
0xf4: {  	v13 =	vmul.f32 v19, v9;
	v19 =	vshll.u32 v17, $0x10;
	v17 =	vand.u32 $0xFFFF0000, v17;
	[tilespmem:s18+$0x10] =	vst v16;
	v16 =	vld [tilespmem:s19+$0xE0]  }
0xf5: {  	v19 =	vmul.f32 v19, v8;
	v17 =	vmul.f32 v17, v8;
	v22 =	vld [tilespmem:s19+$0x10];
	[tilespmem:s18+$0x80] =	vst v14  }
0xf6: {  	v14 =	vshll.u32 v20, $0x10;
	v20 =	vand.u32 $0xFFFF0000, v20;
	[tilespmem:s18+$0x90] =	vst v18  }
0xf7: {  	v14 =	vmul.f32 v14, v7;
	v18 =	vmul.f32 v20, v7;
	v20 =	vld [tilespmem:s19+$0x50];
	[tilespmem:s18+$0x100] =	vst v11  }
0xf8: {  	[tilespmem:s18+$0x110] =	vst v12  }
0xf9: {  	[tilespmem:s18+$0xFFFFFE00] =	vst v15;
	v11 =	vld [tilespmem:s19+$0x90];
	v12 =	vshll.u32 v16, $0x10  }
0xfa: {  	v15 =	vand.u32 $0xFFFF0000, v16;
	[tilespmem:s18+$0xFFFFFE10] =	vst v6;
	v6 =	vshll.u32 v22, $0x10;
	v12 =	vmul.f32 v12, v10  }
0xfb: {  	v15 =	vmul.f32 v15, v10;
	v16 =	vld [tilespmem:s19+$0xFFFFFF10];
	[tilespmem:s18+$0xFFFFFEA0] =	vst v21;
	v21 =	vand.u32 $0xFFFF0000, v22;
	v6 =	vmul.f32 v6, v2  }
0xfc: {  	v21 =	vmul.f32 v21, v2;
	v22 =	vshll.u32 v20, $0x10;
	v20 =	vand.u32 $0xFFFF0000, v20;
	[tilespmem:s18+$0x1C0] =	vst v12  }
0xfd: {  	v12 =	vmul.f32 v22, v5;
	v20 =	vmul.f32 v20, v5;
	[tilespmem:s18+$0x1D0] =	vst v15  }
0xfe: {  	[tilespmem:s18+$0xFFFFFEB0] =	vst v13;
	v13 =	vshll.u32 v11, $0x10;
	v11 =	vand.u32 $0xFFFF0000, v11;
	v15 =	vld [tilespmem:s19+$0xF0]  }
0xff: {  	v22 =	vld [tilespmem:s19+$0xFFFFFF60];
	[tilespmem:s18+$0xFFFFFF20] =	vst v19;
	v13 =	vmul.f32 v13, v4;
	v11 =	vmul.f32 v11, v4  }
0x100: {  	v19 =	vshll.u32 v16, $0x10;
	v16 =	vand.u32 $0xFFFF0000, v16;
	[tilespmem:s18+$0xFFFFFF30] =	vst v17  }
0x101: {  	s7 =	sadd.s32 $0x1, s24;
	v17 =	vmul.f32 v19, v3;
	v16 =	vmul.f32 v16, v3;
	v19 =	vld [tilespmem:s19+$0xFFFFFFA0];
	[tilespmem:s18+$0xFFFFFFA0] =	vst v14  }
0x102: {  	v14 =	vmov s7;
	s7 =	sadd.s32 $0x2, s24;
	[tilespmem:s18+$0xFFFFFFB0] =	vst v18  }
0x103: {  	v18 =	vmov s7;
	v23 =	vld [tilespmem:s19+$0xFFFFFFE0];
	[tilespmem:s18+$0x20] =	vst v6;
	v6 =	vshll.u32 v15, $0x10;
	v15 =	vand.u32 $0xFFFF0000, v15  }
0x104: {  	s7 =	sadd.s32 $0x3, s24;
	v24 =	vshll.u32 v22, $0x10;
	v22 =	vand.u32 $0xFFFF0000, v22;
	[tilespmem:s18+$0x30] =	vst v21;
	v15 =	vmul.f32 v15, v10  }
0x105: {  	v21 =	vmov s7;
	v24 =	vmul.f32 v24, v9;
	v22 =	vmul.f32 v22, v9;
	v25 =	vld [tilespmem:s19+$0x20];
	[tilespmem:s18+$0xA0] =	vst v12  }
0x106: {  	s7 =	sadd.s32 $0x4, s24;
	v6 =	vmul.f32 v6, v10;
	v12 =	vshll.u32 v19, $0x10;
	v19 =	vand.u32 $0xFFFF0000, v19;
	[tilespmem:s18+$0x1F0] =	vst v15  }
0x107: {  	v10 =	vmov s7;
	v12 =	vmul.f32 v12, v8;
	v15 =	vmul.f32 v19, v8;
	[tilespmem:s18+$0xB0] =	vst v20  }
0x108: {  	v14 =	vshrl.u32 v14, $0x3;
	v19 =	vshll.u32 v23, $0x10;
	v20 =	vand.u32 $0xFFFF0000, v23;
	v23 =	vld [tilespmem:s19+$0x60];
	[tilespmem:s18+$0x120] =	vst v13  }
0x109: {  	v13 =	vshrl.u32 v18, $0x3;
	v18 =	vmul.f32 v19, v7;
	v19 =	vmul.f32 v20, v7;
	[tilespmem:s18+$0x130] =	vst v11  }
0x10a: {  	v11 =	vshrl.u32 v21, $0x3;
	[tilespmem:s18+$0xFFFFFE20] =	vst v17;
	v17 =	vshll.u32 v25, $0x10;
	v20 =	vand.u32 $0xFFFF0000, v25;
	v21 =	vld [tilespmem:s19+$0xA0]  }
0x10b: {  	v10 =	vshrl.u32 v10, $0x3;
	[tilespmem:s18+$0xFFFFFE30] =	vst v16;
	v16 =	vmul.f32 v17, v2;
	v17 =	vmul.f32 v20, v2  }
0x10c: {  	v14 =	vshll.u32 v14, v1;
	v13 =	vshll.u32 v13, v1;
	v20 =	vshll.u32 v11, v1;
	v25 =	vld [tilespmem:s19+$0xFFFFFF20];
	[tilespmem:s18+$0xFFFFFEC0] =	vst v24  }
0x10d: {  	v24 =	vshll.u32 v10, v1;
	[tilespmem:s18+$0xFFFFFED0] =	vst v22;
	v10 =	vshll.u32 v23, $0x10;
	v11 =	vand.u32 $0xFFFF0000, v23  }
0x10e: {  	v14 =	vadd.s32 $0x1, v14;
	v22 =	vld [tilespmem:s19+$0xFFFFFF70];
	[tilespmem:s18+$0xFFFFFF40] =	vst v12;
	v23 =	vmul.f32 v10, v5;
	v26 =	vmul.f32 v11, v5  }
0x10f: {  	v10 =	vbroadcast v14, $0x0;
	[tilespmem:s18+$0xFFFFFF50] =	vst v15;
	v11 =	vshll.u32 v21, $0x10;
	v12 =	vand.u32 $0xFFFF0000, v21  }
0x110: {  	v13 =	vadd.s32 $0x2, v13;
	v21 =	vld [tilespmem:s19+$0xFFFFFFB0];
	[tilespmem:s18+$0xFFFFFFC0] =	vst v18;
	v18 =	vmul.f32 v11, v4;
	v27 =	vmul.f32 v12, v4  }
0x111: {  	v11 =	vbroadcast v13, $0x0;
	v12 =	vshll.u32 v25, $0x10;
	v13 =	vand.u32 $0xFFFF0000, v25;
	[tilespmem:s18+$0xFFFFFFD0] =	vst v19  }
0x112: {  	v15 =	vadd.s32 $0x3, v20;
	v19 =	vmul.f32 v12, v3;
	v14 =	vmul.f32 v13, v3;
	v25 =	vld [tilespmem:s19+$0xFFFFFFF0];
	[tilespmem:s18+$0x40] =	vst v16  }
0x113: {  	v12 =	vbroadcast v15, $0x0;
	v13 =	vshll.u32 v22, $0x10;
	v15 =	vand.u32 $0xFFFF0000, v22;
	[tilespmem:s18+$0x50] =	vst v17  }
.Ltmp1:
0x114: {  	v17 =	vadd.s32 $0x4, v24;
	v16 =	vmul.f32 v13, v9;
	v15 =	vmul.f32 v15, v9;
	v9 =	vld [tilespmem:s19+$0x30];
	[tilespmem:s18+$0xC0] =	vst v23;
	(pc) =	sbr.rel @p1 .LBB2_5-.Ltmp1, $4  }
0x115: {  	s7 =	sadd.s32 $0x7, s24;
	v13 =	vbroadcast v17, $0x0;
	v17 =	vshll.u32 v21, $0x10;
	v21 =	vand.u32 $0xFFFF0000, v21;
	[tilespmem:s18+$0xD0] =	vst v26  }
0x116: {  	v22 =	vmov s7;
	v20 =	vmul.f32 v17, v8;
	v17 =	vmul.f32 v21, v8;
	v8 =	vld [tilespmem:s19+$0x70];
	[tilespmem:s18+$0x140] =	vst v18  }
0x117: {  	v18 =	vshrl.u32 v22, $0x3;
	v21 =	vshll.u32 v25, $0x10;
	v23 =	vand.u32 $0xFFFF0000, v25;
	[tilespmem:s18+$0x150] =	vst v27  }
0x118: {  	s24 =	sadd.s32 $0x8, s24;
	v22 =	vshll.u32 v18, v1;
	[tilespmem:s18+$0xFFFFFE40] =	vst v19;
	v21 =	vmul.f32 v21, v7;
	v18 =	vmul.f32 v23, v7;
	v19 =	vld [tilespmem:s19+$0xB0]  }
0x119: {  	[tilespmem:s18+$0xFFFFFE50] =	vst v14  }
0x11a: {  	v7 =	vadd.s32 $0x7, v22;
	[tilespmem:s18+$0xFFFFFEE0] =	vst v16  }
0x11b: {  	[tilespmem:s18+$0xFFFFFEF0] =	vst v15;
	v7 =	vbroadcast v7, $0x0  }
0x11c: {  	[tilespmem:s18+$0xFFFFFF60] =	vst v20  }
0x11d: {  	[tilespmem:s18+$0xFFFFFF70] =	vst v17  }
0x11e: {  	v14 =	vshll.u32 v9, $0x10;
	v9 =	vand.u32 $0xFFFF0000, v9;
	[tilespmem:s18+$0x1E0] =	vst v6  }
0x11f: {  	s7 =	sadd.s32 $0x200, s19;
	v14 =	vmul.f32 v14, v2;
	[tilespmem:s18+$0xFFFFFFE0] =	vst v21;
	v15 =	vld [tilespmem:s19+$0xFFFFFF30];
	v9 =	vmul.f32 v9, v2;
	v2 =	vshll.u32 v8, $0x10  }
0x120: {  	s24 =	sadd.s32 $0x5, s23;
	[tilespmem:s18+$0xFFFFFFF0] =	vst v18;
	v17 =	vld [tilespmem:s7+$0xC0];
	v8 =	vand.u32 $0xFFFF0000, v8;
	v16 =	vmul.f32 v2, v5  }
0x121: {  	s15 =	sadd.s32 $0x6, s23;
	[tilespmem:s18+$0x60] =	vst v14;
	v14 =	vmov s24;
	v8 =	vmul.f32 v8, v5;
	v18 =	vshll.u32 v19, $0x10;
	v2 =	vld.idx.msk [tilespmem:v7+s30+$0x0], $0xffff  }
0x122: {  	[tilespmem:s18+$0x70] =	vst v9;
	v5 =	vld.idx.msk [tilespmem:v10+s30+$0x0], $0xffff;
	v9 =	vshrl.u32 v14, $0x3;
	v14 =	vmov s15;
	v10 =	vmul.f32 v18, v4  }
0x123: {  	[tilespmem:s18+$0xE0] =	vst v16;
	v9 =	vshll.u32 v9, v1;
	v16 =	vld [tilespmem:s7+$0xFFFFFF40];
	v14 =	vshrl.u32 v14, $0x3;
	v7 =	vand.u32 $0xFFFF0000, v19  }
0x124: {  	[tilespmem:s18+$0xF0] =	vst v8;
	v8 =	vshll.u32 v15, $0x10;
	v7 =	vmul.f32 v7, v4;
	v4 =	vld.idx.msk [tilespmem:v11+s30+$0x0], $0xffff;
	v11 =	vand.u32 $0xFFFF0000, v15  }
0x125: {  	[tilespmem:s18+$0x160] =	vst v10;
	v8 =	vmul.f32 v8, v3;
	v15 =	vshll.u32 v17, $0x10;
	v10 =	vmul.f32 v11, v3;
	v11 =	vld [tilespmem:s7+$0xFFFFFF80]  }
0x126: {  	v3 =	vld.idx.msk [tilespmem:v12+s30+$0x0], $0xffff;
	[tilespmem:s18+$0x170] =	vst v7;
	v7 =	vadd.s32 $0x5, v9;
	v9 =	vand.u32 $0xFFFF0000, v17;
	v12 =	vmul.f32 v15, v2  }
0x127: {  	v14 =	vshll.u32 v14, v1;
	[tilespmem:s22+$0xFFFFFE60] =	vst v8;
	v17 =	vld [tilespmem:s7+$0xFFFFFFC0];
	v15 =	vmov s23;
	v9 =	vmul.f32 v9, v2;
	s23 =	sadd.s32 $0x400, s18  }
0x128: {  	v6 =	vld.idx.msk [tilespmem:v13+s30+$0x0], $0xffff;
	v8 =	vadd.s32 $0x6, v14;
	v13 =	vshll.u32 v16, $0x10;
	v7 =	vbroadcast v7, $0x0;
	[tilespmem:s23+$0x180] =	vst v12  }
0x129: {  	v14 =	vld [tilespmem:s7+$0x0];
	v13 =	vmul.f32 v13, v5;
	v12 =	vshrl.u32 v15, $0x3;
	v15 =	vand.u32 $0xFFFF0000, v16;
	[tilespmem:s23+$0x190] =	vst v9  }
0x12a: {  	v8 =	vbroadcast v8, $0x0;
	[tilespmem:s22+$0xFFFFFE70] =	vst v10;
	v9 =	vshll.u32 v11, $0x10;
	v15 =	vmul.f32 v15, v5;
	v16 =	vld [tilespmem:s7+$0xD0]  }
0x12b: {  	[tilespmem:s23+$0xFFFFFE80] =	vst v13;
	v11 =	vand.u32 $0xFFFF0000, v11;
	v10 =	vshll.u32 v12, v1;
	v9 =	vmul.f32 v9, v4  }
0x12c: {  	v12 =	vshll.u32 v17, $0x10;
	v11 =	vmul.f32 v11, v4;
	v10 =	vbroadcast v10, $0x0;
	[tilespmem:s23+$0xFFFFFE90] =	vst v15  }
0x12d: {  	v13 =	vld [tilespmem:s7+$0x40];
	v15 =	vand.u32 $0xFFFF0000, v17;
	[tilespmem:s23+$0xFFFFFF00] =	vst v9;
	v9 =	vmul.f32 v12, v3  }
0x12e: {  	v7 =	vld.idx.msk [tilespmem:v7+s30+$0x0], $0xffff;
	v12 =	vshll.u32 v14, $0x10;
	[tilespmem:s23+$0xFFFFFF10] =	vst v11;
	v15 =	vmul.f32 v15, v3  }
0x12f: {  	v11 =	vld [tilespmem:s7+$0x80];
	v12 =	vmul.f32 v12, v6;
	[tilespmem:s23+$0xFFFFFF80] =	vst v9;
	v9 =	vshll.u32 v16, $0x10  }
0x130: {  	v8 =	vld.idx.msk [tilespmem:v8+s30+$0x0], $0xffff;
	[tilespmem:s23+$0xFFFFFF90] =	vst v15;
	v15 =	vand.u32 $0xFFFF0000, v16;
	v16 =	vmul.f32 v9, v2  }
0x131: {  	v17 =	vld [tilespmem:s7+$0xFFFFFF00];
	v14 =	vand.u32 $0xFFFF0000, v14;
	[tilespmem:s23+$0x0] =	vst v12;
	v12 =	vmul.f32 v15, v2  }
0x132: {  	v15 =	vshll.u32 v13, $0x10;
	v9 =	vld.idx.msk [tilespmem:v10+s30+$0x0], $0xffff;
	v10 =	vmul.f32 v14, v6;
	[tilespmem:s23+$0x1A0] =	vst v16  }
0x133: {  	v13 =	vand.u32 $0xFFFF0000, v13;
	v14 =	vld [tilespmem:s7+$0xFFFFFF50];
	v15 =	vmul.f32 v15, v7;
	[tilespmem:s23+$0x1B0] =	vst v12  }
0x134: {  	v13 =	vmul.f32 v13, v7;
	v12 =	vshll.u32 v11, $0x10;
	[tilespmem:s23+$0x10] =	vst v10;
	v10 =	vld [tilespmem:s7+$0xE0]  }
0x135: {  	v11 =	vand.u32 $0xFFFF0000, v11;
	v12 =	vmul.f32 v12, v8;
	[tilespmem:s23+$0x80] =	vst v15  }
0x136: {  	v15 =	vshll.u32 v17, $0x10;
	v11 =	vmul.f32 v11, v8;
	[tilespmem:s23+$0x90] =	vst v13  }
0x137: {  	v16 =	vld [tilespmem:s7+$0xFFFFFF90];
	v13 =	vand.u32 $0xFFFF0000, v17;
	[tilespmem:s23+$0x100] =	vst v12;
	v15 =	vmul.f32 v15, v9  }
0x138: {  	[tilespmem:s23+$0x110] =	vst v11;
	v12 =	vmul.f32 v13, v9;
	v13 =	vshll.u32 v14, $0x10  }
0x139: {  	v11 =	vld [tilespmem:s7+$0xFFFFFFD0];
	v13 =	vmul.f32 v13, v5;
	[tilespmem:s23+$0xFFFFFE00] =	vst v15;
	v15 =	vshll.u32 v10, $0x10  }
0x13a: {  	[tilespmem:s23+$0xFFFFFE10] =	vst v12;
	v10 =	vand.u32 $0xFFFF0000, v10;
	v12 =	vmul.f32 v15, v2  }
0x13b: {  	v14 =	vand.u32 $0xFFFF0000, v14;
	v15 =	vld [tilespmem:s7+$0x10];
	[tilespmem:s23+$0xFFFFFEA0] =	vst v13;
	v10 =	vmul.f32 v10, v2  }
0x13c: {  	v13 =	vmul.f32 v14, v5;
	v14 =	vshll.u32 v16, $0x10;
	[tilespmem:s23+$0x1C0] =	vst v12  }
0x13d: {  	v14 =	vmul.f32 v14, v4;
	v12 =	vand.u32 $0xFFFF0000, v16;
	v16 =	vld [tilespmem:s7+$0x50];
	[tilespmem:s23+$0x1D0] =	vst v10  }
0x13e: {  	[tilespmem:s23+$0xFFFFFEB0] =	vst v13;
	v10 =	vmul.f32 v12, v4;
	v12 =	vshll.u32 v11, $0x10;
	v13 =	vld [tilespmem:s7+$0xF0]  }
0x13f: {  	v11 =	vand.u32 $0xFFFF0000, v11;
	[tilespmem:s23+$0xFFFFFF20] =	vst v14;
	v12 =	vmul.f32 v12, v3  }
0x140: {  	v14 =	vld [tilespmem:s7+$0x90];
	v11 =	vmul.f32 v11, v3;
	v17 =	vshll.u32 v15, $0x10;
	[tilespmem:s23+$0xFFFFFF30] =	vst v10  }
0x141: {  	v10 =	vand.u32 $0xFFFF0000, v15;
	v15 =	vmul.f32 v17, v6;
	[tilespmem:s23+$0xFFFFFFA0] =	vst v12  }
0x142: {  	v12 =	vld [tilespmem:s7+$0xFFFFFF10];
	v10 =	vmul.f32 v10, v6;
	[tilespmem:s23+$0xFFFFFFB0] =	vst v11;
	v17 =	vshll.u32 v16, $0x10  }
0x143: {  	v11 =	vmul.f32 v17, v7;
	[tilespmem:s23+$0x20] =	vst v15;
	v15 =	vand.u32 $0xFFFF0000, v13  }
0x144: {  	v16 =	vand.u32 $0xFFFF0000, v16;
	v17 =	vld [tilespmem:s7+$0xFFFFFF60];
	[tilespmem:s23+$0x30] =	vst v10;
	v10 =	vmul.f32 v15, v2  }
0x145: {  	v15 =	vmul.f32 v16, v7;
	v16 =	vshll.u32 v14, $0x10;
	[tilespmem:s23+$0xA0] =	vst v11  }
0x146: {  	v11 =	vand.u32 $0xFFFF0000, v14;
	v14 =	vmul.f32 v16, v8;
	v16 =	vld [tilespmem:s7+$0xFFFFFFA0];
	[tilespmem:s23+$0x1F0] =	vst v10  }
0x147: {  	v10 =	vmul.f32 v11, v8;
	v11 =	vshll.u32 v12, $0x10;
	[tilespmem:s23+$0xB0] =	vst v15  }
0x148: {  	v12 =	vand.u32 $0xFFFF0000, v12;
	v15 =	vld [tilespmem:s7+$0xFFFFFFE0];
	v11 =	vmul.f32 v11, v9;
	[tilespmem:s23+$0x120] =	vst v14  }
0x149: {  	v12 =	vmul.f32 v12, v9;
	v14 =	vshll.u32 v17, $0x10;
	[tilespmem:s23+$0x130] =	vst v10  }
0x14a: {  	v10 =	vand.u32 $0xFFFF0000, v17;
	v17 =	vld [tilespmem:s7+$0x20];
	v14 =	vmul.f32 v14, v5;
	[tilespmem:s23+$0xFFFFFE20] =	vst v11  }
0x14b: {  	v10 =	vmul.f32 v10, v5;
	[tilespmem:s23+$0xFFFFFE30] =	vst v12;
	v11 =	vshll.u32 v16, $0x10  }
0x14c: {  	v12 =	vand.u32 $0xFFFF0000, v16;
	v16 =	vld [tilespmem:s7+$0x60];
	v11 =	vmul.f32 v11, v4;
	[tilespmem:s23+$0xFFFFFEC0] =	vst v14  }
0x14d: {  	v12 =	vmul.f32 v12, v4;
	v14 =	vshll.u32 v15, $0x10;
	[tilespmem:s23+$0xFFFFFED0] =	vst v10  }
0x14e: {  	v10 =	vand.u32 $0xFFFF0000, v15;
	v15 =	vld [tilespmem:s7+$0xA0];
	v14 =	vmul.f32 v14, v3;
	[tilespmem:s23+$0xFFFFFF40] =	vst v11  }
0x14f: {  	v10 =	vmul.f32 v10, v3;
	v11 =	vshll.u32 v17, $0x10;
	[tilespmem:s23+$0xFFFFFF50] =	vst v12  }
0x150: {  	v12 =	vand.u32 $0xFFFF0000, v17;
	v17 =	vld [tilespmem:s7+$0xFFFFFF20];
	v11 =	vmul.f32 v11, v6;
	[tilespmem:s23+$0xFFFFFFC0] =	vst v14  }
0x151: {  	v12 =	vmul.f32 v12, v6;
	[tilespmem:s23+$0xFFFFFFD0] =	vst v10;
	v14 =	vshll.u32 v16, $0x10  }
0x152: {  	v10 =	vand.u32 $0xFFFF0000, v16;
	v16 =	vld [tilespmem:s7+$0xFFFFFF70];
	v14 =	vmul.f32 v14, v7;
	[tilespmem:s23+$0x40] =	vst v11  }
0x153: {  	v10 =	vmul.f32 v10, v7;
	v11 =	vshll.u32 v15, $0x10;
	[tilespmem:s23+$0x50] =	vst v12  }
0x154: {  	v12 =	vand.u32 $0xFFFF0000, v15;
	v15 =	vld [tilespmem:s7+$0xFFFFFFB0];
	v11 =	vmul.f32 v11, v8;
	[tilespmem:s23+$0xC0] =	vst v14  }
0x155: {  	v12 =	vmul.f32 v12, v8;
	v14 =	vshll.u32 v17, $0x10;
	[tilespmem:s23+$0xD0] =	vst v10  }
0x156: {  	v10 =	vand.u32 $0xFFFF0000, v17;
	v17 =	vld [tilespmem:s7+$0xFFFFFFF0];
	v14 =	vmul.f32 v14, v9;
	[tilespmem:s23+$0x140] =	vst v11  }
0x157: {  	v10 =	vmul.f32 v10, v9;
	[tilespmem:s23+$0x150] =	vst v12;
	v11 =	vshll.u32 v16, $0x10  }
0x158: {  	v12 =	vand.u32 $0xFFFF0000, v16;
	v16 =	vld [tilespmem:s7+$0x30];
	v11 =	vmul.f32 v11, v5;
	[tilespmem:s23+$0xFFFFFE40] =	vst v14  }
0x159: {  	v5 =	vmul.f32 v12, v5;
	v12 =	vshll.u32 v15, $0x10;
	[tilespmem:s23+$0xFFFFFE50] =	vst v10  }
0x15a: {  	v10 =	vand.u32 $0xFFFF0000, v15;
	v14 =	vld [tilespmem:s7+$0x70];
	v12 =	vmul.f32 v12, v4;
	[tilespmem:s23+$0xFFFFFEE0] =	vst v11  }
0x15b: {  	v4 =	vmul.f32 v10, v4;
	v10 =	vshll.u32 v17, $0x10;
	[tilespmem:s23+$0xFFFFFEF0] =	vst v5  }
0x15c: {  	v5 =	vand.u32 $0xFFFF0000, v17;
	v11 =	vld [tilespmem:s7+$0xB0];
	v10 =	vmul.f32 v10, v3;
	[tilespmem:s23+$0xFFFFFF60] =	vst v12  }
0x15d: {  	v3 =	vmul.f32 v5, v3;
	[tilespmem:s23+$0xFFFFFF70] =	vst v4;
	v5 =	vshll.u32 v16, $0x10  }
0x15e: {  	v4 =	vand.u32 $0xFFFF0000, v16;
	v5 =	vmul.f32 v5, v6;
	[tilespmem:s23+$0xFFFFFFE0] =	vst v10  }
0x15f: {  	v10 =	vld [tilespmem:s7+$0xFFFFFF30];
	v4 =	vmul.f32 v4, v6;
	v6 =	vshll.u32 v14, $0x10;
	[tilespmem:s23+$0xFFFFFFF0] =	vst v3  }
0x160: {  	v3 =	vand.u32 $0xFFFF0000, v14;
	v6 =	vmul.f32 v6, v7;
	[tilespmem:s23+$0x60] =	vst v5  }
0x161: {  	v3 =	vmul.f32 v3, v7;
	v5 =	vshll.u32 v11, $0x10;
	[tilespmem:s23+$0x70] =	vst v4  }
0x162: {  	v4 =	vand.u32 $0xFFFF0000, v11;
	v5 =	vmul.f32 v5, v8;
	[tilespmem:s23+$0xE0] =	vst v6  }
0x163: {  	v6 =	vshll.u32 v13, $0x10;
	v4 =	vmul.f32 v4, v8;
	[tilespmem:s23+$0xF0] =	vst v3  }
0x164: {  	v2 =	vmul.f32 v6, v2;
	v3 =	vshll.u32 v10, $0x10;
	[tilespmem:s23+$0x160] =	vst v5  }
0x165: {  	v5 =	vand.u32 $0xFFFF0000, v10;
	[tilespmem:s23+$0x170] =	vst v4;
	v3 =	vmul.f32 v3, v9  }
0x166: {  	v4 =	vmul.f32 v5, v9;
	[tilespmem:s23+$0x1E0] =	vst v2  }
0x167: {  	[tilespmem:s23+$0xFFFFFE60] =	vst v3  }
0x168: {  	s18 =	smul.u32 $0xA0, s17;
	s7 =	simm.s32 $0x0;
	[tilespmem:s23+$0xFFFFFE70] =	vst v4  }
0x169: {  	[spmem:s2] =	stream.indirect.scatter.add.f32 [tilespmem:s25], [sflag:$0x5], $0x80, s7, s28, $0xb8;
	[tilespmem:$0x18A60] =	vst v63  }
0x16a: {  	s24 =	sadd.s32 s18, s20;
	_ =	swait.ge [sflag:s26], $0x2800  }
0x16b: {  	s19 =	sshrl.u32 s24, $0x3;
	[sflag:s26] =	ssyncset.done $0x0  }
0x16c: {  	s15 =	sadd.s32 s5, s19;
	[sflag:s26] =	ssyncadd.s32 $0xFFFFD800  }
0x16d: {  	[tilespmem:s7], [sflag:$0x3] =	stream.strided.gather [hbm4b:s15+s28], $0xA0, s29, s28, $0x38;
	[tilespmem:$0x18A60] =	vst v63  }
0x16e: {  	s19 =	sadd.s32 s1, s19  }
0x16f: {  	[tilespmem:s30], [sflag:$0x3] =	stream.linear.gather [hbm4b:s19+s7], $0x50, $0x38;
	[tilespmem:$0x18A60] =	vst v63  }
0x170: {  	s23 =	simm.s32 $0x7;
	_ =	swait.ge [sflag:s3], $0xA0  }
0x171: {  	s24 =	simm.s32 $0x1;
	v2 =	vmov s23;
	[sflag:s3] =	ssyncset.done $0x0  }
0x172: {  	v3 =	vmov s24;
	v2 =	vshrl.u32 v2, $0x3;
	[sflag:s3] =	ssyncadd.s32 $0xFFFFFF60  }
0x173: {  	v3 =	vshrl.u32 v3, $0x3;
	v2 =	vshll.u32 v2, v1;
	s15 =	simm.s32 $0x2;
	_ =	swait.ge [sflag:s3], $0x50  }
0x174: {  	v3 =	vshll.u32 v3, v1;
	v2 =	vadd.s32 $0x7, v2;
	v4 =	vmov s15;
	[sflag:s3] =	ssyncset.done $0x0  }
0x175: {  	v3 =	vadd.s32 $0x1, v3;
	v2 =	vbroadcast v2, $0x0;
	v4 =	vshrl.u32 v4, $0x3;
	[sflag:s3] =	ssyncadd.s32 $0xFFFFFFB0  }
0x176: {  	v3 =	vbroadcast v3, $0x0;
	v4 =	vshll.u32 v4, v1;
	[tilespmem:s8], [sflag:$0x1] =	stream.indirect.gather [hbm4b:s6+s28], $0x40, s28, s28, $0xb8;
	[tilespmem:$0x18A60] =	vst v63  }
0x177: {  	s22 =	simm.s32 $0x3;
	s23 =	simm.s32 $0x4;
	v4 =	vadd.s32 $0x2, v4;
	_ =	swait.ge [sflag:s13], $0x1400  }
0x178: {  	v5 =	vmov s22;
	v6 =	vmov s23;
	v4 =	vbroadcast v4, $0x0;
	[sflag:s13] =	ssyncset.done $0x0  }
0x179: {  	s22 =	simm.s32 $0x16E0;
	v5 =	vshrl.u32 v5, $0x3;
	v6 =	vshrl.u32 v6, $0x3;
	[sflag:s13] =	ssyncadd.s32 $0xFFFFEC00  }
0x17a: {  	v5 =	vshll.u32 v5, v1;
	v6 =	vshll.u32 v6, v1;
	v10 =	vld [tilespmem:s22+$0xC0]  }
0x17b: {  	v5 =	vadd.s32 $0x3, v5;
	v7 =	vadd.s32 $0x4, v6;
	v6 =	vld.idx.msk [tilespmem:v2+s0+$0x0], $0xffff  }
0x17c: {  	v5 =	vbroadcast v5, $0x0;
	v9 =	vld.idx.msk [tilespmem:v3+s0+$0x0], $0xffff  }
0x17d: {  	s24 =	simm.s32 $0x5;
	s15 =	simm.s32 $0x6;
	v11 =	vld [tilespmem:s22+$0xFFFFFF40]  }
0x17e: {  	v3 =	vmov s24;
	v8 =	vld.idx.msk [tilespmem:v4+s0+$0x0], $0xffff;
	v4 =	vmov s15  }
0x17f: {  	v3 =	vshrl.u32 v3, $0x3;
	v4 =	vshrl.u32 v4, $0x3  }
0x180: {  	v2 =	vbroadcast v7, $0x0;
	v12 =	vld [tilespmem:s22+$0xFFFFFF80];
	v3 =	vshll.u32 v3, v1;
	v4 =	vshll.u32 v4, v1  }
0x181: {  	v14 =	vld [tilespmem:s22+$0xFFFFFFC0];
	v3 =	vadd.s32 $0x5, v3;
	v4 =	vadd.s32 $0x6, v4;
	v13 =	vshll.u32 v10, $0x10  }
0x182: {  	v7 =	vld.idx.msk [tilespmem:v5+s0+$0x0], $0xffff;
	v3 =	vbroadcast v3, $0x0;
	v5 =	vand.u32 $0xFFFF0000, v10;
	v10 =	vmul.f32 v13, v6  }
0x183: {  	s19 =	simm.s32 $0x2BE0;
	v15 =	vshll.u32 v11, $0x10;
	v13 =	vmov s7;
	v5 =	vmul.f32 v5, v6  }
0x184: {  	v11 =	vand.u32 $0xFFFF0000, v11;
	v15 =	vmul.f32 v15, v9;
	v13 =	vshrl.u32 v13, $0x3;
	[tilespmem:s19+$0x180] =	vst v10  }
0x185: {  	v4 =	vbroadcast v4, $0x0;
	v11 =	vmul.f32 v11, v9;
	v10 =	vld [tilespmem:s22+$0x0];
	[tilespmem:s19+$0x190] =	vst v5;
	v5 =	vshll.u32 v13, v1  }
0x186: {  	v2 =	vld.idx.msk [tilespmem:v2+s0+$0x0], $0xffff;
	v13 =	vshll.u32 v12, $0x10;
	[tilespmem:s19+$0xFFFFFE80] =	vst v15;
	v15 =	vshll.u32 v14, $0x10;
	v14 =	vand.u32 $0xFFFF0000, v14  }
0x187: {  	v16 =	vld [tilespmem:s22+$0xD0];
	v17 =	vbroadcast v5, $0x0;
	v5 =	vand.u32 $0xFFFF0000, v12;
	v12 =	vmul.f32 v13, v8  }
0x188: {  	[tilespmem:s19+$0xFFFFFE90] =	vst v11;
	v14 =	vmul.f32 v14, v7  }
0x189: {  	v18 =	vld [tilespmem:s22+$0x40];
	v11 =	vmul.f32 v5, v8;
	[tilespmem:s19+$0xFFFFFF00] =	vst v12  }
0x18a: {  	v5 =	vld.idx.msk [tilespmem:v3+s0+$0x0], $0xffff;
	v12 =	vmul.f32 v15, v7;
	[tilespmem:s19+$0xFFFFFF90] =	vst v14;
	v3 =	vshll.u32 v10, $0x10  }
0x18b: {  	[tilespmem:s19+$0xFFFFFF10] =	vst v11;
	v11 =	vld [tilespmem:s22+$0x80];
	v10 =	vand.u32 $0xFFFF0000, v10;
	v15 =	vmul.f32 v3, v2  }
0x18c: {  	v4 =	vld.idx.msk [tilespmem:v4+s0+$0x0], $0xffff;
	[tilespmem:s19+$0xFFFFFF80] =	vst v12;
	v3 =	vshll.u32 v16, $0x10;
	v10 =	vmul.f32 v10, v2  }
0x18d: {  	v13 =	vld [tilespmem:s22+$0xFFFFFF00];
	v12 =	vand.u32 $0xFFFF0000, v16;
	v14 =	vmul.f32 v3, v6;
	[tilespmem:s19+$0x0] =	vst v15  }
0x18e: {  	v3 =	vld.idx.msk [tilespmem:v17+s0+$0x0], $0xffff;
	v12 =	vmul.f32 v12, v6;
	v15 =	vshll.u32 v18, $0x10;
	[tilespmem:s19+$0x10] =	vst v10  }
0x18f: {  	v16 =	vld [tilespmem:s22+$0xFFFFFF50];
	[tilespmem:s19+$0x1A0] =	vst v14;
	v14 =	vand.u32 $0xFFFF0000, v18;
	v15 =	vmul.f32 v15, v5  }
0x190: {  	[tilespmem:s19+$0x1B0] =	vst v12;
	v12 =	vshll.u32 v11, $0x10;
	v14 =	vmul.f32 v14, v5  }
0x191: {  	v17 =	vld [tilespmem:s22+$0xFFFFFF90];
	v11 =	vand.u32 $0xFFFF0000, v11;
	v12 =	vmul.f32 v12, v4;
	[tilespmem:s19+$0x80] =	vst v15  }
0x192: {  	v10 =	vld [tilespmem:s22+$0xE0];
	v11 =	vmul.f32 v11, v4;
	v15 =	vshll.u32 v13, $0x10;
	[tilespmem:s19+$0x90] =	vst v14  }
0x193: {  	v18 =	vld [tilespmem:s22+$0xFFFFFFD0];
	v13 =	vand.u32 $0xFFFF0000, v13;
	v14 =	vmul.f32 v15, v3;
	[tilespmem:s19+$0x100] =	vst v12  }
0x194: {  	v15 =	vshll.u32 v16, $0x10;
	v12 =	vmul.f32 v13, v3;
	v13 =	vand.u32 $0xFFFF0000, v16;
	v16 =	vld [tilespmem:s22+$0x10];
	[tilespmem:s19+$0x110] =	vst v11  }
0x195: {  	v15 =	vmul.f32 v15, v9;
	v19 =	vld [tilespmem:s22+$0x50];
	[tilespmem:s19+$0xFFFFFE00] =	vst v14  }
0x196: {  	v11 =	vmul.f32 v13, v9;
	v13 =	vshll.u32 v17, $0x10;
	v17 =	vand.u32 $0xFFFF0000, v17;
	v20 =	vld [tilespmem:s22+$0x90];
	[tilespmem:s19+$0xFFFFFE10] =	vst v12  }
0x197: {  	v13 =	vmul.f32 v13, v8;
	v14 =	vshll.u32 v10, $0x10;
	v10 =	vand.u32 $0xFFFF0000, v10;
	[tilespmem:s19+$0xFFFFFEA0] =	vst v15  }
0x198: {  	v15 =	vmul.f32 v17, v8;
	[tilespmem:s19+$0xFFFFFEB0] =	vst v11;
	v12 =	vmul.f32 v14, v6;
	v14 =	vshll.u32 v18, $0x10  }
0x199: {  	v17 =	vand.u32 $0xFFFF0000, v18;
	v10 =	vmul.f32 v10, v6;
	v18 =	vld [tilespmem:s22+$0xFFFFFF10];
	[tilespmem:s19+$0xFFFFFF20] =	vst v13;
	v14 =	vmul.f32 v14, v7  }
0x19a: {  	v22 =	vld [tilespmem:s22+$0xFFFFFF60];
	[tilespmem:s19+$0x1C0] =	vst v12;
	v12 =	vmul.f32 v17, v7;
	v17 =	vshll.u32 v16, $0x10;
	v16 =	vand.u32 $0xFFFF0000, v16  }
0x19b: {  	[tilespmem:s19+$0x1D0] =	vst v10;
	v21 =	vshll.u32 v20, $0x10;
	v10 =	vmul.f32 v17, v2;
	v17 =	vshll.u32 v19, $0x10  }
0x19c: {  	[tilespmem:s19+$0xFFFFFF30] =	vst v15;
	v16 =	vmul.f32 v16, v2;
	v19 =	vand.u32 $0xFFFF0000, v19;
	v17 =	vmul.f32 v17, v5  }
0x19d: {  	s24 =	simm.s32 $0xA;
	v11 =	vld [tilespmem:s22+$0xF0];
	[tilespmem:s19+$0xFFFFFFA0] =	vst v14;
	v13 =	vmul.f32 v19, v5;
	v19 =	vand.u32 $0xFFFF0000, v20;
	v20 =	vmul.f32 v21, v4  }
0x19e: {  	v21 =	vld [tilespmem:s22+$0xFFFFFFA0];
	[tilespmem:s19+$0xFFFFFFB0] =	vst v12;
	v12 =	vmov s24;
	v15 =	vmul.f32 v19, v4;
	v19 =	vshll.u32 v18, $0x10  }
0x19f: {  	s15 =	simm.s32 $0xB;
	v18 =	vand.u32 $0xFFFF0000, v18;
	v23 =	vld [tilespmem:s22+$0xFFFFFFE0];
	v24 =	vshll.u32 v22, $0x10;
	v22 =	vand.u32 $0xFFFF0000, v22  }
0x1a0: {  	s23 =	simm.s32 $0x9;
	[tilespmem:s19+$0x30] =	vst v16;
	v16 =	vmov s15;
	v12 =	vshrl.u32 v12, $0x3;
	v14 =	vmul.f32 v19, v3  }
0x1a1: {  	[tilespmem:s19+$0x20] =	vst v10;
	v18 =	vmul.f32 v18, v3;
	v19 =	vmov s23;
	v24 =	vmul.f32 v24, v9  }
0x1a2: {  	v22 =	vmul.f32 v22, v9;
	[tilespmem:s19+$0xA0] =	vst v17;
	v10 =	vshll.u32 v11, $0x10;
	v11 =	vand.u32 $0xFFFF0000, v11  }
0x1a3: {  	v25 =	vld [tilespmem:s22+$0x20];
	[tilespmem:s19+$0xB0] =	vst v13;
	v12 =	vshll.u32 v12, v1;
	v13 =	vshrl.u32 v19, $0x3;
	v11 =	vmul.f32 v11, v6  }
0x1a4: {  	[tilespmem:s19+$0x120] =	vst v20;
	v17 =	vshll.u32 v21, $0x10;
	v21 =	vand.u32 $0xFFFF0000, v21;
	v19 =	vshll.u32 v23, $0x10  }
0x1a5: {  	s23 =	simm.s32 $0xC;
	[tilespmem:s19+$0x1F0] =	vst v11;
	v11 =	vmul.f32 v17, v8;
	v17 =	vmul.f32 v21, v8;
	v21 =	vand.u32 $0xFFFF0000, v23;
	v23 =	vld [tilespmem:s22+$0x60]  }
0x1a6: {  	[tilespmem:s19+$0x130] =	vst v15;
	v15 =	vshrl.u32 v16, $0x3;
	v6 =	vmul.f32 v10, v6;
	v10 =	vmov s23  }
0x1a7: {  	[tilespmem:s19+$0xFFFFFE20] =	vst v14;
	v13 =	vshll.u32 v13, v1;
	v10 =	vshrl.u32 v10, $0x3;
	v20 =	vmul.f32 v21, v7;
	v21 =	vld [tilespmem:s22+$0xA0]  }
0x1a8: {  	[tilespmem:s19+$0xFFFFFE30] =	vst v18;
	v19 =	vmul.f32 v19, v7;
	v14 =	vshll.u32 v25, $0x10;
	v16 =	vand.u32 $0xFFFF0000, v25  }
0x1a9: {  	[tilespmem:s19+$0xFFFFFEC0] =	vst v24;
	v62 =	vshll.u32 v10, v1;
	v18 =	vmul.f32 v14, v2;
	v14 =	vshll.u32 v15, v1;
	v15 =	vld [tilespmem:s22+$0xFFFFFF20]  }
0x1aa: {  	[tilespmem:s19+$0xFFFFFED0] =	vst v22;
	v16 =	vmul.f32 v16, v2;
	v10 =	vshll.u32 v23, $0x10;
	v22 =	vand.u32 $0xFFFF0000, v23  }
0x1ab: {  	v13 =	vadd.s32 $0x1, v13;
	[tilespmem:s19+$0xFFFFFF40] =	vst v11;
	v23 =	vld [tilespmem:s22+$0xFFFFFF70];
	v63 =	vmul.f32 v10, v5;
	v22 =	vmul.f32 v22, v5  }
0x1ac: {  	[tilespmem:s19+$0xFFFFFF50] =	vst v17;
	v10 =	vbroadcast v13, $0x0;
	v11 =	vshll.u32 v21, $0x10;
	v13 =	vand.u32 $0xFFFF0000, v21  }
0x1ad: {  	v12 =	vadd.s32 $0x2, v12;
	[tilespmem:s19+$0xFFFFFFC0] =	vst v19;
	v17 =	vld [tilespmem:s22+$0xFFFFFFB0];
	v19 =	vmul.f32 v11, v4;
	v21 =	vmul.f32 v13, v4  }
0x1ae: {  	[tilespmem:s19+$0xFFFFFFD0] =	vst v20;
	v11 =	vbroadcast v12, $0x0;
	v12 =	vshll.u32 v15, $0x10;
	v13 =	vand.u32 $0xFFFF0000, v15  }
0x1af: {  	[tilespmem:s19+$0x40] =	vst v18;
	v27 =	vld [tilespmem:s22+$0xFFFFFFF0];
	v15 =	vadd.s32 $0x3, v14;
	v26 =	vmul.f32 v12, v3;
	v14 =	vmul.f32 v13, v3  }
0x1b0: {  	[tilespmem:s19+$0x50] =	vst v16;
	v12 =	vbroadcast v15, $0x0;
	v13 =	vshll.u32 v23, $0x10;
	v15 =	vand.u32 $0xFFFF0000, v23  }
0x1b1: {  	v18 =	vadd.s32 $0x4, v62;
	[tilespmem:s19+$0xC0] =	vst v63;
	v16 =	vmul.f32 v13, v9;
	v15 =	vmul.f32 v15, v9;
	v9 =	vld [tilespmem:s22+$0x30]  }
0x1b2: {  	s24 =	simm.s32 $0xF;
	[tilespmem:s19+$0xD0] =	vst v22;
	v13 =	vbroadcast v18, $0x0;
	v18 =	vshll.u32 v17, $0x10;
	v17 =	vand.u32 $0xFFFF0000, v17  }
0x1b3: {  	v22 =	vmov s24;
	[tilespmem:s19+$0x140] =	vst v19;
	v20 =	vmul.f32 v18, v8;
	v17 =	vmul.f32 v17, v8;
	v8 =	vld [tilespmem:s22+$0x70]  }
0x1b4: {  	v19 =	vshll.u32 v27, $0x10;
	[tilespmem:s19+$0x150] =	vst v21;
	v23 =	vand.u32 $0xFFFF0000, v27;
	v18 =	vshrl.u32 v22, $0x3  }
0x1b5: {  	s7 =	simm.s32 $0x10;
	s23 =	simm.s32 $0x2BE0;
	s24 =	simm.s32 $0x8;
	[tilespmem:s19+$0xFFFFFE40] =	vst v26;
	v21 =	vmul.f32 v19, v7;
	v19 =	vld [tilespmem:s22+$0xB0];
	v22 =	vshll.u32 v18, v1;
	v18 =	vmul.f32 v23, v7  }
.LBB2_7:
0x1b6: {  	p1 =	slt.u32 s7, $0x48;
	v7 =	vadd.s32 $0x7, v22;
	[tilespmem:s19+$0xFFFFFE50] =	vst v14;
	v14 =	vshll.u32 v9, $0x10;
	v22 =	vand.u32 $0xFFFF0000, v9  }
0x1b7: {  	v23 =	vbroadcast v7, $0x0;
	v24 =	vld [tilespmem:s22+$0xFFFFFF30];
	[tilespmem:s19+$0xFFFFFEE0] =	vst v16;
	v14 =	vmul.f32 v14, v2  }
0x1b8: {  	s15 =	sadd.s32 $0x5, s24;
	v9 =	vld.idx.msk [tilespmem:v10+s0+$0x0], $0xffff;
	[tilespmem:s19+$0xFFFFFEF0] =	vst v15;
	v15 =	vmul.f32 v22, v2;
	v2 =	vshll.u32 v8, $0x10;
	v7 =	vand.u32 $0xFFFF0000, v8  }
0x1b9: {  	v10 =	vmov s15;
	s15 =	sadd.s32 $0x6, s24;
	v8 =	vld.idx.msk [tilespmem:v11+s0+$0x0], $0xffff;
	[tilespmem:s19+$0xFFFFFF60] =	vst v20;
	v11 =	vmul.f32 v2, v5;
	v5 =	vmul.f32 v7, v5  }
0x1ba: {  	v7 =	vld.idx.msk [tilespmem:v12+s0+$0x0], $0xffff;
	v12 =	vmov s15;
	[tilespmem:s19+$0xFFFFFF70] =	vst v17;
	v16 =	vshll.u32 v19, $0x10;
	v17 =	vand.u32 $0xFFFF0000, v19  }
0x1bb: {  	s22 =	sadd.s32 $0x200, s22;
	v10 =	vshrl.u32 v10, $0x3;
	v2 =	vld.idx.msk [tilespmem:v13+s0+$0x0], $0xffff;
	[tilespmem:s19+$0xFFFFFFE0] =	vst v21;
	v13 =	vmul.f32 v16, v4;
	v4 =	vmul.f32 v17, v4  }
0x1bc: {  	v16 =	vshll.u32 v10, v1;
	v17 =	vld [tilespmem:s22+$0xC0];
	v19 =	vshll.u32 v24, $0x10;
	v20 =	vand.u32 $0xFFFF0000, v24;
	[tilespmem:s19+$0xFFFFFFF0] =	vst v18  }
0x1bd: {  	v12 =	vshrl.u32 v12, $0x3;
	v10 =	vld.idx.msk [tilespmem:v23+s0+$0x0], $0xffff;
	v18 =	vmul.f32 v19, v3;
	v3 =	vmul.f32 v20, v3;
	[tilespmem:s19+$0x60] =	vst v14  }
0x1be: {  	v16 =	vadd.s32 $0x5, v16;
	v12 =	vshll.u32 v12, v1;
	v14 =	vld [tilespmem:s22+$0xFFFFFF00];
	[tilespmem:s19+$0x70] =	vst v15  }
0x1bf: {  	v16 =	vbroadcast v16, $0x0;
	v12 =	vadd.s32 $0x6, v12;
	v15 =	vmov s24;
	s24 =	smov.u32 s7;
	v19 =	vld [tilespmem:s22+$0xFFFFFF40];
	[tilespmem:s19+$0xE0] =	vst v11  }
0x1c0: {  	v12 =	vbroadcast v12, $0x0;
	v11 =	vshrl.u32 v15, $0x3;
	v15 =	vld [tilespmem:s22+$0xFFFFFF80];
	[tilespmem:s19+$0xF0] =	vst v5  }
0x1c1: {  	v5 =	vshll.u32 v11, v1;
	v11 =	vld [tilespmem:s22+$0xFFFFFFC0];
	[tilespmem:s19+$0x160] =	vst v13  }
0x1c2: {  	v13 =	vbroadcast v5, $0x0;
	v5 =	vshll.u32 v17, $0x10;
	v20 =	vld [tilespmem:s22+$0x0];
	[tilespmem:s19+$0x170] =	vst v4  }
0x1c3: {  	v4 =	vand.u32 $0xFFFF0000, v17;
	v17 =	vmul.f32 v5, v10;
	v21 =	vshll.u32 v14, $0x10;
	v22 =	vld [tilespmem:s22+$0x40];
	[tilespmem:s19+$0x1E0] =	vst v6  }
0x1c4: {  	v6 =	vand.u32 $0xFFFF0000, v14;
	v24 =	vmul.f32 v4, v10;
	s19 =	sadd.s32 $0x400, s19;
	v14 =	vshll.u32 v19, $0x10;
	v23 =	vld [tilespmem:s22+$0x80];
	[tilespmem:s23+$0xFFFFFE60] =	vst v18  }
0x1c5: {  	v18 =	vand.u32 $0xFFFF0000, v19;
	v19 =	vshll.u32 v15, $0x10;
	v15 =	vand.u32 $0xFFFF0000, v15;
	v5 =	vld.idx.msk [tilespmem:v16+s0+$0x0], $0xffff;
	[tilespmem:s19+$0x180] =	vst v17  }
0x1c6: {  	v14 =	vmul.f32 v14, v9;
	v16 =	vshll.u32 v11, $0x10;
	v11 =	vand.u32 $0xFFFF0000, v11;
	v4 =	vld.idx.msk [tilespmem:v12+s0+$0x0], $0xffff;
	[tilespmem:s19+$0x190] =	vst v24  }
0x1c7: {  	v12 =	vmul.f32 v18, v9;
	v17 =	vshll.u32 v20, $0x10;
	v18 =	vand.u32 $0xFFFF0000, v20;
	v20 =	vld [tilespmem:s22+$0xD0];
	[tilespmem:s23+$0xFFFFFE70] =	vst v3;
	s23 =	smov.u32 s19  }
0x1c8: {  	[tilespmem:s19+$0xFFFFFE80] =	vst v14;
	v14 =	vmul.f32 v19, v8;
	v19 =	vshll.u32 v22, $0x10;
	v22 =	vand.u32 $0xFFFF0000, v22  }
0x1c9: {  	v3 =	vld.idx.msk [tilespmem:v13+s0+$0x0], $0xffff;
	[tilespmem:s19+$0xFFFFFE90] =	vst v12;
	v12 =	vmul.f32 v15, v8;
	v13 =	vshll.u32 v23, $0x10;
	v15 =	vand.u32 $0xFFFF0000, v23  }
0x1ca: {  	v11 =	vmul.f32 v11, v7;
	v23 =	vld [tilespmem:s22+$0xFFFFFF50];
	[tilespmem:s19+$0xFFFFFF00] =	vst v14;
	v14 =	vmul.f32 v16, v7  }
0x1cb: {  	v16 =	vmul.f32 v18, v2;
	[tilespmem:s19+$0xFFFFFF10] =	vst v12;
	v12 =	vmul.f32 v17, v2  }
0x1cc: {  	v18 =	vmul.f32 v22, v5;
	v17 =	vld [tilespmem:s22+$0xFFFFFF90];
	[tilespmem:s19+$0xFFFFFF80] =	vst v14;
	v14 =	vmul.f32 v19, v5;
	v19 =	vshll.u32 v20, $0x10  }
0x1cd: {  	[tilespmem:s19+$0xFFFFFF90] =	vst v11;
	v11 =	vmul.f32 v13, v4;
	v13 =	vand.u32 $0xFFFF0000, v20;
	v19 =	vmul.f32 v19, v10  }
0x1ce: {  	v20 =	vld [tilespmem:s22+$0xFFFFFFD0];
	[tilespmem:s19+$0x0] =	vst v12;
	v12 =	vmul.f32 v15, v4;
	v13 =	vmul.f32 v13, v10  }
0x1cf: {  	v15 =	vmul.f32 v21, v3;
	v6 =	vmul.f32 v6, v3;
	v21 =	vshll.u32 v23, $0x10;
	[tilespmem:s19+$0x1A0] =	vst v19  }
0x1d0: {  	v19 =	vand.u32 $0xFFFF0000, v23;
	v21 =	vmul.f32 v21, v9;
	[tilespmem:s19+$0x1B0] =	vst v13  }
0x1d1: {  	v13 =	vmul.f32 v19, v9;
	v19 =	vshll.u32 v17, $0x10;
	v17 =	vand.u32 $0xFFFF0000, v17;
	[tilespmem:s19+$0x10] =	vst v16;
	v16 =	vld [tilespmem:s22+$0xE0]  }
0x1d2: {  	v19 =	vmul.f32 v19, v8;
	v17 =	vmul.f32 v17, v8;
	v22 =	vld [tilespmem:s22+$0x10];
	[tilespmem:s19+$0x80] =	vst v14  }
0x1d3: {  	v14 =	vshll.u32 v20, $0x10;
	v20 =	vand.u32 $0xFFFF0000, v20;
	[tilespmem:s19+$0x90] =	vst v18  }
0x1d4: {  	v14 =	vmul.f32 v14, v7;
	v18 =	vmul.f32 v20, v7;
	v20 =	vld [tilespmem:s22+$0x50];
	[tilespmem:s19+$0x100] =	vst v11  }
0x1d5: {  	[tilespmem:s19+$0x110] =	vst v12  }
0x1d6: {  	[tilespmem:s19+$0xFFFFFE00] =	vst v15;
	v11 =	vld [tilespmem:s22+$0x90];
	v12 =	vshll.u32 v16, $0x10  }
0x1d7: {  	v15 =	vand.u32 $0xFFFF0000, v16;
	[tilespmem:s19+$0xFFFFFE10] =	vst v6;
	v6 =	vshll.u32 v22, $0x10;
	v12 =	vmul.f32 v12, v10  }
0x1d8: {  	v15 =	vmul.f32 v15, v10;
	v16 =	vld [tilespmem:s22+$0xFFFFFF10];
	[tilespmem:s19+$0xFFFFFEA0] =	vst v21;
	v21 =	vand.u32 $0xFFFF0000, v22;
	v6 =	vmul.f32 v6, v2  }
0x1d9: {  	v21 =	vmul.f32 v21, v2;
	v22 =	vshll.u32 v20, $0x10;
	v20 =	vand.u32 $0xFFFF0000, v20;
	[tilespmem:s19+$0x1C0] =	vst v12  }
0x1da: {  	v12 =	vmul.f32 v22, v5;
	v20 =	vmul.f32 v20, v5;
	[tilespmem:s19+$0x1D0] =	vst v15  }
0x1db: {  	[tilespmem:s19+$0xFFFFFEB0] =	vst v13;
	v13 =	vshll.u32 v11, $0x10;
	v11 =	vand.u32 $0xFFFF0000, v11;
	v15 =	vld [tilespmem:s22+$0xF0]  }
0x1dc: {  	v22 =	vld [tilespmem:s22+$0xFFFFFF60];
	[tilespmem:s19+$0xFFFFFF20] =	vst v19;
	v13 =	vmul.f32 v13, v4;
	v11 =	vmul.f32 v11, v4  }
0x1dd: {  	v19 =	vshll.u32 v16, $0x10;
	v16 =	vand.u32 $0xFFFF0000, v16;
	[tilespmem:s19+$0xFFFFFF30] =	vst v17  }
0x1de: {  	s15 =	sadd.s32 $0x1, s7;
	v17 =	vmul.f32 v19, v3;
	v16 =	vmul.f32 v16, v3;
	v19 =	vld [tilespmem:s22+$0xFFFFFFA0];
	[tilespmem:s19+$0xFFFFFFA0] =	vst v14  }
0x1df: {  	v14 =	vmov s15;
	s15 =	sadd.s32 $0x2, s7;
	[tilespmem:s19+$0xFFFFFFB0] =	vst v18  }
0x1e0: {  	v18 =	vmov s15;
	v23 =	vld [tilespmem:s22+$0xFFFFFFE0];
	[tilespmem:s19+$0x20] =	vst v6;
	v6 =	vshll.u32 v15, $0x10;
	v15 =	vand.u32 $0xFFFF0000, v15  }
0x1e1: {  	s15 =	sadd.s32 $0x3, s7;
	v24 =	vshll.u32 v22, $0x10;
	v22 =	vand.u32 $0xFFFF0000, v22;
	[tilespmem:s19+$0x30] =	vst v21;
	v15 =	vmul.f32 v15, v10  }
0x1e2: {  	v21 =	vmov s15;
	v24 =	vmul.f32 v24, v9;
	v22 =	vmul.f32 v22, v9;
	v25 =	vld [tilespmem:s22+$0x20];
	[tilespmem:s19+$0xA0] =	vst v12  }
0x1e3: {  	s15 =	sadd.s32 $0x4, s7;
	v6 =	vmul.f32 v6, v10;
	v12 =	vshll.u32 v19, $0x10;
	v19 =	vand.u32 $0xFFFF0000, v19;
	[tilespmem:s19+$0x1F0] =	vst v15  }
0x1e4: {  	v10 =	vmov s15;
	v12 =	vmul.f32 v12, v8;
	v15 =	vmul.f32 v19, v8;
	[tilespmem:s19+$0xB0] =	vst v20  }
0x1e5: {  	v14 =	vshrl.u32 v14, $0x3;
	v19 =	vshll.u32 v23, $0x10;
	v20 =	vand.u32 $0xFFFF0000, v23;
	v23 =	vld [tilespmem:s22+$0x60];
	[tilespmem:s19+$0x120] =	vst v13  }
0x1e6: {  	v13 =	vshrl.u32 v18, $0x3;
	v18 =	vmul.f32 v19, v7;
	v19 =	vmul.f32 v20, v7;
	[tilespmem:s19+$0x130] =	vst v11  }
0x1e7: {  	v11 =	vshrl.u32 v21, $0x3;
	[tilespmem:s19+$0xFFFFFE20] =	vst v17;
	v17 =	vshll.u32 v25, $0x10;
	v20 =	vand.u32 $0xFFFF0000, v25;
	v21 =	vld [tilespmem:s22+$0xA0]  }
0x1e8: {  	v10 =	vshrl.u32 v10, $0x3;
	[tilespmem:s19+$0xFFFFFE30] =	vst v16;
	v16 =	vmul.f32 v17, v2;
	v17 =	vmul.f32 v20, v2  }
0x1e9: {  	v14 =	vshll.u32 v14, v1;
	v13 =	vshll.u32 v13, v1;
	v20 =	vshll.u32 v11, v1;
	v25 =	vld [tilespmem:s22+$0xFFFFFF20];
	[tilespmem:s19+$0xFFFFFEC0] =	vst v24  }
0x1ea: {  	v24 =	vshll.u32 v10, v1;
	[tilespmem:s19+$0xFFFFFED0] =	vst v22;
	v10 =	vshll.u32 v23, $0x10;
	v11 =	vand.u32 $0xFFFF0000, v23  }
0x1eb: {  	v14 =	vadd.s32 $0x1, v14;
	v22 =	vld [tilespmem:s22+$0xFFFFFF70];
	[tilespmem:s19+$0xFFFFFF40] =	vst v12;
	v23 =	vmul.f32 v10, v5;
	v26 =	vmul.f32 v11, v5  }
0x1ec: {  	v10 =	vbroadcast v14, $0x0;
	[tilespmem:s19+$0xFFFFFF50] =	vst v15;
	v11 =	vshll.u32 v21, $0x10;
	v12 =	vand.u32 $0xFFFF0000, v21  }
0x1ed: {  	v13 =	vadd.s32 $0x2, v13;
	v21 =	vld [tilespmem:s22+$0xFFFFFFB0];
	[tilespmem:s19+$0xFFFFFFC0] =	vst v18;
	v18 =	vmul.f32 v11, v4;
	v27 =	vmul.f32 v12, v4  }
0x1ee: {  	v11 =	vbroadcast v13, $0x0;
	v12 =	vshll.u32 v25, $0x10;
	v13 =	vand.u32 $0xFFFF0000, v25;
	[tilespmem:s19+$0xFFFFFFD0] =	vst v19  }
0x1ef: {  	v15 =	vadd.s32 $0x3, v20;
	v19 =	vmul.f32 v12, v3;
	v14 =	vmul.f32 v13, v3;
	v25 =	vld [tilespmem:s22+$0xFFFFFFF0];
	[tilespmem:s19+$0x40] =	vst v16  }
0x1f0: {  	v12 =	vbroadcast v15, $0x0;
	v13 =	vshll.u32 v22, $0x10;
	v15 =	vand.u32 $0xFFFF0000, v22;
	[tilespmem:s19+$0x50] =	vst v17  }
.Ltmp2:
0x1f1: {  	v17 =	vadd.s32 $0x4, v24;
	v16 =	vmul.f32 v13, v9;
	v15 =	vmul.f32 v15, v9;
	v9 =	vld [tilespmem:s22+$0x30];
	[tilespmem:s19+$0xC0] =	vst v23;
	(pc) =	sbr.rel @p1 .LBB2_7-.Ltmp2, $4  }
0x1f2: {  	s15 =	sadd.s32 $0x7, s7;
	v13 =	vbroadcast v17, $0x0;
	v17 =	vshll.u32 v21, $0x10;
	v21 =	vand.u32 $0xFFFF0000, v21;
	[tilespmem:s19+$0xD0] =	vst v26  }
0x1f3: {  	v22 =	vmov s15;
	v20 =	vmul.f32 v17, v8;
	v17 =	vmul.f32 v21, v8;
	v8 =	vld [tilespmem:s22+$0x70];
	[tilespmem:s19+$0x140] =	vst v18  }
0x1f4: {  	v18 =	vshrl.u32 v22, $0x3;
	v21 =	vshll.u32 v25, $0x10;
	v23 =	vand.u32 $0xFFFF0000, v25;
	[tilespmem:s19+$0x150] =	vst v27  }
0x1f5: {  	s7 =	sadd.s32 $0x8, s7;
	v22 =	vshll.u32 v18, v1;
	[tilespmem:s19+$0xFFFFFE40] =	vst v19;
	v21 =	vmul.f32 v21, v7;
	v18 =	vmul.f32 v23, v7;
	v19 =	vld [tilespmem:s22+$0xB0]  }
0x1f6: {  	[tilespmem:s19+$0xFFFFFE50] =	vst v14  }
0x1f7: {  	[tilespmem:s19+$0xFFFFFEE0] =	vst v16  }
0x1f8: {  	[tilespmem:s19+$0xFFFFFEF0] =	vst v15  }
0x1f9: {  	[tilespmem:s19+$0xFFFFFF60] =	vst v20  }
0x1fa: {  	v7 =	vadd.s32 $0x7, v22;
	v34 =	vshll.u32 v9, $0x10;
	[tilespmem:s19+$0xFFFFFF70] =	vst v17  }
0x1fb: {  	v35 =	vand.u32 $0xFFFF0000, v9;
	s15 =	sadd.s32 $0x5, s24;
	[tilespmem:s19+$0x1E0] =	vst v6;
	v55 =	vmov s24;
	v6 =	vld.idx.msk [tilespmem:v13+s0+$0x0], $0xffff;
	v7 =	vbroadcast v7, $0x0  }
0x1fc: {  	s7 =	sadd.s32 $0x200, s22;
	v14 =	vmul.f32 v34, v2;
	[tilespmem:s19+$0xFFFFFFE0] =	vst v21;
	v36 =	vld [tilespmem:s22+$0xFFFFFF30];
	v9 =	vmul.f32 v35, v2;
	v40 =	vmov s15  }
0x1fd: {  	[tilespmem:s19+$0xFFFFFFF0] =	vst v18;
	s22 =	sadd.s32 $0x6, s24;
	v60 =	vld [tilespmem:s7+$0x0];
	v2 =	vshll.u32 v8, $0x10;
	v37 =	vand.u32 $0xFFFF0000, v8;
	v43 =	vshrl.u32 v40, $0x3  }
0x1fe: {  	v39 =	vld [tilespmem:s7+$0xC0];
	v45 =	vmov s22;
	v38 =	vmul.f32 v2, v5;
	[tilespmem:s19+$0x60] =	vst v14;
	v8 =	vmul.f32 v37, v5  }
0x1ff: {  	v46 =	vld [tilespmem:s7+$0xFFFFFF40];
	[tilespmem:s19+$0x70] =	vst v9;
	v9 =	vshll.u32 v43, v1;
	v14 =	vshrl.u32 v45, $0x3;
	v41 =	vshll.u32 v19, $0x10  }
0x200: {  	v5 =	vld.idx.msk [tilespmem:v10+s0+$0x0], $0xffff;
	v42 =	vand.u32 $0xFFFF0000, v19;
	v14 =	vshll.u32 v14, v1;
	v44 =	vmul.f32 v41, v4;
	[tilespmem:s19+$0xE0] =	vst v38  }
0x201: {  	[tilespmem:s19+$0xF0] =	vst v8;
	v57 =	vadd.s32 $0x6, v14;
	v47 =	vshll.u32 v36, $0x10;
	v2 =	vld.idx.msk [tilespmem:v7+s0+$0x0], $0xffff;
	v7 =	vmul.f32 v42, v4  }
0x202: {  	v50 =	vld [tilespmem:s7+$0xFFFFFF80];
	v48 =	vand.u32 $0xFFFF0000, v36;
	v24 =	vshll.u32 v60, $0x10;
	[tilespmem:s19+$0x160] =	vst v44;
	v8 =	vmul.f32 v47, v3  }
0x203: {  	v14 =	vand.u32 $0xFFFF0000, v60;
	v49 =	vmul.f32 v48, v3;
	v3 =	vld.idx.msk [tilespmem:v12+s0+$0x0], $0xffff;
	v12 =	vmul.f32 v24, v6;
	[tilespmem:s19+$0x170] =	vst v7  }
0x204: {  	v56 =	vld [tilespmem:s7+$0xFFFFFFC0];
	s24 =	sadd.s32 $0x400, s19;
	v52 =	vadd.s32 $0x5, v9;
	v58 =	vshll.u32 v46, $0x10;
	v32 =	vmul.f32 v14, v6;
	[tilespmem:s23+$0xFFFFFE60] =	vst v8  }
0x205: {  	v61 =	vand.u32 $0xFFFF0000, v46;
	v4 =	vld.idx.msk [tilespmem:v11+s0+$0x0], $0xffff;
	v13 =	vmul.f32 v58, v5;
	v7 =	vbroadcast v52, $0x0;
	[tilespmem:s24+$0x0] =	vst v12  }
0x206: {  	v15 =	vmul.f32 v61, v5;
	[tilespmem:s24+$0x10] =	vst v32  }
0x207: {  	v51 =	vshll.u32 v39, $0x10;
	v8 =	vbroadcast v57, $0x0;
	[tilespmem:s24+$0xFFFFFE80] =	vst v13  }
0x208: {  	v53 =	vand.u32 $0xFFFF0000, v39;
	[tilespmem:s24+$0xFFFFFE90] =	vst v15;
	v44 =	vld [tilespmem:s7+$0x10];
	v54 =	vmul.f32 v51, v2  }
0x209: {  	v59 =	vshrl.u32 v55, $0x3;
	v11 =	vand.u32 $0xFFFF0000, v50;
	[tilespmem:s23+$0xFFFFFE70] =	vst v49;
	v33 =	vld [tilespmem:s7+$0xFFFFFF50];
	v9 =	vmul.f32 v53, v2  }
0x20a: {  	v21 =	vld [tilespmem:s7+$0x40];
	v19 =	vshll.u32 v59, v1;
	v20 =	vshll.u32 v56, $0x10;
	v11 =	vmul.f32 v11, v4;
	[tilespmem:s24+$0x180] =	vst v54  }
0x20b: {  	v10 =	vbroadcast v19, $0x0;
	v22 =	vand.u32 $0xFFFF0000, v56;
	v23 =	vmul.f32 v20, v3;
	[tilespmem:s24+$0x190] =	vst v9;
	v7 =	vld.idx.msk [tilespmem:v7+s0+$0x0], $0xffff  }
0x20c: {  	v25 =	vld [tilespmem:s7+$0x80];
	v62 =	vshll.u32 v50, $0x10;
	v15 =	vmul.f32 v22, v3;
	[tilespmem:s24+$0xFFFFFF10] =	vst v11  }
0x20d: {  	v9 =	vmul.f32 v62, v4;
	[tilespmem:s24+$0xFFFFFF80] =	vst v23;
	v8 =	vld.idx.msk [tilespmem:v8+s0+$0x0], $0xffff;
	v52 =	vshll.u32 v44, $0x10  }
0x20e: {  	[tilespmem:s24+$0xFFFFFF90] =	vst v15;
	v63 =	vld [tilespmem:s7+$0xD0];
	v14 =	vand.u32 $0xFFFF0000, v33;
	v54 =	vmul.f32 v52, v6  }
0x20f: {  	v31 =	vshll.u32 v21, $0x10;
	[tilespmem:s24+$0xFFFFFF00] =	vst v9;
	v45 =	vmul.f32 v14, v5  }
0x210: {  	v29 =	vld [tilespmem:s7+$0xFFFFFF00];
	v13 =	vand.u32 $0xFFFF0000, v21;
	[tilespmem:s24+$0x20] =	vst v54;
	v15 =	vmul.f32 v31, v7  }
0x211: {  	v34 =	vshll.u32 v25, $0x10;
	v9 =	vld.idx.msk [tilespmem:v10+s0+$0x0], $0xffff;
	[tilespmem:s24+$0xFFFFFEB0] =	vst v45;
	v13 =	vmul.f32 v13, v7  }
0x212: {  	v11 =	vand.u32 $0xFFFF0000, v25;
	v12 =	vmul.f32 v34, v8;
	[tilespmem:s24+$0x80] =	vst v15  }
0x213: {  	v41 =	vld [tilespmem:s7+$0xFFFFFFD0];
	v26 =	vshll.u32 v63, $0x10;
	v11 =	vmul.f32 v11, v8;
	[tilespmem:s24+$0x90] =	vst v13  }
0x214: {  	v38 =	vld [tilespmem:s7+$0xFFFFFF90];
	v27 =	vand.u32 $0xFFFF0000, v63;
	v28 =	vmul.f32 v26, v2;
	[tilespmem:s24+$0x100] =	vst v12  }
0x215: {  	v37 =	vand.u32 $0xFFFF0000, v29;
	v30 =	vmul.f32 v27, v2;
	[tilespmem:s24+$0x110] =	vst v11  }
0x216: {  	v36 =	vshll.u32 v29, $0x10;
	v39 =	vmul.f32 v37, v9;
	[tilespmem:s24+$0x1A0] =	vst v28  }
0x217: {  	v40 =	vshll.u32 v33, $0x10;
	v15 =	vmul.f32 v36, v9;
	[tilespmem:s24+$0x1B0] =	vst v30;
	v48 =	vld [tilespmem:s7+$0x50]  }
0x218: {  	v50 =	vshll.u32 v41, $0x10;
	v13 =	vmul.f32 v40, v5;
	[tilespmem:s24+$0xFFFFFE10] =	vst v39  }
0x219: {  	v46 =	vshll.u32 v38, $0x10;
	v12 =	vmul.f32 v50, v3;
	v51 =	vld [tilespmem:s7+$0x90];
	[tilespmem:s24+$0xFFFFFE00] =	vst v15  }
0x21a: {  	v47 =	vand.u32 $0xFFFF0000, v38;
	v14 =	vmul.f32 v46, v4;
	[tilespmem:s24+$0xFFFFFEA0] =	vst v13  }
0x21b: {  	v11 =	vand.u32 $0xFFFF0000, v41;
	v49 =	vmul.f32 v47, v4;
	v35 =	vld [tilespmem:s7+$0xE0];
	[tilespmem:s24+$0xFFFFFFA0] =	vst v12  }
0x21c: {  	v11 =	vmul.f32 v11, v3;
	[tilespmem:s24+$0xFFFFFF20] =	vst v14;
	v56 =	vshll.u32 v48, $0x10  }
0x21d: {  	[tilespmem:s24+$0xFFFFFF30] =	vst v49;
	v55 =	vld [tilespmem:s7+$0xFFFFFF10];
	v16 =	vand.u32 $0xFFFF0000, v48;
	v57 =	vmul.f32 v56, v7  }
0x21e: {  	[tilespmem:s24+$0xFFFFFFB0] =	vst v11;
	v62 =	vshll.u32 v51, $0x10;
	v61 =	vmul.f32 v16, v7  }
0x21f: {  	v59 =	vld [tilespmem:s7+$0xFFFFFF60];
	v63 =	vand.u32 $0xFFFF0000, v51;
	v20 =	vmul.f32 v62, v8;
	[tilespmem:s24+$0xA0] =	vst v57  }
0x220: {  	v42 =	vshll.u32 v35, $0x10;
	v22 =	vmul.f32 v63, v8;
	[tilespmem:s24+$0xB0] =	vst v61  }
0x221: {  	v21 =	vld [tilespmem:s7+$0xFFFFFFA0];
	v10 =	vand.u32 $0xFFFF0000, v35;
	v43 =	vmul.f32 v42, v2;
	[tilespmem:s24+$0x120] =	vst v20  }
0x222: {  	v10 =	vmul.f32 v10, v2;
	v23 =	vshll.u32 v55, $0x10;
	[tilespmem:s24+$0x130] =	vst v22  }
0x223: {  	v12 =	vand.u32 $0xFFFF0000, v55;
	v11 =	vmul.f32 v23, v9;
	[tilespmem:s24+$0x1C0] =	vst v43  }
0x224: {  	v24 =	vld [tilespmem:s7+$0xFFFFFFE0];
	v25 =	vshll.u32 v59, $0x10;
	v12 =	vmul.f32 v12, v9;
	[tilespmem:s24+$0x1D0] =	vst v10  }
0x225: {  	v53 =	vand.u32 $0xFFFF0000, v44;
	v14 =	vmul.f32 v25, v5;
	[tilespmem:s24+$0xFFFFFE20] =	vst v11  }
0x226: {  	v28 =	vshll.u32 v21, $0x10;
	v10 =	vmul.f32 v53, v6;
	v30 =	vld [tilespmem:s7+$0x60];
	[tilespmem:s24+$0xFFFFFE30] =	vst v12  }
0x227: {  	v29 =	vand.u32 $0xFFFF0000, v21;
	v11 =	vmul.f32 v28, v4;
	[tilespmem:s24+$0xFFFFFEC0] =	vst v14  }
0x228: {  	v26 =	vand.u32 $0xFFFF0000, v59;
	v13 =	vld [tilespmem:s7+$0xF0];
	v12 =	vmul.f32 v29, v4;
	[tilespmem:s24+$0x30] =	vst v10  }
0x229: {  	v31 =	vshll.u32 v24, $0x10;
	v10 =	vmul.f32 v26, v5;
	[tilespmem:s24+$0xFFFFFF40] =	vst v11  }
0x22a: {  	v32 =	vand.u32 $0xFFFF0000, v24;
	v14 =	vmul.f32 v31, v3;
	v36 =	vld [tilespmem:s7+$0xFFFFFF20];
	[tilespmem:s24+$0xFFFFFF50] =	vst v12  }
0x22b: {  	[tilespmem:s24+$0xFFFFFED0] =	vst v10;
	v10 =	vmul.f32 v32, v3;
	v37 =	vshll.u32 v30, $0x10  }
0x22c: {  	v27 =	vld [tilespmem:s7+$0x20];
	[tilespmem:s24+$0xFFFFFFC0] =	vst v14;
	v38 =	vand.u32 $0xFFFF0000, v30;
	v14 =	vmul.f32 v37, v7  }
0x22d: {  	v58 =	vand.u32 $0xFFFF0000, v13;
	[tilespmem:s24+$0xFFFFFFD0] =	vst v10;
	v10 =	vmul.f32 v38, v7  }
0x22e: {  	v33 =	vld [tilespmem:s7+$0xA0];
	v61 =	vshll.u32 v13, $0x10;
	v60 =	vmul.f32 v58, v2;
	[tilespmem:s24+$0xC0] =	vst v14  }
0x22f: {  	v43 =	vshll.u32 v36, $0x10;
	v2 =	vmul.f32 v61, v2;
	[tilespmem:s24+$0xD0] =	vst v10  }
0x230: {  	v39 =	vld [tilespmem:s7+$0xFFFFFF70];
	v44 =	vand.u32 $0xFFFF0000, v36;
	v14 =	vmul.f32 v43, v9;
	[tilespmem:s24+$0x1F0] =	vst v60  }
0x231: {  	v34 =	vshll.u32 v27, $0x10;
	v10 =	vmul.f32 v44, v9;
	[tilespmem:s24+$0x1E0] =	vst v2  }
0x232: {  	v42 =	vld [tilespmem:s7+$0xFFFFFFB0];
	v35 =	vand.u32 $0xFFFF0000, v27;
	v11 =	vmul.f32 v34, v6;
	[tilespmem:s24+$0xFFFFFE40] =	vst v14  }
0x233: {  	v40 =	vshll.u32 v33, $0x10;
	v45 =	vld [tilespmem:s7+$0xFFFFFFF0];
	v12 =	vmul.f32 v35, v6;
	[tilespmem:s24+$0xFFFFFE50] =	vst v10  }
0x234: {  	v41 =	vand.u32 $0xFFFF0000, v33;
	[tilespmem:s24+$0x40] =	vst v11;
	v11 =	vmul.f32 v40, v8  }
0x235: {  	v46 =	vshll.u32 v39, $0x10;
	[tilespmem:s24+$0x50] =	vst v12;
	v12 =	vmul.f32 v41, v8  }
0x236: {  	v51 =	vld [tilespmem:s7+$0x70];
	v47 =	vand.u32 $0xFFFF0000, v39;
	[tilespmem:s24+$0x140] =	vst v11;
	v11 =	vmul.f32 v46, v5  }
0x237: {  	v49 =	vshll.u32 v42, $0x10;
	v57 =	vld [tilespmem:s7+$0xFFFFFF30];
	[tilespmem:s24+$0x150] =	vst v12;
	v5 =	vmul.f32 v47, v5  }
0x238: {  	v48 =	vld [tilespmem:s7+$0x30];
	v52 =	vshll.u32 v45, $0x10;
	v53 =	vand.u32 $0xFFFF0000, v45;
	v12 =	vmul.f32 v49, v4;
	[tilespmem:s24+$0xFFFFFEE0] =	vst v11  }
0x239: {  	v50 =	vand.u32 $0xFFFF0000, v42;
	v10 =	vmul.f32 v52, v3;
	v3 =	vmul.f32 v53, v3;
	[tilespmem:s24+$0xFFFFFEF0] =	vst v5  }
0x23a: {  	v4 =	vmul.f32 v50, v4;
	[tilespmem:s24+$0xFFFFFF60] =	vst v12  }
0x23b: {  	[tilespmem:s24+$0xFFFFFFF0] =	vst v3;
	v3 =	vand.u32 $0xFFFF0000, v51  }
0x23c: {  	v54 =	vld [tilespmem:s7+$0xB0];
	[tilespmem:s24+$0xFFFFFF70] =	vst v4;
	v3 =	vmul.f32 v3, v7;
	v62 =	vand.u32 $0xFFFF0000, v57  }
0x23d: {  	[tilespmem:s24+$0xFFFFFFE0] =	vst v10;
	v55 =	vshll.u32 v48, $0x10;
	v63 =	vmul.f32 v62, v9  }
0x23e: {  	v56 =	vand.u32 $0xFFFF0000, v48;
	v5 =	vmul.f32 v55, v6;
	[tilespmem:s24+$0xF0] =	vst v3  }
0x23f: {  	v58 =	vshll.u32 v51, $0x10;
	v4 =	vmul.f32 v56, v6;
	[tilespmem:s24+$0xFFFFFE70] =	vst v63  }
0x240: {  	v6 =	vmul.f32 v58, v7;
	v3 =	vshll.u32 v57, $0x10;
	[tilespmem:s24+$0x60] =	vst v5  }
0x241: {  	v59 =	vshll.u32 v54, $0x10;
	v3 =	vmul.f32 v3, v9;
	[tilespmem:s24+$0x70] =	vst v4  }
0x242: {  	v60 =	vand.u32 $0xFFFF0000, v54;
	v5 =	vmul.f32 v59, v8;
	[tilespmem:s24+$0xE0] =	vst v6  }
0x243: {  	v4 =	vmul.f32 v60, v8;
	[tilespmem:s24+$0xFFFFFE60] =	vst v3  }
0x244: {  	p1 =	seq.s32 s17, $0x3D;
	[tilespmem:s24+$0x160] =	vst v5  }
.Ltmp3:
0x245: {  	[tilespmem:s24+$0x170] =	vst v4;
	(pc) =	sbr.rel @p1 .LBB2_10-.Ltmp3, $4  }
0x246: {  	[spmem:s2] =	stream.indirect.scatter.add.f32 [tilespmem:s25], [sflag:$0x5], $0x80, s31, s28, $0xb8;
	[tilespmem:$0x18A60] =	vst v63  }
0x247: {  	_ =	swait.ge [sflag:s26], $0x2800  }
0x248: {  	[sflag:s26] =	ssyncset.done $0x0  }
0x249: {  	[sflag:s26] =	ssyncadd.s32 $0xFFFFD800  }
0x24a: {  	s7 =	sadd.s32 s18, s21  }
.Ltmp4:
0x24b: {  	s7 =	sshrl.u32 s7, $0x3;
	(pc) =	sbr.rel .LBB2_4-.Ltmp4, $4  }
0x24c: {  	s15 =	sadd.s32 s5, s7  }
0x24d: {  	[tilespmem:s31], [sflag:$0x4] =	stream.strided.gather [hbm4b:s15+s28], $0xA0, s29, s28, $0x38;
	[tilespmem:$0x18A60] =	vst v63  }
0x24e: {  	s17 =	sadd.s32 $0x1, s17;
	s7 =	sadd.s32 s1, s7  }
0x24f: {  	[tilespmem:s0], [sflag:$0x4] =	stream.linear.gather [hbm4b:s7+s4], $0x50, $0x38;
	[tilespmem:$0x18A60] =	vst v63  }
.LBB2_10:
0x250: {  	s7 =	simm.s32 $0x7  }
0x251: {  	v2 =	vmov s7  }
0x252: {  	s15 =	simm.s32 $0x1;
	s18 =	simm.s32 $0x2;
	v2 =	vshrl.u32 v2, $0x3  }
0x253: {  	s19 =	simm.s32 $0x3;
	v3 =	vmov s15;
	v4 =	vmov s18;
	v2 =	vshll.u32 v2, v1  }
0x254: {  	_ =	swait.ge [sflag:s12], $0x1400;
	v5 =	vmov s19;
	v3 =	vshrl.u32 v3, $0x3;
	v2 =	vadd.s32 $0x7, v2  }
0x255: {  	[sflag:s12] =	ssyncset.done $0x0;
	v4 =	vshrl.u32 v4, $0x3;
	v3 =	vshll.u32 v3, v1;
	v2 =	vbroadcast v2, $0x0  }
0x256: {  	s17 =	simm.s32 $0x2E0;
	v5 =	vshrl.u32 v5, $0x3;
	[sflag:s12] =	ssyncadd.s32 $0xFFFFEC00;
	v4 =	vshll.u32 v4, v1;
	v3 =	vadd.s32 $0x1, v3  }
0x257: {  	s22 =	simm.s32 $0x4;
	v5 =	vshll.u32 v5, v1;
	v10 =	vld [tilespmem:s17+$0xC0];
	v4 =	vadd.s32 $0x2, v4;
	v3 =	vbroadcast v3, $0x0  }
0x258: {  	v6 =	vmov s22;
	v11 =	vld [tilespmem:s17+$0xFFFFFF40];
	v5 =	vadd.s32 $0x3, v5;
	v4 =	vbroadcast v4, $0x0  }
0x259: {  	v6 =	vshrl.u32 v6, $0x3;
	v5 =	vbroadcast v5, $0x0  }
0x25a: {  	v6 =	vshll.u32 v6, v1;
	v12 =	vld [tilespmem:s17+$0xFFFFFF80]  }
0x25b: {  	v7 =	vadd.s32 $0x4, v6;
	v6 =	vld.idx.msk [tilespmem:v2+s30+$0x0], $0xffff  }
0x25c: {  	s23 =	simm.s32 $0x5;
	v14 =	vld [tilespmem:s17+$0xFFFFFFC0];
	v13 =	vshll.u32 v10, $0x10  }
0x25d: {  	s24 =	simm.s32 $0x6;
	v15 =	vshll.u32 v11, $0x10;
	v11 =	vand.u32 $0xFFFF0000, v11;
	v9 =	vld.idx.msk [tilespmem:v3+s30+$0x0], $0xffff;
	v3 =	vmov s23  }
0x25e: {  	v2 =	vbroadcast v7, $0x0;
	v8 =	vld.idx.msk [tilespmem:v4+s30+$0x0], $0xffff;
	v4 =	vmov s24;
	v3 =	vshrl.u32 v3, $0x3  }
0x25f: {  	v7 =	vld.idx.msk [tilespmem:v5+s30+$0x0], $0xffff;
	v5 =	vand.u32 $0xFFFF0000, v10;
	v4 =	vshrl.u32 v4, $0x3;
	v3 =	vshll.u32 v3, v1  }
0x260: {  	s15 =	simm.s32 $0x0;
	v4 =	vshll.u32 v4, v1;
	v3 =	vadd.s32 $0x5, v3;
	v10 =	vmul.f32 v13, v6  }
0x261: {  	s16 =	simm.s32 $0x2BE0;
	v4 =	vadd.s32 $0x6, v4;
	v13 =	vmov s15;
	v5 =	vmul.f32 v5, v6  }
0x262: {  	v3 =	vbroadcast v3, $0x0;
	v15 =	vmul.f32 v15, v9;
	v13 =	vshrl.u32 v13, $0x3;
	[tilespmem:s16+$0x180] =	vst v10  }
0x263: {  	v4 =	vbroadcast v4, $0x0;
	v11 =	vmul.f32 v11, v9;
	v10 =	vld [tilespmem:s17+$0x0];
	[tilespmem:s16+$0x190] =	vst v5;
	v5 =	vshll.u32 v13, v1  }
0x264: {  	v2 =	vld.idx.msk [tilespmem:v2+s30+$0x0], $0xffff;
	v13 =	vshll.u32 v12, $0x10;
	[tilespmem:s16+$0xFFFFFE80] =	vst v15;
	v15 =	vshll.u32 v14, $0x10;
	v14 =	vand.u32 $0xFFFF0000, v14  }
0x265: {  	v16 =	vld [tilespmem:s17+$0xD0];
	v17 =	vbroadcast v5, $0x0;
	v5 =	vand.u32 $0xFFFF0000, v12;
	v12 =	vmul.f32 v13, v8  }
0x266: {  	[tilespmem:s16+$0xFFFFFE90] =	vst v11;
	v14 =	vmul.f32 v14, v7  }
0x267: {  	v18 =	vld [tilespmem:s17+$0x40];
	v11 =	vmul.f32 v5, v8;
	[tilespmem:s16+$0xFFFFFF00] =	vst v12  }
0x268: {  	v12 =	vmul.f32 v15, v7;
	v5 =	vld.idx.msk [tilespmem:v3+s30+$0x0], $0xffff;
	[tilespmem:s16+$0xFFFFFF90] =	vst v14;
	v3 =	vshll.u32 v10, $0x10  }
0x269: {  	[tilespmem:s16+$0xFFFFFF10] =	vst v11;
	v11 =	vld [tilespmem:s17+$0x80];
	v10 =	vand.u32 $0xFFFF0000, v10;
	v15 =	vmul.f32 v3, v2  }
0x26a: {  	v4 =	vld.idx.msk [tilespmem:v4+s30+$0x0], $0xffff;
	[tilespmem:s16+$0xFFFFFF80] =	vst v12;
	v3 =	vshll.u32 v16, $0x10;
	v10 =	vmul.f32 v10, v2  }
0x26b: {  	v13 =	vld [tilespmem:s17+$0xFFFFFF00];
	v12 =	vand.u32 $0xFFFF0000, v16;
	v14 =	vmul.f32 v3, v6;
	[tilespmem:s16+$0x0] =	vst v15  }
0x26c: {  	v3 =	vld.idx.msk [tilespmem:v17+s30+$0x0], $0xffff;
	v12 =	vmul.f32 v12, v6;
	v15 =	vshll.u32 v18, $0x10;
	[tilespmem:s16+$0x10] =	vst v10  }
0x26d: {  	v16 =	vld [tilespmem:s17+$0xFFFFFF50];
	[tilespmem:s16+$0x1A0] =	vst v14;
	v14 =	vand.u32 $0xFFFF0000, v18;
	v15 =	vmul.f32 v15, v5  }
0x26e: {  	[tilespmem:s16+$0x1B0] =	vst v12;
	v12 =	vshll.u32 v11, $0x10;
	v14 =	vmul.f32 v14, v5  }
0x26f: {  	v17 =	vld [tilespmem:s17+$0xFFFFFF90];
	v11 =	vand.u32 $0xFFFF0000, v11;
	v12 =	vmul.f32 v12, v4;
	[tilespmem:s16+$0x80] =	vst v15  }
0x270: {  	v10 =	vld [tilespmem:s17+$0xE0];
	v11 =	vmul.f32 v11, v4;
	v15 =	vshll.u32 v13, $0x10;
	[tilespmem:s16+$0x90] =	vst v14  }
0x271: {  	v18 =	vld [tilespmem:s17+$0xFFFFFFD0];
	v13 =	vand.u32 $0xFFFF0000, v13;
	v14 =	vmul.f32 v15, v3;
	[tilespmem:s16+$0x100] =	vst v12  }
0x272: {  	v15 =	vshll.u32 v16, $0x10;
	v12 =	vmul.f32 v13, v3;
	v13 =	vand.u32 $0xFFFF0000, v16;
	v16 =	vld [tilespmem:s17+$0x10];
	[tilespmem:s16+$0x110] =	vst v11  }
0x273: {  	v15 =	vmul.f32 v15, v9;
	v19 =	vld [tilespmem:s17+$0x50];
	[tilespmem:s16+$0xFFFFFE00] =	vst v14  }
0x274: {  	v11 =	vmul.f32 v13, v9;
	v13 =	vshll.u32 v17, $0x10;
	v17 =	vand.u32 $0xFFFF0000, v17;
	v20 =	vld [tilespmem:s17+$0x90];
	[tilespmem:s16+$0xFFFFFE10] =	vst v12  }
0x275: {  	v13 =	vmul.f32 v13, v8;
	v14 =	vshll.u32 v10, $0x10;
	v10 =	vand.u32 $0xFFFF0000, v10;
	[tilespmem:s16+$0xFFFFFEA0] =	vst v15  }
0x276: {  	v15 =	vmul.f32 v17, v8;
	[tilespmem:s16+$0xFFFFFEB0] =	vst v11;
	v12 =	vmul.f32 v14, v6;
	v14 =	vshll.u32 v18, $0x10  }
0x277: {  	v17 =	vand.u32 $0xFFFF0000, v18;
	v10 =	vmul.f32 v10, v6;
	v18 =	vld [tilespmem:s17+$0xFFFFFF10];
	[tilespmem:s16+$0xFFFFFF20] =	vst v13;
	v14 =	vmul.f32 v14, v7  }
0x278: {  	v22 =	vld [tilespmem:s17+$0xFFFFFF60];
	[tilespmem:s16+$0x1C0] =	vst v12;
	v12 =	vmul.f32 v17, v7;
	v17 =	vshll.u32 v16, $0x10;
	v16 =	vand.u32 $0xFFFF0000, v16  }
0x279: {  	[tilespmem:s16+$0x1D0] =	vst v10;
	v21 =	vshll.u32 v20, $0x10;
	v10 =	vmul.f32 v17, v2;
	v17 =	vshll.u32 v19, $0x10  }
0x27a: {  	[tilespmem:s16+$0xFFFFFF30] =	vst v15;
	v16 =	vmul.f32 v16, v2;
	v19 =	vand.u32 $0xFFFF0000, v19;
	v17 =	vmul.f32 v17, v5  }
0x27b: {  	s19 =	simm.s32 $0xA;
	v11 =	vld [tilespmem:s17+$0xF0];
	[tilespmem:s16+$0xFFFFFFA0] =	vst v14;
	v13 =	vmul.f32 v19, v5;
	v19 =	vand.u32 $0xFFFF0000, v20;
	v20 =	vmul.f32 v21, v4  }
0x27c: {  	v21 =	vld [tilespmem:s17+$0xFFFFFFA0];
	[tilespmem:s16+$0xFFFFFFB0] =	vst v12;
	v12 =	vmov s19;
	v15 =	vmul.f32 v19, v4;
	v19 =	vshll.u32 v18, $0x10  }
0x27d: {  	s22 =	simm.s32 $0xB;
	v18 =	vand.u32 $0xFFFF0000, v18;
	v23 =	vld [tilespmem:s17+$0xFFFFFFE0];
	v24 =	vshll.u32 v22, $0x10;
	v22 =	vand.u32 $0xFFFF0000, v22  }
0x27e: {  	s18 =	simm.s32 $0x9;
	[tilespmem:s16+$0x30] =	vst v16;
	v16 =	vmov s22;
	v12 =	vshrl.u32 v12, $0x3;
	v14 =	vmul.f32 v19, v3  }
0x27f: {  	[tilespmem:s16+$0x20] =	vst v10;
	v18 =	vmul.f32 v18, v3;
	v19 =	vmov s18;
	v24 =	vmul.f32 v24, v9  }
0x280: {  	v22 =	vmul.f32 v22, v9;
	[tilespmem:s16+$0xA0] =	vst v17;
	v10 =	vshll.u32 v11, $0x10;
	v11 =	vand.u32 $0xFFFF0000, v11  }
0x281: {  	v25 =	vld [tilespmem:s17+$0x20];
	[tilespmem:s16+$0xB0] =	vst v13;
	v12 =	vshll.u32 v12, v1;
	v13 =	vshrl.u32 v19, $0x3;
	v11 =	vmul.f32 v11, v6  }
0x282: {  	[tilespmem:s16+$0x120] =	vst v20;
	v17 =	vshll.u32 v21, $0x10;
	v21 =	vand.u32 $0xFFFF0000, v21;
	v19 =	vshll.u32 v23, $0x10  }
0x283: {  	s23 =	simm.s32 $0xC;
	[tilespmem:s16+$0x1F0] =	vst v11;
	v11 =	vmul.f32 v17, v8;
	v17 =	vmul.f32 v21, v8;
	v21 =	vand.u32 $0xFFFF0000, v23;
	v23 =	vld [tilespmem:s17+$0x60]  }
0x284: {  	[tilespmem:s16+$0x130] =	vst v15;
	v15 =	vshrl.u32 v16, $0x3;
	v6 =	vmul.f32 v10, v6;
	v10 =	vmov s23  }
0x285: {  	[tilespmem:s16+$0xFFFFFE20] =	vst v14;
	v13 =	vshll.u32 v13, v1;
	v10 =	vshrl.u32 v10, $0x3;
	v20 =	vmul.f32 v21, v7;
	v21 =	vld [tilespmem:s17+$0xA0]  }
0x286: {  	[tilespmem:s16+$0xFFFFFE30] =	vst v18;
	v19 =	vmul.f32 v19, v7;
	v14 =	vshll.u32 v25, $0x10;
	v16 =	vand.u32 $0xFFFF0000, v25  }
0x287: {  	[tilespmem:s16+$0xFFFFFEC0] =	vst v24;
	v62 =	vshll.u32 v10, v1;
	v18 =	vmul.f32 v14, v2;
	v14 =	vshll.u32 v15, v1;
	v15 =	vld [tilespmem:s17+$0xFFFFFF20]  }
0x288: {  	[tilespmem:s16+$0xFFFFFED0] =	vst v22;
	v16 =	vmul.f32 v16, v2;
	v10 =	vshll.u32 v23, $0x10;
	v22 =	vand.u32 $0xFFFF0000, v23  }
0x289: {  	v13 =	vadd.s32 $0x1, v13;
	[tilespmem:s16+$0xFFFFFF40] =	vst v11;
	v23 =	vld [tilespmem:s17+$0xFFFFFF70];
	v63 =	vmul.f32 v10, v5;
	v22 =	vmul.f32 v22, v5  }
0x28a: {  	[tilespmem:s16+$0xFFFFFF50] =	vst v17;
	v10 =	vbroadcast v13, $0x0;
	v11 =	vshll.u32 v21, $0x10;
	v13 =	vand.u32 $0xFFFF0000, v21  }
0x28b: {  	v12 =	vadd.s32 $0x2, v12;
	[tilespmem:s16+$0xFFFFFFC0] =	vst v19;
	v17 =	vld [tilespmem:s17+$0xFFFFFFB0];
	v19 =	vmul.f32 v11, v4;
	v21 =	vmul.f32 v13, v4  }
0x28c: {  	[tilespmem:s16+$0xFFFFFFD0] =	vst v20;
	v11 =	vbroadcast v12, $0x0;
	v12 =	vshll.u32 v15, $0x10;
	v13 =	vand.u32 $0xFFFF0000, v15  }
0x28d: {  	[tilespmem:s16+$0x40] =	vst v18;
	v27 =	vld [tilespmem:s17+$0xFFFFFFF0];
	v15 =	vadd.s32 $0x3, v14;
	v26 =	vmul.f32 v12, v3;
	v14 =	vmul.f32 v13, v3  }
0x28e: {  	[tilespmem:s16+$0x50] =	vst v16;
	v12 =	vbroadcast v15, $0x0;
	v13 =	vshll.u32 v23, $0x10;
	v15 =	vand.u32 $0xFFFF0000, v23  }
0x28f: {  	v18 =	vadd.s32 $0x4, v62;
	[tilespmem:s16+$0xC0] =	vst v63;
	v16 =	vmul.f32 v13, v9;
	v15 =	vmul.f32 v15, v9;
	v9 =	vld [tilespmem:s17+$0x30]  }
0x290: {  	s24 =	simm.s32 $0xF;
	[tilespmem:s16+$0xD0] =	vst v22;
	v13 =	vbroadcast v18, $0x0;
	v18 =	vshll.u32 v17, $0x10;
	v17 =	vand.u32 $0xFFFF0000, v17  }
0x291: {  	v22 =	vmov s24;
	[tilespmem:s16+$0x140] =	vst v19;
	v20 =	vmul.f32 v18, v8;
	v17 =	vmul.f32 v17, v8;
	v8 =	vld [tilespmem:s17+$0x70]  }
0x292: {  	v19 =	vshll.u32 v27, $0x10;
	[tilespmem:s16+$0x150] =	vst v21;
	v23 =	vand.u32 $0xFFFF0000, v27;
	v18 =	vshrl.u32 v22, $0x3  }
0x293: {  	s7 =	simm.s32 $0x10;
	s19 =	simm.s32 $0x8;
	s18 =	simm.s32 $0x2BE0;
	[tilespmem:s16+$0xFFFFFE40] =	vst v26;
	v21 =	vmul.f32 v19, v7;
	v19 =	vld [tilespmem:s17+$0xB0];
	v22 =	vshll.u32 v18, v1;
	v18 =	vmul.f32 v23, v7  }
.LBB2_11:
0x294: {  	p1 =	slt.u32 s7, $0x48;
	v7 =	vadd.s32 $0x7, v22;
	[tilespmem:s16+$0xFFFFFE50] =	vst v14;
	v14 =	vshll.u32 v9, $0x10;
	v22 =	vand.u32 $0xFFFF0000, v9  }
0x295: {  	v23 =	vbroadcast v7, $0x0;
	v24 =	vld [tilespmem:s17+$0xFFFFFF30];
	[tilespmem:s16+$0xFFFFFEE0] =	vst v16;
	v14 =	vmul.f32 v14, v2  }
0x296: {  	s15 =	sadd.s32 $0x5, s19;
	v9 =	vld.idx.msk [tilespmem:v10+s30+$0x0], $0xffff;
	[tilespmem:s16+$0xFFFFFEF0] =	vst v15;
	v15 =	vmul.f32 v22, v2;
	v2 =	vshll.u32 v8, $0x10;
	v7 =	vand.u32 $0xFFFF0000, v8  }
0x297: {  	v10 =	vmov s15;
	s15 =	sadd.s32 $0x6, s19;
	v8 =	vld.idx.msk [tilespmem:v11+s30+$0x0], $0xffff;
	[tilespmem:s16+$0xFFFFFF60] =	vst v20;
	v11 =	vmul.f32 v2, v5;
	v5 =	vmul.f32 v7, v5  }
0x298: {  	v7 =	vld.idx.msk [tilespmem:v12+s30+$0x0], $0xffff;
	v12 =	vmov s15;
	[tilespmem:s16+$0xFFFFFF70] =	vst v17;
	v16 =	vshll.u32 v19, $0x10;
	v17 =	vand.u32 $0xFFFF0000, v19  }
0x299: {  	s17 =	sadd.s32 $0x200, s17;
	v10 =	vshrl.u32 v10, $0x3;
	v2 =	vld.idx.msk [tilespmem:v13+s30+$0x0], $0xffff;
	[tilespmem:s16+$0xFFFFFFE0] =	vst v21;
	v13 =	vmul.f32 v16, v4;
	v4 =	vmul.f32 v17, v4  }
0x29a: {  	v16 =	vshll.u32 v10, v1;
	v17 =	vld [tilespmem:s17+$0xC0];
	v19 =	vshll.u32 v24, $0x10;
	v20 =	vand.u32 $0xFFFF0000, v24;
	[tilespmem:s16+$0xFFFFFFF0] =	vst v18  }
0x29b: {  	v12 =	vshrl.u32 v12, $0x3;
	v10 =	vld.idx.msk [tilespmem:v23+s30+$0x0], $0xffff;
	v18 =	vmul.f32 v19, v3;
	v3 =	vmul.f32 v20, v3;
	[tilespmem:s16+$0x60] =	vst v14  }
0x29c: {  	v16 =	vadd.s32 $0x5, v16;
	v12 =	vshll.u32 v12, v1;
	v14 =	vld [tilespmem:s17+$0xFFFFFF00];
	[tilespmem:s16+$0x70] =	vst v15  }
0x29d: {  	v16 =	vbroadcast v16, $0x0;
	v12 =	vadd.s32 $0x6, v12;
	v15 =	vmov s19;
	s19 =	smov.u32 s7;
	v19 =	vld [tilespmem:s17+$0xFFFFFF40];
	[tilespmem:s16+$0xE0] =	vst v11  }
0x29e: {  	v12 =	vbroadcast v12, $0x0;
	v11 =	vshrl.u32 v15, $0x3;
	v15 =	vld [tilespmem:s17+$0xFFFFFF80];
	[tilespmem:s16+$0xF0] =	vst v5  }
0x29f: {  	v5 =	vshll.u32 v11, v1;
	v11 =	vld [tilespmem:s17+$0xFFFFFFC0];
	[tilespmem:s16+$0x160] =	vst v13  }
0x2a0: {  	v13 =	vbroadcast v5, $0x0;
	v5 =	vshll.u32 v17, $0x10;
	v20 =	vld [tilespmem:s17+$0x0];
	[tilespmem:s16+$0x170] =	vst v4  }
0x2a1: {  	v4 =	vand.u32 $0xFFFF0000, v17;
	v17 =	vmul.f32 v5, v10;
	v21 =	vshll.u32 v14, $0x10;
	v22 =	vld [tilespmem:s17+$0x40];
	[tilespmem:s16+$0x1E0] =	vst v6  }
0x2a2: {  	v6 =	vand.u32 $0xFFFF0000, v14;
	v24 =	vmul.f32 v4, v10;
	s16 =	sadd.s32 $0x400, s16;
	v14 =	vshll.u32 v19, $0x10;
	v23 =	vld [tilespmem:s17+$0x80];
	[tilespmem:s18+$0xFFFFFE60] =	vst v18  }
0x2a3: {  	v18 =	vand.u32 $0xFFFF0000, v19;
	v19 =	vshll.u32 v15, $0x10;
	v15 =	vand.u32 $0xFFFF0000, v15;
	v5 =	vld.idx.msk [tilespmem:v16+s30+$0x0], $0xffff;
	[tilespmem:s16+$0x180] =	vst v17  }
0x2a4: {  	v14 =	vmul.f32 v14, v9;
	v16 =	vshll.u32 v11, $0x10;
	v11 =	vand.u32 $0xFFFF0000, v11;
	v4 =	vld.idx.msk [tilespmem:v12+s30+$0x0], $0xffff;
	[tilespmem:s16+$0x190] =	vst v24  }
0x2a5: {  	v12 =	vmul.f32 v18, v9;
	v17 =	vshll.u32 v20, $0x10;
	v18 =	vand.u32 $0xFFFF0000, v20;
	v20 =	vld [tilespmem:s17+$0xD0];
	[tilespmem:s18+$0xFFFFFE70] =	vst v3;
	s18 =	smov.u32 s16  }
0x2a6: {  	[tilespmem:s16+$0xFFFFFE80] =	vst v14;
	v14 =	vmul.f32 v19, v8;
	v19 =	vshll.u32 v22, $0x10;
	v22 =	vand.u32 $0xFFFF0000, v22  }
0x2a7: {  	v3 =	vld.idx.msk [tilespmem:v13+s30+$0x0], $0xffff;
	[tilespmem:s16+$0xFFFFFE90] =	vst v12;
	v12 =	vmul.f32 v15, v8;
	v13 =	vshll.u32 v23, $0x10;
	v15 =	vand.u32 $0xFFFF0000, v23  }
0x2a8: {  	v11 =	vmul.f32 v11, v7;
	v23 =	vld [tilespmem:s17+$0xFFFFFF50];
	[tilespmem:s16+$0xFFFFFF00] =	vst v14;
	v14 =	vmul.f32 v16, v7  }
0x2a9: {  	v16 =	vmul.f32 v18, v2;
	[tilespmem:s16+$0xFFFFFF10] =	vst v12;
	v12 =	vmul.f32 v17, v2  }
0x2aa: {  	v18 =	vmul.f32 v22, v5;
	v17 =	vld [tilespmem:s17+$0xFFFFFF90];
	[tilespmem:s16+$0xFFFFFF80] =	vst v14;
	v14 =	vmul.f32 v19, v5;
	v19 =	vshll.u32 v20, $0x10  }
0x2ab: {  	[tilespmem:s16+$0xFFFFFF90] =	vst v11;
	v11 =	vmul.f32 v13, v4;
	v13 =	vand.u32 $0xFFFF0000, v20;
	v19 =	vmul.f32 v19, v10  }
0x2ac: {  	v20 =	vld [tilespmem:s17+$0xFFFFFFD0];
	[tilespmem:s16+$0x0] =	vst v12;
	v12 =	vmul.f32 v15, v4;
	v13 =	vmul.f32 v13, v10  }
0x2ad: {  	v15 =	vmul.f32 v21, v3;
	v6 =	vmul.f32 v6, v3;
	v21 =	vshll.u32 v23, $0x10;
	[tilespmem:s16+$0x1A0] =	vst v19  }
0x2ae: {  	v19 =	vand.u32 $0xFFFF0000, v23;
	v21 =	vmul.f32 v21, v9;
	[tilespmem:s16+$0x1B0] =	vst v13  }
0x2af: {  	v13 =	vmul.f32 v19, v9;
	v19 =	vshll.u32 v17, $0x10;
	v17 =	vand.u32 $0xFFFF0000, v17;
	[tilespmem:s16+$0x10] =	vst v16;
	v16 =	vld [tilespmem:s17+$0xE0]  }
0x2b0: {  	v19 =	vmul.f32 v19, v8;
	v17 =	vmul.f32 v17, v8;
	v22 =	vld [tilespmem:s17+$0x10];
	[tilespmem:s16+$0x80] =	vst v14  }
0x2b1: {  	v14 =	vshll.u32 v20, $0x10;
	v20 =	vand.u32 $0xFFFF0000, v20;
	[tilespmem:s16+$0x90] =	vst v18  }
0x2b2: {  	v14 =	vmul.f32 v14, v7;
	v18 =	vmul.f32 v20, v7;
	v20 =	vld [tilespmem:s17+$0x50];
	[tilespmem:s16+$0x100] =	vst v11  }
0x2b3: {  	[tilespmem:s16+$0x110] =	vst v12  }
0x2b4: {  	[tilespmem:s16+$0xFFFFFE00] =	vst v15;
	v11 =	vld [tilespmem:s17+$0x90];
	v12 =	vshll.u32 v16, $0x10  }
0x2b5: {  	v15 =	vand.u32 $0xFFFF0000, v16;
	[tilespmem:s16+$0xFFFFFE10] =	vst v6;
	v6 =	vshll.u32 v22, $0x10;
	v12 =	vmul.f32 v12, v10  }
0x2b6: {  	v15 =	vmul.f32 v15, v10;
	v16 =	vld [tilespmem:s17+$0xFFFFFF10];
	[tilespmem:s16+$0xFFFFFEA0] =	vst v21;
	v21 =	vand.u32 $0xFFFF0000, v22;
	v6 =	vmul.f32 v6, v2  }
0x2b7: {  	v21 =	vmul.f32 v21, v2;
	v22 =	vshll.u32 v20, $0x10;
	v20 =	vand.u32 $0xFFFF0000, v20;
	[tilespmem:s16+$0x1C0] =	vst v12  }
0x2b8: {  	v12 =	vmul.f32 v22, v5;
	v20 =	vmul.f32 v20, v5;
	[tilespmem:s16+$0x1D0] =	vst v15  }
0x2b9: {  	[tilespmem:s16+$0xFFFFFEB0] =	vst v13;
	v13 =	vshll.u32 v11, $0x10;
	v11 =	vand.u32 $0xFFFF0000, v11;
	v15 =	vld [tilespmem:s17+$0xF0]  }
0x2ba: {  	v22 =	vld [tilespmem:s17+$0xFFFFFF60];
	[tilespmem:s16+$0xFFFFFF20] =	vst v19;
	v13 =	vmul.f32 v13, v4;
	v11 =	vmul.f32 v11, v4  }
0x2bb: {  	v19 =	vshll.u32 v16, $0x10;
	v16 =	vand.u32 $0xFFFF0000, v16;
	[tilespmem:s16+$0xFFFFFF30] =	vst v17  }
0x2bc: {  	s15 =	sadd.s32 $0x1, s7;
	v17 =	vmul.f32 v19, v3;
	v16 =	vmul.f32 v16, v3;
	v19 =	vld [tilespmem:s17+$0xFFFFFFA0];
	[tilespmem:s16+$0xFFFFFFA0] =	vst v14  }
0x2bd: {  	v14 =	vmov s15;
	s15 =	sadd.s32 $0x2, s7;
	[tilespmem:s16+$0xFFFFFFB0] =	vst v18  }
0x2be: {  	v18 =	vmov s15;
	v23 =	vld [tilespmem:s17+$0xFFFFFFE0];
	[tilespmem:s16+$0x20] =	vst v6;
	v6 =	vshll.u32 v15, $0x10;
	v15 =	vand.u32 $0xFFFF0000, v15  }
0x2bf: {  	s15 =	sadd.s32 $0x3, s7;
	v24 =	vshll.u32 v22, $0x10;
	v22 =	vand.u32 $0xFFFF0000, v22;
	[tilespmem:s16+$0x30] =	vst v21;
	v15 =	vmul.f32 v15, v10  }
0x2c0: {  	v21 =	vmov s15;
	v24 =	vmul.f32 v24, v9;
	v22 =	vmul.f32 v22, v9;
	v25 =	vld [tilespmem:s17+$0x20];
	[tilespmem:s16+$0xA0] =	vst v12  }
0x2c1: {  	s15 =	sadd.s32 $0x4, s7;
	v6 =	vmul.f32 v6, v10;
	v12 =	vshll.u32 v19, $0x10;
	v19 =	vand.u32 $0xFFFF0000, v19;
	[tilespmem:s16+$0x1F0] =	vst v15  }
0x2c2: {  	v10 =	vmov s15;
	v12 =	vmul.f32 v12, v8;
	v15 =	vmul.f32 v19, v8;
	[tilespmem:s16+$0xB0] =	vst v20  }
0x2c3: {  	v14 =	vshrl.u32 v14, $0x3;
	v19 =	vshll.u32 v23, $0x10;
	v20 =	vand.u32 $0xFFFF0000, v23;
	v23 =	vld [tilespmem:s17+$0x60];
	[tilespmem:s16+$0x120] =	vst v13  }
0x2c4: {  	v13 =	vshrl.u32 v18, $0x3;
	v18 =	vmul.f32 v19, v7;
	v19 =	vmul.f32 v20, v7;
	[tilespmem:s16+$0x130] =	vst v11  }
0x2c5: {  	v11 =	vshrl.u32 v21, $0x3;
	[tilespmem:s16+$0xFFFFFE20] =	vst v17;
	v17 =	vshll.u32 v25, $0x10;
	v20 =	vand.u32 $0xFFFF0000, v25;
	v21 =	vld [tilespmem:s17+$0xA0]  }
0x2c6: {  	v10 =	vshrl.u32 v10, $0x3;
	[tilespmem:s16+$0xFFFFFE30] =	vst v16;
	v16 =	vmul.f32 v17, v2;
	v17 =	vmul.f32 v20, v2  }
0x2c7: {  	v14 =	vshll.u32 v14, v1;
	v13 =	vshll.u32 v13, v1;
	v20 =	vshll.u32 v11, v1;
	v25 =	vld [tilespmem:s17+$0xFFFFFF20];
	[tilespmem:s16+$0xFFFFFEC0] =	vst v24  }
0x2c8: {  	v24 =	vshll.u32 v10, v1;
	[tilespmem:s16+$0xFFFFFED0] =	vst v22;
	v10 =	vshll.u32 v23, $0x10;
	v11 =	vand.u32 $0xFFFF0000, v23  }
0x2c9: {  	v14 =	vadd.s32 $0x1, v14;
	v22 =	vld [tilespmem:s17+$0xFFFFFF70];
	[tilespmem:s16+$0xFFFFFF40] =	vst v12;
	v23 =	vmul.f32 v10, v5;
	v26 =	vmul.f32 v11, v5  }
0x2ca: {  	v10 =	vbroadcast v14, $0x0;
	[tilespmem:s16+$0xFFFFFF50] =	vst v15;
	v11 =	vshll.u32 v21, $0x10;
	v12 =	vand.u32 $0xFFFF0000, v21  }
0x2cb: {  	v13 =	vadd.s32 $0x2, v13;
	v21 =	vld [tilespmem:s17+$0xFFFFFFB0];
	[tilespmem:s16+$0xFFFFFFC0] =	vst v18;
	v18 =	vmul.f32 v11, v4;
	v27 =	vmul.f32 v12, v4  }
0x2cc: {  	v11 =	vbroadcast v13, $0x0;
	v12 =	vshll.u32 v25, $0x10;
	v13 =	vand.u32 $0xFFFF0000, v25;
	[tilespmem:s16+$0xFFFFFFD0] =	vst v19  }
0x2cd: {  	v15 =	vadd.s32 $0x3, v20;
	v19 =	vmul.f32 v12, v3;
	v14 =	vmul.f32 v13, v3;
	v25 =	vld [tilespmem:s17+$0xFFFFFFF0];
	[tilespmem:s16+$0x40] =	vst v16  }
0x2ce: {  	v12 =	vbroadcast v15, $0x0;
	v13 =	vshll.u32 v22, $0x10;
	v15 =	vand.u32 $0xFFFF0000, v22;
	[tilespmem:s16+$0x50] =	vst v17  }
.Ltmp5:
0x2cf: {  	v17 =	vadd.s32 $0x4, v24;
	v16 =	vmul.f32 v13, v9;
	v15 =	vmul.f32 v15, v9;
	v9 =	vld [tilespmem:s17+$0x30];
	[tilespmem:s16+$0xC0] =	vst v23;
	(pc) =	sbr.rel @p1 .LBB2_11-.Ltmp5, $4  }
0x2d0: {  	s15 =	sadd.s32 $0x7, s7;
	v13 =	vbroadcast v17, $0x0;
	v17 =	vshll.u32 v21, $0x10;
	v21 =	vand.u32 $0xFFFF0000, v21;
	[tilespmem:s16+$0xD0] =	vst v26  }
0x2d1: {  	v22 =	vmov s15;
	v20 =	vmul.f32 v17, v8;
	v17 =	vmul.f32 v21, v8;
	v8 =	vld [tilespmem:s17+$0x70];
	[tilespmem:s16+$0x140] =	vst v18  }
0x2d2: {  	v18 =	vshrl.u32 v22, $0x3;
	v21 =	vshll.u32 v25, $0x10;
	v23 =	vand.u32 $0xFFFF0000, v25;
	[tilespmem:s16+$0x150] =	vst v27  }
0x2d3: {  	s7 =	sadd.s32 $0x8, s7;
	v22 =	vshll.u32 v18, v1;
	[tilespmem:s16+$0xFFFFFE40] =	vst v19;
	v21 =	vmul.f32 v21, v7;
	v18 =	vmul.f32 v23, v7;
	v19 =	vld [tilespmem:s17+$0xB0]  }
0x2d4: {  	[tilespmem:s16+$0xFFFFFE50] =	vst v14  }
0x2d5: {  	[tilespmem:s16+$0xFFFFFEE0] =	vst v16  }
0x2d6: {  	[tilespmem:s16+$0xFFFFFEF0] =	vst v15  }
0x2d7: {  	[tilespmem:s16+$0xFFFFFF60] =	vst v20  }
0x2d8: {  	v7 =	vadd.s32 $0x7, v22;
	[tilespmem:s16+$0xFFFFFF70] =	vst v17  }
0x2d9: {  	v34 =	vshll.u32 v9, $0x10;
	v35 =	vand.u32 $0xFFFF0000, v9;
	s15 =	sadd.s32 $0x5, s19;
	[tilespmem:s16+$0x1E0] =	vst v6;
	v6 =	vld.idx.msk [tilespmem:v13+s30+$0x0], $0xffff;
	v7 =	vbroadcast v7, $0x0  }
0x2da: {  	s7 =	sadd.s32 $0x200, s17;
	s24 =	sadd.s32 $0x6, s19;
	v14 =	vmul.f32 v34, v2;
	[tilespmem:s16+$0xFFFFFFE0] =	vst v21;
	v36 =	vld [tilespmem:s17+$0xFFFFFF30];
	v9 =	vmul.f32 v35, v2;
	v40 =	vmov s15  }
0x2db: {  	[tilespmem:s16+$0xFFFFFFF0] =	vst v18;
	v45 =	vmov s24;
	v60 =	vld [tilespmem:s7+$0x0];
	v2 =	vshll.u32 v8, $0x10;
	v37 =	vand.u32 $0xFFFF0000, v8  }
0x2dc: {  	v39 =	vld [tilespmem:s7+$0xC0];
	v43 =	vshrl.u32 v40, $0x3;
	v38 =	vmul.f32 v2, v5;
	[tilespmem:s16+$0x60] =	vst v14;
	v8 =	vmul.f32 v37, v5  }
0x2dd: {  	v46 =	vld [tilespmem:s7+$0xFFFFFF40];
	[tilespmem:s16+$0x70] =	vst v9;
	v9 =	vshll.u32 v43, v1;
	v14 =	vshrl.u32 v45, $0x3;
	v41 =	vshll.u32 v19, $0x10  }
0x2de: {  	v5 =	vld.idx.msk [tilespmem:v10+s30+$0x0], $0xffff;
	v42 =	vand.u32 $0xFFFF0000, v19;
	v14 =	vshll.u32 v14, v1;
	v44 =	vmul.f32 v41, v4;
	[tilespmem:s16+$0xE0] =	vst v38  }
0x2df: {  	[tilespmem:s16+$0xF0] =	vst v8;
	v57 =	vadd.s32 $0x6, v14;
	v47 =	vshll.u32 v36, $0x10;
	v2 =	vld.idx.msk [tilespmem:v7+s30+$0x0], $0xffff;
	v7 =	vmul.f32 v42, v4  }
0x2e0: {  	v50 =	vld [tilespmem:s7+$0xFFFFFF80];
	v48 =	vand.u32 $0xFFFF0000, v36;
	v24 =	vshll.u32 v60, $0x10;
	[tilespmem:s16+$0x160] =	vst v44;
	v8 =	vmul.f32 v47, v3  }
0x2e1: {  	v14 =	vand.u32 $0xFFFF0000, v60;
	v49 =	vmul.f32 v48, v3;
	v3 =	vld.idx.msk [tilespmem:v12+s30+$0x0], $0xffff;
	v12 =	vmul.f32 v24, v6;
	[tilespmem:s16+$0x170] =	vst v7  }
0x2e2: {  	v56 =	vld [tilespmem:s7+$0xFFFFFFC0];
	s17 =	sadd.s32 $0x400, s16;
	v52 =	vadd.s32 $0x5, v9;
	v58 =	vshll.u32 v46, $0x10;
	v32 =	vmul.f32 v14, v6;
	[tilespmem:s18+$0xFFFFFE60] =	vst v8  }
0x2e3: {  	v61 =	vand.u32 $0xFFFF0000, v46;
	v4 =	vld.idx.msk [tilespmem:v11+s30+$0x0], $0xffff;
	v13 =	vmul.f32 v58, v5;
	v7 =	vbroadcast v52, $0x0;
	[tilespmem:s17+$0x0] =	vst v12  }
0x2e4: {  	v15 =	vmul.f32 v61, v5;
	[tilespmem:s17+$0x10] =	vst v32  }
0x2e5: {  	v51 =	vshll.u32 v39, $0x10;
	v8 =	vbroadcast v57, $0x0;
	[tilespmem:s17+$0xFFFFFE80] =	vst v13  }
0x2e6: {  	v55 =	vmov s19;
	v53 =	vand.u32 $0xFFFF0000, v39;
	[tilespmem:s17+$0xFFFFFE90] =	vst v15;
	v44 =	vld [tilespmem:s7+$0x10];
	v54 =	vmul.f32 v51, v2  }
0x2e7: {  	v59 =	vshrl.u32 v55, $0x3;
	v11 =	vand.u32 $0xFFFF0000, v50;
	[tilespmem:s18+$0xFFFFFE70] =	vst v49;
	v33 =	vld [tilespmem:s7+$0xFFFFFF50];
	v9 =	vmul.f32 v53, v2  }
0x2e8: {  	v21 =	vld [tilespmem:s7+$0x40];
	v19 =	vshll.u32 v59, v1;
	v20 =	vshll.u32 v56, $0x10;
	v11 =	vmul.f32 v11, v4;
	[tilespmem:s17+$0x180] =	vst v54  }
0x2e9: {  	v10 =	vbroadcast v19, $0x0;
	v22 =	vand.u32 $0xFFFF0000, v56;
	v23 =	vmul.f32 v20, v3;
	[tilespmem:s17+$0x190] =	vst v9;
	v7 =	vld.idx.msk [tilespmem:v7+s30+$0x0], $0xffff  }
0x2ea: {  	v25 =	vld [tilespmem:s7+$0x80];
	v62 =	vshll.u32 v50, $0x10;
	v15 =	vmul.f32 v22, v3;
	[tilespmem:s17+$0xFFFFFF10] =	vst v11  }
0x2eb: {  	v9 =	vmul.f32 v62, v4;
	[tilespmem:s17+$0xFFFFFF80] =	vst v23;
	v8 =	vld.idx.msk [tilespmem:v8+s30+$0x0], $0xffff;
	v52 =	vshll.u32 v44, $0x10  }
0x2ec: {  	[tilespmem:s17+$0xFFFFFF90] =	vst v15;
	v63 =	vld [tilespmem:s7+$0xD0];
	v14 =	vand.u32 $0xFFFF0000, v33;
	v54 =	vmul.f32 v52, v6  }
0x2ed: {  	v31 =	vshll.u32 v21, $0x10;
	[tilespmem:s17+$0xFFFFFF00] =	vst v9;
	v45 =	vmul.f32 v14, v5  }
0x2ee: {  	v29 =	vld [tilespmem:s7+$0xFFFFFF00];
	v13 =	vand.u32 $0xFFFF0000, v21;
	[tilespmem:s17+$0x20] =	vst v54;
	v15 =	vmul.f32 v31, v7  }
0x2ef: {  	v34 =	vshll.u32 v25, $0x10;
	v9 =	vld.idx.msk [tilespmem:v10+s30+$0x0], $0xffff;
	[tilespmem:s17+$0xFFFFFEB0] =	vst v45;
	v13 =	vmul.f32 v13, v7  }
0x2f0: {  	v11 =	vand.u32 $0xFFFF0000, v25;
	v12 =	vmul.f32 v34, v8;
	[tilespmem:s17+$0x80] =	vst v15  }
0x2f1: {  	v41 =	vld [tilespmem:s7+$0xFFFFFFD0];
	v26 =	vshll.u32 v63, $0x10;
	v11 =	vmul.f32 v11, v8;
	[tilespmem:s17+$0x90] =	vst v13  }
0x2f2: {  	v38 =	vld [tilespmem:s7+$0xFFFFFF90];
	v27 =	vand.u32 $0xFFFF0000, v63;
	v28 =	vmul.f32 v26, v2;
	[tilespmem:s17+$0x100] =	vst v12  }
0x2f3: {  	v37 =	vand.u32 $0xFFFF0000, v29;
	v30 =	vmul.f32 v27, v2;
	[tilespmem:s17+$0x110] =	vst v11  }
0x2f4: {  	v36 =	vshll.u32 v29, $0x10;
	v39 =	vmul.f32 v37, v9;
	[tilespmem:s17+$0x1A0] =	vst v28  }
0x2f5: {  	v40 =	vshll.u32 v33, $0x10;
	v15 =	vmul.f32 v36, v9;
	[tilespmem:s17+$0x1B0] =	vst v30;
	v48 =	vld [tilespmem:s7+$0x50]  }
0x2f6: {  	v50 =	vshll.u32 v41, $0x10;
	v13 =	vmul.f32 v40, v5;
	[tilespmem:s17+$0xFFFFFE10] =	vst v39  }
0x2f7: {  	v46 =	vshll.u32 v38, $0x10;
	v12 =	vmul.f32 v50, v3;
	v51 =	vld [tilespmem:s7+$0x90];
	[tilespmem:s17+$0xFFFFFE00] =	vst v15  }
0x2f8: {  	v47 =	vand.u32 $0xFFFF0000, v38;
	v14 =	vmul.f32 v46, v4;
	[tilespmem:s17+$0xFFFFFEA0] =	vst v13  }
0x2f9: {  	v11 =	vand.u32 $0xFFFF0000, v41;
	v49 =	vmul.f32 v47, v4;
	v35 =	vld [tilespmem:s7+$0xE0];
	[tilespmem:s17+$0xFFFFFFA0] =	vst v12  }
0x2fa: {  	v11 =	vmul.f32 v11, v3;
	[tilespmem:s17+$0xFFFFFF20] =	vst v14;
	v56 =	vshll.u32 v48, $0x10  }
0x2fb: {  	[tilespmem:s17+$0xFFFFFF30] =	vst v49;
	v55 =	vld [tilespmem:s7+$0xFFFFFF10];
	v16 =	vand.u32 $0xFFFF0000, v48;
	v57 =	vmul.f32 v56, v7  }
0x2fc: {  	[tilespmem:s17+$0xFFFFFFB0] =	vst v11;
	v62 =	vshll.u32 v51, $0x10;
	v61 =	vmul.f32 v16, v7  }
0x2fd: {  	v59 =	vld [tilespmem:s7+$0xFFFFFF60];
	v63 =	vand.u32 $0xFFFF0000, v51;
	v20 =	vmul.f32 v62, v8;
	[tilespmem:s17+$0xA0] =	vst v57  }
0x2fe: {  	v42 =	vshll.u32 v35, $0x10;
	v22 =	vmul.f32 v63, v8;
	[tilespmem:s17+$0xB0] =	vst v61  }
0x2ff: {  	v21 =	vld [tilespmem:s7+$0xFFFFFFA0];
	v10 =	vand.u32 $0xFFFF0000, v35;
	v43 =	vmul.f32 v42, v2;
	[tilespmem:s17+$0x120] =	vst v20  }
0x300: {  	v10 =	vmul.f32 v10, v2;
	v23 =	vshll.u32 v55, $0x10;
	[tilespmem:s17+$0x130] =	vst v22  }
0x301: {  	v12 =	vand.u32 $0xFFFF0000, v55;
	v11 =	vmul.f32 v23, v9;
	[tilespmem:s17+$0x1C0] =	vst v43  }
0x302: {  	v24 =	vld [tilespmem:s7+$0xFFFFFFE0];
	v25 =	vshll.u32 v59, $0x10;
	v12 =	vmul.f32 v12, v9;
	[tilespmem:s17+$0x1D0] =	vst v10  }
0x303: {  	v53 =	vand.u32 $0xFFFF0000, v44;
	v14 =	vmul.f32 v25, v5;
	[tilespmem:s17+$0xFFFFFE20] =	vst v11  }
0x304: {  	v28 =	vshll.u32 v21, $0x10;
	v10 =	vmul.f32 v53, v6;
	v30 =	vld [tilespmem:s7+$0x60];
	[tilespmem:s17+$0xFFFFFE30] =	vst v12  }
0x305: {  	v29 =	vand.u32 $0xFFFF0000, v21;
	v11 =	vmul.f32 v28, v4;
	[tilespmem:s17+$0xFFFFFEC0] =	vst v14  }
0x306: {  	v26 =	vand.u32 $0xFFFF0000, v59;
	v13 =	vld [tilespmem:s7+$0xF0];
	v12 =	vmul.f32 v29, v4;
	[tilespmem:s17+$0x30] =	vst v10  }
0x307: {  	v31 =	vshll.u32 v24, $0x10;
	v10 =	vmul.f32 v26, v5;
	[tilespmem:s17+$0xFFFFFF40] =	vst v11  }
0x308: {  	v32 =	vand.u32 $0xFFFF0000, v24;
	v14 =	vmul.f32 v31, v3;
	v36 =	vld [tilespmem:s7+$0xFFFFFF20];
	[tilespmem:s17+$0xFFFFFF50] =	vst v12  }
0x309: {  	[tilespmem:s17+$0xFFFFFED0] =	vst v10;
	v10 =	vmul.f32 v32, v3;
	v37 =	vshll.u32 v30, $0x10  }
0x30a: {  	v27 =	vld [tilespmem:s7+$0x20];
	[tilespmem:s17+$0xFFFFFFC0] =	vst v14;
	v38 =	vand.u32 $0xFFFF0000, v30;
	v14 =	vmul.f32 v37, v7  }
0x30b: {  	v58 =	vand.u32 $0xFFFF0000, v13;
	[tilespmem:s17+$0xFFFFFFD0] =	vst v10;
	v10 =	vmul.f32 v38, v7  }
0x30c: {  	v33 =	vld [tilespmem:s7+$0xA0];
	v61 =	vshll.u32 v13, $0x10;
	v60 =	vmul.f32 v58, v2;
	[tilespmem:s17+$0xC0] =	vst v14  }
0x30d: {  	v43 =	vshll.u32 v36, $0x10;
	v2 =	vmul.f32 v61, v2;
	[tilespmem:s17+$0xD0] =	vst v10  }
0x30e: {  	v39 =	vld [tilespmem:s7+$0xFFFFFF70];
	v44 =	vand.u32 $0xFFFF0000, v36;
	v14 =	vmul.f32 v43, v9;
	[tilespmem:s17+$0x1F0] =	vst v60  }
0x30f: {  	v34 =	vshll.u32 v27, $0x10;
	v10 =	vmul.f32 v44, v9;
	[tilespmem:s17+$0x1E0] =	vst v2  }
0x310: {  	v42 =	vld [tilespmem:s7+$0xFFFFFFB0];
	v35 =	vand.u32 $0xFFFF0000, v27;
	v11 =	vmul.f32 v34, v6;
	[tilespmem:s17+$0xFFFFFE40] =	vst v14  }
0x311: {  	v40 =	vshll.u32 v33, $0x10;
	v45 =	vld [tilespmem:s7+$0xFFFFFFF0];
	v12 =	vmul.f32 v35, v6;
	[tilespmem:s17+$0xFFFFFE50] =	vst v10  }
0x312: {  	v41 =	vand.u32 $0xFFFF0000, v33;
	[tilespmem:s17+$0x40] =	vst v11;
	v11 =	vmul.f32 v40, v8  }
0x313: {  	v46 =	vshll.u32 v39, $0x10;
	[tilespmem:s17+$0x50] =	vst v12;
	v12 =	vmul.f32 v41, v8  }
0x314: {  	v51 =	vld [tilespmem:s7+$0x70];
	v47 =	vand.u32 $0xFFFF0000, v39;
	[tilespmem:s17+$0x140] =	vst v11;
	v11 =	vmul.f32 v46, v5  }
0x315: {  	v49 =	vshll.u32 v42, $0x10;
	v57 =	vld [tilespmem:s7+$0xFFFFFF30];
	[tilespmem:s17+$0x150] =	vst v12;
	v5 =	vmul.f32 v47, v5  }
0x316: {  	v48 =	vld [tilespmem:s7+$0x30];
	v52 =	vshll.u32 v45, $0x10;
	v53 =	vand.u32 $0xFFFF0000, v45;
	v12 =	vmul.f32 v49, v4;
	[tilespmem:s17+$0xFFFFFEE0] =	vst v11  }
0x317: {  	v50 =	vand.u32 $0xFFFF0000, v42;
	v10 =	vmul.f32 v52, v3;
	v3 =	vmul.f32 v53, v3;
	[tilespmem:s17+$0xFFFFFEF0] =	vst v5  }
0x318: {  	v4 =	vmul.f32 v50, v4;
	[tilespmem:s17+$0xFFFFFF60] =	vst v12  }
0x319: {  	[tilespmem:s17+$0xFFFFFFF0] =	vst v3;
	v3 =	vand.u32 $0xFFFF0000, v51  }
0x31a: {  	v54 =	vld [tilespmem:s7+$0xB0];
	[tilespmem:s17+$0xFFFFFF70] =	vst v4;
	v3 =	vmul.f32 v3, v7;
	v62 =	vand.u32 $0xFFFF0000, v57  }
0x31b: {  	[tilespmem:s17+$0xFFFFFFE0] =	vst v10;
	v55 =	vshll.u32 v48, $0x10;
	v63 =	vmul.f32 v62, v9  }
0x31c: {  	v56 =	vand.u32 $0xFFFF0000, v48;
	v5 =	vmul.f32 v55, v6;
	[tilespmem:s17+$0xF0] =	vst v3  }
0x31d: {  	v58 =	vshll.u32 v51, $0x10;
	v4 =	vmul.f32 v56, v6;
	[tilespmem:s17+$0xFFFFFE70] =	vst v63  }
0x31e: {  	v6 =	vmul.f32 v58, v7;
	v3 =	vshll.u32 v57, $0x10;
	[tilespmem:s17+$0x60] =	vst v5  }
0x31f: {  	v59 =	vshll.u32 v54, $0x10;
	v3 =	vmul.f32 v3, v9;
	[tilespmem:s17+$0x70] =	vst v4  }
0x320: {  	v60 =	vand.u32 $0xFFFF0000, v54;
	v5 =	vmul.f32 v59, v8;
	[tilespmem:s17+$0xE0] =	vst v6  }
0x321: {  	v4 =	vmul.f32 v60, v8;
	[tilespmem:s17+$0xFFFFFE60] =	vst v3  }
0x322: {  	[tilespmem:s17+$0x160] =	vst v5  }
0x323: {  	[tilespmem:s17+$0x170] =	vst v4  }
0x324: {  	[spmem:s2] =	stream.indirect.scatter.add.f32 [tilespmem:s25], [sflag:$0x5], $0x80, s4, s28, $0xb8;
	[tilespmem:$0x18A60] =	vst v63  }
0x325: {  	_ =	swait.ge [sflag:s26], $0x2800  }
0x326: {  	[sflag:s26] =	ssyncset.done $0x0  }
0x327: {  	[sflag:s26] =	ssyncadd.s32 $0xFFFFD800  }
0x328: {  	s19 =	stileid.u32;
	[bflag:$0x0] =	sbarrier.arrive $0xFFFF  }
0x329: {  	s7 =	sshll.u32 s19, $0x6;
	s17 =	rddreg [dreg:$0x4]  }
0x32a: {  	s7 =	sor.u32 $0x1C05, s7;
	s23 =	rddreg [dreg:$0x11];
	s22 =	sshrl.u32 s17, $0x3  }
0x32b: {  	[hbm:s23], [sflag:s7] =	dma.local [spmem:s22], $0x2700  }
0x32c: {  	_ =	swait.ge [sflag:s26], $0x2700  }
0x32d: {  	[sflag:s26] =	ssyncset.done $0x0;
	s18 =	rddreg [dreg:$0xc]  }
0x32e: {  	s16 =	rddreg [dreg:$0x12];
	[sflag:s26] =	ssyncadd.s32 $0xFFFFD900;
	s15 =	sshrl.u32 @!p0 s18, $0x3  }
0x32f: {  	[hbm:s16], [sflag:s7] =	dma.local @!p0 [spmem:s15], $0x100  }
0x330: {  	s7 =	simm.s32 @!p0 $0x5  }
0x331: {  	_ =	swait.ge @!p0 [sflag:s7], $0x100  }
0x332: {  	s14 =	sadd.s32 $0x1, s14;
	s24 =	rddreg [dreg:$0x13]  }
0x333: {  	p1 =	sne.s32 s14, s24  }
.Ltmp6:
0x334: {  	_ = 	snop;
	(pc) =	sbr.rel @p1 .LBB2_1-.Ltmp6, $3  }
0x335: {  	_ =	sdelay $0x1  }
0x336: {  	[sflag:s7] =	ssyncset.done @!p0 $0x0  }
0x337: {  	[sflag:s7] =	ssyncadd.s32 @!p0 $0xFFFFFF00  }
0x338: {  	_ =	sfence.sel $0x180000  }
0x339: {  	[bflag:$0x0] =	sbarrier.arrive $0xFFFF  }
0x33a: {  	_ =	strace $0x90000047  }
0x33b: {  	s0 =	stileid.u32;
	[bflag:$0x2] =	sbarrier.arrive $0xFFFF  }
0x33c: {  	p0 =	sne.s32 s0, $0x0;
	s0 =	rddreg [dreg:$0x3]  }
0x33d: {  	s0 =	sadd.s32 @!p0 $0x100000, s0  }
0x33e: {  	[sflag:s0] =	ssyncadd.tile.s32 @!p0 $0x1;
	_ =	shalt  }
.Lfunc_end2:
_tile_overlayer_lowered:
.L_overlay_start_2:
0x33f: {  	(tag) =	ssettag $0x2  }
0x340: {  	s0 =	rddreg [dreg:$0x0];
	s2 =	stileid.u32  }
0x341: {  	s1 =	rddreg [dreg:$0x1];
	p0 =	sne.s32 s2, $0x0  }
0x342: {  	s3 =	rddreg [dreg:$0x2];
	[bflag:$0x3] =	sbarrier.arrive $0xFFFF;
	s2 =	simm.s32 @!p0 $0x1C05  }
0x343: {  	[timem:s3], [sflag:s2] =	dma.local @!p0 [hbm:s0], s1  }
0x344: {  	s0 =	simm.s32 @!p0 $0x5  }
0x345: {  	_ =	swait.ge @!p0 [sflag:s0], s1  }
0x346: {  	s1 =	ssub.s32 @!p0 $0x0, s1;
	[sflag:s0] =	ssyncset.done @!p0 $0x0  }
0x347: {  	[sflag:s0] =	ssyncadd.s32 @!p0 s1  }
0x348: {  	[bflag:$0x3] =	sbarrier.arrive $0xFFFF  }
0x349: {  	_ =	shalt  }

</sc_bundles>
